<compile_context>
chip_gen: v7x
topology: tpu7x:2x2x1
jax: 0.10.2.dev20260603
libtpu: 0.0.44.dev20260713+nightly
codegen_flags: <defaults>
</compile_context>

<pallas_src>
import functools

import jax
import jax.numpy as jnp
from jax import lax
from jax.experimental import pallas as pl
from jax.experimental.pallas import tpu as pltpu
from jax.experimental.pallas import tpu_sc as plsc

N_ATOMS = 10000
N_EDGES = 320000
D = 128
N_RBF = 20
N_INT = 3
MAX_ZN = 100
CUTOFF = 5.0
_LOG2 = 0.6931471805599453

BE = 1600
NEB = N_EDGES // BE
BA = 1000
NAB = N_ATOMS // BA

NSC = 2
NSUB = 16
EPW = N_EDGES // NSUB
CSC = 80
NCH = EPW // CSC
NWIN = 4
WINDOW = 2560
ACC_ROWS = 2688
RPT = ACC_ROWS // NSUB
OPT = WINDOW // NSUB
ZROWS = 128
EROWS = N_EDGES // D


def _ssp(x):
    return jnp.maximum(x, 0.0) + jnp.log(1.0 + jnp.exp(-jnp.abs(x))) - _LOG2


def _edge_filter_body(r_blk, fw1, fb1, fw2, fb2, w_blk):
    r = r_blk[...]
    d = jnp.sqrt(jnp.sum(r * r, axis=1, keepdims=True))
    width = CUTOFF / (N_RBF - 1)
    offs = lax.broadcasted_iota(jnp.int32, (1, N_RBF), 1).astype(jnp.float32) * width
    coeff = -0.5 / (width * width)
    fij = jnp.exp(coeff * (d - offs) ** 2)
    rcut = 0.5 * (jnp.cos(d * (jnp.pi / CUTOFF)) + 1.0)
    rcut = rcut * (d < CUTOFF).astype(jnp.float32)
    t = _ssp(jnp.dot(fij, fw1[...], preferred_element_type=jnp.float32) + fb1[...])
    w = jnp.dot(t, fw2[...], preferred_element_type=jnp.float32) + fb2[...]
    w_blk[...] = w * rcut


def _edge_filter(r_ij, fw1l, fb1l, fw2l, fb2l):
    return pl.pallas_call(
        _edge_filter_body,
        grid=(NEB,),
        in_specs=[
            pl.BlockSpec((BE, 3), lambda i: (i, 0)),
            pl.BlockSpec((N_RBF, D), lambda i: (0, 0)),
            pl.BlockSpec((1, D), lambda i: (0, 0)),
            pl.BlockSpec((D, D), lambda i: (0, 0)),
            pl.BlockSpec((1, D), lambda i: (0, 0)),
        ],
        out_specs=pl.BlockSpec((BE, D), lambda i: (i, 0)),
        out_shape=jax.ShapeDtypeStruct((N_EDGES, D), jnp.float32),
    )(r_ij, fw1l, fb1l, fw2l, fb2l)


def _prep_idx_body(ii_blk, *out_blks):
    ii = ii_blk[...]
    rows = lax.broadcasted_iota(jnp.int32, (EROWS, D), 0)
    cols = lax.broadcasted_iota(jnp.int32, (EROWS, D), 1)
    e = rows * D + cols
    dump = WINDOW + e // EPW
    for w, blk in enumerate(out_blks):
        base = w * WINDOW
        inw = (ii >= base) & (ii < base + WINDOW)
        blk[...] = jnp.where(inw, ii - base, dump)


def _prep_idx(ii2):
    return pl.pallas_call(
        _prep_idx_body,
        grid=(1,),
        in_specs=[pl.BlockSpec((EROWS, D), lambda i: (0, 0))],
        out_specs=[pl.BlockSpec((EROWS, D), lambda i: (0, 0))] * NWIN,
        out_shape=[jax.ShapeDtypeStruct((EROWS, D), jnp.int32)] * NWIN,
    )(ii2)


def _embed_body(az_blk, emb, in2f0, x0_blk, h0_blk):
    az = az_blk[...]
    ids = lax.broadcasted_iota(jnp.int32, (BA, MAX_ZN), 1)
    onehot = (az == ids).astype(jnp.float32)
    x0 = jnp.dot(onehot, emb[...], preferred_element_type=jnp.float32)
    x0_blk[...] = x0
    h0_blk[...] = jnp.dot(x0, in2f0[...], preferred_element_type=jnp.float32)


def _embed(az2, emb, in2f0):
    return pl.pallas_call(
        _embed_body,
        grid=(NAB,),
        in_specs=[
            pl.BlockSpec((BA, 1), lambda i: (i, 0)),
            pl.BlockSpec((MAX_ZN, D), lambda i: (0, 0)),
            pl.BlockSpec((D, D), lambda i: (0, 0)),
        ],
        out_specs=[
            pl.BlockSpec((BA, D), lambda i: (i, 0)),
            pl.BlockSpec((BA, D), lambda i: (i, 0)),
        ],
        out_shape=[
            jax.ShapeDtypeStruct((N_ATOMS, D), jnp.float32),
            jax.ShapeDtypeStruct((N_ATOMS, D), jnp.float32),
        ],
    )(az2, emb, in2f0)


def _node_body(agg_blk, x_blk, oW1, ob1, oW2, ob2, in2f_next, xn_blk, hn_blk):
    agg = agg_blk[...]
    t = _ssp(jnp.dot(agg, oW1[...], preferred_element_type=jnp.float32) + ob1[...])
    v = jnp.dot(t, oW2[...], preferred_element_type=jnp.float32) + ob2[...]
    xn = x_blk[...] + v
    xn_blk[...] = xn
    hn_blk[...] = jnp.dot(xn, in2f_next[...], preferred_element_type=jnp.float32)


def _node(agg, x, oW1, ob1, oW2, ob2, in2f_next):
    return pl.pallas_call(
        _node_body,
        grid=(NAB,),
        in_specs=[
            pl.BlockSpec((BA, D), lambda i: (i, 0)),
            pl.BlockSpec((BA, D), lambda i: (i, 0)),
            pl.BlockSpec((D, D), lambda i: (0, 0)),
            pl.BlockSpec((1, D), lambda i: (0, 0)),
            pl.BlockSpec((D, D), lambda i: (0, 0)),
            pl.BlockSpec((1, D), lambda i: (0, 0)),
            pl.BlockSpec((D, D), lambda i: (0, 0)),
        ],
        out_specs=[
            pl.BlockSpec((BA, D), lambda i: (i, 0)),
            pl.BlockSpec((BA, D), lambda i: (i, 0)),
        ],
        out_shape=[
            jax.ShapeDtypeStruct((N_ATOMS, D), jnp.float32),
            jax.ShapeDtypeStruct((N_ATOMS, D), jnp.float32),
        ],
    )(agg, x, oW1, ob1, oW2, ob2, in2f_next)


def _sc_body(h_hbm, w_hbm, idxj_hbm, idxc_hbm, out_hbm,
             idxj_v, idxc_v, rows_v, wij_v, zbuf, agg_sh, sem_g, sem_w):
    c = lax.axis_index("c")
    s = lax.axis_index("s")

    def zrow(i, _):
        for q in range(D // 16):
            zbuf[i, pl.ds(q * 16, 16)] = jnp.zeros((16,), jnp.float32)
        return 0
    lax.fori_loop(0, ZROWS, zrow, 0)

    pltpu.sync_copy(idxj_hbm.at[s], idxj_v)

    r0 = s * RPT
    o0 = s * OPT
    for p in range(2):
        win = 2 * c + p
        pltpu.sync_copy(idxc_hbm.at[win, s], idxc_v)
        for off, sz in ((0, 128), (128, RPT - 128)):
            pltpu.sync_copy(zbuf.at[pl.ds(0, sz)],
                            agg_sh.at[pl.ds(r0 + off, sz)])
        plsc.subcore_barrier()

        def step(k, _):
            pltpu.async_copy(h_hbm.at[idxj_v.at[k]], rows_v, sem_g)
            pltpu.async_copy(w_hbm.at[pl.ds(s * EPW + k * CSC, CSC)],
                             wij_v, sem_w)
            pltpu.make_async_copy(h_hbm.at[idxj_v.at[k]], rows_v, sem_g).wait()
            pltpu.make_async_copy(w_hbm.at[pl.ds(s * EPW + k * CSC, CSC)],
                                  wij_v, sem_w).wait()

            def _mul(r, _):
                for q in range(D // 16):
                    sl = pl.ds(q * 16, 16)
                    wij_v[r, sl] = wij_v[r, sl] * rows_v[r, sl]
                return 0
            lax.fori_loop(0, CSC, _mul, 0)
            pltpu.sync_copy(wij_v, agg_sh.at[idxc_v.at[k]], add=True)
            return 0
        lax.fori_loop(0, NCH, step, 0)

        plsc.subcore_barrier()
        pltpu.sync_copy(agg_sh.at[pl.ds(o0, OPT)],
                        out_hbm.at[win, pl.ds(o0, OPT)])
        plsc.subcore_barrier()


def _sc_gather_scatter(h, w, idxj_r, idxc_r):
    mesh = plsc.VectorSubcoreMesh(core_axis_name="c", subcore_axis_name="s")
    k = functools.partial(
        pl.kernel,
        mesh=mesh,
        out_type=jax.ShapeDtypeStruct((NWIN, WINDOW, D), jnp.float32),
        scratch_types=[
            pltpu.VMEM((NCH, CSC), jnp.int32),
            pltpu.VMEM((NCH, CSC), jnp.int32),
            pltpu.VMEM((CSC, D), jnp.float32),
            pltpu.VMEM((CSC, D), jnp.float32),
            pltpu.VMEM((ZROWS, D), jnp.float32),
            pltpu.VMEM_SHARED((ACC_ROWS, D), jnp.float32),
            pltpu.SemaphoreType.DMA,
            pltpu.SemaphoreType.DMA,
        ],
    )(_sc_body)
    return k(h, w, idxj_r, idxc_r)


def kernel(atomic_numbers, r_ij, idx_i, idx_j, idx, idx_m, emb, in2f_W,
           fw1, fb1, fw2, fb2, o_W1, o_b1, o_W2, o_b2):
    az2 = atomic_numbers.reshape(N_ATOMS, 1).astype(jnp.int32)
    ij = idx_j.astype(jnp.int32)
    ii = idx_i.astype(jnp.int32)
    ii2 = ii.reshape(EROWS, D)
    idx_win = _prep_idx(ii2)
    idxj_r = ij.reshape(NSUB, NCH, CSC)
    idxc_r = jnp.stack([a.reshape(N_EDGES) for a in idx_win]
                       ).reshape(NWIN, NSUB, NCH, CSC)
    x, h = _embed(az2, emb, in2f_W[0])
    for l in range(N_INT):
        w = _edge_filter(r_ij, fw1[l], fb1[l].reshape(1, D),
                         fw2[l], fb2[l].reshape(1, D))
        parts = _sc_gather_scatter(h, w, idxj_r, idxc_r)
        agg = parts.reshape(NWIN * WINDOW, D)[:N_ATOMS]
        x, h = _node(agg, x, o_W1[l], o_b1[l].reshape(1, D),
                     o_W2[l], o_b2[l].reshape(1, D),
                     in2f_W[(l + 1) % N_INT])
    return x

# --- scband reference (transcript-rebuilt; emitter-appended) ---
"""Pipeline reference for scband-sch-net-71451075936431 (READ-ONLY COPY).

The authoritative reference and input builder live on the scoring server;
editing this copy changes nothing except your own understanding.
"""

import jax, jax.numpy as jnp
import numpy as np

N_ATOMS = 10000
N_EDGES = 320000
D = 128
N_RBF = 20
N_INT = 3
MAX_Z = 100
CUTOFF = 5.0


def setup_inputs(seed: int = 0) -> dict:
    key = jax.random.key(seed)
    ks = jax.random.split(key, 16)
    inp = {}
    inp["atomic_numbers"] = jax.random.randint(ks[0], (N_ATOMS,), 0, MAX_Z)
    inp["r_ij"] = jax.random.normal(ks[1], (N_EDGES, 3), dtype=jnp.float32)
    inp["idx_i"] = jnp.sort(jax.random.randint(ks[2], (N_EDGES,), 0, N_ATOMS))
    inp["idx_j"] = jax.random.randint(ks[3], (N_EDGES,), 0, N_ATOMS)
    inp["idx"] = jnp.arange(8)
    inp["idx_m"] = jnp.sort(jax.random.randint(ks[4], (N_ATOMS,), 0, 8))
    s = 1.0 / np.sqrt(D)
    emb = jax.random.normal(ks[5], (MAX_Z, D), dtype=jnp.float32)
    inp["emb"] = emb.at[0].set(0.0)  # padding_idx=0
    inp["in2f_W"] = jax.random.normal(ks[6], (N_INT, D, D), dtype=jnp.float32) * s
    inp["fw1"] = jax.random.normal(ks[7], (N_INT, N_RBF, D), dtype=jnp.float32) / np.sqrt(N_RBF)
    inp["fb1"] = jnp.zeros((N_INT, D), dtype=jnp.float32)
    inp["fw2"] = jax.random.normal(ks[8], (N_INT, D, D), dtype=jnp.float32) * s
    inp["fb2"] = jnp.zeros((N_INT, D), dtype=jnp.float32)
    inp["o_W1"] = jax.random.normal(ks[9], (N_INT, D, D), dtype=jnp.float32) * s
    inp["o_b1"] = jnp.zeros((N_INT, D), dtype=jnp.float32)
    inp["o_W2"] = jax.random.normal(ks[10], (N_INT, D, D), dtype=jnp.float32) * s
    inp["o_b2"] = jnp.zeros((N_INT, D), dtype=jnp.float32)
    return inp


def _ssp(x):
    # shifted softplus: softplus(x) - log(2)
    return jax.nn.softplus(x) - jnp.log(2.0)


def reference(atomic_numbers, r_ij, idx_i, idx_j, idx, idx_m, emb, in2f_W, fw1, fb1, fw2, fb2, o_W1, o_b1, o_W2, o_b2):
    # distances
    d = jnp.linalg.norm(r_ij, axis=1)
    # GaussianRBF expansion
    offsets = jnp.linspace(0.0, CUTOFF, N_RBF)
    width = offsets[1] - offsets[0]
    coeff = -0.5 / (width ** 2)
    f_ij = jnp.exp(coeff * (d[:, None] - offsets[None, :]) ** 2)
    # CosineCutoff
    rcut_ij = 0.5 * (jnp.cos(d * jnp.pi / CUTOFF) + 1.0) * (d < CUTOFF).astype(jnp.float32)
    # nuclear embedding
    x = emb[atomic_numbers]
    for l in range(N_INT):
        h = x @ in2f_W[l]  # in2f (no bias)
        Wij = _ssp(f_ij @ fw1[l] + fb1[l]) @ fw2[l] + fb2[l]  # filter network
        Wij = Wij * rcut_ij[:, None]
        x_j = h[idx_j]
        x_ij = x_j * Wij
        agg = jax.ops.segment_sum(x_ij, idx_i, num_segments=N_ATOMS)
        v = _ssp(agg @ o_W1[l] + o_b1[l]) @ o_W2[l] + o_b2[l]  # f2out
        x = x + v
    return x

if __name__ == "__main__":
    import jax
    _d = setup_inputs()
    print(jax.jit(kernel)(*tuple(_d.values())))

</pallas_src>

<mosaic_0001>
#map = affine_map<(d0, d1) -> (0, 0)>
#map1 = affine_map<(d0, d1) -> (0, 0, 0)>
#map2 = affine_map<(d0, d1) -> (0, 0, 0, 0)>
module attributes {stable_mosaic.version = 14 : i64} {
  func.func @_sc_body(%arg0: i32, %arg1: i32, %arg2: memref<10000x128xf32, #tpu.memory_space<hbm>>, %arg3: memref<320000x128xf32, #tpu.memory_space<hbm>>, %arg4: memref<16x250x80xi32, #tpu.memory_space<hbm>>, %arg5: memref<4x16x250x80xi32, #tpu.memory_space<hbm>>, %arg6: memref<4x2560x128xf32, #tpu.memory_space<hbm>>, %arg7: memref<250x80xi32, #tpu.memory_space<vmem>>, %arg8: memref<250x80xi32, #tpu.memory_space<vmem>>, %arg9: memref<80x128xf32, #tpu.memory_space<vmem>>, %arg10: memref<80x128xf32, #tpu.memory_space<vmem>>, %arg11: memref<128x128xf32, #tpu.memory_space<vmem>>, %arg12: memref<2688x128xf32, #tpu.memory_space<vmem_shared>>, %arg13: memref<!tpu.dma_semaphore, #tpu.memory_space<semaphore_mem>>, %arg14: memref<!tpu.dma_semaphore, #tpu.memory_space<semaphore_mem>>) attributes {dimension_semantics = [#tpu.dimension_semantics<core_parallel>, #tpu.dimension_semantics<subcore_parallel>], iteration_bounds = array<i64: 2, 16>, scalar_prefetch = 0 : i64, scratch_operands = 8 : i64, tpu.core_type = #tpu.core_type<sc_vector_subcore>, window_params = [{transform_indices = #map}, {transform_indices = #map}, {transform_indices = #map1}, {transform_indices = #map2}, {transform_indices = #map1}]} {
    %scan3A = arith.constant 0 : i32
    %scan3A_0 = arith.constant 0 : i32
    %scan3A_1 = arith.constant 128 : i32
    %scan3A_2 = arith.addi %scan3A_0, %scan3A_1 : i32
    %scan3A_3 = arith.constant 1 : i32
    %scan3A_4 = scf.for %scan3A_43 = %scan3A_0 to %scan3A_2 step %scan3A_3 iter_args(%scan3A_44 = %scan3A) -> (i32)  : i32 {
      %broadcast_in_dim3A = arith.constant 0.000000e+00 : f32
      %broadcast_in_dim3A_45 = vector.broadcast %broadcast_in_dim3A : f32 to vector<16xf32>
      %swap3A = arith.index_cast %scan3A_43 : i32 to index
      %swap3A_46 = arith.constant 0 : index
      %swap3A_47 = tpu.vector_load %arg11[%swap3A, %swap3A_46] {strides = array<i32>} : memref<128x128xf32, #tpu.memory_space<vmem>>, vector<1x16xf32>,
      %swap3A_48 = vector.shape_cast %swap3A_47 : vector<1x16xf32> to vector<16xf32>
      %swap3A_49 = vector.shape_cast %broadcast_in_dim3A_45 : vector<16xf32> to vector<1x16xf32>
      tpu.vector_store %arg11[%swap3A, %swap3A_46], %swap3A_49 {strides = array<i32>} : memref<128x128xf32, #tpu.memory_space<vmem>>, vector<1x16xf32>,
      %broadcast_in_dim3A_50 = arith.constant 0.000000e+00 : f32
      %broadcast_in_dim3A_51 = vector.broadcast %broadcast_in_dim3A_50 : f32 to vector<16xf32>
      %swap3A_52 = arith.index_cast %scan3A_43 : i32 to index
      %swap3A_53 = arith.constant 16 : index
      %swap3A_54 = tpu.vector_load %arg11[%swap3A_52, %swap3A_53] {strides = array<i32>} : memref<128x128xf32, #tpu.memory_space<vmem>>, vector<1x16xf32>,
      %swap3A_55 = vector.shape_cast %swap3A_54 : vector<1x16xf32> to vector<16xf32>
      %swap3A_56 = vector.shape_cast %broadcast_in_dim3A_51 : vector<16xf32> to vector<1x16xf32>
      tpu.vector_store %arg11[%swap3A_52, %swap3A_53], %swap3A_56 {strides = array<i32>} : memref<128x128xf32, #tpu.memory_space<vmem>>, vector<1x16xf32>,
      %broadcast_in_dim3A_57 = arith.constant 0.000000e+00 : f32
      %broadcast_in_dim3A_58 = vector.broadcast %broadcast_in_dim3A_57 : f32 to vector<16xf32>
      %swap3A_59 = arith.index_cast %scan3A_43 : i32 to index
      %swap3A_60 = arith.constant 32 : index
      %swap3A_61 = tpu.vector_load %arg11[%swap3A_59, %swap3A_60] {strides = array<i32>} : memref<128x128xf32, #tpu.memory_space<vmem>>, vector<1x16xf32>,
      %swap3A_62 = vector.shape_cast %swap3A_61 : vector<1x16xf32> to vector<16xf32>
      %swap3A_63 = vector.shape_cast %broadcast_in_dim3A_58 : vector<16xf32> to vector<1x16xf32>
      tpu.vector_store %arg11[%swap3A_59, %swap3A_60], %swap3A_63 {strides = array<i32>} : memref<128x128xf32, #tpu.memory_space<vmem>>, vector<1x16xf32>,
      %broadcast_in_dim3A_64 = arith.constant 0.000000e+00 : f32
      %broadcast_in_dim3A_65 = vector.broadcast %broadcast_in_dim3A_64 : f32 to vector<16xf32>
      %swap3A_66 = arith.index_cast %scan3A_43 : i32 to index
      %swap3A_67 = arith.constant 48 : index
      %swap3A_68 = tpu.vector_load %arg11[%swap3A_66, %swap3A_67] {strides = array<i32>} : memref<128x128xf32, #tpu.memory_space<vmem>>, vector<1x16xf32>,
      %swap3A_69 = vector.shape_cast %swap3A_68 : vector<1x16xf32> to vector<16xf32>
      %swap3A_70 = vector.shape_cast %broadcast_in_dim3A_65 : vector<16xf32> to vector<1x16xf32>
      tpu.vector_store %arg11[%swap3A_66, %swap3A_67], %swap3A_70 {strides = array<i32>} : memref<128x128xf32, #tpu.memory_space<vmem>>, vector<1x16xf32>,
      %broadcast_in_dim3A_71 = arith.constant 0.000000e+00 : f32
      %broadcast_in_dim3A_72 = vector.broadcast %broadcast_in_dim3A_71 : f32 to vector<16xf32>
      %swap3A_73 = arith.index_cast %scan3A_43 : i32 to index
      %swap3A_74 = arith.constant 64 : index
      %swap3A_75 = tpu.vector_load %arg11[%swap3A_73, %swap3A_74] {strides = array<i32>} : memref<128x128xf32, #tpu.memory_space<vmem>>, vector<1x16xf32>,
      %swap3A_76 = vector.shape_cast %swap3A_75 : vector<1x16xf32> to vector<16xf32>
      %swap3A_77 = vector.shape_cast %broadcast_in_dim3A_72 : vector<16xf32> to vector<1x16xf32>
      tpu.vector_store %arg11[%swap3A_73, %swap3A_74], %swap3A_77 {strides = array<i32>} : memref<128x128xf32, #tpu.memory_space<vmem>>, vector<1x16xf32>,
      %broadcast_in_dim3A_78 = arith.constant 0.000000e+00 : f32
      %broadcast_in_dim3A_79 = vector.broadcast %broadcast_in_dim3A_78 : f32 to vector<16xf32>
      %swap3A_80 = arith.index_cast %scan3A_43 : i32 to index
      %swap3A_81 = arith.constant 80 : index
      %swap3A_82 = tpu.vector_load %arg11[%swap3A_80, %swap3A_81] {strides = array<i32>} : memref<128x128xf32, #tpu.memory_space<vmem>>, vector<1x16xf32>,
      %swap3A_83 = vector.shape_cast %swap3A_82 : vector<1x16xf32> to vector<16xf32>
      %swap3A_84 = vector.shape_cast %broadcast_in_dim3A_79 : vector<16xf32> to vector<1x16xf32>
      tpu.vector_store %arg11[%swap3A_80, %swap3A_81], %swap3A_84 {strides = array<i32>} : memref<128x128xf32, #tpu.memory_space<vmem>>, vector<1x16xf32>,
      %broadcast_in_dim3A_85 = arith.constant 0.000000e+00 : f32
      %broadcast_in_dim3A_86 = vector.broadcast %broadcast_in_dim3A_85 : f32 to vector<16xf32>
      %swap3A_87 = arith.index_cast %scan3A_43 : i32 to index
      %swap3A_88 = arith.constant 96 : index
      %swap3A_89 = tpu.vector_load %arg11[%swap3A_87, %swap3A_88] {strides = array<i32>} : memref<128x128xf32, #tpu.memory_space<vmem>>, vector<1x16xf32>,
      %swap3A_90 = vector.shape_cast %swap3A_89 : vector<1x16xf32> to vector<16xf32>
      %swap3A_91 = vector.shape_cast %broadcast_in_dim3A_86 : vector<16xf32> to vector<1x16xf32>
      tpu.vector_store %arg11[%swap3A_87, %swap3A_88], %swap3A_91 {strides = array<i32>} : memref<128x128xf32, #tpu.memory_space<vmem>>, vector<1x16xf32>,
      %broadcast_in_dim3A_92 = arith.constant 0.000000e+00 : f32
      %broadcast_in_dim3A_93 = vector.broadcast %broadcast_in_dim3A_92 : f32 to vector<16xf32>
      %swap3A_94 = arith.index_cast %scan3A_43 : i32 to index
      %swap3A_95 = arith.constant 112 : index
      %swap3A_96 = tpu.vector_load %arg11[%swap3A_94, %swap3A_95] {strides = array<i32>} : memref<128x128xf32, #tpu.memory_space<vmem>>, vector<1x16xf32>,
      %swap3A_97 = vector.shape_cast %swap3A_96 : vector<1x16xf32> to vector<16xf32>
      %swap3A_98 = vector.shape_cast %broadcast_in_dim3A_93 : vector<16xf32> to vector<1x16xf32>
      tpu.vector_store %arg11[%swap3A_94, %swap3A_95], %swap3A_98 {strides = array<i32>} : memref<128x128xf32, #tpu.memory_space<vmem>>, vector<1x16xf32>,
      %scan3A_99 = arith.constant 0 : i32
      scf.yield %scan3A_99 : i32
    }
    %scan3A_5 = arith.constant 128 : i32
    "tpu.region"() ({
      %run_scoped3A = tpu.sem_alloc : memref<!tpu.dma_semaphore, #tpu.memory_space<semaphore_mem>>
      %dma_start3A = arith.constant 0 : i32
      %dma_start3A_43 = arith.constant 0 : i32
      %dma_start3A_44 = tpu.memref_slice %arg4[%arg1, %dma_start3A, %dma_start3A_43] : memref<16x250x80xi32, #tpu.memory_space<hbm>> -> memref<1x250x80xi32, #tpu.memory_space<hbm>>
      %dma_start3A_45 = tpu.memref_squeeze %dma_start3A_44 : memref<1x250x80xi32, #tpu.memory_space<hbm>> -> memref<250x80xi32, #tpu.memory_space<hbm>>
      %dma_start3A_46 = arith.constant 0 : i32
      %dma_start3A_47 = arith.constant 0 : i32
      %dma_start3A_48 = tpu.memref_slice %arg4[%arg1, %dma_start3A_46, %dma_start3A_47] : memref<16x250x80xi32, #tpu.memory_space<hbm>> -> memref<1x250x80xi32, #tpu.memory_space<hbm>>
      %dma_start3A_49 = tpu.memref_squeeze %dma_start3A_48 : memref<1x250x80xi32, #tpu.memory_space<hbm>> -> memref<250x80xi32, #tpu.memory_space<hbm>>
      tpu.enqueue_dma source(%dma_start3A_49 : memref<250x80xi32, #tpu.memory_space<hbm>>) target(%arg7 : memref<250x80xi32, #tpu.memory_space<vmem>>) target_semaphore(%run_scoped3A : memref<!tpu.dma_semaphore, #tpu.memory_space<semaphore_mem>>)
      %dma_wait3A = arith.constant 0 : i32
      %dma_wait3A_50 = arith.constant 0 : i32
      %dma_wait3A_51 = tpu.memref_slice %arg4[%arg1, %dma_wait3A, %dma_wait3A_50] : memref<16x250x80xi32, #tpu.memory_space<hbm>> -> memref<1x250x80xi32, #tpu.memory_space<hbm>>
      %dma_wait3A_52 = tpu.memref_squeeze %dma_wait3A_51 : memref<1x250x80xi32, #tpu.memory_space<hbm>> -> memref<250x80xi32, #tpu.memory_space<hbm>>
      %dma_wait3A_53 = arith.constant 0 : i32
      %dma_wait3A_54 = arith.constant 0 : i32
      %dma_wait3A_55 = tpu.memref_slice %arg4[%arg1, %dma_wait3A_53, %dma_wait3A_54] : memref<16x250x80xi32, #tpu.memory_space<hbm>> -> memref<1x250x80xi32, #tpu.memory_space<hbm>>
      %dma_wait3A_56 = tpu.memref_squeeze %dma_wait3A_55 : memref<1x250x80xi32, #tpu.memory_space<hbm>> -> memref<250x80xi32, #tpu.memory_space<hbm>>
      tpu.wait_dma2 semaphore(%run_scoped3A : memref<!tpu.dma_semaphore, #tpu.memory_space<semaphore_mem>>) src(%dma_wait3A_56 : memref<250x80xi32, #tpu.memory_space<hbm>>) dst(%arg7 : memref<250x80xi32, #tpu.memory_space<vmem>>)
      tpu.yield
    }) : () -> ()
    %mul3A = arith.constant 168 : i32
    %mul3A_6 = arith.muli %arg1, %mul3A : i32
    %mul3A_7 = arith.constant 160 : i32
    %mul3A_8 = arith.muli %arg1, %mul3A_7 : i32
    %mul3A_9 = arith.constant 2 : i32
    %mul3A_10 = arith.muli %mul3A_9, %arg0 : i32
    %add3A = arith.constant 0 : i32
    %add3A_11 = arith.addi %mul3A_10, %add3A : i32
    "tpu.region"() ({
      %run_scoped3A = tpu.sem_alloc : memref<!tpu.dma_semaphore, #tpu.memory_space<semaphore_mem>>
      %dma_start3A = arith.constant 0 : i32
      %dma_start3A_43 = arith.constant 0 : i32
      %dma_start3A_44 = tpu.memref_slice %arg5[%add3A_11, %arg1, %dma_start3A, %dma_start3A_43] : memref<4x16x250x80xi32, #tpu.memory_space<hbm>> -> memref<1x1x250x80xi32, #tpu.memory_space<hbm>>
      %dma_start3A_45 = tpu.memref_squeeze %dma_start3A_44 : memref<1x1x250x80xi32, #tpu.memory_space<hbm>> -> memref<250x80xi32, #tpu.memory_space<hbm>>
      %dma_start3A_46 = arith.constant 0 : i32
      %dma_start3A_47 = arith.constant 0 : i32
      %dma_start3A_48 = tpu.memref_slice %arg5[%add3A_11, %arg1, %dma_start3A_46, %dma_start3A_47] : memref<4x16x250x80xi32, #tpu.memory_space<hbm>> -> memref<1x1x250x80xi32, #tpu.memory_space<hbm>>
      %dma_start3A_49 = tpu.memref_squeeze %dma_start3A_48 : memref<1x1x250x80xi32, #tpu.memory_space<hbm>> -> memref<250x80xi32, #tpu.memory_space<hbm>>
      tpu.enqueue_dma source(%dma_start3A_49 : memref<250x80xi32, #tpu.memory_space<hbm>>) target(%arg8 : memref<250x80xi32, #tpu.memory_space<vmem>>) target_semaphore(%run_scoped3A : memref<!tpu.dma_semaphore, #tpu.memory_space<semaphore_mem>>)
      %dma_wait3A = arith.constant 0 : i32
      %dma_wait3A_50 = arith.constant 0 : i32
      %dma_wait3A_51 = tpu.memref_slice %arg5[%add3A_11, %arg1, %dma_wait3A, %dma_wait3A_50] : memref<4x16x250x80xi32, #tpu.memory_space<hbm>> -> memref<1x1x250x80xi32, #tpu.memory_space<hbm>>
      %dma_wait3A_52 = tpu.memref_squeeze %dma_wait3A_51 : memref<1x1x250x80xi32, #tpu.memory_space<hbm>> -> memref<250x80xi32, #tpu.memory_space<hbm>>
      %dma_wait3A_53 = arith.constant 0 : i32
      %dma_wait3A_54 = arith.constant 0 : i32
      %dma_wait3A_55 = tpu.memref_slice %arg5[%add3A_11, %arg1, %dma_wait3A_53, %dma_wait3A_54] : memref<4x16x250x80xi32, #tpu.memory_space<hbm>> -> memref<1x1x250x80xi32, #tpu.memory_space<hbm>>
      %dma_wait3A_56 = tpu.memref_squeeze %dma_wait3A_55 : memref<1x1x250x80xi32, #tpu.memory_space<hbm>> -> memref<250x80xi32, #tpu.memory_space<hbm>>
      tpu.wait_dma2 semaphore(%run_scoped3A : memref<!tpu.dma_semaphore, #tpu.memory_space<semaphore_mem>>) src(%dma_wait3A_56 : memref<250x80xi32, #tpu.memory_space<hbm>>) dst(%arg8 : memref<250x80xi32, #tpu.memory_space<vmem>>)
      tpu.yield
    }) : () -> ()
    %add3A_12 = arith.constant 0 : i32
    %add3A_13 = arith.addi %mul3A_6, %add3A_12 : i32
    "tpu.region"() ({
      %run_scoped3A = tpu.sem_alloc : memref<!tpu.dma_semaphore, #tpu.memory_space<semaphore_mem>>
      %dma_start3A = arith.constant 0 : i32
      %dma_start3A_43 = arith.constant 0 : i32
      %dma_start3A_44 = tpu.memref_slice %arg11[%dma_start3A, %dma_start3A_43] : memref<128x128xf32, #tpu.memory_space<vmem>> -> memref<128x128xf32, #tpu.memory_space<vmem>>
      %dma_start3A_45 = arith.constant 0 : i32
      %dma_start3A_46 = tpu.memref_slice %arg12[%add3A_13, %dma_start3A_45] : memref<2688x128xf32, #tpu.memory_space<vmem_shared>> -> memref<128x128xf32, #tpu.memory_space<vmem_shared>>
      %dma_start3A_47 = arith.constant 0 : i32
      %dma_start3A_48 = tpu.memref_slice %arg12[%add3A_13, %dma_start3A_47] : memref<2688x128xf32, #tpu.memory_space<vmem_shared>> -> memref<128x128xf32, #tpu.memory_space<vmem_shared>>
      %dma_start3A_49 = arith.constant 0 : i32
      %dma_start3A_50 = arith.constant 0 : i32
      %dma_start3A_51 = tpu.memref_slice %arg11[%dma_start3A_49, %dma_start3A_50] : memref<128x128xf32, #tpu.memory_space<vmem>> -> memref<128x128xf32, #tpu.memory_space<vmem>>
      tpu.enqueue_dma source(%dma_start3A_51 : memref<128x128xf32, #tpu.memory_space<vmem>>) target(%dma_start3A_48 : memref<128x128xf32, #tpu.memory_space<vmem_shared>>) target_semaphore(%run_scoped3A : memref<!tpu.dma_semaphore, #tpu.memory_space<semaphore_mem>>)
      %dma_wait3A = arith.constant 0 : i32
      %dma_wait3A_52 = arith.constant 0 : i32
      %dma_wait3A_53 = tpu.memref_slice %arg11[%dma_wait3A, %dma_wait3A_52] : memref<128x128xf32, #tpu.memory_space<vmem>> -> memref<128x128xf32, #tpu.memory_space<vmem>>
      %dma_wait3A_54 = arith.constant 0 : i32
      %dma_wait3A_55 = tpu.memref_slice %arg12[%add3A_13, %dma_wait3A_54] : memref<2688x128xf32, #tpu.memory_space<vmem_shared>> -> memref<128x128xf32, #tpu.memory_space<vmem_shared>>
      %dma_wait3A_56 = arith.constant 0 : i32
      %dma_wait3A_57 = tpu.memref_slice %arg12[%add3A_13, %dma_wait3A_56] : memref<2688x128xf32, #tpu.memory_space<vmem_shared>> -> memref<128x128xf32, #tpu.memory_space<vmem_shared>>
      %dma_wait3A_58 = arith.constant 0 : i32
      %dma_wait3A_59 = arith.constant 0 : i32
      %dma_wait3A_60 = tpu.memref_slice %arg11[%dma_wait3A_58, %dma_wait3A_59] : memref<128x128xf32, #tpu.memory_space<vmem>> -> memref<128x128xf32, #tpu.memory_space<vmem>>
      tpu.wait_dma2 semaphore(%run_scoped3A : memref<!tpu.dma_semaphore, #tpu.memory_space<semaphore_mem>>) src(%dma_wait3A_60 : memref<128x128xf32, #tpu.memory_space<vmem>>) dst(%dma_wait3A_57 : memref<128x128xf32, #tpu.memory_space<vmem_shared>>)
      tpu.yield
    }) : () -> ()
    %add3A_14 = arith.constant 128 : i32
    %add3A_15 = arith.addi %mul3A_6, %add3A_14 : i32
    "tpu.region"() ({
      %run_scoped3A = tpu.sem_alloc : memref<!tpu.dma_semaphore, #tpu.memory_space<semaphore_mem>>
      %dma_start3A = arith.constant 0 : i32
      %dma_start3A_43 = arith.constant 0 : i32
      %dma_start3A_44 = tpu.memref_slice %arg11[%dma_start3A, %dma_start3A_43] : memref<128x128xf32, #tpu.memory_space<vmem>> -> memref<40x128xf32, #tpu.memory_space<vmem>>
      %dma_start3A_45 = arith.constant 0 : i32
      %dma_start3A_46 = tpu.memref_slice %arg12[%add3A_15, %dma_start3A_45] : memref<2688x128xf32, #tpu.memory_space<vmem_shared>> -> memref<40x128xf32, #tpu.memory_space<vmem_shared>>
      %dma_start3A_47 = arith.constant 0 : i32
      %dma_start3A_48 = tpu.memref_slice %arg12[%add3A_15, %dma_start3A_47] : memref<2688x128xf32, #tpu.memory_space<vmem_shared>> -> memref<40x128xf32, #tpu.memory_space<vmem_shared>>
      %dma_start3A_49 = arith.constant 0 : i32
      %dma_start3A_50 = arith.constant 0 : i32
      %dma_start3A_51 = tpu.memref_slice %arg11[%dma_start3A_49, %dma_start3A_50] : memref<128x128xf32, #tpu.memory_space<vmem>> -> memref<40x128xf32, #tpu.memory_space<vmem>>
      tpu.enqueue_dma source(%dma_start3A_51 : memref<40x128xf32, #tpu.memory_space<vmem>>) target(%dma_start3A_48 : memref<40x128xf32, #tpu.memory_space<vmem_shared>>) target_semaphore(%run_scoped3A : memref<!tpu.dma_semaphore, #tpu.memory_space<semaphore_mem>>)
      %dma_wait3A = arith.constant 0 : i32
      %dma_wait3A_52 = arith.constant 0 : i32
      %dma_wait3A_53 = tpu.memref_slice %arg11[%dma_wait3A, %dma_wait3A_52] : memref<128x128xf32, #tpu.memory_space<vmem>> -> memref<40x128xf32, #tpu.memory_space<vmem>>
      %dma_wait3A_54 = arith.constant 0 : i32
      %dma_wait3A_55 = tpu.memref_slice %arg12[%add3A_15, %dma_wait3A_54] : memref<2688x128xf32, #tpu.memory_space<vmem_shared>> -> memref<40x128xf32, #tpu.memory_space<vmem_shared>>
      %dma_wait3A_56 = arith.constant 0 : i32
      %dma_wait3A_57 = tpu.memref_slice %arg12[%add3A_15, %dma_wait3A_56] : memref<2688x128xf32, #tpu.memory_space<vmem_shared>> -> memref<40x128xf32, #tpu.memory_space<vmem_shared>>
      %dma_wait3A_58 = arith.constant 0 : i32
      %dma_wait3A_59 = arith.constant 0 : i32
      %dma_wait3A_60 = tpu.memref_slice %arg11[%dma_wait3A_58, %dma_wait3A_59] : memref<128x128xf32, #tpu.memory_space<vmem>> -> memref<40x128xf32, #tpu.memory_space<vmem>>
      tpu.wait_dma2 semaphore(%run_scoped3A : memref<!tpu.dma_semaphore, #tpu.memory_space<semaphore_mem>>) src(%dma_wait3A_60 : memref<40x128xf32, #tpu.memory_space<vmem>>) dst(%dma_wait3A_57 : memref<40x128xf32, #tpu.memory_space<vmem_shared>>)
      tpu.yield
    }) : () -> ()
    %barrier3A = arith.constant 0 : index
    tpu.barrier barrier_id(%barrier3A)
    %scan3A_16 = arith.constant 0 : i32
    %scan3A_17 = arith.constant 0 : i32
    %scan3A_18 = arith.constant 250 : i32
    %scan3A_19 = arith.addi %scan3A_17, %scan3A_18 : i32
    %scan3A_20 = arith.constant 1 : i32
    %scan3A_21 = scf.for %scan3A_43 = %scan3A_17 to %scan3A_19 step %scan3A_20 iter_args(%scan3A_44 = %scan3A_16) -> (i32)  : i32 {
      %dma_start3A = arith.constant 0 : i32
      %dma_start3A_45 = tpu.memref_slice %arg7[%scan3A_43, %dma_start3A] : memref<250x80xi32, #tpu.memory_space<vmem>> -> memref<1x80xi32, #tpu.memory_space<vmem>>
      %dma_start3A_46 = tpu.memref_squeeze %dma_start3A_45 : memref<1x80xi32, #tpu.memory_space<vmem>> -> memref<80xi32, #tpu.memory_space<vmem>>
      %dma_start3A_47 = arith.constant 0 : i32
      %dma_start3A_48 = arith.constant 0 : i32
      %dma_start3A_49 = tpu.memref_slice %arg2[%dma_start3A_47, %dma_start3A_48] : memref<10000x128xf32, #tpu.memory_space<hbm>> -> memref<10000x128xf32, #tpu.memory_space<hbm>>
      tpu.enqueue_indirect_dma source(%dma_start3A_49 : memref<10000x128xf32, #tpu.memory_space<hbm>>) target(%arg9 : memref<80x128xf32, #tpu.memory_space<vmem>>) offsets(%dma_start3A_46 : memref<80xi32, #tpu.memory_space<vmem>>) semaphore(%arg13 : memref<!tpu.dma_semaphore, #tpu.memory_space<semaphore_mem>>)
      %mul3A_50 = arith.constant 20000 : i32
      %mul3A_51 = arith.muli %arg1, %mul3A_50 : i32
      %mul3A_52 = arith.constant 80 : i32
      %mul3A_53 = arith.muli %scan3A_43, %mul3A_52 : i32
      %add3A_54 = arith.addi %mul3A_51, %mul3A_53 : i32
      %dma_start3A_55 = arith.constant 0 : i32
      %dma_start3A_56 = tpu.memref_slice %arg3[%add3A_54, %dma_start3A_55] : memref<320000x128xf32, #tpu.memory_space<hbm>> -> memref<80x128xf32, #tpu.memory_space<hbm>>
      %dma_start3A_57 = arith.constant 0 : i32
      %dma_start3A_58 = tpu.memref_slice %arg3[%add3A_54, %dma_start3A_57] : memref<320000x128xf32, #tpu.memory_space<hbm>> -> memref<80x128xf32, #tpu.memory_space<hbm>>
      tpu.enqueue_dma source(%dma_start3A_58 : memref<80x128xf32, #tpu.memory_space<hbm>>) target(%arg10 : memref<80x128xf32, #tpu.memory_space<vmem>>) target_semaphore(%arg14 : memref<!tpu.dma_semaphore, #tpu.memory_space<semaphore_mem>>)
      %dma_wait3A = arith.constant 0 : i32
      %dma_wait3A_59 = tpu.memref_slice %arg7[%scan3A_43, %dma_wait3A] : memref<250x80xi32, #tpu.memory_space<vmem>> -> memref<1x80xi32, #tpu.memory_space<vmem>>
      %dma_wait3A_60 = tpu.memref_squeeze %dma_wait3A_59 : memref<1x80xi32, #tpu.memory_space<vmem>> -> memref<80xi32, #tpu.memory_space<vmem>>
      %dma_wait3A_61 = arith.constant 0 : i32
      %dma_wait3A_62 = arith.constant 0 : i32
      %dma_wait3A_63 = tpu.memref_slice %arg2[%dma_wait3A_61, %dma_wait3A_62] : memref<10000x128xf32, #tpu.memory_space<hbm>> -> memref<10000x128xf32, #tpu.memory_space<hbm>>
      tpu.wait_indirect_dma semaphore(%arg13 : memref<!tpu.dma_semaphore, #tpu.memory_space<semaphore_mem>>) src(%dma_wait3A_63 : memref<10000x128xf32, #tpu.memory_space<hbm>>) dst(%arg9 : memref<80x128xf32, #tpu.memory_space<vmem>>)
      %mul3A_64 = arith.constant 20000 : i32
      %mul3A_65 = arith.muli %arg1, %mul3A_64 : i32
      %mul3A_66 = arith.constant 80 : i32
      %mul3A_67 = arith.muli %scan3A_43, %mul3A_66 : i32
      %add3A_68 = arith.addi %mul3A_65, %mul3A_67 : i32
      %dma_wait3A_69 = arith.constant 0 : i32
      %dma_wait3A_70 = tpu.memref_slice %arg3[%add3A_68, %dma_wait3A_69] : memref<320000x128xf32, #tpu.memory_space<hbm>> -> memref<80x128xf32, #tpu.memory_space<hbm>>
      %dma_wait3A_71 = arith.constant 0 : i32
      %dma_wait3A_72 = tpu.memref_slice %arg3[%add3A_68, %dma_wait3A_71] : memref<320000x128xf32, #tpu.memory_space<hbm>> -> memref<80x128xf32, #tpu.memory_space<hbm>>
      tpu.wait_dma2 semaphore(%arg14 : memref<!tpu.dma_semaphore, #tpu.memory_space<semaphore_mem>>) src(%dma_wait3A_72 : memref<80x128xf32, #tpu.memory_space<hbm>>) dst(%arg10 : memref<80x128xf32, #tpu.memory_space<vmem>>)
      %scan3A_73 = arith.constant 0 : i32
      %scan3A_74 = arith.constant 0 : i32
      %scan3A_75 = arith.constant 80 : i32
      %scan3A_76 = arith.addi %scan3A_74, %scan3A_75 : i32
      %scan3A_77 = arith.constant 1 : i32
      %scan3A_78 = scf.for %scan3A_81 = %scan3A_74 to %scan3A_76 step %scan3A_77 iter_args(%scan3A_82 = %scan3A_73) -> (i32)  : i32 {
        %get3A = arith.index_cast %scan3A_81 : i32 to index
        %get3A_83 = arith.constant 0 : index
        %get3A_84 = tpu.vector_load %arg10[%get3A, %get3A_83] {strides = array<i32>} : memref<80x128xf32, #tpu.memory_space<vmem>>, vector<1x16xf32>,
        %get3A_85 = vector.shape_cast %get3A_84 : vector<1x16xf32> to vector<16xf32>
        %get3A_86 = arith.index_cast %scan3A_81 : i32 to index
        %get3A_87 = arith.constant 0 : index
        %get3A_88 = tpu.vector_load %arg9[%get3A_86, %get3A_87] {strides = array<i32>} : memref<80x128xf32, #tpu.memory_space<vmem>>, vector<1x16xf32>,
        %get3A_89 = vector.shape_cast %get3A_88 : vector<1x16xf32> to vector<16xf32>
        %mul3A_90 = arith.mulf %get3A_85, %get3A_89 : vector<16xf32>
        %swap3A = arith.index_cast %scan3A_81 : i32 to index
        %swap3A_91 = arith.constant 0 : index
        %swap3A_92 = tpu.vector_load %arg10[%swap3A, %swap3A_91] {strides = array<i32>} : memref<80x128xf32, #tpu.memory_space<vmem>>, vector<1x16xf32>,
        %swap3A_93 = vector.shape_cast %swap3A_92 : vector<1x16xf32> to vector<16xf32>
        %swap3A_94 = vector.shape_cast %mul3A_90 : vector<16xf32> to vector<1x16xf32>
        tpu.vector_store %arg10[%swap3A, %swap3A_91], %swap3A_94 {strides = array<i32>} : memref<80x128xf32, #tpu.memory_space<vmem>>, vector<1x16xf32>,
        %get3A_95 = arith.index_cast %scan3A_81 : i32 to index
        %get3A_96 = arith.constant 16 : index
        %get3A_97 = tpu.vector_load %arg10[%get3A_95, %get3A_96] {strides = array<i32>} : memref<80x128xf32, #tpu.memory_space<vmem>>, vector<1x16xf32>,
        %get3A_98 = vector.shape_cast %get3A_97 : vector<1x16xf32> to vector<16xf32>
        %get3A_99 = arith.index_cast %scan3A_81 : i32 to index
        %get3A_100 = arith.constant 16 : index
        %get3A_101 = tpu.vector_load %arg9[%get3A_99, %get3A_100] {strides = array<i32>} : memref<80x128xf32, #tpu.memory_space<vmem>>, vector<1x16xf32>,
        %get3A_102 = vector.shape_cast %get3A_101 : vector<1x16xf32> to vector<16xf32>
        %mul3A_103 = arith.mulf %get3A_98, %get3A_102 : vector<16xf32>
        %swap3A_104 = arith.index_cast %scan3A_81 : i32 to index
        %swap3A_105 = arith.constant 16 : index
        %swap3A_106 = tpu.vector_load %arg10[%swap3A_104, %swap3A_105] {strides = array<i32>} : memref<80x128xf32, #tpu.memory_space<vmem>>, vector<1x16xf32>,
        %swap3A_107 = vector.shape_cast %swap3A_106 : vector<1x16xf32> to vector<16xf32>
        %swap3A_108 = vector.shape_cast %mul3A_103 : vector<16xf32> to vector<1x16xf32>
        tpu.vector_store %arg10[%swap3A_104, %swap3A_105], %swap3A_108 {strides = array<i32>} : memref<80x128xf32, #tpu.memory_space<vmem>>, vector<1x16xf32>,
        %get3A_109 = arith.index_cast %scan3A_81 : i32 to index
        %get3A_110 = arith.constant 32 : index
        %get3A_111 = tpu.vector_load %arg10[%get3A_109, %get3A_110] {strides = array<i32>} : memref<80x128xf32, #tpu.memory_space<vmem>>, vector<1x16xf32>,
        %get3A_112 = vector.shape_cast %get3A_111 : vector<1x16xf32> to vector<16xf32>
        %get3A_113 = arith.index_cast %scan3A_81 : i32 to index
        %get3A_114 = arith.constant 32 : index
        %get3A_115 = tpu.vector_load %arg9[%get3A_113, %get3A_114] {strides = array<i32>} : memref<80x128xf32, #tpu.memory_space<vmem>>, vector<1x16xf32>,
        %get3A_116 = vector.shape_cast %get3A_115 : vector<1x16xf32> to vector<16xf32>
        %mul3A_117 = arith.mulf %get3A_112, %get3A_116 : vector<16xf32>
        %swap3A_118 = arith.index_cast %scan3A_81 : i32 to index
        %swap3A_119 = arith.constant 32 : index
        %swap3A_120 = tpu.vector_load %arg10[%swap3A_118, %swap3A_119] {strides = array<i32>} : memref<80x128xf32, #tpu.memory_space<vmem>>, vector<1x16xf32>,
        %swap3A_121 = vector.shape_cast %swap3A_120 : vector<1x16xf32> to vector<16xf32>
        %swap3A_122 = vector.shape_cast %mul3A_117 : vector<16xf32> to vector<1x16xf32>
        tpu.vector_store %arg10[%swap3A_118, %swap3A_119], %swap3A_122 {strides = array<i32>} : memref<80x128xf32, #tpu.memory_space<vmem>>, vector<1x16xf32>,
        %get3A_123 = arith.index_cast %scan3A_81 : i32 to index
        %get3A_124 = arith.constant 48 : index
        %get3A_125 = tpu.vector_load %arg10[%get3A_123, %get3A_124] {strides = array<i32>} : memref<80x128xf32, #tpu.memory_space<vmem>>, vector<1x16xf32>,
        %get3A_126 = vector.shape_cast %get3A_125 : vector<1x16xf32> to vector<16xf32>
        %get3A_127 = arith.index_cast %scan3A_81 : i32 to index
        %get3A_128 = arith.constant 48 : index
        %get3A_129 = tpu.vector_load %arg9[%get3A_127, %get3A_128] {strides = array<i32>} : memref<80x128xf32, #tpu.memory_space<vmem>>, vector<1x16xf32>,
        %get3A_130 = vector.shape_cast %get3A_129 : vector<1x16xf32> to vector<16xf32>
        %mul3A_131 = arith.mulf %get3A_126, %get3A_130 : vector<16xf32>
        %swap3A_132 = arith.index_cast %scan3A_81 : i32 to index
        %swap3A_133 = arith.constant 48 : index
        %swap3A_134 = tpu.vector_load %arg10[%swap3A_132, %swap3A_133] {strides = array<i32>} : memref<80x128xf32, #tpu.memory_space<vmem>>, vector<1x16xf32>,
        %swap3A_135 = vector.shape_cast %swap3A_134 : vector<1x16xf32> to vector<16xf32>
        %swap3A_136 = vector.shape_cast %mul3A_131 : vector<16xf32> to vector<1x16xf32>
        tpu.vector_store %arg10[%swap3A_132, %swap3A_133], %swap3A_136 {strides = array<i32>} : memref<80x128xf32, #tpu.memory_space<vmem>>, vector<1x16xf32>,
        %get3A_137 = arith.index_cast %scan3A_81 : i32 to index
        %get3A_138 = arith.constant 64 : index
        %get3A_139 = tpu.vector_load %arg10[%get3A_137, %get3A_138] {strides = array<i32>} : memref<80x128xf32, #tpu.memory_space<vmem>>, vector<1x16xf32>,
        %get3A_140 = vector.shape_cast %get3A_139 : vector<1x16xf32> to vector<16xf32>
        %get3A_141 = arith.index_cast %scan3A_81 : i32 to index
        %get3A_142 = arith.constant 64 : index
        %get3A_143 = tpu.vector_load %arg9[%get3A_141, %get3A_142] {strides = array<i32>} : memref<80x128xf32, #tpu.memory_space<vmem>>, vector<1x16xf32>,
        %get3A_144 = vector.shape_cast %get3A_143 : vector<1x16xf32> to vector<16xf32>
        %mul3A_145 = arith.mulf %get3A_140, %get3A_144 : vector<16xf32>
        %swap3A_146 = arith.index_cast %scan3A_81 : i32 to index
        %swap3A_147 = arith.constant 64 : index
        %swap3A_148 = tpu.vector_load %arg10[%swap3A_146, %swap3A_147] {strides = array<i32>} : memref<80x128xf32, #tpu.memory_space<vmem>>, vector<1x16xf32>,
        %swap3A_149 = vector.shape_cast %swap3A_148 : vector<1x16xf32> to vector<16xf32>
        %swap3A_150 = vector.shape_cast %mul3A_145 : vector<16xf32> to vector<1x16xf32>
        tpu.vector_store %arg10[%swap3A_146, %swap3A_147], %swap3A_150 {strides = array<i32>} : memref<80x128xf32, #tpu.memory_space<vmem>>, vector<1x16xf32>,
        %get3A_151 = arith.index_cast %scan3A_81 : i32 to index
        %get3A_152 = arith.constant 80 : index
        %get3A_153 = tpu.vector_load %arg10[%get3A_151, %get3A_152] {strides = array<i32>} : memref<80x128xf32, #tpu.memory_space<vmem>>, vector<1x16xf32>,
        %get3A_154 = vector.shape_cast %get3A_153 : vector<1x16xf32> to vector<16xf32>
        %get3A_155 = arith.index_cast %scan3A_81 : i32 to index
        %get3A_156 = arith.constant 80 : index
        %get3A_157 = tpu.vector_load %arg9[%get3A_155, %get3A_156] {strides = array<i32>} : memref<80x128xf32, #tpu.memory_space<vmem>>, vector<1x16xf32>,
        %get3A_158 = vector.shape_cast %get3A_157 : vector<1x16xf32> to vector<16xf32>
        %mul3A_159 = arith.mulf %get3A_154, %get3A_158 : vector<16xf32>
        %swap3A_160 = arith.index_cast %scan3A_81 : i32 to index
        %swap3A_161 = arith.constant 80 : index
        %swap3A_162 = tpu.vector_load %arg10[%swap3A_160, %swap3A_161] {strides = array<i32>} : memref<80x128xf32, #tpu.memory_space<vmem>>, vector<1x16xf32>,
        %swap3A_163 = vector.shape_cast %swap3A_162 : vector<1x16xf32> to vector<16xf32>
        %swap3A_164 = vector.shape_cast %mul3A_159 : vector<16xf32> to vector<1x16xf32>
        tpu.vector_store %arg10[%swap3A_160, %swap3A_161], %swap3A_164 {strides = array<i32>} : memref<80x128xf32, #tpu.memory_space<vmem>>, vector<1x16xf32>,
        %get3A_165 = arith.index_cast %scan3A_81 : i32 to index
        %get3A_166 = arith.constant 96 : index
        %get3A_167 = tpu.vector_load %arg10[%get3A_165, %get3A_166] {strides = array<i32>} : memref<80x128xf32, #tpu.memory_space<vmem>>, vector<1x16xf32>,
        %get3A_168 = vector.shape_cast %get3A_167 : vector<1x16xf32> to vector<16xf32>
        %get3A_169 = arith.index_cast %scan3A_81 : i32 to index
        %get3A_170 = arith.constant 96 : index
        %get3A_171 = tpu.vector_load %arg9[%get3A_169, %get3A_170] {strides = array<i32>} : memref<80x128xf32, #tpu.memory_space<vmem>>, vector<1x16xf32>,
        %get3A_172 = vector.shape_cast %get3A_171 : vector<1x16xf32> to vector<16xf32>
        %mul3A_173 = arith.mulf %get3A_168, %get3A_172 : vector<16xf32>
        %swap3A_174 = arith.index_cast %scan3A_81 : i32 to index
        %swap3A_175 = arith.constant 96 : index
        %swap3A_176 = tpu.vector_load %arg10[%swap3A_174, %swap3A_175] {strides = array<i32>} : memref<80x128xf32, #tpu.memory_space<vmem>>, vector<1x16xf32>,
        %swap3A_177 = vector.shape_cast %swap3A_176 : vector<1x16xf32> to vector<16xf32>
        %swap3A_178 = vector.shape_cast %mul3A_173 : vector<16xf32> to vector<1x16xf32>
        tpu.vector_store %arg10[%swap3A_174, %swap3A_175], %swap3A_178 {strides = array<i32>} : memref<80x128xf32, #tpu.memory_space<vmem>>, vector<1x16xf32>,
        %get3A_179 = arith.index_cast %scan3A_81 : i32 to index
        %get3A_180 = arith.constant 112 : index
        %get3A_181 = tpu.vector_load %arg10[%get3A_179, %get3A_180] {strides = array<i32>} : memref<80x128xf32, #tpu.memory_space<vmem>>, vector<1x16xf32>,
        %get3A_182 = vector.shape_cast %get3A_181 : vector<1x16xf32> to vector<16xf32>
        %get3A_183 = arith.index_cast %scan3A_81 : i32 to index
        %get3A_184 = arith.constant 112 : index
        %get3A_185 = tpu.vector_load %arg9[%get3A_183, %get3A_184] {strides = array<i32>} : memref<80x128xf32, #tpu.memory_space<vmem>>, vector<1x16xf32>,
        %get3A_186 = vector.shape_cast %get3A_185 : vector<1x16xf32> to vector<16xf32>
        %mul3A_187 = arith.mulf %get3A_182, %get3A_186 : vector<16xf32>
        %swap3A_188 = arith.index_cast %scan3A_81 : i32 to index
        %swap3A_189 = arith.constant 112 : index
        %swap3A_190 = tpu.vector_load %arg10[%swap3A_188, %swap3A_189] {strides = array<i32>} : memref<80x128xf32, #tpu.memory_space<vmem>>, vector<1x16xf32>,
        %swap3A_191 = vector.shape_cast %swap3A_190 : vector<1x16xf32> to vector<16xf32>
        %swap3A_192 = vector.shape_cast %mul3A_187 : vector<16xf32> to vector<1x16xf32>
        tpu.vector_store %arg10[%swap3A_188, %swap3A_189], %swap3A_192 {strides = array<i32>} : memref<80x128xf32, #tpu.memory_space<vmem>>, vector<1x16xf32>,
        %scan3A_193 = arith.constant 0 : i32
        scf.yield %scan3A_193 : i32
      }
      %scan3A_79 = arith.constant 80 : i32
      "tpu.region"() ({
        %run_scoped3A = tpu.sem_alloc : memref<!tpu.dma_semaphore, #tpu.memory_space<semaphore_mem>>
        %dma_start3A_81 = arith.constant 0 : i32
        %dma_start3A_82 = tpu.memref_slice %arg8[%scan3A_43, %dma_start3A_81] : memref<250x80xi32, #tpu.memory_space<vmem>> -> memref<1x80xi32, #tpu.memory_space<vmem>>
        %dma_start3A_83 = tpu.memref_squeeze %dma_start3A_82 : memref<1x80xi32, #tpu.memory_space<vmem>> -> memref<80xi32, #tpu.memory_space<vmem>>
        %dma_start3A_84 = arith.constant 0 : i32
        %dma_start3A_85 = arith.constant 0 : i32
        %dma_start3A_86 = tpu.memref_slice %arg12[%dma_start3A_84, %dma_start3A_85] : memref<2688x128xf32, #tpu.memory_space<vmem_shared>> -> memref<2688x128xf32, #tpu.memory_space<vmem_shared>>
        tpu.enqueue_indirect_dma source(%arg10 : memref<80x128xf32, #tpu.memory_space<vmem>>) target(%dma_start3A_86 : memref<2688x128xf32, #tpu.memory_space<vmem_shared>>) offsets(%dma_start3A_83 : memref<80xi32, #tpu.memory_space<vmem>>) semaphore(%run_scoped3A : memref<!tpu.dma_semaphore, #tpu.memory_space<semaphore_mem>>) {add = true}
        %dma_wait3A_87 = arith.constant 0 : i32
        %dma_wait3A_88 = tpu.memref_slice %arg8[%scan3A_43, %dma_wait3A_87] : memref<250x80xi32, #tpu.memory_space<vmem>> -> memref<1x80xi32, #tpu.memory_space<vmem>>
        %dma_wait3A_89 = tpu.memref_squeeze %dma_wait3A_88 : memref<1x80xi32, #tpu.memory_space<vmem>> -> memref<80xi32, #tpu.memory_space<vmem>>
        %dma_wait3A_90 = arith.constant 0 : i32
        %dma_wait3A_91 = arith.constant 0 : i32
        %dma_wait3A_92 = tpu.memref_slice %arg12[%dma_wait3A_90, %dma_wait3A_91] : memref<2688x128xf32, #tpu.memory_space<vmem_shared>> -> memref<2688x128xf32, #tpu.memory_space<vmem_shared>>
        tpu.wait_indirect_dma semaphore(%run_scoped3A : memref<!tpu.dma_semaphore, #tpu.memory_space<semaphore_mem>>) src(%arg10 : memref<80x128xf32, #tpu.memory_space<vmem>>) dst(%dma_wait3A_92 : memref<2688x128xf32, #tpu.memory_space<vmem_shared>>)
        tpu.yield
      }) : () -> ()
      %scan3A_80 = arith.constant 0 : i32
      scf.yield %scan3A_80 : i32
    }
    %scan3A_22 = arith.constant 250 : i32
    %barrier3A_23 = arith.constant 0 : index
    tpu.barrier barrier_id(%barrier3A_23)
    "tpu.region"() ({
      %run_scoped3A = tpu.sem_alloc : memref<!tpu.dma_semaphore, #tpu.memory_space<semaphore_mem>>
      %dma_start3A = arith.constant 0 : i32
      %dma_start3A_43 = tpu.memref_slice %arg6[%add3A_11, %mul3A_8, %dma_start3A] : memref<4x2560x128xf32, #tpu.memory_space<hbm>> -> memref<1x160x128xf32, #tpu.memory_space<hbm>>
      %dma_start3A_44 = tpu.memref_squeeze %dma_start3A_43 : memref<1x160x128xf32, #tpu.memory_space<hbm>> -> memref<160x128xf32, #tpu.memory_space<hbm>>
      %dma_start3A_45 = arith.constant 0 : i32
      %dma_start3A_46 = tpu.memref_slice %arg12[%mul3A_8, %dma_start3A_45] : memref<2688x128xf32, #tpu.memory_space<vmem_shared>> -> memref<160x128xf32, #tpu.memory_space<vmem_shared>>
      tpu.enqueue_dma source(%dma_start3A_46 : memref<160x128xf32, #tpu.memory_space<vmem_shared>>) target(%dma_start3A_44 : memref<160x128xf32, #tpu.memory_space<hbm>>) target_semaphore(%run_scoped3A : memref<!tpu.dma_semaphore, #tpu.memory_space<semaphore_mem>>)
      %dma_wait3A = arith.constant 0 : i32
      %dma_wait3A_47 = tpu.memref_slice %arg6[%add3A_11, %mul3A_8, %dma_wait3A] : memref<4x2560x128xf32, #tpu.memory_space<hbm>> -> memref<1x160x128xf32, #tpu.memory_space<hbm>>
      %dma_wait3A_48 = tpu.memref_squeeze %dma_wait3A_47 : memref<1x160x128xf32, #tpu.memory_space<hbm>> -> memref<160x128xf32, #tpu.memory_space<hbm>>
      %dma_wait3A_49 = arith.constant 0 : i32
      %dma_wait3A_50 = tpu.memref_slice %arg12[%mul3A_8, %dma_wait3A_49] : memref<2688x128xf32, #tpu.memory_space<vmem_shared>> -> memref<160x128xf32, #tpu.memory_space<vmem_shared>>
      tpu.wait_dma2 semaphore(%run_scoped3A : memref<!tpu.dma_semaphore, #tpu.memory_space<semaphore_mem>>) src(%dma_wait3A_50 : memref<160x128xf32, #tpu.memory_space<vmem_shared>>) dst(%dma_wait3A_48 : memref<160x128xf32, #tpu.memory_space<hbm>>)
      tpu.yield
    }) : () -> ()
    %barrier3A_24 = arith.constant 0 : index
    tpu.barrier barrier_id(%barrier3A_24)
    %mul3A_25 = arith.constant 2 : i32
    %mul3A_26 = arith.muli %mul3A_25, %arg0 : i32
    %add3A_27 = arith.constant 1 : i32
    %add3A_28 = arith.addi %mul3A_26, %add3A_27 : i32
    "tpu.region"() ({
      %run_scoped3A = tpu.sem_alloc : memref<!tpu.dma_semaphore, #tpu.memory_space<semaphore_mem>>
      %dma_start3A = arith.constant 0 : i32
      %dma_start3A_43 = arith.constant 0 : i32
      %dma_start3A_44 = tpu.memref_slice %arg5[%add3A_28, %arg1, %dma_start3A, %dma_start3A_43] : memref<4x16x250x80xi32, #tpu.memory_space<hbm>> -> memref<1x1x250x80xi32, #tpu.memory_space<hbm>>
      %dma_start3A_45 = tpu.memref_squeeze %dma_start3A_44 : memref<1x1x250x80xi32, #tpu.memory_space<hbm>> -> memref<250x80xi32, #tpu.memory_space<hbm>>
      %dma_start3A_46 = arith.constant 0 : i32
      %dma_start3A_47 = arith.constant 0 : i32
      %dma_start3A_48 = tpu.memref_slice %arg5[%add3A_28, %arg1, %dma_start3A_46, %dma_start3A_47] : memref<4x16x250x80xi32, #tpu.memory_space<hbm>> -> memref<1x1x250x80xi32, #tpu.memory_space<hbm>>
      %dma_start3A_49 = tpu.memref_squeeze %dma_start3A_48 : memref<1x1x250x80xi32, #tpu.memory_space<hbm>> -> memref<250x80xi32, #tpu.memory_space<hbm>>
      tpu.enqueue_dma source(%dma_start3A_49 : memref<250x80xi32, #tpu.memory_space<hbm>>) target(%arg8 : memref<250x80xi32, #tpu.memory_space<vmem>>) target_semaphore(%run_scoped3A : memref<!tpu.dma_semaphore, #tpu.memory_space<semaphore_mem>>)
      %dma_wait3A = arith.constant 0 : i32
      %dma_wait3A_50 = arith.constant 0 : i32
      %dma_wait3A_51 = tpu.memref_slice %arg5[%add3A_28, %arg1, %dma_wait3A, %dma_wait3A_50] : memref<4x16x250x80xi32, #tpu.memory_space<hbm>> -> memref<1x1x250x80xi32, #tpu.memory_space<hbm>>
      %dma_wait3A_52 = tpu.memref_squeeze %dma_wait3A_51 : memref<1x1x250x80xi32, #tpu.memory_space<hbm>> -> memref<250x80xi32, #tpu.memory_space<hbm>>
      %dma_wait3A_53 = arith.constant 0 : i32
      %dma_wait3A_54 = arith.constant 0 : i32
      %dma_wait3A_55 = tpu.memref_slice %arg5[%add3A_28, %arg1, %dma_wait3A_53, %dma_wait3A_54] : memref<4x16x250x80xi32, #tpu.memory_space<hbm>> -> memref<1x1x250x80xi32, #tpu.memory_space<hbm>>
      %dma_wait3A_56 = tpu.memref_squeeze %dma_wait3A_55 : memref<1x1x250x80xi32, #tpu.memory_space<hbm>> -> memref<250x80xi32, #tpu.memory_space<hbm>>
      tpu.wait_dma2 semaphore(%run_scoped3A : memref<!tpu.dma_semaphore, #tpu.memory_space<semaphore_mem>>) src(%dma_wait3A_56 : memref<250x80xi32, #tpu.memory_space<hbm>>) dst(%arg8 : memref<250x80xi32, #tpu.memory_space<vmem>>)
      tpu.yield
    }) : () -> ()
    %add3A_29 = arith.constant 0 : i32
    %add3A_30 = arith.addi %mul3A_6, %add3A_29 : i32
    "tpu.region"() ({
      %run_scoped3A = tpu.sem_alloc : memref<!tpu.dma_semaphore, #tpu.memory_space<semaphore_mem>>
      %dma_start3A = arith.constant 0 : i32
      %dma_start3A_43 = arith.constant 0 : i32
      %dma_start3A_44 = tpu.memref_slice %arg11[%dma_start3A, %dma_start3A_43] : memref<128x128xf32, #tpu.memory_space<vmem>> -> memref<128x128xf32, #tpu.memory_space<vmem>>
      %dma_start3A_45 = arith.constant 0 : i32
      %dma_start3A_46 = tpu.memref_slice %arg12[%add3A_30, %dma_start3A_45] : memref<2688x128xf32, #tpu.memory_space<vmem_shared>> -> memref<128x128xf32, #tpu.memory_space<vmem_shared>>
      %dma_start3A_47 = arith.constant 0 : i32
      %dma_start3A_48 = tpu.memref_slice %arg12[%add3A_30, %dma_start3A_47] : memref<2688x128xf32, #tpu.memory_space<vmem_shared>> -> memref<128x128xf32, #tpu.memory_space<vmem_shared>>
      %dma_start3A_49 = arith.constant 0 : i32
      %dma_start3A_50 = arith.constant 0 : i32
      %dma_start3A_51 = tpu.memref_slice %arg11[%dma_start3A_49, %dma_start3A_50] : memref<128x128xf32, #tpu.memory_space<vmem>> -> memref<128x128xf32, #tpu.memory_space<vmem>>
      tpu.enqueue_dma source(%dma_start3A_51 : memref<128x128xf32, #tpu.memory_space<vmem>>) target(%dma_start3A_48 : memref<128x128xf32, #tpu.memory_space<vmem_shared>>) target_semaphore(%run_scoped3A : memref<!tpu.dma_semaphore, #tpu.memory_space<semaphore_mem>>)
      %dma_wait3A = arith.constant 0 : i32
      %dma_wait3A_52 = arith.constant 0 : i32
      %dma_wait3A_53 = tpu.memref_slice %arg11[%dma_wait3A, %dma_wait3A_52] : memref<128x128xf32, #tpu.memory_space<vmem>> -> memref<128x128xf32, #tpu.memory_space<vmem>>
      %dma_wait3A_54 = arith.constant 0 : i32
      %dma_wait3A_55 = tpu.memref_slice %arg12[%add3A_30, %dma_wait3A_54] : memref<2688x128xf32, #tpu.memory_space<vmem_shared>> -> memref<128x128xf32, #tpu.memory_space<vmem_shared>>
      %dma_wait3A_56 = arith.constant 0 : i32
      %dma_wait3A_57 = tpu.memref_slice %arg12[%add3A_30, %dma_wait3A_56] : memref<2688x128xf32, #tpu.memory_space<vmem_shared>> -> memref<128x128xf32, #tpu.memory_space<vmem_shared>>
      %dma_wait3A_58 = arith.constant 0 : i32
      %dma_wait3A_59 = arith.constant 0 : i32
      %dma_wait3A_60 = tpu.memref_slice %arg11[%dma_wait3A_58, %dma_wait3A_59] : memref<128x128xf32, #tpu.memory_space<vmem>> -> memref<128x128xf32, #tpu.memory_space<vmem>>
      tpu.wait_dma2 semaphore(%run_scoped3A : memref<!tpu.dma_semaphore, #tpu.memory_space<semaphore_mem>>) src(%dma_wait3A_60 : memref<128x128xf32, #tpu.memory_space<vmem>>) dst(%dma_wait3A_57 : memref<128x128xf32, #tpu.memory_space<vmem_shared>>)
      tpu.yield
    }) : () -> ()
    %add3A_31 = arith.constant 128 : i32
    %add3A_32 = arith.addi %mul3A_6, %add3A_31 : i32
    "tpu.region"() ({
      %run_scoped3A = tpu.sem_alloc : memref<!tpu.dma_semaphore, #tpu.memory_space<semaphore_mem>>
      %dma_start3A = arith.constant 0 : i32
      %dma_start3A_43 = arith.constant 0 : i32
      %dma_start3A_44 = tpu.memref_slice %arg11[%dma_start3A, %dma_start3A_43] : memref<128x128xf32, #tpu.memory_space<vmem>> -> memref<40x128xf32, #tpu.memory_space<vmem>>
      %dma_start3A_45 = arith.constant 0 : i32
      %dma_start3A_46 = tpu.memref_slice %arg12[%add3A_32, %dma_start3A_45] : memref<2688x128xf32, #tpu.memory_space<vmem_shared>> -> memref<40x128xf32, #tpu.memory_space<vmem_shared>>
      %dma_start3A_47 = arith.constant 0 : i32
      %dma_start3A_48 = tpu.memref_slice %arg12[%add3A_32, %dma_start3A_47] : memref<2688x128xf32, #tpu.memory_space<vmem_shared>> -> memref<40x128xf32, #tpu.memory_space<vmem_shared>>
      %dma_start3A_49 = arith.constant 0 : i32
      %dma_start3A_50 = arith.constant 0 : i32
      %dma_start3A_51 = tpu.memref_slice %arg11[%dma_start3A_49, %dma_start3A_50] : memref<128x128xf32, #tpu.memory_space<vmem>> -> memref<40x128xf32, #tpu.memory_space<vmem>>
      tpu.enqueue_dma source(%dma_start3A_51 : memref<40x128xf32, #tpu.memory_space<vmem>>) target(%dma_start3A_48 : memref<40x128xf32, #tpu.memory_space<vmem_shared>>) target_semaphore(%run_scoped3A : memref<!tpu.dma_semaphore, #tpu.memory_space<semaphore_mem>>)
      %dma_wait3A = arith.constant 0 : i32
      %dma_wait3A_52 = arith.constant 0 : i32
      %dma_wait3A_53 = tpu.memref_slice %arg11[%dma_wait3A, %dma_wait3A_52] : memref<128x128xf32, #tpu.memory_space<vmem>> -> memref<40x128xf32, #tpu.memory_space<vmem>>
      %dma_wait3A_54 = arith.constant 0 : i32
      %dma_wait3A_55 = tpu.memref_slice %arg12[%add3A_32, %dma_wait3A_54] : memref<2688x128xf32, #tpu.memory_space<vmem_shared>> -> memref<40x128xf32, #tpu.memory_space<vmem_shared>>
      %dma_wait3A_56 = arith.constant 0 : i32
      %dma_wait3A_57 = tpu.memref_slice %arg12[%add3A_32, %dma_wait3A_56] : memref<2688x128xf32, #tpu.memory_space<vmem_shared>> -> memref<40x128xf32, #tpu.memory_space<vmem_shared>>
      %dma_wait3A_58 = arith.constant 0 : i32
      %dma_wait3A_59 = arith.constant 0 : i32
      %dma_wait3A_60 = tpu.memref_slice %arg11[%dma_wait3A_58, %dma_wait3A_59] : memref<128x128xf32, #tpu.memory_space<vmem>> -> memref<40x128xf32, #tpu.memory_space<vmem>>
      tpu.wait_dma2 semaphore(%run_scoped3A : memref<!tpu.dma_semaphore, #tpu.memory_space<semaphore_mem>>) src(%dma_wait3A_60 : memref<40x128xf32, #tpu.memory_space<vmem>>) dst(%dma_wait3A_57 : memref<40x128xf32, #tpu.memory_space<vmem_shared>>)
      tpu.yield
    }) : () -> ()
    %barrier3A_33 = arith.constant 0 : index
    tpu.barrier barrier_id(%barrier3A_33)
    %scan3A_34 = arith.constant 0 : i32
    %scan3A_35 = arith.constant 0 : i32
    %scan3A_36 = arith.constant 250 : i32
    %scan3A_37 = arith.addi %scan3A_35, %scan3A_36 : i32
    %scan3A_38 = arith.constant 1 : i32
    %scan3A_39 = scf.for %scan3A_43 = %scan3A_35 to %scan3A_37 step %scan3A_38 iter_args(%scan3A_44 = %scan3A_34) -> (i32)  : i32 {
      %dma_start3A = arith.constant 0 : i32
      %dma_start3A_45 = tpu.memref_slice %arg7[%scan3A_43, %dma_start3A] : memref<250x80xi32, #tpu.memory_space<vmem>> -> memref<1x80xi32, #tpu.memory_space<vmem>>
      %dma_start3A_46 = tpu.memref_squeeze %dma_start3A_45 : memref<1x80xi32, #tpu.memory_space<vmem>> -> memref<80xi32, #tpu.memory_space<vmem>>
      %dma_start3A_47 = arith.constant 0 : i32
      %dma_start3A_48 = arith.constant 0 : i32
      %dma_start3A_49 = tpu.memref_slice %arg2[%dma_start3A_47, %dma_start3A_48] : memref<10000x128xf32, #tpu.memory_space<hbm>> -> memref<10000x128xf32, #tpu.memory_space<hbm>>
      tpu.enqueue_indirect_dma source(%dma_start3A_49 : memref<10000x128xf32, #tpu.memory_space<hbm>>) target(%arg9 : memref<80x128xf32, #tpu.memory_space<vmem>>) offsets(%dma_start3A_46 : memref<80xi32, #tpu.memory_space<vmem>>) semaphore(%arg13 : memref<!tpu.dma_semaphore, #tpu.memory_space<semaphore_mem>>)
      %mul3A_50 = arith.constant 20000 : i32
      %mul3A_51 = arith.muli %arg1, %mul3A_50 : i32
      %mul3A_52 = arith.constant 80 : i32
      %mul3A_53 = arith.muli %scan3A_43, %mul3A_52 : i32
      %add3A_54 = arith.addi %mul3A_51, %mul3A_53 : i32
      %dma_start3A_55 = arith.constant 0 : i32
      %dma_start3A_56 = tpu.memref_slice %arg3[%add3A_54, %dma_start3A_55] : memref<320000x128xf32, #tpu.memory_space<hbm>> -> memref<80x128xf32, #tpu.memory_space<hbm>>
      %dma_start3A_57 = arith.constant 0 : i32
      %dma_start3A_58 = tpu.memref_slice %arg3[%add3A_54, %dma_start3A_57] : memref<320000x128xf32, #tpu.memory_space<hbm>> -> memref<80x128xf32, #tpu.memory_space<hbm>>
      tpu.enqueue_dma source(%dma_start3A_58 : memref<80x128xf32, #tpu.memory_space<hbm>>) target(%arg10 : memref<80x128xf32, #tpu.memory_space<vmem>>) target_semaphore(%arg14 : memref<!tpu.dma_semaphore, #tpu.memory_space<semaphore_mem>>)
      %dma_wait3A = arith.constant 0 : i32
      %dma_wait3A_59 = tpu.memref_slice %arg7[%scan3A_43, %dma_wait3A] : memref<250x80xi32, #tpu.memory_space<vmem>> -> memref<1x80xi32, #tpu.memory_space<vmem>>
      %dma_wait3A_60 = tpu.memref_squeeze %dma_wait3A_59 : memref<1x80xi32, #tpu.memory_space<vmem>> -> memref<80xi32, #tpu.memory_space<vmem>>
      %dma_wait3A_61 = arith.constant 0 : i32
      %dma_wait3A_62 = arith.constant 0 : i32
      %dma_wait3A_63 = tpu.memref_slice %arg2[%dma_wait3A_61, %dma_wait3A_62] : memref<10000x128xf32, #tpu.memory_space<hbm>> -> memref<10000x128xf32, #tpu.memory_space<hbm>>
      tpu.wait_indirect_dma semaphore(%arg13 : memref<!tpu.dma_semaphore, #tpu.memory_space<semaphore_mem>>) src(%dma_wait3A_63 : memref<10000x128xf32, #tpu.memory_space<hbm>>) dst(%arg9 : memref<80x128xf32, #tpu.memory_space<vmem>>)
      %mul3A_64 = arith.constant 20000 : i32
      %mul3A_65 = arith.muli %arg1, %mul3A_64 : i32
      %mul3A_66 = arith.constant 80 : i32
      %mul3A_67 = arith.muli %scan3A_43, %mul3A_66 : i32
      %add3A_68 = arith.addi %mul3A_65, %mul3A_67 : i32
      %dma_wait3A_69 = arith.constant 0 : i32
      %dma_wait3A_70 = tpu.memref_slice %arg3[%add3A_68, %dma_wait3A_69] : memref<320000x128xf32, #tpu.memory_space<hbm>> -> memref<80x128xf32, #tpu.memory_space<hbm>>
      %dma_wait3A_71 = arith.constant 0 : i32
      %dma_wait3A_72 = tpu.memref_slice %arg3[%add3A_68, %dma_wait3A_71] : memref<320000x128xf32, #tpu.memory_space<hbm>> -> memref<80x128xf32, #tpu.memory_space<hbm>>
      tpu.wait_dma2 semaphore(%arg14 : memref<!tpu.dma_semaphore, #tpu.memory_space<semaphore_mem>>) src(%dma_wait3A_72 : memref<80x128xf32, #tpu.memory_space<hbm>>) dst(%arg10 : memref<80x128xf32, #tpu.memory_space<vmem>>)
      %scan3A_73 = arith.constant 0 : i32
      %scan3A_74 = arith.constant 0 : i32
      %scan3A_75 = arith.constant 80 : i32
      %scan3A_76 = arith.addi %scan3A_74, %scan3A_75 : i32
      %scan3A_77 = arith.constant 1 : i32
      %scan3A_78 = scf.for %scan3A_81 = %scan3A_74 to %scan3A_76 step %scan3A_77 iter_args(%scan3A_82 = %scan3A_73) -> (i32)  : i32 {
        %get3A = arith.index_cast %scan3A_81 : i32 to index
        %get3A_83 = arith.constant 0 : index
        %get3A_84 = tpu.vector_load %arg10[%get3A, %get3A_83] {strides = array<i32>} : memref<80x128xf32, #tpu.memory_space<vmem>>, vector<1x16xf32>,
        %get3A_85 = vector.shape_cast %get3A_84 : vector<1x16xf32> to vector<16xf32>
        %get3A_86 = arith.index_cast %scan3A_81 : i32 to index
        %get3A_87 = arith.constant 0 : index
        %get3A_88 = tpu.vector_load %arg9[%get3A_86, %get3A_87] {strides = array<i32>} : memref<80x128xf32, #tpu.memory_space<vmem>>, vector<1x16xf32>,
        %get3A_89 = vector.shape_cast %get3A_88 : vector<1x16xf32> to vector<16xf32>
        %mul3A_90 = arith.mulf %get3A_85, %get3A_89 : vector<16xf32>
        %swap3A = arith.index_cast %scan3A_81 : i32 to index
        %swap3A_91 = arith.constant 0 : index
        %swap3A_92 = tpu.vector_load %arg10[%swap3A, %swap3A_91] {strides = array<i32>} : memref<80x128xf32, #tpu.memory_space<vmem>>, vector<1x16xf32>,
        %swap3A_93 = vector.shape_cast %swap3A_92 : vector<1x16xf32> to vector<16xf32>
        %swap3A_94 = vector.shape_cast %mul3A_90 : vector<16xf32> to vector<1x16xf32>
        tpu.vector_store %arg10[%swap3A, %swap3A_91], %swap3A_94 {strides = array<i32>} : memref<80x128xf32, #tpu.memory_space<vmem>>, vector<1x16xf32>,
        %get3A_95 = arith.index_cast %scan3A_81 : i32 to index
        %get3A_96 = arith.constant 16 : index
        %get3A_97 = tpu.vector_load %arg10[%get3A_95, %get3A_96] {strides = array<i32>} : memref<80x128xf32, #tpu.memory_space<vmem>>, vector<1x16xf32>,
        %get3A_98 = vector.shape_cast %get3A_97 : vector<1x16xf32> to vector<16xf32>
        %get3A_99 = arith.index_cast %scan3A_81 : i32 to index
        %get3A_100 = arith.constant 16 : index
        %get3A_101 = tpu.vector_load %arg9[%get3A_99, %get3A_100] {strides = array<i32>} : memref<80x128xf32, #tpu.memory_space<vmem>>, vector<1x16xf32>,
        %get3A_102 = vector.shape_cast %get3A_101 : vector<1x16xf32> to vector<16xf32>
        %mul3A_103 = arith.mulf %get3A_98, %get3A_102 : vector<16xf32>
        %swap3A_104 = arith.index_cast %scan3A_81 : i32 to index
        %swap3A_105 = arith.constant 16 : index
        %swap3A_106 = tpu.vector_load %arg10[%swap3A_104, %swap3A_105] {strides = array<i32>} : memref<80x128xf32, #tpu.memory_space<vmem>>, vector<1x16xf32>,
        %swap3A_107 = vector.shape_cast %swap3A_106 : vector<1x16xf32> to vector<16xf32>
        %swap3A_108 = vector.shape_cast %mul3A_103 : vector<16xf32> to vector<1x16xf32>
        tpu.vector_store %arg10[%swap3A_104, %swap3A_105], %swap3A_108 {strides = array<i32>} : memref<80x128xf32, #tpu.memory_space<vmem>>, vector<1x16xf32>,
        %get3A_109 = arith.index_cast %scan3A_81 : i32 to index
        %get3A_110 = arith.constant 32 : index
        %get3A_111 = tpu.vector_load %arg10[%get3A_109, %get3A_110] {strides = array<i32>} : memref<80x128xf32, #tpu.memory_space<vmem>>, vector<1x16xf32>,
        %get3A_112 = vector.shape_cast %get3A_111 : vector<1x16xf32> to vector<16xf32>
        %get3A_113 = arith.index_cast %scan3A_81 : i32 to index
        %get3A_114 = arith.constant 32 : index
        %get3A_115 = tpu.vector_load %arg9[%get3A_113, %get3A_114] {strides = array<i32>} : memref<80x128xf32, #tpu.memory_space<vmem>>, vector<1x16xf32>,
        %get3A_116 = vector.shape_cast %get3A_115 : vector<1x16xf32> to vector<16xf32>
        %mul3A_117 = arith.mulf %get3A_112, %get3A_116 : vector<16xf32>
        %swap3A_118 = arith.index_cast %scan3A_81 : i32 to index
        %swap3A_119 = arith.constant 32 : index
        %swap3A_120 = tpu.vector_load %arg10[%swap3A_118, %swap3A_119] {strides = array<i32>} : memref<80x128xf32, #tpu.memory_space<vmem>>, vector<1x16xf32>,
        %swap3A_121 = vector.shape_cast %swap3A_120 : vector<1x16xf32> to vector<16xf32>
        %swap3A_122 = vector.shape_cast %mul3A_117 : vector<16xf32> to vector<1x16xf32>
        tpu.vector_store %arg10[%swap3A_118, %swap3A_119], %swap3A_122 {strides = array<i32>} : memref<80x128xf32, #tpu.memory_space<vmem>>, vector<1x16xf32>,
        %get3A_123 = arith.index_cast %scan3A_81 : i32 to index
        %get3A_124 = arith.constant 48 : index
        %get3A_125 = tpu.vector_load %arg10[%get3A_123, %get3A_124] {strides = array<i32>} : memref<80x128xf32, #tpu.memory_space<vmem>>, vector<1x16xf32>,
        %get3A_126 = vector.shape_cast %get3A_125 : vector<1x16xf32> to vector<16xf32>
        %get3A_127 = arith.index_cast %scan3A_81 : i32 to index
        %get3A_128 = arith.constant 48 : index
        %get3A_129 = tpu.vector_load %arg9[%get3A_127, %get3A_128] {strides = array<i32>} : memref<80x128xf32, #tpu.memory_space<vmem>>, vector<1x16xf32>,
        %get3A_130 = vector.shape_cast %get3A_129 : vector<1x16xf32> to vector<16xf32>
        %mul3A_131 = arith.mulf %get3A_126, %get3A_130 : vector<16xf32>
        %swap3A_132 = arith.index_cast %scan3A_81 : i32 to index
        %swap3A_133 = arith.constant 48 : index
        %swap3A_134 = tpu.vector_load %arg10[%swap3A_132, %swap3A_133] {strides = array<i32>} : memref<80x128xf32, #tpu.memory_space<vmem>>, vector<1x16xf32>,
        %swap3A_135 = vector.shape_cast %swap3A_134 : vector<1x16xf32> to vector<16xf32>
        %swap3A_136 = vector.shape_cast %mul3A_131 : vector<16xf32> to vector<1x16xf32>
        tpu.vector_store %arg10[%swap3A_132, %swap3A_133], %swap3A_136 {strides = array<i32>} : memref<80x128xf32, #tpu.memory_space<vmem>>, vector<1x16xf32>,
        %get3A_137 = arith.index_cast %scan3A_81 : i32 to index
        %get3A_138 = arith.constant 64 : index
        %get3A_139 = tpu.vector_load %arg10[%get3A_137, %get3A_138] {strides = array<i32>} : memref<80x128xf32, #tpu.memory_space<vmem>>, vector<1x16xf32>,
        %get3A_140 = vector.shape_cast %get3A_139 : vector<1x16xf32> to vector<16xf32>
        %get3A_141 = arith.index_cast %scan3A_81 : i32 to index
        %get3A_142 = arith.constant 64 : index
        %get3A_143 = tpu.vector_load %arg9[%get3A_141, %get3A_142] {strides = array<i32>} : memref<80x128xf32, #tpu.memory_space<vmem>>, vector<1x16xf32>,
        %get3A_144 = vector.shape_cast %get3A_143 : vector<1x16xf32> to vector<16xf32>
        %mul3A_145 = arith.mulf %get3A_140, %get3A_144 : vector<16xf32>
        %swap3A_146 = arith.index_cast %scan3A_81 : i32 to index
        %swap3A_147 = arith.constant 64 : index
        %swap3A_148 = tpu.vector_load %arg10[%swap3A_146, %swap3A_147] {strides = array<i32>} : memref<80x128xf32, #tpu.memory_space<vmem>>, vector<1x16xf32>,
        %swap3A_149 = vector.shape_cast %swap3A_148 : vector<1x16xf32> to vector<16xf32>
        %swap3A_150 = vector.shape_cast %mul3A_145 : vector<16xf32> to vector<1x16xf32>
        tpu.vector_store %arg10[%swap3A_146, %swap3A_147], %swap3A_150 {strides = array<i32>} : memref<80x128xf32, #tpu.memory_space<vmem>>, vector<1x16xf32>,
        %get3A_151 = arith.index_cast %scan3A_81 : i32 to index
        %get3A_152 = arith.constant 80 : index
        %get3A_153 = tpu.vector_load %arg10[%get3A_151, %get3A_152] {strides = array<i32>} : memref<80x128xf32, #tpu.memory_space<vmem>>, vector<1x16xf32>,
        %get3A_154 = vector.shape_cast %get3A_153 : vector<1x16xf32> to vector<16xf32>
        %get3A_155 = arith.index_cast %scan3A_81 : i32 to index
        %get3A_156 = arith.constant 80 : index
        %get3A_157 = tpu.vector_load %arg9[%get3A_155, %get3A_156] {strides = array<i32>} : memref<80x128xf32, #tpu.memory_space<vmem>>, vector<1x16xf32>,
        %get3A_158 = vector.shape_cast %get3A_157 : vector<1x16xf32> to vector<16xf32>
        %mul3A_159 = arith.mulf %get3A_154, %get3A_158 : vector<16xf32>
        %swap3A_160 = arith.index_cast %scan3A_81 : i32 to index
        %swap3A_161 = arith.constant 80 : index
        %swap3A_162 = tpu.vector_load %arg10[%swap3A_160, %swap3A_161] {strides = array<i32>} : memref<80x128xf32, #tpu.memory_space<vmem>>, vector<1x16xf32>,
        %swap3A_163 = vector.shape_cast %swap3A_162 : vector<1x16xf32> to vector<16xf32>
        %swap3A_164 = vector.shape_cast %mul3A_159 : vector<16xf32> to vector<1x16xf32>
        tpu.vector_store %arg10[%swap3A_160, %swap3A_161], %swap3A_164 {strides = array<i32>} : memref<80x128xf32, #tpu.memory_space<vmem>>, vector<1x16xf32>,
        %get3A_165 = arith.index_cast %scan3A_81 : i32 to index
        %get3A_166 = arith.constant 96 : index
        %get3A_167 = tpu.vector_load %arg10[%get3A_165, %get3A_166] {strides = array<i32>} : memref<80x128xf32, #tpu.memory_space<vmem>>, vector<1x16xf32>,
        %get3A_168 = vector.shape_cast %get3A_167 : vector<1x16xf32> to vector<16xf32>
        %get3A_169 = arith.index_cast %scan3A_81 : i32 to index
        %get3A_170 = arith.constant 96 : index
        %get3A_171 = tpu.vector_load %arg9[%get3A_169, %get3A_170] {strides = array<i32>} : memref<80x128xf32, #tpu.memory_space<vmem>>, vector<1x16xf32>,
        %get3A_172 = vector.shape_cast %get3A_171 : vector<1x16xf32> to vector<16xf32>
        %mul3A_173 = arith.mulf %get3A_168, %get3A_172 : vector<16xf32>
        %swap3A_174 = arith.index_cast %scan3A_81 : i32 to index
        %swap3A_175 = arith.constant 96 : index
        %swap3A_176 = tpu.vector_load %arg10[%swap3A_174, %swap3A_175] {strides = array<i32>} : memref<80x128xf32, #tpu.memory_space<vmem>>, vector<1x16xf32>,
        %swap3A_177 = vector.shape_cast %swap3A_176 : vector<1x16xf32> to vector<16xf32>
        %swap3A_178 = vector.shape_cast %mul3A_173 : vector<16xf32> to vector<1x16xf32>
        tpu.vector_store %arg10[%swap3A_174, %swap3A_175], %swap3A_178 {strides = array<i32>} : memref<80x128xf32, #tpu.memory_space<vmem>>, vector<1x16xf32>,
        %get3A_179 = arith.index_cast %scan3A_81 : i32 to index
        %get3A_180 = arith.constant 112 : index
        %get3A_181 = tpu.vector_load %arg10[%get3A_179, %get3A_180] {strides = array<i32>} : memref<80x128xf32, #tpu.memory_space<vmem>>, vector<1x16xf32>,
        %get3A_182 = vector.shape_cast %get3A_181 : vector<1x16xf32> to vector<16xf32>
        %get3A_183 = arith.index_cast %scan3A_81 : i32 to index
        %get3A_184 = arith.constant 112 : index
        %get3A_185 = tpu.vector_load %arg9[%get3A_183, %get3A_184] {strides = array<i32>} : memref<80x128xf32, #tpu.memory_space<vmem>>, vector<1x16xf32>,
        %get3A_186 = vector.shape_cast %get3A_185 : vector<1x16xf32> to vector<16xf32>
        %mul3A_187 = arith.mulf %get3A_182, %get3A_186 : vector<16xf32>
        %swap3A_188 = arith.index_cast %scan3A_81 : i32 to index
        %swap3A_189 = arith.constant 112 : index
        %swap3A_190 = tpu.vector_load %arg10[%swap3A_188, %swap3A_189] {strides = array<i32>} : memref<80x128xf32, #tpu.memory_space<vmem>>, vector<1x16xf32>,
        %swap3A_191 = vector.shape_cast %swap3A_190 : vector<1x16xf32> to vector<16xf32>
        %swap3A_192 = vector.shape_cast %mul3A_187 : vector<16xf32> to vector<1x16xf32>
        tpu.vector_store %arg10[%swap3A_188, %swap3A_189], %swap3A_192 {strides = array<i32>} : memref<80x128xf32, #tpu.memory_space<vmem>>, vector<1x16xf32>,
        %scan3A_193 = arith.constant 0 : i32
        scf.yield %scan3A_193 : i32
      }
      %scan3A_79 = arith.constant 80 : i32
      "tpu.region"() ({
        %run_scoped3A = tpu.sem_alloc : memref<!tpu.dma_semaphore, #tpu.memory_space<semaphore_mem>>
        %dma_start3A_81 = arith.constant 0 : i32
        %dma_start3A_82 = tpu.memref_slice %arg8[%scan3A_43, %dma_start3A_81] : memref<250x80xi32, #tpu.memory_space<vmem>> -> memref<1x80xi32, #tpu.memory_space<vmem>>
        %dma_start3A_83 = tpu.memref_squeeze %dma_start3A_82 : memref<1x80xi32, #tpu.memory_space<vmem>> -> memref<80xi32, #tpu.memory_space<vmem>>
        %dma_start3A_84 = arith.constant 0 : i32
        %dma_start3A_85 = arith.constant 0 : i32
        %dma_start3A_86 = tpu.memref_slice %arg12[%dma_start3A_84, %dma_start3A_85] : memref<2688x128xf32, #tpu.memory_space<vmem_shared>> -> memref<2688x128xf32, #tpu.memory_space<vmem_shared>>
        tpu.enqueue_indirect_dma source(%arg10 : memref<80x128xf32, #tpu.memory_space<vmem>>) target(%dma_start3A_86 : memref<2688x128xf32, #tpu.memory_space<vmem_shared>>) offsets(%dma_start3A_83 : memref<80xi32, #tpu.memory_space<vmem>>) semaphore(%run_scoped3A : memref<!tpu.dma_semaphore, #tpu.memory_space<semaphore_mem>>) {add = true}
        %dma_wait3A_87 = arith.constant 0 : i32
        %dma_wait3A_88 = tpu.memref_slice %arg8[%scan3A_43, %dma_wait3A_87] : memref<250x80xi32, #tpu.memory_space<vmem>> -> memref<1x80xi32, #tpu.memory_space<vmem>>
        %dma_wait3A_89 = tpu.memref_squeeze %dma_wait3A_88 : memref<1x80xi32, #tpu.memory_space<vmem>> -> memref<80xi32, #tpu.memory_space<vmem>>
        %dma_wait3A_90 = arith.constant 0 : i32
        %dma_wait3A_91 = arith.constant 0 : i32
        %dma_wait3A_92 = tpu.memref_slice %arg12[%dma_wait3A_90, %dma_wait3A_91] : memref<2688x128xf32, #tpu.memory_space<vmem_shared>> -> memref<2688x128xf32, #tpu.memory_space<vmem_shared>>
        tpu.wait_indirect_dma semaphore(%run_scoped3A : memref<!tpu.dma_semaphore, #tpu.memory_space<semaphore_mem>>) src(%arg10 : memref<80x128xf32, #tpu.memory_space<vmem>>) dst(%dma_wait3A_92 : memref<2688x128xf32, #tpu.memory_space<vmem_shared>>)
        tpu.yield
      }) : () -> ()
      %scan3A_80 = arith.constant 0 : i32
      scf.yield %scan3A_80 : i32
    }
    %scan3A_40 = arith.constant 250 : i32
    %barrier3A_41 = arith.constant 0 : index
    tpu.barrier barrier_id(%barrier3A_41)
    "tpu.region"() ({
      %run_scoped3A = tpu.sem_alloc : memref<!tpu.dma_semaphore, #tpu.memory_space<semaphore_mem>>
      %dma_start3A = arith.constant 0 : i32
      %dma_start3A_43 = tpu.memref_slice %arg6[%add3A_28, %mul3A_8, %dma_start3A] : memref<4x2560x128xf32, #tpu.memory_space<hbm>> -> memref<1x160x128xf32, #tpu.memory_space<hbm>>
      %dma_start3A_44 = tpu.memref_squeeze %dma_start3A_43 : memref<1x160x128xf32, #tpu.memory_space<hbm>> -> memref<160x128xf32, #tpu.memory_space<hbm>>
      %dma_start3A_45 = arith.constant 0 : i32
      %dma_start3A_46 = tpu.memref_slice %arg12[%mul3A_8, %dma_start3A_45] : memref<2688x128xf32, #tpu.memory_space<vmem_shared>> -> memref<160x128xf32, #tpu.memory_space<vmem_shared>>
      tpu.enqueue_dma source(%dma_start3A_46 : memref<160x128xf32, #tpu.memory_space<vmem_shared>>) target(%dma_start3A_44 : memref<160x128xf32, #tpu.memory_space<hbm>>) target_semaphore(%run_scoped3A : memref<!tpu.dma_semaphore, #tpu.memory_space<semaphore_mem>>)
      %dma_wait3A = arith.constant 0 : i32
      %dma_wait3A_47 = tpu.memref_slice %arg6[%add3A_28, %mul3A_8, %dma_wait3A] : memref<4x2560x128xf32, #tpu.memory_space<hbm>> -> memref<1x160x128xf32, #tpu.memory_space<hbm>>
      %dma_wait3A_48 = tpu.memref_squeeze %dma_wait3A_47 : memref<1x160x128xf32, #tpu.memory_space<hbm>> -> memref<160x128xf32, #tpu.memory_space<hbm>>
      %dma_wait3A_49 = arith.constant 0 : i32
      %dma_wait3A_50 = tpu.memref_slice %arg12[%mul3A_8, %dma_wait3A_49] : memref<2688x128xf32, #tpu.memory_space<vmem_shared>> -> memref<160x128xf32, #tpu.memory_space<vmem_shared>>
      tpu.wait_dma2 semaphore(%run_scoped3A : memref<!tpu.dma_semaphore, #tpu.memory_space<semaphore_mem>>) src(%dma_wait3A_50 : memref<160x128xf32, #tpu.memory_space<vmem_shared>>) dst(%dma_wait3A_48 : memref<160x128xf32, #tpu.memory_space<hbm>>)
      tpu.yield
    }) : () -> ()
    %barrier3A_42 = arith.constant 0 : index
    tpu.barrier barrier_id(%barrier3A_42)
    return
  }
}

#map = affine_map<(d0, d1) -> (0, 0)>
#map1 = affine_map<(d0, d1) -> (0, 0, 0)>
#map2 = affine_map<(d0, d1) -> (0, 0, 0, 0)>
module attributes {stable_mosaic.version = 14 : i64} {
  func.func @_sc_body(%arg0: i32, %arg1: i32, %arg2: memref<10000x128xf32, #tpu.memory_space<hbm>>, %arg3: memref<320000x128xf32, #tpu.memory_space<hbm>>, %arg4: memref<16x250x80xi32, #tpu.memory_space<hbm>>, %arg5: memref<4x16x250x80xi32, #tpu.memory_space<hbm>>, %arg6: memref<4x2560x128xf32, #tpu.memory_space<hbm>>, %arg7: memref<250x80xi32, #tpu.memory_space<vmem>>, %arg8: memref<250x80xi32, #tpu.memory_space<vmem>>, %arg9: memref<80x128xf32, #tpu.memory_space<vmem>>, %arg10: memref<80x128xf32, #tpu.memory_space<vmem>>, %arg11: memref<128x128xf32, #tpu.memory_space<vmem>>, %arg12: memref<2688x128xf32, #tpu.memory_space<vmem_shared>>, %arg13: memref<!tpu.dma_semaphore, #tpu.memory_space<semaphore_mem>>, %arg14: memref<!tpu.dma_semaphore, #tpu.memory_space<semaphore_mem>>) attributes {dimension_semantics = [#tpu.dimension_semantics<core_parallel>, #tpu.dimension_semantics<subcore_parallel>], iteration_bounds = array<i64: 2, 16>, scalar_prefetch = 0 : i64, scratch_operands = 8 : i64, tpu.core_type = #tpu.core_type<sc_vector_subcore>, window_params = [{transform_indices = #map}, {transform_indices = #map}, {transform_indices = #map1}, {transform_indices = #map2}, {transform_indices = #map1}]} {
    %scan3A = arith.constant 0 : i32
    %scan3A_0 = arith.constant 0 : i32
    %scan3A_1 = arith.constant 128 : i32
    %scan3A_2 = arith.addi %scan3A_0, %scan3A_1 : i32
    %scan3A_3 = arith.constant 1 : i32
    %scan3A_4 = scf.for %scan3A_43 = %scan3A_0 to %scan3A_2 step %scan3A_3 iter_args(%scan3A_44 = %scan3A) -> (i32)  : i32 {
      %broadcast_in_dim3A = arith.constant 0.000000e+00 : f32
      %broadcast_in_dim3A_45 = vector.broadcast %broadcast_in_dim3A : f32 to vector<16xf32>
      %swap3A = arith.index_cast %scan3A_43 : i32 to index
      %swap3A_46 = arith.constant 0 : index
      %swap3A_47 = tpu.vector_load %arg11[%swap3A, %swap3A_46] {strides = array<i32>} : memref<128x128xf32, #tpu.memory_space<vmem>>, vector<1x16xf32>,
      %swap3A_48 = vector.shape_cast %swap3A_47 : vector<1x16xf32> to vector<16xf32>
      %swap3A_49 = vector.shape_cast %broadcast_in_dim3A_45 : vector<16xf32> to vector<1x16xf32>
      tpu.vector_store %arg11[%swap3A, %swap3A_46], %swap3A_49 {strides = array<i32>} : memref<128x128xf32, #tpu.memory_space<vmem>>, vector<1x16xf32>,
      %broadcast_in_dim3A_50 = arith.constant 0.000000e+00 : f32
      %broadcast_in_dim3A_51 = vector.broadcast %broadcast_in_dim3A_50 : f32 to vector<16xf32>
      %swap3A_52 = arith.index_cast %scan3A_43 : i32 to index
      %swap3A_53 = arith.constant 16 : index
      %swap3A_54 = tpu.vector_load %arg11[%swap3A_52, %swap3A_53] {strides = array<i32>} : memref<128x128xf32, #tpu.memory_space<vmem>>, vector<1x16xf32>,
      %swap3A_55 = vector.shape_cast %swap3A_54 : vector<1x16xf32> to vector<16xf32>
      %swap3A_56 = vector.shape_cast %broadcast_in_dim3A_51 : vector<16xf32> to vector<1x16xf32>
      tpu.vector_store %arg11[%swap3A_52, %swap3A_53], %swap3A_56 {strides = array<i32>} : memref<128x128xf32, #tpu.memory_space<vmem>>, vector<1x16xf32>,
      %broadcast_in_dim3A_57 = arith.constant 0.000000e+00 : f32
      %broadcast_in_dim3A_58 = vector.broadcast %broadcast_in_dim3A_57 : f32 to vector<16xf32>
      %swap3A_59 = arith.index_cast %scan3A_43 : i32 to index
      %swap3A_60 = arith.constant 32 : index
      %swap3A_61 = tpu.vector_load %arg11[%swap3A_59, %swap3A_60] {strides = array<i32>} : memref<128x128xf32, #tpu.memory_space<vmem>>, vector<1x16xf32>,
      %swap3A_62 = vector.shape_cast %swap3A_61 : vector<1x16xf32> to vector<16xf32>
      %swap3A_63 = vector.shape_cast %broadcast_in_dim3A_58 : vector<16xf32> to vector<1x16xf32>
      tpu.vector_store %arg11[%swap3A_59, %swap3A_60], %swap3A_63 {strides = array<i32>} : memref<128x128xf32, #tpu.memory_space<vmem>>, vector<1x16xf32>,
      %broadcast_in_dim3A_64 = arith.constant 0.000000e+00 : f32
      %broadcast_in_dim3A_65 = vector.broadcast %broadcast_in_dim3A_64 : f32 to vector<16xf32>
      %swap3A_66 = arith.index_cast %scan3A_43 : i32 to index
      %swap3A_67 = arith.constant 48 : index
      %swap3A_68 = tpu.vector_load %arg11[%swap3A_66, %swap3A_67] {strides = array<i32>} : memref<128x128xf32, #tpu.memory_space<vmem>>, vector<1x16xf32>,
      %swap3A_69 = vector.shape_cast %swap3A_68 : vector<1x16xf32> to vector<16xf32>
      %swap3A_70 = vector.shape_cast %broadcast_in_dim3A_65 : vector<16xf32> to vector<1x16xf32>
      tpu.vector_store %arg11[%swap3A_66, %swap3A_67], %swap3A_70 {strides = array<i32>} : memref<128x128xf32, #tpu.memory_space<vmem>>, vector<1x16xf32>,
      %broadcast_in_dim3A_71 = arith.constant 0.000000e+00 : f32
      %broadcast_in_dim3A_72 = vector.broadcast %broadcast_in_dim3A_71 : f32 to vector<16xf32>
      %swap3A_73 = arith.index_cast %scan3A_43 : i32 to index
      %swap3A_74 = arith.constant 64 : index
      %swap3A_75 = tpu.vector_load %arg11[%swap3A_73, %swap3A_74] {strides = array<i32>} : memref<128x128xf32, #tpu.memory_space<vmem>>, vector<1x16xf32>,
      %swap3A_76 = vector.shape_cast %swap3A_75 : vector<1x16xf32> to vector<16xf32>
      %swap3A_77 = vector.shape_cast %broadcast_in_dim3A_72 : vector<16xf32> to vector<1x16xf32>
      tpu.vector_store %arg11[%swap3A_73, %swap3A_74], %swap3A_77 {strides = array<i32>} : memref<128x128xf32, #tpu.memory_space<vmem>>, vector<1x16xf32>,
      %broadcast_in_dim3A_78 = arith.constant 0.000000e+00 : f32
      %broadcast_in_dim3A_79 = vector.broadcast %broadcast_in_dim3A_78 : f32 to vector<16xf32>
      %swap3A_80 = arith.index_cast %scan3A_43 : i32 to index
      %swap3A_81 = arith.constant 80 : index
      %swap3A_82 = tpu.vector_load %arg11[%swap3A_80, %swap3A_81] {strides = array<i32>} : memref<128x128xf32, #tpu.memory_space<vmem>>, vector<1x16xf32>,
      %swap3A_83 = vector.shape_cast %swap3A_82 : vector<1x16xf32> to vector<16xf32>
      %swap3A_84 = vector.shape_cast %broadcast_in_dim3A_79 : vector<16xf32> to vector<1x16xf32>
      tpu.vector_store %arg11[%swap3A_80, %swap3A_81], %swap3A_84 {strides = array<i32>} : memref<128x128xf32, #tpu.memory_space<vmem>>, vector<1x16xf32>,
      %broadcast_in_dim3A_85 = arith.constant 0.000000e+00 : f32
      %broadcast_in_dim3A_86 = vector.broadcast %broadcast_in_dim3A_85 : f32 to vector<16xf32>
      %swap3A_87 = arith.index_cast %scan3A_43 : i32 to index
      %swap3A_88 = arith.constant 96 : index
      %swap3A_89 = tpu.vector_load %arg11[%swap3A_87, %swap3A_88] {strides = array<i32>} : memref<128x128xf32, #tpu.memory_space<vmem>>, vector<1x16xf32>,
      %swap3A_90 = vector.shape_cast %swap3A_89 : vector<1x16xf32> to vector<16xf32>
      %swap3A_91 = vector.shape_cast %broadcast_in_dim3A_86 : vector<16xf32> to vector<1x16xf32>
      tpu.vector_store %arg11[%swap3A_87, %swap3A_88], %swap3A_91 {strides = array<i32>} : memref<128x128xf32, #tpu.memory_space<vmem>>, vector<1x16xf32>,
      %broadcast_in_dim3A_92 = arith.constant 0.000000e+00 : f32
      %broadcast_in_dim3A_93 = vector.broadcast %broadcast_in_dim3A_92 : f32 to vector<16xf32>
      %swap3A_94 = arith.index_cast %scan3A_43 : i32 to index
      %swap3A_95 = arith.constant 112 : index
      %swap3A_96 = tpu.vector_load %arg11[%swap3A_94, %swap3A_95] {strides = array<i32>} : memref<128x128xf32, #tpu.memory_space<vmem>>, vector<1x16xf32>,
      %swap3A_97 = vector.shape_cast %swap3A_96 : vector<1x16xf32> to vector<16xf32>
      %swap3A_98 = vector.shape_cast %broadcast_in_dim3A_93 : vector<16xf32> to vector<1x16xf32>
      tpu.vector_store %arg11[%swap3A_94, %swap3A_95], %swap3A_98 {strides = array<i32>} : memref<128x128xf32, #tpu.memory_space<vmem>>, vector<1x16xf32>,
      %scan3A_99 = arith.constant 0 : i32
      scf.yield %scan3A_99 : i32
    }
    %scan3A_5 = arith.constant 128 : i32
    "tpu.region"() ({
      %run_scoped3A = tpu.sem_alloc : memref<!tpu.dma_semaphore, #tpu.memory_space<semaphore_mem>>
      %dma_start3A = arith.constant 0 : i32
      %dma_start3A_43 = arith.constant 0 : i32
      %dma_start3A_44 = tpu.memref_slice %arg4[%arg1, %dma_start3A, %dma_start3A_43] : memref<16x250x80xi32, #tpu.memory_space<hbm>> -> memref<1x250x80xi32, #tpu.memory_space<hbm>>
      %dma_start3A_45 = tpu.memref_squeeze %dma_start3A_44 : memref<1x250x80xi32, #tpu.memory_space<hbm>> -> memref<250x80xi32, #tpu.memory_space<hbm>>
      %dma_start3A_46 = arith.constant 0 : i32
      %dma_start3A_47 = arith.constant 0 : i32
      %dma_start3A_48 = tpu.memref_slice %arg4[%arg1, %dma_start3A_46, %dma_start3A_47] : memref<16x250x80xi32, #tpu.memory_space<hbm>> -> memref<1x250x80xi32, #tpu.memory_space<hbm>>
      %dma_start3A_49 = tpu.memref_squeeze %dma_start3A_48 : memref<1x250x80xi32, #tpu.memory_space<hbm>> -> memref<250x80xi32, #tpu.memory_space<hbm>>
      tpu.enqueue_dma source(%dma_start3A_49 : memref<250x80xi32, #tpu.memory_space<hbm>>) target(%arg7 : memref<250x80xi32, #tpu.memory_space<vmem>>) target_semaphore(%run_scoped3A : memref<!tpu.dma_semaphore, #tpu.memory_space<semaphore_mem>>)
      %dma_wait3A = arith.constant 0 : i32
      %dma_wait3A_50 = arith.constant 0 : i32
      %dma_wait3A_51 = tpu.memref_slice %arg4[%arg1, %dma_wait3A, %dma_wait3A_50] : memref<16x250x80xi32, #tpu.memory_space<hbm>> -> memref<1x250x80xi32, #tpu.memory_space<hbm>>
      %dma_wait3A_52 = tpu.memref_squeeze %dma_wait3A_51 : memref<1x250x80xi32, #tpu.memory_space<hbm>> -> memref<250x80xi32, #tpu.memory_space<hbm>>
      %dma_wait3A_53 = arith.constant 0 : i32
      %dma_wait3A_54 = arith.constant 0 : i32
      %dma_wait3A_55 = tpu.memref_slice %arg4[%arg1, %dma_wait3A_53, %dma_wait3A_54] : memref<16x250x80xi32, #tpu.memory_space<hbm>> -> memref<1x250x80xi32, #tpu.memory_space<hbm>>
      %dma_wait3A_56 = tpu.memref_squeeze %dma_wait3A_55 : memref<1x250x80xi32, #tpu.memory_space<hbm>> -> memref<250x80xi32, #tpu.memory_space<hbm>>
      tpu.wait_dma2 semaphore(%run_scoped3A : memref<!tpu.dma_semaphore, #tpu.memory_space<semaphore_mem>>) src(%dma_wait3A_56 : memref<250x80xi32, #tpu.memory_space<hbm>>) dst(%arg7 : memref<250x80xi32, #tpu.memory_space<vmem>>)
      tpu.yield
    }) : () -> ()
    %mul3A = arith.constant 168 : i32
    %mul3A_6 = arith.muli %arg1, %mul3A : i32
    %mul3A_7 = arith.constant 160 : i32
    %mul3A_8 = arith.muli %arg1, %mul3A_7 : i32
    %mul3A_9 = arith.constant 2 : i32
    %mul3A_10 = arith.muli %mul3A_9, %arg0 : i32
    %add3A = arith.constant 0 : i32
    %add3A_11 = arith.addi %mul3A_10, %add3A : i32
    "tpu.region"() ({
      %run_scoped3A = tpu.sem_alloc : memref<!tpu.dma_semaphore, #tpu.memory_space<semaphore_mem>>
      %dma_start3A = arith.constant 0 : i32
      %dma_start3A_43 = arith.constant 0 : i32
      %dma_start3A_44 = tpu.memref_slice %arg5[%add3A_11, %arg1, %dma_start3A, %dma_start3A_43] : memref<4x16x250x80xi32, #tpu.memory_space<hbm>> -> memref<1x1x250x80xi32, #tpu.memory_space<hbm>>
      %dma_start3A_45 = tpu.memref_squeeze %dma_start3A_44 : memref<1x1x250x80xi32, #tpu.memory_space<hbm>> -> memref<250x80xi32, #tpu.memory_space<hbm>>
      %dma_start3A_46 = arith.constant 0 : i32
      %dma_start3A_47 = arith.constant 0 : i32
      %dma_start3A_48 = tpu.memref_slice %arg5[%add3A_11, %arg1, %dma_start3A_46, %dma_start3A_47] : memref<4x16x250x80xi32, #tpu.memory_space<hbm>> -> memref<1x1x250x80xi32, #tpu.memory_space<hbm>>
      %dma_start3A_49 = tpu.memref_squeeze %dma_start3A_48 : memref<1x1x250x80xi32, #tpu.memory_space<hbm>> -> memref<250x80xi32, #tpu.memory_space<hbm>>
      tpu.enqueue_dma source(%dma_start3A_49 : memref<250x80xi32, #tpu.memory_space<hbm>>) target(%arg8 : memref<250x80xi32, #tpu.memory_space<vmem>>) target_semaphore(%run_scoped3A : memref<!tpu.dma_semaphore, #tpu.memory_space<semaphore_mem>>)
      %dma_wait3A = arith.constant 0 : i32
      %dma_wait3A_50 = arith.constant 0 : i32
      %dma_wait3A_51 = tpu.memref_slice %arg5[%add3A_11, %arg1, %dma_wait3A, %dma_wait3A_50] : memref<4x16x250x80xi32, #tpu.memory_space<hbm>> -> memref<1x1x250x80xi32, #tpu.memory_space<hbm>>
      %dma_wait3A_52 = tpu.memref_squeeze %dma_wait3A_51 : memref<1x1x250x80xi32, #tpu.memory_space<hbm>> -> memref<250x80xi32, #tpu.memory_space<hbm>>
      %dma_wait3A_53 = arith.constant 0 : i32
      %dma_wait3A_54 = arith.constant 0 : i32
      %dma_wait3A_55 = tpu.memref_slice %arg5[%add3A_11, %arg1, %dma_wait3A_53, %dma_wait3A_54] : memref<4x16x250x80xi32, #tpu.memory_space<hbm>> -> memref<1x1x250x80xi32, #tpu.memory_space<hbm>>
      %dma_wait3A_56 = tpu.memref_squeeze %dma_wait3A_55 : memref<1x1x250x80xi32, #tpu.memory_space<hbm>> -> memref<250x80xi32, #tpu.memory_space<hbm>>
      tpu.wait_dma2 semaphore(%run_scoped3A : memref<!tpu.dma_semaphore, #tpu.memory_space<semaphore_mem>>) src(%dma_wait3A_56 : memref<250x80xi32, #tpu.memory_space<hbm>>) dst(%arg8 : memref<250x80xi32, #tpu.memory_space<vmem>>)
      tpu.yield
    }) : () -> ()
    %add3A_12 = arith.constant 0 : i32
    %add3A_13 = arith.addi %mul3A_6, %add3A_12 : i32
    "tpu.region"() ({
      %run_scoped3A = tpu.sem_alloc : memref<!tpu.dma_semaphore, #tpu.memory_space<semaphore_mem>>
      %dma_start3A = arith.constant 0 : i32
      %dma_start3A_43 = arith.constant 0 : i32
      %dma_start3A_44 = tpu.memref_slice %arg11[%dma_start3A, %dma_start3A_43] : memref<128x128xf32, #tpu.memory_space<vmem>> -> memref<128x128xf32, #tpu.memory_space<vmem>>
      %dma_start3A_45 = arith.constant 0 : i32
      %dma_start3A_46 = tpu.memref_slice %arg12[%add3A_13, %dma_start3A_45] : memref<2688x128xf32, #tpu.memory_space<vmem_shared>> -> memref<128x128xf32, #tpu.memory_space<vmem_shared>>
      %dma_start3A_47 = arith.constant 0 : i32
      %dma_start3A_48 = tpu.memref_slice %arg12[%add3A_13, %dma_start3A_47] : memref<2688x128xf32, #tpu.memory_space<vmem_shared>> -> memref<128x128xf32, #tpu.memory_space<vmem_shared>>
      %dma_start3A_49 = arith.constant 0 : i32
      %dma_start3A_50 = arith.constant 0 : i32
      %dma_start3A_51 = tpu.memref_slice %arg11[%dma_start3A_49, %dma_start3A_50] : memref<128x128xf32, #tpu.memory_space<vmem>> -> memref<128x128xf32, #tpu.memory_space<vmem>>
      tpu.enqueue_dma source(%dma_start3A_51 : memref<128x128xf32, #tpu.memory_space<vmem>>) target(%dma_start3A_48 : memref<128x128xf32, #tpu.memory_space<vmem_shared>>) target_semaphore(%run_scoped3A : memref<!tpu.dma_semaphore, #tpu.memory_space<semaphore_mem>>)
      %dma_wait3A = arith.constant 0 : i32
      %dma_wait3A_52 = arith.constant 0 : i32
      %dma_wait3A_53 = tpu.memref_slice %arg11[%dma_wait3A, %dma_wait3A_52] : memref<128x128xf32, #tpu.memory_space<vmem>> -> memref<128x128xf32, #tpu.memory_space<vmem>>
      %dma_wait3A_54 = arith.constant 0 : i32
      %dma_wait3A_55 = tpu.memref_slice %arg12[%add3A_13, %dma_wait3A_54] : memref<2688x128xf32, #tpu.memory_space<vmem_shared>> -> memref<128x128xf32, #tpu.memory_space<vmem_shared>>
      %dma_wait3A_56 = arith.constant 0 : i32
      %dma_wait3A_57 = tpu.memref_slice %arg12[%add3A_13, %dma_wait3A_56] : memref<2688x128xf32, #tpu.memory_space<vmem_shared>> -> memref<128x128xf32, #tpu.memory_space<vmem_shared>>
      %dma_wait3A_58 = arith.constant 0 : i32
      %dma_wait3A_59 = arith.constant 0 : i32
      %dma_wait3A_60 = tpu.memref_slice %arg11[%dma_wait3A_58, %dma_wait3A_59] : memref<128x128xf32, #tpu.memory_space<vmem>> -> memref<128x128xf32, #tpu.memory_space<vmem>>
      tpu.wait_dma2 semaphore(%run_scoped3A : memref<!tpu.dma_semaphore, #tpu.memory_space<semaphore_mem>>) src(%dma_wait3A_60 : memref<128x128xf32, #tpu.memory_space<vmem>>) dst(%dma_wait3A_57 : memref<128x128xf32, #tpu.memory_space<vmem_shared>>)
      tpu.yield
    }) : () -> ()
    %add3A_14 = arith.constant 128 : i32
    %add3A_15 = arith.addi %mul3A_6, %add3A_14 : i32
    "tpu.region"() ({
      %run_scoped3A = tpu.sem_alloc : memref<!tpu.dma_semaphore, #tpu.memory_space<semaphore_mem>>
      %dma_start3A = arith.constant 0 : i32
      %dma_start3A_43 = arith.constant 0 : i32
      %dma_start3A_44 = tpu.memref_slice %arg11[%dma_start3A, %dma_start3A_43] : memref<128x128xf32, #tpu.memory_space<vmem>> -> memref<40x128xf32, #tpu.memory_space<vmem>>
      %dma_start3A_45 = arith.constant 0 : i32
      %dma_start3A_46 = tpu.memref_slice %arg12[%add3A_15, %dma_start3A_45] : memref<2688x128xf32, #tpu.memory_space<vmem_shared>> -> memref<40x128xf32, #tpu.memory_space<vmem_shared>>
      %dma_start3A_47 = arith.constant 0 : i32
      %dma_start3A_48 = tpu.memref_slice %arg12[%add3A_15, %dma_start3A_47] : memref<2688x128xf32, #tpu.memory_space<vmem_shared>> -> memref<40x128xf32, #tpu.memory_space<vmem_shared>>
      %dma_start3A_49 = arith.constant 0 : i32
      %dma_start3A_50 = arith.constant 0 : i32
      %dma_start3A_51 = tpu.memref_slice %arg11[%dma_start3A_49, %dma_start3A_50] : memref<128x128xf32, #tpu.memory_space<vmem>> -> memref<40x128xf32, #tpu.memory_space<vmem>>
      tpu.enqueue_dma source(%dma_start3A_51 : memref<40x128xf32, #tpu.memory_space<vmem>>) target(%dma_start3A_48 : memref<40x128xf32, #tpu.memory_space<vmem_shared>>) target_semaphore(%run_scoped3A : memref<!tpu.dma_semaphore, #tpu.memory_space<semaphore_mem>>)
      %dma_wait3A = arith.constant 0 : i32
      %dma_wait3A_52 = arith.constant 0 : i32
      %dma_wait3A_53 = tpu.memref_slice %arg11[%dma_wait3A, %dma_wait3A_52] : memref<128x128xf32, #tpu.memory_space<vmem>> -> memref<40x128xf32, #tpu.memory_space<vmem>>
      %dma_wait3A_54 = arith.constant 0 : i32
      %dma_wait3A_55 = tpu.memref_slice %arg12[%add3A_15, %dma_wait3A_54] : memref<2688x128xf32, #tpu.memory_space<vmem_shared>> -> memref<40x128xf32, #tpu.memory_space<vmem_shared>>
      %dma_wait3A_56 = arith.constant 0 : i32
      %dma_wait3A_57 = tpu.memref_slice %arg12[%add3A_15, %dma_wait3A_56] : memref<2688x128xf32, #tpu.memory_space<vmem_shared>> -> memref<40x128xf32, #tpu.memory_space<vmem_shared>>
      %dma_wait3A_58 = arith.constant 0 : i32
      %dma_wait3A_59 = arith.constant 0 : i32
      %dma_wait3A_60 = tpu.memref_slice %arg11[%dma_wait3A_58, %dma_wait3A_59] : memref<128x128xf32, #tpu.memory_space<vmem>> -> memref<40x128xf32, #tpu.memory_space<vmem>>
      tpu.wait_dma2 semaphore(%run_scoped3A : memref<!tpu.dma_semaphore, #tpu.memory_space<semaphore_mem>>) src(%dma_wait3A_60 : memref<40x128xf32, #tpu.memory_space<vmem>>) dst(%dma_wait3A_57 : memref<40x128xf32, #tpu.memory_space<vmem_shared>>)
      tpu.yield
    }) : () -> ()
    %barrier3A = arith.constant 0 : index
    tpu.barrier barrier_id(%barrier3A)
    %scan3A_16 = arith.constant 0 : i32
    %scan3A_17 = arith.constant 0 : i32
    %scan3A_18 = arith.constant 250 : i32
    %scan3A_19 = arith.addi %scan3A_17, %scan3A_18 : i32
    %scan3A_20 = arith.constant 1 : i32
    %scan3A_21 = scf.for %scan3A_43 = %scan3A_17 to %scan3A_19 step %scan3A_20 iter_args(%scan3A_44 = %scan3A_16) -> (i32)  : i32 {
      %dma_start3A = arith.constant 0 : i32
      %dma_start3A_45 = tpu.memref_slice %arg7[%scan3A_43, %dma_start3A] : memref<250x80xi32, #tpu.memory_space<vmem>> -> memref<1x80xi32, #tpu.memory_space<vmem>>
      %dma_start3A_46 = tpu.memref_squeeze %dma_start3A_45 : memref<1x80xi32, #tpu.memory_space<vmem>> -> memref<80xi32, #tpu.memory_space<vmem>>
      %dma_start3A_47 = arith.constant 0 : i32
      %dma_start3A_48 = arith.constant 0 : i32
      %dma_start3A_49 = tpu.memref_slice %arg2[%dma_start3A_47, %dma_start3A_48] : memref<10000x128xf32, #tpu.memory_space<hbm>> -> memref<10000x128xf32, #tpu.memory_space<hbm>>
      tpu.enqueue_indirect_dma source(%dma_start3A_49 : memref<10000x128xf32, #tpu.memory_space<hbm>>) target(%arg9 : memref<80x128xf32, #tpu.memory_space<vmem>>) offsets(%dma_start3A_46 : memref<80xi32, #tpu.memory_space<vmem>>) semaphore(%arg13 : memref<!tpu.dma_semaphore, #tpu.memory_space<semaphore_mem>>)
      %mul3A_50 = arith.constant 20000 : i32
      %mul3A_51 = arith.muli %arg1, %mul3A_50 : i32
      %mul3A_52 = arith.constant 80 : i32
      %mul3A_53 = arith.muli %scan3A_43, %mul3A_52 : i32
      %add3A_54 = arith.addi %mul3A_51, %mul3A_53 : i32
      %dma_start3A_55 = arith.constant 0 : i32
      %dma_start3A_56 = tpu.memref_slice %arg3[%add3A_54, %dma_start3A_55] : memref<320000x128xf32, #tpu.memory_space<hbm>> -> memref<80x128xf32, #tpu.memory_space<hbm>>
      %dma_start3A_57 = arith.constant 0 : i32
      %dma_start3A_58 = tpu.memref_slice %arg3[%add3A_54, %dma_start3A_57] : memref<320000x128xf32, #tpu.memory_space<hbm>> -> memref<80x128xf32, #tpu.memory_space<hbm>>
      tpu.enqueue_dma source(%dma_start3A_58 : memref<80x128xf32, #tpu.memory_space<hbm>>) target(%arg10 : memref<80x128xf32, #tpu.memory_space<vmem>>) target_semaphore(%arg14 : memref<!tpu.dma_semaphore, #tpu.memory_space<semaphore_mem>>)
      %dma_wait3A = arith.constant 0 : i32
      %dma_wait3A_59 = tpu.memref_slice %arg7[%scan3A_43, %dma_wait3A] : memref<250x80xi32, #tpu.memory_space<vmem>> -> memref<1x80xi32, #tpu.memory_space<vmem>>
      %dma_wait3A_60 = tpu.memref_squeeze %dma_wait3A_59 : memref<1x80xi32, #tpu.memory_space<vmem>> -> memref<80xi32, #tpu.memory_space<vmem>>
      %dma_wait3A_61 = arith.constant 0 : i32
      %dma_wait3A_62 = arith.constant 0 : i32
      %dma_wait3A_63 = tpu.memref_slice %arg2[%dma_wait3A_61, %dma_wait3A_62] : memref<10000x128xf32, #tpu.memory_space<hbm>> -> memref<10000x128xf32, #tpu.memory_space<hbm>>
      tpu.wait_indirect_dma semaphore(%arg13 : memref<!tpu.dma_semaphore, #tpu.memory_space<semaphore_mem>>) src(%dma_wait3A_63 : memref<10000x128xf32, #tpu.memory_space<hbm>>) dst(%arg9 : memref<80x128xf32, #tpu.memory_space<vmem>>)
      %mul3A_64 = arith.constant 20000 : i32
      %mul3A_65 = arith.muli %arg1, %mul3A_64 : i32
      %mul3A_66 = arith.constant 80 : i32
      %mul3A_67 = arith.muli %scan3A_43, %mul3A_66 : i32
      %add3A_68 = arith.addi %mul3A_65, %mul3A_67 : i32
      %dma_wait3A_69 = arith.constant 0 : i32
      %dma_wait3A_70 = tpu.memref_slice %arg3[%add3A_68, %dma_wait3A_69] : memref<320000x128xf32, #tpu.memory_space<hbm>> -> memref<80x128xf32, #tpu.memory_space<hbm>>
      %dma_wait3A_71 = arith.constant 0 : i32
      %dma_wait3A_72 = tpu.memref_slice %arg3[%add3A_68, %dma_wait3A_71] : memref<320000x128xf32, #tpu.memory_space<hbm>> -> memref<80x128xf32, #tpu.memory_space<hbm>>
      tpu.wait_dma2 semaphore(%arg14 : memref<!tpu.dma_semaphore, #tpu.memory_space<semaphore_mem>>) src(%dma_wait3A_72 : memref<80x128xf32, #tpu.memory_space<hbm>>) dst(%arg10 : memref<80x128xf32, #tpu.memory_space<vmem>>)
      %scan3A_73 = arith.constant 0 : i32
      %scan3A_74 = arith.constant 0 : i32
      %scan3A_75 = arith.constant 80 : i32
      %scan3A_76 = arith.addi %scan3A_74, %scan3A_75 : i32
      %scan3A_77 = arith.constant 1 : i32
      %scan3A_78 = scf.for %scan3A_81 = %scan3A_74 to %scan3A_76 step %scan3A_77 iter_args(%scan3A_82 = %scan3A_73) -> (i32)  : i32 {
        %get3A = arith.index_cast %scan3A_81 : i32 to index
        %get3A_83 = arith.constant 0 : index
        %get3A_84 = tpu.vector_load %arg10[%get3A, %get3A_83] {strides = array<i32>} : memref<80x128xf32, #tpu.memory_space<vmem>>, vector<1x16xf32>,
        %get3A_85 = vector.shape_cast %get3A_84 : vector<1x16xf32> to vector<16xf32>
        %get3A_86 = arith.index_cast %scan3A_81 : i32 to index
        %get3A_87 = arith.constant 0 : index
        %get3A_88 = tpu.vector_load %arg9[%get3A_86, %get3A_87] {strides = array<i32>} : memref<80x128xf32, #tpu.memory_space<vmem>>, vector<1x16xf32>,
        %get3A_89 = vector.shape_cast %get3A_88 : vector<1x16xf32> to vector<16xf32>
        %mul3A_90 = arith.mulf %get3A_85, %get3A_89 : vector<16xf32>
        %swap3A = arith.index_cast %scan3A_81 : i32 to index
        %swap3A_91 = arith.constant 0 : index
        %swap3A_92 = tpu.vector_load %arg10[%swap3A, %swap3A_91] {strides = array<i32>} : memref<80x128xf32, #tpu.memory_space<vmem>>, vector<1x16xf32>,
        %swap3A_93 = vector.shape_cast %swap3A_92 : vector<1x16xf32> to vector<16xf32>
        %swap3A_94 = vector.shape_cast %mul3A_90 : vector<16xf32> to vector<1x16xf32>
        tpu.vector_store %arg10[%swap3A, %swap3A_91], %swap3A_94 {strides = array<i32>} : memref<80x128xf32, #tpu.memory_space<vmem>>, vector<1x16xf32>,
        %get3A_95 = arith.index_cast %scan3A_81 : i32 to index
        %get3A_96 = arith.constant 16 : index
        %get3A_97 = tpu.vector_load %arg10[%get3A_95, %get3A_96] {strides = array<i32>} : memref<80x128xf32, #tpu.memory_space<vmem>>, vector<1x16xf32>,
        %get3A_98 = vector.shape_cast %get3A_97 : vector<1x16xf32> to vector<16xf32>
        %get3A_99 = arith.index_cast %scan3A_81 : i32 to index
        %get3A_100 = arith.constant 16 : index
        %get3A_101 = tpu.vector_load %arg9[%get3A_99, %get3A_100] {strides = array<i32>} : memref<80x128xf32, #tpu.memory_space<vmem>>, vector<1x16xf32>,
        %get3A_102 = vector.shape_cast %get3A_101 : vector<1x16xf32> to vector<16xf32>
        %mul3A_103 = arith.mulf %get3A_98, %get3A_102 : vector<16xf32>
        %swap3A_104 = arith.index_cast %scan3A_81 : i32 to index
        %swap3A_105 = arith.constant 16 : index
        %swap3A_106 = tpu.vector_load %arg10[%swap3A_104, %swap3A_105] {strides = array<i32>} : memref<80x128xf32, #tpu.memory_space<vmem>>, vector<1x16xf32>,
        %swap3A_107 = vector.shape_cast %swap3A_106 : vector<1x16xf32> to vector<16xf32>
        %swap3A_108 = vector.shape_cast %mul3A_103 : vector<16xf32> to vector<1x16xf32>
        tpu.vector_store %arg10[%swap3A_104, %swap3A_105], %swap3A_108 {strides = array<i32>} : memref<80x128xf32, #tpu.memory_space<vmem>>, vector<1x16xf32>,
        %get3A_109 = arith.index_cast %scan3A_81 : i32 to index
        %get3A_110 = arith.constant 32 : index
        %get3A_111 = tpu.vector_load %arg10[%get3A_109, %get3A_110] {strides = array<i32>} : memref<80x128xf32, #tpu.memory_space<vmem>>, vector<1x16xf32>,
        %get3A_112 = vector.shape_cast %get3A_111 : vector<1x16xf32> to vector<16xf32>
        %get3A_113 = arith.index_cast %scan3A_81 : i32 to index
        %get3A_114 = arith.constant 32 : index
        %get3A_115 = tpu.vector_load %arg9[%get3A_113, %get3A_114] {strides = array<i32>} : memref<80x128xf32, #tpu.memory_space<vmem>>, vector<1x16xf32>,
        %get3A_116 = vector.shape_cast %get3A_115 : vector<1x16xf32> to vector<16xf32>
        %mul3A_117 = arith.mulf %get3A_112, %get3A_116 : vector<16xf32>
        %swap3A_118 = arith.index_cast %scan3A_81 : i32 to index
        %swap3A_119 = arith.constant 32 : index
        %swap3A_120 = tpu.vector_load %arg10[%swap3A_118, %swap3A_119] {strides = array<i32>} : memref<80x128xf32, #tpu.memory_space<vmem>>, vector<1x16xf32>,
        %swap3A_121 = vector.shape_cast %swap3A_120 : vector<1x16xf32> to vector<16xf32>
        %swap3A_122 = vector.shape_cast %mul3A_117 : vector<16xf32> to vector<1x16xf32>
        tpu.vector_store %arg10[%swap3A_118, %swap3A_119], %swap3A_122 {strides = array<i32>} : memref<80x128xf32, #tpu.memory_space<vmem>>, vector<1x16xf32>,
        %get3A_123 = arith.index_cast %scan3A_81 : i32 to index
        %get3A_124 = arith.constant 48 : index
        %get3A_125 = tpu.vector_load %arg10[%get3A_123, %get3A_124] {strides = array<i32>} : memref<80x128xf32, #tpu.memory_space<vmem>>, vector<1x16xf32>,
        %get3A_126 = vector.shape_cast %get3A_125 : vector<1x16xf32> to vector<16xf32>
        %get3A_127 = arith.index_cast %scan3A_81 : i32 to index
        %get3A_128 = arith.constant 48 : index
        %get3A_129 = tpu.vector_load %arg9[%get3A_127, %get3A_128] {strides = array<i32>} : memref<80x128xf32, #tpu.memory_space<vmem>>, vector<1x16xf32>,
        %get3A_130 = vector.shape_cast %get3A_129 : vector<1x16xf32> to vector<16xf32>
        %mul3A_131 = arith.mulf %get3A_126, %get3A_130 : vector<16xf32>
        %swap3A_132 = arith.index_cast %scan3A_81 : i32 to index
        %swap3A_133 = arith.constant 48 : index
        %swap3A_134 = tpu.vector_load %arg10[%swap3A_132, %swap3A_133] {strides = array<i32>} : memref<80x128xf32, #tpu.memory_space<vmem>>, vector<1x16xf32>,
        %swap3A_135 = vector.shape_cast %swap3A_134 : vector<1x16xf32> to vector<16xf32>
        %swap3A_136 = vector.shape_cast %mul3A_131 : vector<16xf32> to vector<1x16xf32>
        tpu.vector_store %arg10[%swap3A_132, %swap3A_133], %swap3A_136 {strides = array<i32>} : memref<80x128xf32, #tpu.memory_space<vmem>>, vector<1x16xf32>,
        %get3A_137 = arith.index_cast %scan3A_81 : i32 to index
        %get3A_138 = arith.constant 64 : index
        %get3A_139 = tpu.vector_load %arg10[%get3A_137, %get3A_138] {strides = array<i32>} : memref<80x128xf32, #tpu.memory_space<vmem>>, vector<1x16xf32>,
        %get3A_140 = vector.shape_cast %get3A_139 : vector<1x16xf32> to vector<16xf32>
        %get3A_141 = arith.index_cast %scan3A_81 : i32 to index
        %get3A_142 = arith.constant 64 : index
        %get3A_143 = tpu.vector_load %arg9[%get3A_141, %get3A_142] {strides = array<i32>} : memref<80x128xf32, #tpu.memory_space<vmem>>, vector<1x16xf32>,
        %get3A_144 = vector.shape_cast %get3A_143 : vector<1x16xf32> to vector<16xf32>
        %mul3A_145 = arith.mulf %get3A_140, %get3A_144 : vector<16xf32>
        %swap3A_146 = arith.index_cast %scan3A_81 : i32 to index
        %swap3A_147 = arith.constant 64 : index
        %swap3A_148 = tpu.vector_load %arg10[%swap3A_146, %swap3A_147] {strides = array<i32>} : memref<80x128xf32, #tpu.memory_space<vmem>>, vector<1x16xf32>,
        %swap3A_149 = vector.shape_cast %swap3A_148 : vector<1x16xf32> to vector<16xf32>
        %swap3A_150 = vector.shape_cast %mul3A_145 : vector<16xf32> to vector<1x16xf32>
        tpu.vector_store %arg10[%swap3A_146, %swap3A_147], %swap3A_150 {strides = array<i32>} : memref<80x128xf32, #tpu.memory_space<vmem>>, vector<1x16xf32>,
        %get3A_151 = arith.index_cast %scan3A_81 : i32 to index
        %get3A_152 = arith.constant 80 : index
        %get3A_153 = tpu.vector_load %arg10[%get3A_151, %get3A_152] {strides = array<i32>} : memref<80x128xf32, #tpu.memory_space<vmem>>, vector<1x16xf32>,
        %get3A_154 = vector.shape_cast %get3A_153 : vector<1x16xf32> to vector<16xf32>
        %get3A_155 = arith.index_cast %scan3A_81 : i32 to index
        %get3A_156 = arith.constant 80 : index
        %get3A_157 = tpu.vector_load %arg9[%get3A_155, %get3A_156] {strides = array<i32>} : memref<80x128xf32, #tpu.memory_space<vmem>>, vector<1x16xf32>,
        %get3A_158 = vector.shape_cast %get3A_157 : vector<1x16xf32> to vector<16xf32>
        %mul3A_159 = arith.mulf %get3A_154, %get3A_158 : vector<16xf32>
        %swap3A_160 = arith.index_cast %scan3A_81 : i32 to index
        %swap3A_161 = arith.constant 80 : index
        %swap3A_162 = tpu.vector_load %arg10[%swap3A_160, %swap3A_161] {strides = array<i32>} : memref<80x128xf32, #tpu.memory_space<vmem>>, vector<1x16xf32>,
        %swap3A_163 = vector.shape_cast %swap3A_162 : vector<1x16xf32> to vector<16xf32>
        %swap3A_164 = vector.shape_cast %mul3A_159 : vector<16xf32> to vector<1x16xf32>
        tpu.vector_store %arg10[%swap3A_160, %swap3A_161], %swap3A_164 {strides = array<i32>} : memref<80x128xf32, #tpu.memory_space<vmem>>, vector<1x16xf32>,
        %get3A_165 = arith.index_cast %scan3A_81 : i32 to index
        %get3A_166 = arith.constant 96 : index
        %get3A_167 = tpu.vector_load %arg10[%get3A_165, %get3A_166] {strides = array<i32>} : memref<80x128xf32, #tpu.memory_space<vmem>>, vector<1x16xf32>,
        %get3A_168 = vector.shape_cast %get3A_167 : vector<1x16xf32> to vector<16xf32>
        %get3A_169 = arith.index_cast %scan3A_81 : i32 to index
        %get3A_170 = arith.constant 96 : index
        %get3A_171 = tpu.vector_load %arg9[%get3A_169, %get3A_170] {strides = array<i32>} : memref<80x128xf32, #tpu.memory_space<vmem>>, vector<1x16xf32>,
        %get3A_172 = vector.shape_cast %get3A_171 : vector<1x16xf32> to vector<16xf32>
        %mul3A_173 = arith.mulf %get3A_168, %get3A_172 : vector<16xf32>
        %swap3A_174 = arith.index_cast %scan3A_81 : i32 to index
        %swap3A_175 = arith.constant 96 : index
        %swap3A_176 = tpu.vector_load %arg10[%swap3A_174, %swap3A_175] {strides = array<i32>} : memref<80x128xf32, #tpu.memory_space<vmem>>, vector<1x16xf32>,
        %swap3A_177 = vector.shape_cast %swap3A_176 : vector<1x16xf32> to vector<16xf32>
        %swap3A_178 = vector.shape_cast %mul3A_173 : vector<16xf32> to vector<1x16xf32>
        tpu.vector_store %arg10[%swap3A_174, %swap3A_175], %swap3A_178 {strides = array<i32>} : memref<80x128xf32, #tpu.memory_space<vmem>>, vector<1x16xf32>,
        %get3A_179 = arith.index_cast %scan3A_81 : i32 to index
        %get3A_180 = arith.constant 112 : index
        %get3A_181 = tpu.vector_load %arg10[%get3A_179, %get3A_180] {strides = array<i32>} : memref<80x128xf32, #tpu.memory_space<vmem>>, vector<1x16xf32>,
        %get3A_182 = vector.shape_cast %get3A_181 : vector<1x16xf32> to vector<16xf32>
        %get3A_183 = arith.index_cast %scan3A_81 : i32 to index
        %get3A_184 = arith.constant 112 : index
        %get3A_185 = tpu.vector_load %arg9[%get3A_183, %get3A_184] {strides = array<i32>} : memref<80x128xf32, #tpu.memory_space<vmem>>, vector<1x16xf32>,
        %get3A_186 = vector.shape_cast %get3A_185 : vector<1x16xf32> to vector<16xf32>
        %mul3A_187 = arith.mulf %get3A_182, %get3A_186 : vector<16xf32>
        %swap3A_188 = arith.index_cast %scan3A_81 : i32 to index
        %swap3A_189 = arith.constant 112 : index
        %swap3A_190 = tpu.vector_load %arg10[%swap3A_188, %swap3A_189] {strides = array<i32>} : memref<80x128xf32, #tpu.memory_space<vmem>>, vector<1x16xf32>,
        %swap3A_191 = vector.shape_cast %swap3A_190 : vector<1x16xf32> to vector<16xf32>
        %swap3A_192 = vector.shape_cast %mul3A_187 : vector<16xf32> to vector<1x16xf32>
        tpu.vector_store %arg10[%swap3A_188, %swap3A_189], %swap3A_192 {strides = array<i32>} : memref<80x128xf32, #tpu.memory_space<vmem>>, vector<1x16xf32>,
        %scan3A_193 = arith.constant 0 : i32
        scf.yield %scan3A_193 : i32
      }
      %scan3A_79 = arith.constant 80 : i32
      "tpu.region"() ({
        %run_scoped3A = tpu.sem_alloc : memref<!tpu.dma_semaphore, #tpu.memory_space<semaphore_mem>>
        %dma_start3A_81 = arith.constant 0 : i32
        %dma_start3A_82 = tpu.memref_slice %arg8[%scan3A_43, %dma_start3A_81] : memref<250x80xi32, #tpu.memory_space<vmem>> -> memref<1x80xi32, #tpu.memory_space<vmem>>
        %dma_start3A_83 = tpu.memref_squeeze %dma_start3A_82 : memref<1x80xi32, #tpu.memory_space<vmem>> -> memref<80xi32, #tpu.memory_space<vmem>>
        %dma_start3A_84 = arith.constant 0 : i32
        %dma_start3A_85 = arith.constant 0 : i32
        %dma_start3A_86 = tpu.memref_slice %arg12[%dma_start3A_84, %dma_start3A_85] : memref<2688x128xf32, #tpu.memory_space<vmem_shared>> -> memref<2688x128xf32, #tpu.memory_space<vmem_shared>>
        tpu.enqueue_indirect_dma source(%arg10 : memref<80x128xf32, #tpu.memory_space<vmem>>) target(%dma_start3A_86 : memref<2688x128xf32, #tpu.memory_space<vmem_shared>>) offsets(%dma_start3A_83 : memref<80xi32, #tpu.memory_space<vmem>>) semaphore(%run_scoped3A : memref<!tpu.dma_semaphore, #tpu.memory_space<semaphore_mem>>) {add = true}
        %dma_wait3A_87 = arith.constant 0 : i32
        %dma_wait3A_88 = tpu.memref_slice %arg8[%scan3A_43, %dma_wait3A_87] : memref<250x80xi32, #tpu.memory_space<vmem>> -> memref<1x80xi32, #tpu.memory_space<vmem>>
        %dma_wait3A_89 = tpu.memref_squeeze %dma_wait3A_88 : memref<1x80xi32, #tpu.memory_space<vmem>> -> memref<80xi32, #tpu.memory_space<vmem>>
        %dma_wait3A_90 = arith.constant 0 : i32
        %dma_wait3A_91 = arith.constant 0 : i32
        %dma_wait3A_92 = tpu.memref_slice %arg12[%dma_wait3A_90, %dma_wait3A_91] : memref<2688x128xf32, #tpu.memory_space<vmem_shared>> -> memref<2688x128xf32, #tpu.memory_space<vmem_shared>>
        tpu.wait_indirect_dma semaphore(%run_scoped3A : memref<!tpu.dma_semaphore, #tpu.memory_space<semaphore_mem>>) src(%arg10 : memref<80x128xf32, #tpu.memory_space<vmem>>) dst(%dma_wait3A_92 : memref<2688x128xf32, #tpu.memory_space<vmem_shared>>)
        tpu.yield
      }) : () -> ()
      %scan3A_80 = arith.constant 0 : i32
      scf.yield %scan3A_80 : i32
    }
    %scan3A_22 = arith.constant 250 : i32
    %barrier3A_23 = arith.constant 0 : index
    tpu.barrier barrier_id(%barrier3A_23)
    "tpu.region"() ({
      %run_scoped3A = tpu.sem_alloc : memref<!tpu.dma_semaphore, #tpu.memory_space<semaphore_mem>>
      %dma_start3A = arith.constant 0 : i32
      %dma_start3A_43 = tpu.memref_slice %arg6[%add3A_11, %mul3A_8, %dma_start3A] : memref<4x2560x128xf32, #tpu.memory_space<hbm>> -> memref<1x160x128xf32, #tpu.memory_space<hbm>>
      %dma_start3A_44 = tpu.memref_squeeze %dma_start3A_43 : memref<1x160x128xf32, #tpu.memory_space<hbm>> -> memref<160x128xf32, #tpu.memory_space<hbm>>
      %dma_start3A_45 = arith.constant 0 : i32
      %dma_start3A_46 = tpu.memref_slice %arg12[%mul3A_8, %dma_start3A_45] : memref<2688x128xf32, #tpu.memory_space<vmem_shared>> -> memref<160x128xf32, #tpu.memory_space<vmem_shared>>
      tpu.enqueue_dma source(%dma_start3A_46 : memref<160x128xf32, #tpu.memory_space<vmem_shared>>) target(%dma_start3A_44 : memref<160x128xf32, #tpu.memory_space<hbm>>) target_semaphore(%run_scoped3A : memref<!tpu.dma_semaphore, #tpu.memory_space<semaphore_mem>>)
      %dma_wait3A = arith.constant 0 : i32
      %dma_wait3A_47 = tpu.memref_slice %arg6[%add3A_11, %mul3A_8, %dma_wait3A] : memref<4x2560x128xf32, #tpu.memory_space<hbm>> -> memref<1x160x128xf32, #tpu.memory_space<hbm>>
      %dma_wait3A_48 = tpu.memref_squeeze %dma_wait3A_47 : memref<1x160x128xf32, #tpu.memory_space<hbm>> -> memref<160x128xf32, #tpu.memory_space<hbm>>
      %dma_wait3A_49 = arith.constant 0 : i32
      %dma_wait3A_50 = tpu.memref_slice %arg12[%mul3A_8, %dma_wait3A_49] : memref<2688x128xf32, #tpu.memory_space<vmem_shared>> -> memref<160x128xf32, #tpu.memory_space<vmem_shared>>
      tpu.wait_dma2 semaphore(%run_scoped3A : memref<!tpu.dma_semaphore, #tpu.memory_space<semaphore_mem>>) src(%dma_wait3A_50 : memref<160x128xf32, #tpu.memory_space<vmem_shared>>) dst(%dma_wait3A_48 : memref<160x128xf32, #tpu.memory_space<hbm>>)
      tpu.yield
    }) : () -> ()
    %barrier3A_24 = arith.constant 0 : index
    tpu.barrier barrier_id(%barrier3A_24)
    %mul3A_25 = arith.constant 2 : i32
    %mul3A_26 = arith.muli %mul3A_25, %arg0 : i32
    %add3A_27 = arith.constant 1 : i32
    %add3A_28 = arith.addi %mul3A_26, %add3A_27 : i32
    "tpu.region"() ({
      %run_scoped3A = tpu.sem_alloc : memref<!tpu.dma_semaphore, #tpu.memory_space<semaphore_mem>>
      %dma_start3A = arith.constant 0 : i32
      %dma_start3A_43 = arith.constant 0 : i32
      %dma_start3A_44 = tpu.memref_slice %arg5[%add3A_28, %arg1, %dma_start3A, %dma_start3A_43] : memref<4x16x250x80xi32, #tpu.memory_space<hbm>> -> memref<1x1x250x80xi32, #tpu.memory_space<hbm>>
      %dma_start3A_45 = tpu.memref_squeeze %dma_start3A_44 : memref<1x1x250x80xi32, #tpu.memory_space<hbm>> -> memref<250x80xi32, #tpu.memory_space<hbm>>
      %dma_start3A_46 = arith.constant 0 : i32
      %dma_start3A_47 = arith.constant 0 : i32
      %dma_start3A_48 = tpu.memref_slice %arg5[%add3A_28, %arg1, %dma_start3A_46, %dma_start3A_47] : memref<4x16x250x80xi32, #tpu.memory_space<hbm>> -> memref<1x1x250x80xi32, #tpu.memory_space<hbm>>
      %dma_start3A_49 = tpu.memref_squeeze %dma_start3A_48 : memref<1x1x250x80xi32, #tpu.memory_space<hbm>> -> memref<250x80xi32, #tpu.memory_space<hbm>>
      tpu.enqueue_dma source(%dma_start3A_49 : memref<250x80xi32, #tpu.memory_space<hbm>>) target(%arg8 : memref<250x80xi32, #tpu.memory_space<vmem>>) target_semaphore(%run_scoped3A : memref<!tpu.dma_semaphore, #tpu.memory_space<semaphore_mem>>)
      %dma_wait3A = arith.constant 0 : i32
      %dma_wait3A_50 = arith.constant 0 : i32
      %dma_wait3A_51 = tpu.memref_slice %arg5[%add3A_28, %arg1, %dma_wait3A, %dma_wait3A_50] : memref<4x16x250x80xi32, #tpu.memory_space<hbm>> -> memref<1x1x250x80xi32, #tpu.memory_space<hbm>>
      %dma_wait3A_52 = tpu.memref_squeeze %dma_wait3A_51 : memref<1x1x250x80xi32, #tpu.memory_space<hbm>> -> memref<250x80xi32, #tpu.memory_space<hbm>>
      %dma_wait3A_53 = arith.constant 0 : i32
      %dma_wait3A_54 = arith.constant 0 : i32
      %dma_wait3A_55 = tpu.memref_slice %arg5[%add3A_28, %arg1, %dma_wait3A_53, %dma_wait3A_54] : memref<4x16x250x80xi32, #tpu.memory_space<hbm>> -> memref<1x1x250x80xi32, #tpu.memory_space<hbm>>
      %dma_wait3A_56 = tpu.memref_squeeze %dma_wait3A_55 : memref<1x1x250x80xi32, #tpu.memory_space<hbm>> -> memref<250x80xi32, #tpu.memory_space<hbm>>
      tpu.wait_dma2 semaphore(%run_scoped3A : memref<!tpu.dma_semaphore, #tpu.memory_space<semaphore_mem>>) src(%dma_wait3A_56 : memref<250x80xi32, #tpu.memory_space<hbm>>) dst(%arg8 : memref<250x80xi32, #tpu.memory_space<vmem>>)
      tpu.yield
    }) : () -> ()
    %add3A_29 = arith.constant 0 : i32
    %add3A_30 = arith.addi %mul3A_6, %add3A_29 : i32
    "tpu.region"() ({
      %run_scoped3A = tpu.sem_alloc : memref<!tpu.dma_semaphore, #tpu.memory_space<semaphore_mem>>
      %dma_start3A = arith.constant 0 : i32
      %dma_start3A_43 = arith.constant 0 : i32
      %dma_start3A_44 = tpu.memref_slice %arg11[%dma_start3A, %dma_start3A_43] : memref<128x128xf32, #tpu.memory_space<vmem>> -> memref<128x128xf32, #tpu.memory_space<vmem>>
      %dma_start3A_45 = arith.constant 0 : i32
      %dma_start3A_46 = tpu.memref_slice %arg12[%add3A_30, %dma_start3A_45] : memref<2688x128xf32, #tpu.memory_space<vmem_shared>> -> memref<128x128xf32, #tpu.memory_space<vmem_shared>>
      %dma_start3A_47 = arith.constant 0 : i32
      %dma_start3A_48 = tpu.memref_slice %arg12[%add3A_30, %dma_start3A_47] : memref<2688x128xf32, #tpu.memory_space<vmem_shared>> -> memref<128x128xf32, #tpu.memory_space<vmem_shared>>
      %dma_start3A_49 = arith.constant 0 : i32
      %dma_start3A_50 = arith.constant 0 : i32
      %dma_start3A_51 = tpu.memref_slice %arg11[%dma_start3A_49, %dma_start3A_50] : memref<128x128xf32, #tpu.memory_space<vmem>> -> memref<128x128xf32, #tpu.memory_space<vmem>>
      tpu.enqueue_dma source(%dma_start3A_51 : memref<128x128xf32, #tpu.memory_space<vmem>>) target(%dma_start3A_48 : memref<128x128xf32, #tpu.memory_space<vmem_shared>>) target_semaphore(%run_scoped3A : memref<!tpu.dma_semaphore, #tpu.memory_space<semaphore_mem>>)
      %dma_wait3A = arith.constant 0 : i32
      %dma_wait3A_52 = arith.constant 0 : i32
      %dma_wait3A_53 = tpu.memref_slice %arg11[%dma_wait3A, %dma_wait3A_52] : memref<128x128xf32, #tpu.memory_space<vmem>> -> memref<128x128xf32, #tpu.memory_space<vmem>>
      %dma_wait3A_54 = arith.constant 0 : i32
      %dma_wait3A_55 = tpu.memref_slice %arg12[%add3A_30, %dma_wait3A_54] : memref<2688x128xf32, #tpu.memory_space<vmem_shared>> -> memref<128x128xf32, #tpu.memory_space<vmem_shared>>
      %dma_wait3A_56 = arith.constant 0 : i32
      %dma_wait3A_57 = tpu.memref_slice %arg12[%add3A_30, %dma_wait3A_56] : memref<2688x128xf32, #tpu.memory_space<vmem_shared>> -> memref<128x128xf32, #tpu.memory_space<vmem_shared>>
      %dma_wait3A_58 = arith.constant 0 : i32
      %dma_wait3A_59 = arith.constant 0 : i32
      %dma_wait3A_60 = tpu.memref_slice %arg11[%dma_wait3A_58, %dma_wait3A_59] : memref<128x128xf32, #tpu.memory_space<vmem>> -> memref<128x128xf32, #tpu.memory_space<vmem>>
      tpu.wait_dma2 semaphore(%run_scoped3A : memref<!tpu.dma_semaphore, #tpu.memory_space<semaphore_mem>>) src(%dma_wait3A_60 : memref<128x128xf32, #tpu.memory_space<vmem>>) dst(%dma_wait3A_57 : memref<128x128xf32, #tpu.memory_space<vmem_shared>>)
      tpu.yield
    }) : () -> ()
    %add3A_31 = arith.constant 128 : i32
    %add3A_32 = arith.addi %mul3A_6, %add3A_31 : i32
    "tpu.region"() ({
      %run_scoped3A = tpu.sem_alloc : memref<!tpu.dma_semaphore, #tpu.memory_space<semaphore_mem>>
      %dma_start3A = arith.constant 0 : i32
      %dma_start3A_43 = arith.constant 0 : i32
      %dma_start3A_44 = tpu.memref_slice %arg11[%dma_start3A, %dma_start3A_43] : memref<128x128xf32, #tpu.memory_space<vmem>> -> memref<40x128xf32, #tpu.memory_space<vmem>>
      %dma_start3A_45 = arith.constant 0 : i32
      %dma_start3A_46 = tpu.memref_slice %arg12[%add3A_32, %dma_start3A_45] : memref<2688x128xf32, #tpu.memory_space<vmem_shared>> -> memref<40x128xf32, #tpu.memory_space<vmem_shared>>
      %dma_start3A_47 = arith.constant 0 : i32
      %dma_start3A_48 = tpu.memref_slice %arg12[%add3A_32, %dma_start3A_47] : memref<2688x128xf32, #tpu.memory_space<vmem_shared>> -> memref<40x128xf32, #tpu.memory_space<vmem_shared>>
      %dma_start3A_49 = arith.constant 0 : i32
      %dma_start3A_50 = arith.constant 0 : i32
      %dma_start3A_51 = tpu.memref_slice %arg11[%dma_start3A_49, %dma_start3A_50] : memref<128x128xf32, #tpu.memory_space<vmem>> -> memref<40x128xf32, #tpu.memory_space<vmem>>
      tpu.enqueue_dma source(%dma_start3A_51 : memref<40x128xf32, #tpu.memory_space<vmem>>) target(%dma_start3A_48 : memref<40x128xf32, #tpu.memory_space<vmem_shared>>) target_semaphore(%run_scoped3A : memref<!tpu.dma_semaphore, #tpu.memory_space<semaphore_mem>>)
      %dma_wait3A = arith.constant 0 : i32
      %dma_wait3A_52 = arith.constant 0 : i32
      %dma_wait3A_53 = tpu.memref_slice %arg11[%dma_wait3A, %dma_wait3A_52] : memref<128x128xf32, #tpu.memory_space<vmem>> -> memref<40x128xf32, #tpu.memory_space<vmem>>
      %dma_wait3A_54 = arith.constant 0 : i32
      %dma_wait3A_55 = tpu.memref_slice %arg12[%add3A_32, %dma_wait3A_54] : memref<2688x128xf32, #tpu.memory_space<vmem_shared>> -> memref<40x128xf32, #tpu.memory_space<vmem_shared>>
      %dma_wait3A_56 = arith.constant 0 : i32
      %dma_wait3A_57 = tpu.memref_slice %arg12[%add3A_32, %dma_wait3A_56] : memref<2688x128xf32, #tpu.memory_space<vmem_shared>> -> memref<40x128xf32, #tpu.memory_space<vmem_shared>>
      %dma_wait3A_58 = arith.constant 0 : i32
      %dma_wait3A_59 = arith.constant 0 : i32
      %dma_wait3A_60 = tpu.memref_slice %arg11[%dma_wait3A_58, %dma_wait3A_59] : memref<128x128xf32, #tpu.memory_space<vmem>> -> memref<40x128xf32, #tpu.memory_space<vmem>>
      tpu.wait_dma2 semaphore(%run_scoped3A : memref<!tpu.dma_semaphore, #tpu.memory_space<semaphore_mem>>) src(%dma_wait3A_60 : memref<40x128xf32, #tpu.memory_space<vmem>>) dst(%dma_wait3A_57 : memref<40x128xf32, #tpu.memory_space<vmem_shared>>)
      tpu.yield
    }) : () -> ()
    %barrier3A_33 = arith.constant 0 : index
    tpu.barrier barrier_id(%barrier3A_33)
    %scan3A_34 = arith.constant 0 : i32
    %scan3A_35 = arith.constant 0 : i32
    %scan3A_36 = arith.constant 250 : i32
    %scan3A_37 = arith.addi %scan3A_35, %scan3A_36 : i32
    %scan3A_38 = arith.constant 1 : i32
    %scan3A_39 = scf.for %scan3A_43 = %scan3A_35 to %scan3A_37 step %scan3A_38 iter_args(%scan3A_44 = %scan3A_34) -> (i32)  : i32 {
      %dma_start3A = arith.constant 0 : i32
      %dma_start3A_45 = tpu.memref_slice %arg7[%scan3A_43, %dma_start3A] : memref<250x80xi32, #tpu.memory_space<vmem>> -> memref<1x80xi32, #tpu.memory_space<vmem>>
      %dma_start3A_46 = tpu.memref_squeeze %dma_start3A_45 : memref<1x80xi32, #tpu.memory_space<vmem>> -> memref<80xi32, #tpu.memory_space<vmem>>
      %dma_start3A_47 = arith.constant 0 : i32
      %dma_start3A_48 = arith.constant 0 : i32
      %dma_start3A_49 = tpu.memref_slice %arg2[%dma_start3A_47, %dma_start3A_48] : memref<10000x128xf32, #tpu.memory_space<hbm>> -> memref<10000x128xf32, #tpu.memory_space<hbm>>
      tpu.enqueue_indirect_dma source(%dma_start3A_49 : memref<10000x128xf32, #tpu.memory_space<hbm>>) target(%arg9 : memref<80x128xf32, #tpu.memory_space<vmem>>) offsets(%dma_start3A_46 : memref<80xi32, #tpu.memory_space<vmem>>) semaphore(%arg13 : memref<!tpu.dma_semaphore, #tpu.memory_space<semaphore_mem>>)
      %mul3A_50 = arith.constant 20000 : i32
      %mul3A_51 = arith.muli %arg1, %mul3A_50 : i32
      %mul3A_52 = arith.constant 80 : i32
      %mul3A_53 = arith.muli %scan3A_43, %mul3A_52 : i32
      %add3A_54 = arith.addi %mul3A_51, %mul3A_53 : i32
      %dma_start3A_55 = arith.constant 0 : i32
      %dma_start3A_56 = tpu.memref_slice %arg3[%add3A_54, %dma_start3A_55] : memref<320000x128xf32, #tpu.memory_space<hbm>> -> memref<80x128xf32, #tpu.memory_space<hbm>>
      %dma_start3A_57 = arith.constant 0 : i32
      %dma_start3A_58 = tpu.memref_slice %arg3[%add3A_54, %dma_start3A_57] : memref<320000x128xf32, #tpu.memory_space<hbm>> -> memref<80x128xf32, #tpu.memory_space<hbm>>
      tpu.enqueue_dma source(%dma_start3A_58 : memref<80x128xf32, #tpu.memory_space<hbm>>) target(%arg10 : memref<80x128xf32, #tpu.memory_space<vmem>>) target_semaphore(%arg14 : memref<!tpu.dma_semaphore, #tpu.memory_space<semaphore_mem>>)
      %dma_wait3A = arith.constant 0 : i32
      %dma_wait3A_59 = tpu.memref_slice %arg7[%scan3A_43, %dma_wait3A] : memref<250x80xi32, #tpu.memory_space<vmem>> -> memref<1x80xi32, #tpu.memory_space<vmem>>
      %dma_wait3A_60 = tpu.memref_squeeze %dma_wait3A_59 : memref<1x80xi32, #tpu.memory_space<vmem>> -> memref<80xi32, #tpu.memory_space<vmem>>
      %dma_wait3A_61 = arith.constant 0 : i32
      %dma_wait3A_62 = arith.constant 0 : i32
      %dma_wait3A_63 = tpu.memref_slice %arg2[%dma_wait3A_61, %dma_wait3A_62] : memref<10000x128xf32, #tpu.memory_space<hbm>> -> memref<10000x128xf32, #tpu.memory_space<hbm>>
      tpu.wait_indirect_dma semaphore(%arg13 : memref<!tpu.dma_semaphore, #tpu.memory_space<semaphore_mem>>) src(%dma_wait3A_63 : memref<10000x128xf32, #tpu.memory_space<hbm>>) dst(%arg9 : memref<80x128xf32, #tpu.memory_space<vmem>>)
      %mul3A_64 = arith.constant 20000 : i32
      %mul3A_65 = arith.muli %arg1, %mul3A_64 : i32
      %mul3A_66 = arith.constant 80 : i32
      %mul3A_67 = arith.muli %scan3A_43, %mul3A_66 : i32
      %add3A_68 = arith.addi %mul3A_65, %mul3A_67 : i32
      %dma_wait3A_69 = arith.constant 0 : i32
      %dma_wait3A_70 = tpu.memref_slice %arg3[%add3A_68, %dma_wait3A_69] : memref<320000x128xf32, #tpu.memory_space<hbm>> -> memref<80x128xf32, #tpu.memory_space<hbm>>
      %dma_wait3A_71 = arith.constant 0 : i32
      %dma_wait3A_72 = tpu.memref_slice %arg3[%add3A_68, %dma_wait3A_71] : memref<320000x128xf32, #tpu.memory_space<hbm>> -> memref<80x128xf32, #tpu.memory_space<hbm>>
      tpu.wait_dma2 semaphore(%arg14 : memref<!tpu.dma_semaphore, #tpu.memory_space<semaphore_mem>>) src(%dma_wait3A_72 : memref<80x128xf32, #tpu.memory_space<hbm>>) dst(%arg10 : memref<80x128xf32, #tpu.memory_space<vmem>>)
      %scan3A_73 = arith.constant 0 : i32
      %scan3A_74 = arith.constant 0 : i32
      %scan3A_75 = arith.constant 80 : i32
      %scan3A_76 = arith.addi %scan3A_74, %scan3A_75 : i32
      %scan3A_77 = arith.constant 1 : i32
      %scan3A_78 = scf.for %scan3A_81 = %scan3A_74 to %scan3A_76 step %scan3A_77 iter_args(%scan3A_82 = %scan3A_73) -> (i32)  : i32 {
        %get3A = arith.index_cast %scan3A_81 : i32 to index
        %get3A_83 = arith.constant 0 : index
        %get3A_84 = tpu.vector_load %arg10[%get3A, %get3A_83] {strides = array<i32>} : memref<80x128xf32, #tpu.memory_space<vmem>>, vector<1x16xf32>,
        %get3A_85 = vector.shape_cast %get3A_84 : vector<1x16xf32> to vector<16xf32>
        %get3A_86 = arith.index_cast %scan3A_81 : i32 to index
        %get3A_87 = arith.constant 0 : index
        %get3A_88 = tpu.vector_load %arg9[%get3A_86, %get3A_87] {strides = array<i32>} : memref<80x128xf32, #tpu.memory_space<vmem>>, vector<1x16xf32>,
        %get3A_89 = vector.shape_cast %get3A_88 : vector<1x16xf32> to vector<16xf32>
        %mul3A_90 = arith.mulf %get3A_85, %get3A_89 : vector<16xf32>
        %swap3A = arith.index_cast %scan3A_81 : i32 to index
        %swap3A_91 = arith.constant 0 : index
        %swap3A_92 = tpu.vector_load %arg10[%swap3A, %swap3A_91] {strides = array<i32>} : memref<80x128xf32, #tpu.memory_space<vmem>>, vector<1x16xf32>,
        %swap3A_93 = vector.shape_cast %swap3A_92 : vector<1x16xf32> to vector<16xf32>
        %swap3A_94 = vector.shape_cast %mul3A_90 : vector<16xf32> to vector<1x16xf32>
        tpu.vector_store %arg10[%swap3A, %swap3A_91], %swap3A_94 {strides = array<i32>} : memref<80x128xf32, #tpu.memory_space<vmem>>, vector<1x16xf32>,
        %get3A_95 = arith.index_cast %scan3A_81 : i32 to index
        %get3A_96 = arith.constant 16 : index
        %get3A_97 = tpu.vector_load %arg10[%get3A_95, %get3A_96] {strides = array<i32>} : memref<80x128xf32, #tpu.memory_space<vmem>>, vector<1x16xf32>,
        %get3A_98 = vector.shape_cast %get3A_97 : vector<1x16xf32> to vector<16xf32>
        %get3A_99 = arith.index_cast %scan3A_81 : i32 to index
        %get3A_100 = arith.constant 16 : index
        %get3A_101 = tpu.vector_load %arg9[%get3A_99, %get3A_100] {strides = array<i32>} : memref<80x128xf32, #tpu.memory_space<vmem>>, vector<1x16xf32>,
        %get3A_102 = vector.shape_cast %get3A_101 : vector<1x16xf32> to vector<16xf32>
        %mul3A_103 = arith.mulf %get3A_98, %get3A_102 : vector<16xf32>
        %swap3A_104 = arith.index_cast %scan3A_81 : i32 to index
        %swap3A_105 = arith.constant 16 : index
        %swap3A_106 = tpu.vector_load %arg10[%swap3A_104, %swap3A_105] {strides = array<i32>} : memref<80x128xf32, #tpu.memory_space<vmem>>, vector<1x16xf32>,
        %swap3A_107 = vector.shape_cast %swap3A_106 : vector<1x16xf32> to vector<16xf32>
        %swap3A_108 = vector.shape_cast %mul3A_103 : vector<16xf32> to vector<1x16xf32>
        tpu.vector_store %arg10[%swap3A_104, %swap3A_105], %swap3A_108 {strides = array<i32>} : memref<80x128xf32, #tpu.memory_space<vmem>>, vector<1x16xf32>,
        %get3A_109 = arith.index_cast %scan3A_81 : i32 to index
        %get3A_110 = arith.constant 32 : index
        %get3A_111 = tpu.vector_load %arg10[%get3A_109, %get3A_110] {strides = array<i32>} : memref<80x128xf32, #tpu.memory_space<vmem>>, vector<1x16xf32>,
        %get3A_112 = vector.shape_cast %get3A_111 : vector<1x16xf32> to vector<16xf32>
        %get3A_113 = arith.index_cast %scan3A_81 : i32 to index
        %get3A_114 = arith.constant 32 : index
        %get3A_115 = tpu.vector_load %arg9[%get3A_113, %get3A_114] {strides = array<i32>} : memref<80x128xf32, #tpu.memory_space<vmem>>, vector<1x16xf32>,
        %get3A_116 = vector.shape_cast %get3A_115 : vector<1x16xf32> to vector<16xf32>
        %mul3A_117 = arith.mulf %get3A_112, %get3A_116 : vector<16xf32>
        %swap3A_118 = arith.index_cast %scan3A_81 : i32 to index
        %swap3A_119 = arith.constant 32 : index
        %swap3A_120 = tpu.vector_load %arg10[%swap3A_118, %swap3A_119] {strides = array<i32>} : memref<80x128xf32, #tpu.memory_space<vmem>>, vector<1x16xf32>,
        %swap3A_121 = vector.shape_cast %swap3A_120 : vector<1x16xf32> to vector<16xf32>
        %swap3A_122 = vector.shape_cast %mul3A_117 : vector<16xf32> to vector<1x16xf32>
        tpu.vector_store %arg10[%swap3A_118, %swap3A_119], %swap3A_122 {strides = array<i32>} : memref<80x128xf32, #tpu.memory_space<vmem>>, vector<1x16xf32>,
        %get3A_123 = arith.index_cast %scan3A_81 : i32 to index
        %get3A_124 = arith.constant 48 : index
        %get3A_125 = tpu.vector_load %arg10[%get3A_123, %get3A_124] {strides = array<i32>} : memref<80x128xf32, #tpu.memory_space<vmem>>, vector<1x16xf32>,
        %get3A_126 = vector.shape_cast %get3A_125 : vector<1x16xf32> to vector<16xf32>
        %get3A_127 = arith.index_cast %scan3A_81 : i32 to index
        %get3A_128 = arith.constant 48 : index
        %get3A_129 = tpu.vector_load %arg9[%get3A_127, %get3A_128] {strides = array<i32>} : memref<80x128xf32, #tpu.memory_space<vmem>>, vector<1x16xf32>,
        %get3A_130 = vector.shape_cast %get3A_129 : vector<1x16xf32> to vector<16xf32>
        %mul3A_131 = arith.mulf %get3A_126, %get3A_130 : vector<16xf32>
        %swap3A_132 = arith.index_cast %scan3A_81 : i32 to index
        %swap3A_133 = arith.constant 48 : index
        %swap3A_134 = tpu.vector_load %arg10[%swap3A_132, %swap3A_133] {strides = array<i32>} : memref<80x128xf32, #tpu.memory_space<vmem>>, vector<1x16xf32>,
        %swap3A_135 = vector.shape_cast %swap3A_134 : vector<1x16xf32> to vector<16xf32>
        %swap3A_136 = vector.shape_cast %mul3A_131 : vector<16xf32> to vector<1x16xf32>
        tpu.vector_store %arg10[%swap3A_132, %swap3A_133], %swap3A_136 {strides = array<i32>} : memref<80x128xf32, #tpu.memory_space<vmem>>, vector<1x16xf32>,
        %get3A_137 = arith.index_cast %scan3A_81 : i32 to index
        %get3A_138 = arith.constant 64 : index
        %get3A_139 = tpu.vector_load %arg10[%get3A_137, %get3A_138] {strides = array<i32>} : memref<80x128xf32, #tpu.memory_space<vmem>>, vector<1x16xf32>,
        %get3A_140 = vector.shape_cast %get3A_139 : vector<1x16xf32> to vector<16xf32>
        %get3A_141 = arith.index_cast %scan3A_81 : i32 to index
        %get3A_142 = arith.constant 64 : index
        %get3A_143 = tpu.vector_load %arg9[%get3A_141, %get3A_142] {strides = array<i32>} : memref<80x128xf32, #tpu.memory_space<vmem>>, vector<1x16xf32>,
        %get3A_144 = vector.shape_cast %get3A_143 : vector<1x16xf32> to vector<16xf32>
        %mul3A_145 = arith.mulf %get3A_140, %get3A_144 : vector<16xf32>
        %swap3A_146 = arith.index_cast %scan3A_81 : i32 to index
        %swap3A_147 = arith.constant 64 : index
        %swap3A_148 = tpu.vector_load %arg10[%swap3A_146, %swap3A_147] {strides = array<i32>} : memref<80x128xf32, #tpu.memory_space<vmem>>, vector<1x16xf32>,
        %swap3A_149 = vector.shape_cast %swap3A_148 : vector<1x16xf32> to vector<16xf32>
        %swap3A_150 = vector.shape_cast %mul3A_145 : vector<16xf32> to vector<1x16xf32>
        tpu.vector_store %arg10[%swap3A_146, %swap3A_147], %swap3A_150 {strides = array<i32>} : memref<80x128xf32, #tpu.memory_space<vmem>>, vector<1x16xf32>,
        %get3A_151 = arith.index_cast %scan3A_81 : i32 to index
        %get3A_152 = arith.constant 80 : index
        %get3A_153 = tpu.vector_load %arg10[%get3A_151, %get3A_152] {strides = array<i32>} : memref<80x128xf32, #tpu.memory_space<vmem>>, vector<1x16xf32>,
        %get3A_154 = vector.shape_cast %get3A_153 : vector<1x16xf32> to vector<16xf32>
        %get3A_155 = arith.index_cast %scan3A_81 : i32 to index
        %get3A_156 = arith.constant 80 : index
        %get3A_157 = tpu.vector_load %arg9[%get3A_155, %get3A_156] {strides = array<i32>} : memref<80x128xf32, #tpu.memory_space<vmem>>, vector<1x16xf32>,
        %get3A_158 = vector.shape_cast %get3A_157 : vector<1x16xf32> to vector<16xf32>
        %mul3A_159 = arith.mulf %get3A_154, %get3A_158 : vector<16xf32>
        %swap3A_160 = arith.index_cast %scan3A_81 : i32 to index
        %swap3A_161 = arith.constant 80 : index
        %swap3A_162 = tpu.vector_load %arg10[%swap3A_160, %swap3A_161] {strides = array<i32>} : memref<80x128xf32, #tpu.memory_space<vmem>>, vector<1x16xf32>,
        %swap3A_163 = vector.shape_cast %swap3A_162 : vector<1x16xf32> to vector<16xf32>
        %swap3A_164 = vector.shape_cast %mul3A_159 : vector<16xf32> to vector<1x16xf32>
        tpu.vector_store %arg10[%swap3A_160, %swap3A_161], %swap3A_164 {strides = array<i32>} : memref<80x128xf32, #tpu.memory_space<vmem>>, vector<1x16xf32>,
        %get3A_165 = arith.index_cast %scan3A_81 : i32 to index
        %get3A_166 = arith.constant 96 : index
        %get3A_167 = tpu.vector_load %arg10[%get3A_165, %get3A_166] {strides = array<i32>} : memref<80x128xf32, #tpu.memory_space<vmem>>, vector<1x16xf32>,
        %get3A_168 = vector.shape_cast %get3A_167 : vector<1x16xf32> to vector<16xf32>
        %get3A_169 = arith.index_cast %scan3A_81 : i32 to index
        %get3A_170 = arith.constant 96 : index
        %get3A_171 = tpu.vector_load %arg9[%get3A_169, %get3A_170] {strides = array<i32>} : memref<80x128xf32, #tpu.memory_space<vmem>>, vector<1x16xf32>,
        %get3A_172 = vector.shape_cast %get3A_171 : vector<1x16xf32> to vector<16xf32>
        %mul3A_173 = arith.mulf %get3A_168, %get3A_172 : vector<16xf32>
        %swap3A_174 = arith.index_cast %scan3A_81 : i32 to index
        %swap3A_175 = arith.constant 96 : index
        %swap3A_176 = tpu.vector_load %arg10[%swap3A_174, %swap3A_175] {strides = array<i32>} : memref<80x128xf32, #tpu.memory_space<vmem>>, vector<1x16xf32>,
        %swap3A_177 = vector.shape_cast %swap3A_176 : vector<1x16xf32> to vector<16xf32>
        %swap3A_178 = vector.shape_cast %mul3A_173 : vector<16xf32> to vector<1x16xf32>
        tpu.vector_store %arg10[%swap3A_174, %swap3A_175], %swap3A_178 {strides = array<i32>} : memref<80x128xf32, #tpu.memory_space<vmem>>, vector<1x16xf32>,
        %get3A_179 = arith.index_cast %scan3A_81 : i32 to index
        %get3A_180 = arith.constant 112 : index
        %get3A_181 = tpu.vector_load %arg10[%get3A_179, %get3A_180] {strides = array<i32>} : memref<80x128xf32, #tpu.memory_space<vmem>>, vector<1x16xf32>,
        %get3A_182 = vector.shape_cast %get3A_181 : vector<1x16xf32> to vector<16xf32>
        %get3A_183 = arith.index_cast %scan3A_81 : i32 to index
        %get3A_184 = arith.constant 112 : index
        %get3A_185 = tpu.vector_load %arg9[%get3A_183, %get3A_184] {strides = array<i32>} : memref<80x128xf32, #tpu.memory_space<vmem>>, vector<1x16xf32>,
        %get3A_186 = vector.shape_cast %get3A_185 : vector<1x16xf32> to vector<16xf32>
        %mul3A_187 = arith.mulf %get3A_182, %get3A_186 : vector<16xf32>
        %swap3A_188 = arith.index_cast %scan3A_81 : i32 to index
        %swap3A_189 = arith.constant 112 : index
        %swap3A_190 = tpu.vector_load %arg10[%swap3A_188, %swap3A_189] {strides = array<i32>} : memref<80x128xf32, #tpu.memory_space<vmem>>, vector<1x16xf32>,
        %swap3A_191 = vector.shape_cast %swap3A_190 : vector<1x16xf32> to vector<16xf32>
        %swap3A_192 = vector.shape_cast %mul3A_187 : vector<16xf32> to vector<1x16xf32>
        tpu.vector_store %arg10[%swap3A_188, %swap3A_189], %swap3A_192 {strides = array<i32>} : memref<80x128xf32, #tpu.memory_space<vmem>>, vector<1x16xf32>,
        %scan3A_193 = arith.constant 0 : i32
        scf.yield %scan3A_193 : i32
      }
      %scan3A_79 = arith.constant 80 : i32
      "tpu.region"() ({
        %run_scoped3A = tpu.sem_alloc : memref<!tpu.dma_semaphore, #tpu.memory_space<semaphore_mem>>
        %dma_start3A_81 = arith.constant 0 : i32
        %dma_start3A_82 = tpu.memref_slice %arg8[%scan3A_43, %dma_start3A_81] : memref<250x80xi32, #tpu.memory_space<vmem>> -> memref<1x80xi32, #tpu.memory_space<vmem>>
        %dma_start3A_83 = tpu.memref_squeeze %dma_start3A_82 : memref<1x80xi32, #tpu.memory_space<vmem>> -> memref<80xi32, #tpu.memory_space<vmem>>
        %dma_start3A_84 = arith.constant 0 : i32
        %dma_start3A_85 = arith.constant 0 : i32
        %dma_start3A_86 = tpu.memref_slice %arg12[%dma_start3A_84, %dma_start3A_85] : memref<2688x128xf32, #tpu.memory_space<vmem_shared>> -> memref<2688x128xf32, #tpu.memory_space<vmem_shared>>
        tpu.enqueue_indirect_dma source(%arg10 : memref<80x128xf32, #tpu.memory_space<vmem>>) target(%dma_start3A_86 : memref<2688x128xf32, #tpu.memory_space<vmem_shared>>) offsets(%dma_start3A_83 : memref<80xi32, #tpu.memory_space<vmem>>) semaphore(%run_scoped3A : memref<!tpu.dma_semaphore, #tpu.memory_space<semaphore_mem>>) {add = true}
        %dma_wait3A_87 = arith.constant 0 : i32
        %dma_wait3A_88 = tpu.memref_slice %arg8[%scan3A_43, %dma_wait3A_87] : memref<250x80xi32, #tpu.memory_space<vmem>> -> memref<1x80xi32, #tpu.memory_space<vmem>>
        %dma_wait3A_89 = tpu.memref_squeeze %dma_wait3A_88 : memref<1x80xi32, #tpu.memory_space<vmem>> -> memref<80xi32, #tpu.memory_space<vmem>>
        %dma_wait3A_90 = arith.constant 0 : i32
        %dma_wait3A_91 = arith.constant 0 : i32
        %dma_wait3A_92 = tpu.memref_slice %arg12[%dma_wait3A_90, %dma_wait3A_91] : memref<2688x128xf32, #tpu.memory_space<vmem_shared>> -> memref<2688x128xf32, #tpu.memory_space<vmem_shared>>
        tpu.wait_indirect_dma semaphore(%run_scoped3A : memref<!tpu.dma_semaphore, #tpu.memory_space<semaphore_mem>>) src(%arg10 : memref<80x128xf32, #tpu.memory_space<vmem>>) dst(%dma_wait3A_92 : memref<2688x128xf32, #tpu.memory_space<vmem_shared>>)
        tpu.yield
      }) : () -> ()
      %scan3A_80 = arith.constant 0 : i32
      scf.yield %scan3A_80 : i32
    }
    %scan3A_40 = arith.constant 250 : i32
    %barrier3A_41 = arith.constant 0 : index
    tpu.barrier barrier_id(%barrier3A_41)
    "tpu.region"() ({
      %run_scoped3A = tpu.sem_alloc : memref<!tpu.dma_semaphore, #tpu.memory_space<semaphore_mem>>
      %dma_start3A = arith.constant 0 : i32
      %dma_start3A_43 = tpu.memref_slice %arg6[%add3A_28, %mul3A_8, %dma_start3A] : memref<4x2560x128xf32, #tpu.memory_space<hbm>> -> memref<1x160x128xf32, #tpu.memory_space<hbm>>
      %dma_start3A_44 = tpu.memref_squeeze %dma_start3A_43 : memref<1x160x128xf32, #tpu.memory_space<hbm>> -> memref<160x128xf32, #tpu.memory_space<hbm>>
      %dma_start3A_45 = arith.constant 0 : i32
      %dma_start3A_46 = tpu.memref_slice %arg12[%mul3A_8, %dma_start3A_45] : memref<2688x128xf32, #tpu.memory_space<vmem_shared>> -> memref<160x128xf32, #tpu.memory_space<vmem_shared>>
      tpu.enqueue_dma source(%dma_start3A_46 : memref<160x128xf32, #tpu.memory_space<vmem_shared>>) target(%dma_start3A_44 : memref<160x128xf32, #tpu.memory_space<hbm>>) target_semaphore(%run_scoped3A : memref<!tpu.dma_semaphore, #tpu.memory_space<semaphore_mem>>)
      %dma_wait3A = arith.constant 0 : i32
      %dma_wait3A_47 = tpu.memref_slice %arg6[%add3A_28, %mul3A_8, %dma_wait3A] : memref<4x2560x128xf32, #tpu.memory_space<hbm>> -> memref<1x160x128xf32, #tpu.memory_space<hbm>>
      %dma_wait3A_48 = tpu.memref_squeeze %dma_wait3A_47 : memref<1x160x128xf32, #tpu.memory_space<hbm>> -> memref<160x128xf32, #tpu.memory_space<hbm>>
      %dma_wait3A_49 = arith.constant 0 : i32
      %dma_wait3A_50 = tpu.memref_slice %arg12[%mul3A_8, %dma_wait3A_49] : memref<2688x128xf32, #tpu.memory_space<vmem_shared>> -> memref<160x128xf32, #tpu.memory_space<vmem_shared>>
      tpu.wait_dma2 semaphore(%run_scoped3A : memref<!tpu.dma_semaphore, #tpu.memory_space<semaphore_mem>>) src(%dma_wait3A_50 : memref<160x128xf32, #tpu.memory_space<vmem_shared>>) dst(%dma_wait3A_48 : memref<160x128xf32, #tpu.memory_space<hbm>>)
      tpu.yield
    }) : () -> ()
    %barrier3A_42 = arith.constant 0 : index
    tpu.barrier barrier_id(%barrier3A_42)
    return
  }
}

#map = affine_map<(d0, d1) -> (0, 0)>
#map1 = affine_map<(d0, d1) -> (0, 0, 0)>
#map2 = affine_map<(d0, d1) -> (0, 0, 0, 0)>
module attributes {stable_mosaic.version = 14 : i64} {
  func.func @_sc_body(%arg0: i32, %arg1: i32, %arg2: memref<10000x128xf32, #tpu.memory_space<hbm>>, %arg3: memref<320000x128xf32, #tpu.memory_space<hbm>>, %arg4: memref<16x250x80xi32, #tpu.memory_space<hbm>>, %arg5: memref<4x16x250x80xi32, #tpu.memory_space<hbm>>, %arg6: memref<4x2560x128xf32, #tpu.memory_space<hbm>>, %arg7: memref<250x80xi32, #tpu.memory_space<vmem>>, %arg8: memref<250x80xi32, #tpu.memory_space<vmem>>, %arg9: memref<80x128xf32, #tpu.memory_space<vmem>>, %arg10: memref<80x128xf32, #tpu.memory_space<vmem>>, %arg11: memref<128x128xf32, #tpu.memory_space<vmem>>, %arg12: memref<2688x128xf32, #tpu.memory_space<vmem_shared>>, %arg13: memref<!tpu.dma_semaphore, #tpu.memory_space<semaphore_mem>>, %arg14: memref<!tpu.dma_semaphore, #tpu.memory_space<semaphore_mem>>) attributes {dimension_semantics = [#tpu.dimension_semantics<core_parallel>, #tpu.dimension_semantics<subcore_parallel>], iteration_bounds = array<i64: 2, 16>, scalar_prefetch = 0 : i64, scratch_operands = 8 : i64, tpu.core_type = #tpu.core_type<sc_vector_subcore>, window_params = [{transform_indices = #map}, {transform_indices = #map}, {transform_indices = #map1}, {transform_indices = #map2}, {transform_indices = #map1}]} {
    %scan3A = arith.constant 0 : i32
    %scan3A_0 = arith.constant 0 : i32
    %scan3A_1 = arith.constant 128 : i32
    %scan3A_2 = arith.addi %scan3A_0, %scan3A_1 : i32
    %scan3A_3 = arith.constant 1 : i32
    %scan3A_4 = scf.for %scan3A_43 = %scan3A_0 to %scan3A_2 step %scan3A_3 iter_args(%scan3A_44 = %scan3A) -> (i32)  : i32 {
      %broadcast_in_dim3A = arith.constant 0.000000e+00 : f32
      %broadcast_in_dim3A_45 = vector.broadcast %broadcast_in_dim3A : f32 to vector<16xf32>
      %swap3A = arith.index_cast %scan3A_43 : i32 to index
      %swap3A_46 = arith.constant 0 : index
      %swap3A_47 = tpu.vector_load %arg11[%swap3A, %swap3A_46] {strides = array<i32>} : memref<128x128xf32, #tpu.memory_space<vmem>>, vector<1x16xf32>,
      %swap3A_48 = vector.shape_cast %swap3A_47 : vector<1x16xf32> to vector<16xf32>
      %swap3A_49 = vector.shape_cast %broadcast_in_dim3A_45 : vector<16xf32> to vector<1x16xf32>
      tpu.vector_store %arg11[%swap3A, %swap3A_46], %swap3A_49 {strides = array<i32>} : memref<128x128xf32, #tpu.memory_space<vmem>>, vector<1x16xf32>,
      %broadcast_in_dim3A_50 = arith.constant 0.000000e+00 : f32
      %broadcast_in_dim3A_51 = vector.broadcast %broadcast_in_dim3A_50 : f32 to vector<16xf32>
      %swap3A_52 = arith.index_cast %scan3A_43 : i32 to index
      %swap3A_53 = arith.constant 16 : index
      %swap3A_54 = tpu.vector_load %arg11[%swap3A_52, %swap3A_53] {strides = array<i32>} : memref<128x128xf32, #tpu.memory_space<vmem>>, vector<1x16xf32>,
      %swap3A_55 = vector.shape_cast %swap3A_54 : vector<1x16xf32> to vector<16xf32>
      %swap3A_56 = vector.shape_cast %broadcast_in_dim3A_51 : vector<16xf32> to vector<1x16xf32>
      tpu.vector_store %arg11[%swap3A_52, %swap3A_53], %swap3A_56 {strides = array<i32>} : memref<128x128xf32, #tpu.memory_space<vmem>>, vector<1x16xf32>,
      %broadcast_in_dim3A_57 = arith.constant 0.000000e+00 : f32
      %broadcast_in_dim3A_58 = vector.broadcast %broadcast_in_dim3A_57 : f32 to vector<16xf32>
      %swap3A_59 = arith.index_cast %scan3A_43 : i32 to index
      %swap3A_60 = arith.constant 32 : index
      %swap3A_61 = tpu.vector_load %arg11[%swap3A_59, %swap3A_60] {strides = array<i32>} : memref<128x128xf32, #tpu.memory_space<vmem>>, vector<1x16xf32>,
      %swap3A_62 = vector.shape_cast %swap3A_61 : vector<1x16xf32> to vector<16xf32>
      %swap3A_63 = vector.shape_cast %broadcast_in_dim3A_58 : vector<16xf32> to vector<1x16xf32>
      tpu.vector_store %arg11[%swap3A_59, %swap3A_60], %swap3A_63 {strides = array<i32>} : memref<128x128xf32, #tpu.memory_space<vmem>>, vector<1x16xf32>,
      %broadcast_in_dim3A_64 = arith.constant 0.000000e+00 : f32
      %broadcast_in_dim3A_65 = vector.broadcast %broadcast_in_dim3A_64 : f32 to vector<16xf32>
      %swap3A_66 = arith.index_cast %scan3A_43 : i32 to index
      %swap3A_67 = arith.constant 48 : index
      %swap3A_68 = tpu.vector_load %arg11[%swap3A_66, %swap3A_67] {strides = array<i32>} : memref<128x128xf32, #tpu.memory_space<vmem>>, vector<1x16xf32>,
      %swap3A_69 = vector.shape_cast %swap3A_68 : vector<1x16xf32> to vector<16xf32>
      %swap3A_70 = vector.shape_cast %broadcast_in_dim3A_65 : vector<16xf32> to vector<1x16xf32>
      tpu.vector_store %arg11[%swap3A_66, %swap3A_67], %swap3A_70 {strides = array<i32>} : memref<128x128xf32, #tpu.memory_space<vmem>>, vector<1x16xf32>,
      %broadcast_in_dim3A_71 = arith.constant 0.000000e+00 : f32
      %broadcast_in_dim3A_72 = vector.broadcast %broadcast_in_dim3A_71 : f32 to vector<16xf32>
      %swap3A_73 = arith.index_cast %scan3A_43 : i32 to index
      %swap3A_74 = arith.constant 64 : index
      %swap3A_75 = tpu.vector_load %arg11[%swap3A_73, %swap3A_74] {strides = array<i32>} : memref<128x128xf32, #tpu.memory_space<vmem>>, vector<1x16xf32>,
      %swap3A_76 = vector.shape_cast %swap3A_75 : vector<1x16xf32> to vector<16xf32>
      %swap3A_77 = vector.shape_cast %broadcast_in_dim3A_72 : vector<16xf32> to vector<1x16xf32>
      tpu.vector_store %arg11[%swap3A_73, %swap3A_74], %swap3A_77 {strides = array<i32>} : memref<128x128xf32, #tpu.memory_space<vmem>>, vector<1x16xf32>,
      %broadcast_in_dim3A_78 = arith.constant 0.000000e+00 : f32
      %broadcast_in_dim3A_79 = vector.broadcast %broadcast_in_dim3A_78 : f32 to vector<16xf32>
      %swap3A_80 = arith.index_cast %scan3A_43 : i32 to index
      %swap3A_81 = arith.constant 80 : index
      %swap3A_82 = tpu.vector_load %arg11[%swap3A_80, %swap3A_81] {strides = array<i32>} : memref<128x128xf32, #tpu.memory_space<vmem>>, vector<1x16xf32>,
      %swap3A_83 = vector.shape_cast %swap3A_82 : vector<1x16xf32> to vector<16xf32>
      %swap3A_84 = vector.shape_cast %broadcast_in_dim3A_79 : vector<16xf32> to vector<1x16xf32>
      tpu.vector_store %arg11[%swap3A_80, %swap3A_81], %swap3A_84 {strides = array<i32>} : memref<128x128xf32, #tpu.memory_space<vmem>>, vector<1x16xf32>,
      %broadcast_in_dim3A_85 = arith.constant 0.000000e+00 : f32
      %broadcast_in_dim3A_86 = vector.broadcast %broadcast_in_dim3A_85 : f32 to vector<16xf32>
      %swap3A_87 = arith.index_cast %scan3A_43 : i32 to index
      %swap3A_88 = arith.constant 96 : index
      %swap3A_89 = tpu.vector_load %arg11[%swap3A_87, %swap3A_88] {strides = array<i32>} : memref<128x128xf32, #tpu.memory_space<vmem>>, vector<1x16xf32>,
      %swap3A_90 = vector.shape_cast %swap3A_89 : vector<1x16xf32> to vector<16xf32>
      %swap3A_91 = vector.shape_cast %broadcast_in_dim3A_86 : vector<16xf32> to vector<1x16xf32>
      tpu.vector_store %arg11[%swap3A_87, %swap3A_88], %swap3A_91 {strides = array<i32>} : memref<128x128xf32, #tpu.memory_space<vmem>>, vector<1x16xf32>,
      %broadcast_in_dim3A_92 = arith.constant 0.000000e+00 : f32
      %broadcast_in_dim3A_93 = vector.broadcast %broadcast_in_dim3A_92 : f32 to vector<16xf32>
      %swap3A_94 = arith.index_cast %scan3A_43 : i32 to index
      %swap3A_95 = arith.constant 112 : index
      %swap3A_96 = tpu.vector_load %arg11[%swap3A_94, %swap3A_95] {strides = array<i32>} : memref<128x128xf32, #tpu.memory_space<vmem>>, vector<1x16xf32>,
      %swap3A_97 = vector.shape_cast %swap3A_96 : vector<1x16xf32> to vector<16xf32>
      %swap3A_98 = vector.shape_cast %broadcast_in_dim3A_93 : vector<16xf32> to vector<1x16xf32>
      tpu.vector_store %arg11[%swap3A_94, %swap3A_95], %swap3A_98 {strides = array<i32>} : memref<128x128xf32, #tpu.memory_space<vmem>>, vector<1x16xf32>,
      %scan3A_99 = arith.constant 0 : i32
      scf.yield %scan3A_99 : i32
    }
    %scan3A_5 = arith.constant 128 : i32
    "tpu.region"() ({
      %run_scoped3A = tpu.sem_alloc : memref<!tpu.dma_semaphore, #tpu.memory_space<semaphore_mem>>
      %dma_start3A = arith.constant 0 : i32
      %dma_start3A_43 = arith.constant 0 : i32
      %dma_start3A_44 = tpu.memref_slice %arg4[%arg1, %dma_start3A, %dma_start3A_43] : memref<16x250x80xi32, #tpu.memory_space<hbm>> -> memref<1x250x80xi32, #tpu.memory_space<hbm>>
      %dma_start3A_45 = tpu.memref_squeeze %dma_start3A_44 : memref<1x250x80xi32, #tpu.memory_space<hbm>> -> memref<250x80xi32, #tpu.memory_space<hbm>>
      %dma_start3A_46 = arith.constant 0 : i32
      %dma_start3A_47 = arith.constant 0 : i32
      %dma_start3A_48 = tpu.memref_slice %arg4[%arg1, %dma_start3A_46, %dma_start3A_47] : memref<16x250x80xi32, #tpu.memory_space<hbm>> -> memref<1x250x80xi32, #tpu.memory_space<hbm>>
      %dma_start3A_49 = tpu.memref_squeeze %dma_start3A_48 : memref<1x250x80xi32, #tpu.memory_space<hbm>> -> memref<250x80xi32, #tpu.memory_space<hbm>>
      tpu.enqueue_dma source(%dma_start3A_49 : memref<250x80xi32, #tpu.memory_space<hbm>>) target(%arg7 : memref<250x80xi32, #tpu.memory_space<vmem>>) target_semaphore(%run_scoped3A : memref<!tpu.dma_semaphore, #tpu.memory_space<semaphore_mem>>)
      %dma_wait3A = arith.constant 0 : i32
      %dma_wait3A_50 = arith.constant 0 : i32
      %dma_wait3A_51 = tpu.memref_slice %arg4[%arg1, %dma_wait3A, %dma_wait3A_50] : memref<16x250x80xi32, #tpu.memory_space<hbm>> -> memref<1x250x80xi32, #tpu.memory_space<hbm>>
      %dma_wait3A_52 = tpu.memref_squeeze %dma_wait3A_51 : memref<1x250x80xi32, #tpu.memory_space<hbm>> -> memref<250x80xi32, #tpu.memory_space<hbm>>
      %dma_wait3A_53 = arith.constant 0 : i32
      %dma_wait3A_54 = arith.constant 0 : i32
      %dma_wait3A_55 = tpu.memref_slice %arg4[%arg1, %dma_wait3A_53, %dma_wait3A_54] : memref<16x250x80xi32, #tpu.memory_space<hbm>> -> memref<1x250x80xi32, #tpu.memory_space<hbm>>
      %dma_wait3A_56 = tpu.memref_squeeze %dma_wait3A_55 : memref<1x250x80xi32, #tpu.memory_space<hbm>> -> memref<250x80xi32, #tpu.memory_space<hbm>>
      tpu.wait_dma2 semaphore(%run_scoped3A : memref<!tpu.dma_semaphore, #tpu.memory_space<semaphore_mem>>) src(%dma_wait3A_56 : memref<250x80xi32, #tpu.memory_space<hbm>>) dst(%arg7 : memref<250x80xi32, #tpu.memory_space<vmem>>)
      tpu.yield
    }) : () -> ()
    %mul3A = arith.constant 168 : i32
    %mul3A_6 = arith.muli %arg1, %mul3A : i32
    %mul3A_7 = arith.constant 160 : i32
    %mul3A_8 = arith.muli %arg1, %mul3A_7 : i32
    %mul3A_9 = arith.constant 2 : i32
    %mul3A_10 = arith.muli %mul3A_9, %arg0 : i32
    %add3A = arith.constant 0 : i32
    %add3A_11 = arith.addi %mul3A_10, %add3A : i32
    "tpu.region"() ({
      %run_scoped3A = tpu.sem_alloc : memref<!tpu.dma_semaphore, #tpu.memory_space<semaphore_mem>>
      %dma_start3A = arith.constant 0 : i32
      %dma_start3A_43 = arith.constant 0 : i32
      %dma_start3A_44 = tpu.memref_slice %arg5[%add3A_11, %arg1, %dma_start3A, %dma_start3A_43] : memref<4x16x250x80xi32, #tpu.memory_space<hbm>> -> memref<1x1x250x80xi32, #tpu.memory_space<hbm>>
      %dma_start3A_45 = tpu.memref_squeeze %dma_start3A_44 : memref<1x1x250x80xi32, #tpu.memory_space<hbm>> -> memref<250x80xi32, #tpu.memory_space<hbm>>
      %dma_start3A_46 = arith.constant 0 : i32
      %dma_start3A_47 = arith.constant 0 : i32
      %dma_start3A_48 = tpu.memref_slice %arg5[%add3A_11, %arg1, %dma_start3A_46, %dma_start3A_47] : memref<4x16x250x80xi32, #tpu.memory_space<hbm>> -> memref<1x1x250x80xi32, #tpu.memory_space<hbm>>
      %dma_start3A_49 = tpu.memref_squeeze %dma_start3A_48 : memref<1x1x250x80xi32, #tpu.memory_space<hbm>> -> memref<250x80xi32, #tpu.memory_space<hbm>>
      tpu.enqueue_dma source(%dma_start3A_49 : memref<250x80xi32, #tpu.memory_space<hbm>>) target(%arg8 : memref<250x80xi32, #tpu.memory_space<vmem>>) target_semaphore(%run_scoped3A : memref<!tpu.dma_semaphore, #tpu.memory_space<semaphore_mem>>)
      %dma_wait3A = arith.constant 0 : i32
      %dma_wait3A_50 = arith.constant 0 : i32
      %dma_wait3A_51 = tpu.memref_slice %arg5[%add3A_11, %arg1, %dma_wait3A, %dma_wait3A_50] : memref<4x16x250x80xi32, #tpu.memory_space<hbm>> -> memref<1x1x250x80xi32, #tpu.memory_space<hbm>>
      %dma_wait3A_52 = tpu.memref_squeeze %dma_wait3A_51 : memref<1x1x250x80xi32, #tpu.memory_space<hbm>> -> memref<250x80xi32, #tpu.memory_space<hbm>>
      %dma_wait3A_53 = arith.constant 0 : i32
      %dma_wait3A_54 = arith.constant 0 : i32
      %dma_wait3A_55 = tpu.memref_slice %arg5[%add3A_11, %arg1, %dma_wait3A_53, %dma_wait3A_54] : memref<4x16x250x80xi32, #tpu.memory_space<hbm>> -> memref<1x1x250x80xi32, #tpu.memory_space<hbm>>
      %dma_wait3A_56 = tpu.memref_squeeze %dma_wait3A_55 : memref<1x1x250x80xi32, #tpu.memory_space<hbm>> -> memref<250x80xi32, #tpu.memory_space<hbm>>
      tpu.wait_dma2 semaphore(%run_scoped3A : memref<!tpu.dma_semaphore, #tpu.memory_space<semaphore_mem>>) src(%dma_wait3A_56 : memref<250x80xi32, #tpu.memory_space<hbm>>) dst(%arg8 : memref<250x80xi32, #tpu.memory_space<vmem>>)
      tpu.yield
    }) : () -> ()
    %add3A_12 = arith.constant 0 : i32
    %add3A_13 = arith.addi %mul3A_6, %add3A_12 : i32
    "tpu.region"() ({
      %run_scoped3A = tpu.sem_alloc : memref<!tpu.dma_semaphore, #tpu.memory_space<semaphore_mem>>
      %dma_start3A = arith.constant 0 : i32
      %dma_start3A_43 = arith.constant 0 : i32
      %dma_start3A_44 = tpu.memref_slice %arg11[%dma_start3A, %dma_start3A_43] : memref<128x128xf32, #tpu.memory_space<vmem>> -> memref<128x128xf32, #tpu.memory_space<vmem>>
      %dma_start3A_45 = arith.constant 0 : i32
      %dma_start3A_46 = tpu.memref_slice %arg12[%add3A_13, %dma_start3A_45] : memref<2688x128xf32, #tpu.memory_space<vmem_shared>> -> memref<128x128xf32, #tpu.memory_space<vmem_shared>>
      %dma_start3A_47 = arith.constant 0 : i32
      %dma_start3A_48 = tpu.memref_slice %arg12[%add3A_13, %dma_start3A_47] : memref<2688x128xf32, #tpu.memory_space<vmem_shared>> -> memref<128x128xf32, #tpu.memory_space<vmem_shared>>
      %dma_start3A_49 = arith.constant 0 : i32
      %dma_start3A_50 = arith.constant 0 : i32
      %dma_start3A_51 = tpu.memref_slice %arg11[%dma_start3A_49, %dma_start3A_50] : memref<128x128xf32, #tpu.memory_space<vmem>> -> memref<128x128xf32, #tpu.memory_space<vmem>>
      tpu.enqueue_dma source(%dma_start3A_51 : memref<128x128xf32, #tpu.memory_space<vmem>>) target(%dma_start3A_48 : memref<128x128xf32, #tpu.memory_space<vmem_shared>>) target_semaphore(%run_scoped3A : memref<!tpu.dma_semaphore, #tpu.memory_space<semaphore_mem>>)
      %dma_wait3A = arith.constant 0 : i32
      %dma_wait3A_52 = arith.constant 0 : i32
      %dma_wait3A_53 = tpu.memref_slice %arg11[%dma_wait3A, %dma_wait3A_52] : memref<128x128xf32, #tpu.memory_space<vmem>> -> memref<128x128xf32, #tpu.memory_space<vmem>>
      %dma_wait3A_54 = arith.constant 0 : i32
      %dma_wait3A_55 = tpu.memref_slice %arg12[%add3A_13, %dma_wait3A_54] : memref<2688x128xf32, #tpu.memory_space<vmem_shared>> -> memref<128x128xf32, #tpu.memory_space<vmem_shared>>
      %dma_wait3A_56 = arith.constant 0 : i32
      %dma_wait3A_57 = tpu.memref_slice %arg12[%add3A_13, %dma_wait3A_56] : memref<2688x128xf32, #tpu.memory_space<vmem_shared>> -> memref<128x128xf32, #tpu.memory_space<vmem_shared>>
      %dma_wait3A_58 = arith.constant 0 : i32
      %dma_wait3A_59 = arith.constant 0 : i32
      %dma_wait3A_60 = tpu.memref_slice %arg11[%dma_wait3A_58, %dma_wait3A_59] : memref<128x128xf32, #tpu.memory_space<vmem>> -> memref<128x128xf32, #tpu.memory_space<vmem>>
      tpu.wait_dma2 semaphore(%run_scoped3A : memref<!tpu.dma_semaphore, #tpu.memory_space<semaphore_mem>>) src(%dma_wait3A_60 : memref<128x128xf32, #tpu.memory_space<vmem>>) dst(%dma_wait3A_57 : memref<128x128xf32, #tpu.memory_space<vmem_shared>>)
      tpu.yield
    }) : () -> ()
    %add3A_14 = arith.constant 128 : i32
    %add3A_15 = arith.addi %mul3A_6, %add3A_14 : i32
    "tpu.region"() ({
      %run_scoped3A = tpu.sem_alloc : memref<!tpu.dma_semaphore, #tpu.memory_space<semaphore_mem>>
      %dma_start3A = arith.constant 0 : i32
      %dma_start3A_43 = arith.constant 0 : i32
      %dma_start3A_44 = tpu.memref_slice %arg11[%dma_start3A, %dma_start3A_43] : memref<128x128xf32, #tpu.memory_space<vmem>> -> memref<40x128xf32, #tpu.memory_space<vmem>>
      %dma_start3A_45 = arith.constant 0 : i32
      %dma_start3A_46 = tpu.memref_slice %arg12[%add3A_15, %dma_start3A_45] : memref<2688x128xf32, #tpu.memory_space<vmem_shared>> -> memref<40x128xf32, #tpu.memory_space<vmem_shared>>
      %dma_start3A_47 = arith.constant 0 : i32
      %dma_start3A_48 = tpu.memref_slice %arg12[%add3A_15, %dma_start3A_47] : memref<2688x128xf32, #tpu.memory_space<vmem_shared>> -> memref<40x128xf32, #tpu.memory_space<vmem_shared>>
      %dma_start3A_49 = arith.constant 0 : i32
      %dma_start3A_50 = arith.constant 0 : i32
      %dma_start3A_51 = tpu.memref_slice %arg11[%dma_start3A_49, %dma_start3A_50] : memref<128x128xf32, #tpu.memory_space<vmem>> -> memref<40x128xf32, #tpu.memory_space<vmem>>
      tpu.enqueue_dma source(%dma_start3A_51 : memref<40x128xf32, #tpu.memory_space<vmem>>) target(%dma_start3A_48 : memref<40x128xf32, #tpu.memory_space<vmem_shared>>) target_semaphore(%run_scoped3A : memref<!tpu.dma_semaphore, #tpu.memory_space<semaphore_mem>>)
      %dma_wait3A = arith.constant 0 : i32
      %dma_wait3A_52 = arith.constant 0 : i32
      %dma_wait3A_53 = tpu.memref_slice %arg11[%dma_wait3A, %dma_wait3A_52] : memref<128x128xf32, #tpu.memory_space<vmem>> -> memref<40x128xf32, #tpu.memory_space<vmem>>
      %dma_wait3A_54 = arith.constant 0 : i32
      %dma_wait3A_55 = tpu.memref_slice %arg12[%add3A_15, %dma_wait3A_54] : memref<2688x128xf32, #tpu.memory_space<vmem_shared>> -> memref<40x128xf32, #tpu.memory_space<vmem_shared>>
      %dma_wait3A_56 = arith.constant 0 : i32
      %dma_wait3A_57 = tpu.memref_slice %arg12[%add3A_15, %dma_wait3A_56] : memref<2688x128xf32, #tpu.memory_space<vmem_shared>> -> memref<40x128xf32, #tpu.memory_space<vmem_shared>>
      %dma_wait3A_58 = arith.constant 0 : i32
      %dma_wait3A_59 = arith.constant 0 : i32
      %dma_wait3A_60 = tpu.memref_slice %arg11[%dma_wait3A_58, %dma_wait3A_59] : memref<128x128xf32, #tpu.memory_space<vmem>> -> memref<40x128xf32, #tpu.memory_space<vmem>>
      tpu.wait_dma2 semaphore(%run_scoped3A : memref<!tpu.dma_semaphore, #tpu.memory_space<semaphore_mem>>) src(%dma_wait3A_60 : memref<40x128xf32, #tpu.memory_space<vmem>>) dst(%dma_wait3A_57 : memref<40x128xf32, #tpu.memory_space<vmem_shared>>)
      tpu.yield
    }) : () -> ()
    %barrier3A = arith.constant 0 : index
    tpu.barrier barrier_id(%barrier3A)
    %scan3A_16 = arith.constant 0 : i32
    %scan3A_17 = arith.constant 0 : i32
    %scan3A_18 = arith.constant 250 : i32
    %scan3A_19 = arith.addi %scan3A_17, %scan3A_18 : i32
    %scan3A_20 = arith.constant 1 : i32
    %scan3A_21 = scf.for %scan3A_43 = %scan3A_17 to %scan3A_19 step %scan3A_20 iter_args(%scan3A_44 = %scan3A_16) -> (i32)  : i32 {
      %dma_start3A = arith.constant 0 : i32
      %dma_start3A_45 = tpu.memref_slice %arg7[%scan3A_43, %dma_start3A] : memref<250x80xi32, #tpu.memory_space<vmem>> -> memref<1x80xi32, #tpu.memory_space<vmem>>
      %dma_start3A_46 = tpu.memref_squeeze %dma_start3A_45 : memref<1x80xi32, #tpu.memory_space<vmem>> -> memref<80xi32, #tpu.memory_space<vmem>>
      %dma_start3A_47 = arith.constant 0 : i32
      %dma_start3A_48 = arith.constant 0 : i32
      %dma_start3A_49 = tpu.memref_slice %arg2[%dma_start3A_47, %dma_start3A_48] : memref<10000x128xf32, #tpu.memory_space<hbm>> -> memref<10000x128xf32, #tpu.memory_space<hbm>>
      tpu.enqueue_indirect_dma source(%dma_start3A_49 : memref<10000x128xf32, #tpu.memory_space<hbm>>) target(%arg9 : memref<80x128xf32, #tpu.memory_space<vmem>>) offsets(%dma_start3A_46 : memref<80xi32, #tpu.memory_space<vmem>>) semaphore(%arg13 : memref<!tpu.dma_semaphore, #tpu.memory_space<semaphore_mem>>)
      %mul3A_50 = arith.constant 20000 : i32
      %mul3A_51 = arith.muli %arg1, %mul3A_50 : i32
      %mul3A_52 = arith.constant 80 : i32
      %mul3A_53 = arith.muli %scan3A_43, %mul3A_52 : i32
      %add3A_54 = arith.addi %mul3A_51, %mul3A_53 : i32
      %dma_start3A_55 = arith.constant 0 : i32
      %dma_start3A_56 = tpu.memref_slice %arg3[%add3A_54, %dma_start3A_55] : memref<320000x128xf32, #tpu.memory_space<hbm>> -> memref<80x128xf32, #tpu.memory_space<hbm>>
      %dma_start3A_57 = arith.constant 0 : i32
      %dma_start3A_58 = tpu.memref_slice %arg3[%add3A_54, %dma_start3A_57] : memref<320000x128xf32, #tpu.memory_space<hbm>> -> memref<80x128xf32, #tpu.memory_space<hbm>>
      tpu.enqueue_dma source(%dma_start3A_58 : memref<80x128xf32, #tpu.memory_space<hbm>>) target(%arg10 : memref<80x128xf32, #tpu.memory_space<vmem>>) target_semaphore(%arg14 : memref<!tpu.dma_semaphore, #tpu.memory_space<semaphore_mem>>)
      %dma_wait3A = arith.constant 0 : i32
      %dma_wait3A_59 = tpu.memref_slice %arg7[%scan3A_43, %dma_wait3A] : memref<250x80xi32, #tpu.memory_space<vmem>> -> memref<1x80xi32, #tpu.memory_space<vmem>>
      %dma_wait3A_60 = tpu.memref_squeeze %dma_wait3A_59 : memref<1x80xi32, #tpu.memory_space<vmem>> -> memref<80xi32, #tpu.memory_space<vmem>>
      %dma_wait3A_61 = arith.constant 0 : i32
      %dma_wait3A_62 = arith.constant 0 : i32
      %dma_wait3A_63 = tpu.memref_slice %arg2[%dma_wait3A_61, %dma_wait3A_62] : memref<10000x128xf32, #tpu.memory_space<hbm>> -> memref<10000x128xf32, #tpu.memory_space<hbm>>
      tpu.wait_indirect_dma semaphore(%arg13 : memref<!tpu.dma_semaphore, #tpu.memory_space<semaphore_mem>>) src(%dma_wait3A_63 : memref<10000x128xf32, #tpu.memory_space<hbm>>) dst(%arg9 : memref<80x128xf32, #tpu.memory_space<vmem>>)
      %mul3A_64 = arith.constant 20000 : i32
      %mul3A_65 = arith.muli %arg1, %mul3A_64 : i32
      %mul3A_66 = arith.constant 80 : i32
      %mul3A_67 = arith.muli %scan3A_43, %mul3A_66 : i32
      %add3A_68 = arith.addi %mul3A_65, %mul3A_67 : i32
      %dma_wait3A_69 = arith.constant 0 : i32
      %dma_wait3A_70 = tpu.memref_slice %arg3[%add3A_68, %dma_wait3A_69] : memref<320000x128xf32, #tpu.memory_space<hbm>> -> memref<80x128xf32, #tpu.memory_space<hbm>>
      %dma_wait3A_71 = arith.constant 0 : i32
      %dma_wait3A_72 = tpu.memref_slice %arg3[%add3A_68, %dma_wait3A_71] : memref<320000x128xf32, #tpu.memory_space<hbm>> -> memref<80x128xf32, #tpu.memory_space<hbm>>
      tpu.wait_dma2 semaphore(%arg14 : memref<!tpu.dma_semaphore, #tpu.memory_space<semaphore_mem>>) src(%dma_wait3A_72 : memref<80x128xf32, #tpu.memory_space<hbm>>) dst(%arg10 : memref<80x128xf32, #tpu.memory_space<vmem>>)
      %scan3A_73 = arith.constant 0 : i32
      %scan3A_74 = arith.constant 0 : i32
      %scan3A_75 = arith.constant 80 : i32
      %scan3A_76 = arith.addi %scan3A_74, %scan3A_75 : i32
      %scan3A_77 = arith.constant 1 : i32
      %scan3A_78 = scf.for %scan3A_81 = %scan3A_74 to %scan3A_76 step %scan3A_77 iter_args(%scan3A_82 = %scan3A_73) -> (i32)  : i32 {
        %get3A = arith.index_cast %scan3A_81 : i32 to index
        %get3A_83 = arith.constant 0 : index
        %get3A_84 = tpu.vector_load %arg10[%get3A, %get3A_83] {strides = array<i32>} : memref<80x128xf32, #tpu.memory_space<vmem>>, vector<1x16xf32>,
        %get3A_85 = vector.shape_cast %get3A_84 : vector<1x16xf32> to vector<16xf32>
        %get3A_86 = arith.index_cast %scan3A_81 : i32 to index
        %get3A_87 = arith.constant 0 : index
        %get3A_88 = tpu.vector_load %arg9[%get3A_86, %get3A_87] {strides = array<i32>} : memref<80x128xf32, #tpu.memory_space<vmem>>, vector<1x16xf32>,
        %get3A_89 = vector.shape_cast %get3A_88 : vector<1x16xf32> to vector<16xf32>
        %mul3A_90 = arith.mulf %get3A_85, %get3A_89 : vector<16xf32>
        %swap3A = arith.index_cast %scan3A_81 : i32 to index
        %swap3A_91 = arith.constant 0 : index
        %swap3A_92 = tpu.vector_load %arg10[%swap3A, %swap3A_91] {strides = array<i32>} : memref<80x128xf32, #tpu.memory_space<vmem>>, vector<1x16xf32>,
        %swap3A_93 = vector.shape_cast %swap3A_92 : vector<1x16xf32> to vector<16xf32>
        %swap3A_94 = vector.shape_cast %mul3A_90 : vector<16xf32> to vector<1x16xf32>
        tpu.vector_store %arg10[%swap3A, %swap3A_91], %swap3A_94 {strides = array<i32>} : memref<80x128xf32, #tpu.memory_space<vmem>>, vector<1x16xf32>,
        %get3A_95 = arith.index_cast %scan3A_81 : i32 to index
        %get3A_96 = arith.constant 16 : index
        %get3A_97 = tpu.vector_load %arg10[%get3A_95, %get3A_96] {strides = array<i32>} : memref<80x128xf32, #tpu.memory_space<vmem>>, vector<1x16xf32>,
        %get3A_98 = vector.shape_cast %get3A_97 : vector<1x16xf32> to vector<16xf32>
        %get3A_99 = arith.index_cast %scan3A_81 : i32 to index
        %get3A_100 = arith.constant 16 : index
        %get3A_101 = tpu.vector_load %arg9[%get3A_99, %get3A_100] {strides = array<i32>} : memref<80x128xf32, #tpu.memory_space<vmem>>, vector<1x16xf32>,
        %get3A_102 = vector.shape_cast %get3A_101 : vector<1x16xf32> to vector<16xf32>
        %mul3A_103 = arith.mulf %get3A_98, %get3A_102 : vector<16xf32>
        %swap3A_104 = arith.index_cast %scan3A_81 : i32 to index
        %swap3A_105 = arith.constant 16 : index
        %swap3A_106 = tpu.vector_load %arg10[%swap3A_104, %swap3A_105] {strides = array<i32>} : memref<80x128xf32, #tpu.memory_space<vmem>>, vector<1x16xf32>,
        %swap3A_107 = vector.shape_cast %swap3A_106 : vector<1x16xf32> to vector<16xf32>
        %swap3A_108 = vector.shape_cast %mul3A_103 : vector<16xf32> to vector<1x16xf32>
        tpu.vector_store %arg10[%swap3A_104, %swap3A_105], %swap3A_108 {strides = array<i32>} : memref<80x128xf32, #tpu.memory_space<vmem>>, vector<1x16xf32>,
        %get3A_109 = arith.index_cast %scan3A_81 : i32 to index
        %get3A_110 = arith.constant 32 : index
        %get3A_111 = tpu.vector_load %arg10[%get3A_109, %get3A_110] {strides = array<i32>} : memref<80x128xf32, #tpu.memory_space<vmem>>, vector<1x16xf32>,
        %get3A_112 = vector.shape_cast %get3A_111 : vector<1x16xf32> to vector<16xf32>
        %get3A_113 = arith.index_cast %scan3A_81 : i32 to index
        %get3A_114 = arith.constant 32 : index
        %get3A_115 = tpu.vector_load %arg9[%get3A_113, %get3A_114] {strides = array<i32>} : memref<80x128xf32, #tpu.memory_space<vmem>>, vector<1x16xf32>,
        %get3A_116 = vector.shape_cast %get3A_115 : vector<1x16xf32> to vector<16xf32>
        %mul3A_117 = arith.mulf %get3A_112, %get3A_116 : vector<16xf32>
        %swap3A_118 = arith.index_cast %scan3A_81 : i32 to index
        %swap3A_119 = arith.constant 32 : index
        %swap3A_120 = tpu.vector_load %arg10[%swap3A_118, %swap3A_119] {strides = array<i32>} : memref<80x128xf32, #tpu.memory_space<vmem>>, vector<1x16xf32>,
        %swap3A_121 = vector.shape_cast %swap3A_120 : vector<1x16xf32> to vector<16xf32>
        %swap3A_122 = vector.shape_cast %mul3A_117 : vector<16xf32> to vector<1x16xf32>
        tpu.vector_store %arg10[%swap3A_118, %swap3A_119], %swap3A_122 {strides = array<i32>} : memref<80x128xf32, #tpu.memory_space<vmem>>, vector<1x16xf32>,
        %get3A_123 = arith.index_cast %scan3A_81 : i32 to index
        %get3A_124 = arith.constant 48 : index
        %get3A_125 = tpu.vector_load %arg10[%get3A_123, %get3A_124] {strides = array<i32>} : memref<80x128xf32, #tpu.memory_space<vmem>>, vector<1x16xf32>,
        %get3A_126 = vector.shape_cast %get3A_125 : vector<1x16xf32> to vector<16xf32>
        %get3A_127 = arith.index_cast %scan3A_81 : i32 to index
        %get3A_128 = arith.constant 48 : index
        %get3A_129 = tpu.vector_load %arg9[%get3A_127, %get3A_128] {strides = array<i32>} : memref<80x128xf32, #tpu.memory_space<vmem>>, vector<1x16xf32>,
        %get3A_130 = vector.shape_cast %get3A_129 : vector<1x16xf32> to vector<16xf32>
        %mul3A_131 = arith.mulf %get3A_126, %get3A_130 : vector<16xf32>
        %swap3A_132 = arith.index_cast %scan3A_81 : i32 to index
        %swap3A_133 = arith.constant 48 : index
        %swap3A_134 = tpu.vector_load %arg10[%swap3A_132, %swap3A_133] {strides = array<i32>} : memref<80x128xf32, #tpu.memory_space<vmem>>, vector<1x16xf32>,
        %swap3A_135 = vector.shape_cast %swap3A_134 : vector<1x16xf32> to vector<16xf32>
        %swap3A_136 = vector.shape_cast %mul3A_131 : vector<16xf32> to vector<1x16xf32>
        tpu.vector_store %arg10[%swap3A_132, %swap3A_133], %swap3A_136 {strides = array<i32>} : memref<80x128xf32, #tpu.memory_space<vmem>>, vector<1x16xf32>,
        %get3A_137 = arith.index_cast %scan3A_81 : i32 to index
        %get3A_138 = arith.constant 64 : index
        %get3A_139 = tpu.vector_load %arg10[%get3A_137, %get3A_138] {strides = array<i32>} : memref<80x128xf32, #tpu.memory_space<vmem>>, vector<1x16xf32>,
        %get3A_140 = vector.shape_cast %get3A_139 : vector<1x16xf32> to vector<16xf32>
        %get3A_141 = arith.index_cast %scan3A_81 : i32 to index
        %get3A_142 = arith.constant 64 : index
        %get3A_143 = tpu.vector_load %arg9[%get3A_141, %get3A_142] {strides = array<i32>} : memref<80x128xf32, #tpu.memory_space<vmem>>, vector<1x16xf32>,
        %get3A_144 = vector.shape_cast %get3A_143 : vector<1x16xf32> to vector<16xf32>
        %mul3A_145 = arith.mulf %get3A_140, %get3A_144 : vector<16xf32>
        %swap3A_146 = arith.index_cast %scan3A_81 : i32 to index
        %swap3A_147 = arith.constant 64 : index
        %swap3A_148 = tpu.vector_load %arg10[%swap3A_146, %swap3A_147] {strides = array<i32>} : memref<80x128xf32, #tpu.memory_space<vmem>>, vector<1x16xf32>,
        %swap3A_149 = vector.shape_cast %swap3A_148 : vector<1x16xf32> to vector<16xf32>
        %swap3A_150 = vector.shape_cast %mul3A_145 : vector<16xf32> to vector<1x16xf32>
        tpu.vector_store %arg10[%swap3A_146, %swap3A_147], %swap3A_150 {strides = array<i32>} : memref<80x128xf32, #tpu.memory_space<vmem>>, vector<1x16xf32>,
        %get3A_151 = arith.index_cast %scan3A_81 : i32 to index
        %get3A_152 = arith.constant 80 : index
        %get3A_153 = tpu.vector_load %arg10[%get3A_151, %get3A_152] {strides = array<i32>} : memref<80x128xf32, #tpu.memory_space<vmem>>, vector<1x16xf32>,
        %get3A_154 = vector.shape_cast %get3A_153 : vector<1x16xf32> to vector<16xf32>
        %get3A_155 = arith.index_cast %scan3A_81 : i32 to index
        %get3A_156 = arith.constant 80 : index
        %get3A_157 = tpu.vector_load %arg9[%get3A_155, %get3A_156] {strides = array<i32>} : memref<80x128xf32, #tpu.memory_space<vmem>>, vector<1x16xf32>,
        %get3A_158 = vector.shape_cast %get3A_157 : vector<1x16xf32> to vector<16xf32>
        %mul3A_159 = arith.mulf %get3A_154, %get3A_158 : vector<16xf32>
        %swap3A_160 = arith.index_cast %scan3A_81 : i32 to index
        %swap3A_161 = arith.constant 80 : index
        %swap3A_162 = tpu.vector_load %arg10[%swap3A_160, %swap3A_161] {strides = array<i32>} : memref<80x128xf32, #tpu.memory_space<vmem>>, vector<1x16xf32>,
        %swap3A_163 = vector.shape_cast %swap3A_162 : vector<1x16xf32> to vector<16xf32>
        %swap3A_164 = vector.shape_cast %mul3A_159 : vector<16xf32> to vector<1x16xf32>
        tpu.vector_store %arg10[%swap3A_160, %swap3A_161], %swap3A_164 {strides = array<i32>} : memref<80x128xf32, #tpu.memory_space<vmem>>, vector<1x16xf32>,
        %get3A_165 = arith.index_cast %scan3A_81 : i32 to index
        %get3A_166 = arith.constant 96 : index
        %get3A_167 = tpu.vector_load %arg10[%get3A_165, %get3A_166] {strides = array<i32>} : memref<80x128xf32, #tpu.memory_space<vmem>>, vector<1x16xf32>,
        %get3A_168 = vector.shape_cast %get3A_167 : vector<1x16xf32> to vector<16xf32>
        %get3A_169 = arith.index_cast %scan3A_81 : i32 to index
        %get3A_170 = arith.constant 96 : index
        %get3A_171 = tpu.vector_load %arg9[%get3A_169, %get3A_170] {strides = array<i32>} : memref<80x128xf32, #tpu.memory_space<vmem>>, vector<1x16xf32>,
        %get3A_172 = vector.shape_cast %get3A_171 : vector<1x16xf32> to vector<16xf32>
        %mul3A_173 = arith.mulf %get3A_168, %get3A_172 : vector<16xf32>
        %swap3A_174 = arith.index_cast %scan3A_81 : i32 to index
        %swap3A_175 = arith.constant 96 : index
        %swap3A_176 = tpu.vector_load %arg10[%swap3A_174, %swap3A_175] {strides = array<i32>} : memref<80x128xf32, #tpu.memory_space<vmem>>, vector<1x16xf32>,
        %swap3A_177 = vector.shape_cast %swap3A_176 : vector<1x16xf32> to vector<16xf32>
        %swap3A_178 = vector.shape_cast %mul3A_173 : vector<16xf32> to vector<1x16xf32>
        tpu.vector_store %arg10[%swap3A_174, %swap3A_175], %swap3A_178 {strides = array<i32>} : memref<80x128xf32, #tpu.memory_space<vmem>>, vector<1x16xf32>,
        %get3A_179 = arith.index_cast %scan3A_81 : i32 to index
        %get3A_180 = arith.constant 112 : index
        %get3A_181 = tpu.vector_load %arg10[%get3A_179, %get3A_180] {strides = array<i32>} : memref<80x128xf32, #tpu.memory_space<vmem>>, vector<1x16xf32>,
        %get3A_182 = vector.shape_cast %get3A_181 : vector<1x16xf32> to vector<16xf32>
        %get3A_183 = arith.index_cast %scan3A_81 : i32 to index
        %get3A_184 = arith.constant 112 : index
        %get3A_185 = tpu.vector_load %arg9[%get3A_183, %get3A_184] {strides = array<i32>} : memref<80x128xf32, #tpu.memory_space<vmem>>, vector<1x16xf32>,
        %get3A_186 = vector.shape_cast %get3A_185 : vector<1x16xf32> to vector<16xf32>
        %mul3A_187 = arith.mulf %get3A_182, %get3A_186 : vector<16xf32>
        %swap3A_188 = arith.index_cast %scan3A_81 : i32 to index
        %swap3A_189 = arith.constant 112 : index
        %swap3A_190 = tpu.vector_load %arg10[%swap3A_188, %swap3A_189] {strides = array<i32>} : memref<80x128xf32, #tpu.memory_space<vmem>>, vector<1x16xf32>,
        %swap3A_191 = vector.shape_cast %swap3A_190 : vector<1x16xf32> to vector<16xf32>
        %swap3A_192 = vector.shape_cast %mul3A_187 : vector<16xf32> to vector<1x16xf32>
        tpu.vector_store %arg10[%swap3A_188, %swap3A_189], %swap3A_192 {strides = array<i32>} : memref<80x128xf32, #tpu.memory_space<vmem>>, vector<1x16xf32>,
        %scan3A_193 = arith.constant 0 : i32
        scf.yield %scan3A_193 : i32
      }
      %scan3A_79 = arith.constant 80 : i32
      "tpu.region"() ({
        %run_scoped3A = tpu.sem_alloc : memref<!tpu.dma_semaphore, #tpu.memory_space<semaphore_mem>>
        %dma_start3A_81 = arith.constant 0 : i32
        %dma_start3A_82 = tpu.memref_slice %arg8[%scan3A_43, %dma_start3A_81] : memref<250x80xi32, #tpu.memory_space<vmem>> -> memref<1x80xi32, #tpu.memory_space<vmem>>
        %dma_start3A_83 = tpu.memref_squeeze %dma_start3A_82 : memref<1x80xi32, #tpu.memory_space<vmem>> -> memref<80xi32, #tpu.memory_space<vmem>>
        %dma_start3A_84 = arith.constant 0 : i32
        %dma_start3A_85 = arith.constant 0 : i32
        %dma_start3A_86 = tpu.memref_slice %arg12[%dma_start3A_84, %dma_start3A_85] : memref<2688x128xf32, #tpu.memory_space<vmem_shared>> -> memref<2688x128xf32, #tpu.memory_space<vmem_shared>>
        tpu.enqueue_indirect_dma source(%arg10 : memref<80x128xf32, #tpu.memory_space<vmem>>) target(%dma_start3A_86 : memref<2688x128xf32, #tpu.memory_space<vmem_shared>>) offsets(%dma_start3A_83 : memref<80xi32, #tpu.memory_space<vmem>>) semaphore(%run_scoped3A : memref<!tpu.dma_semaphore, #tpu.memory_space<semaphore_mem>>) {add = true}
        %dma_wait3A_87 = arith.constant 0 : i32
        %dma_wait3A_88 = tpu.memref_slice %arg8[%scan3A_43, %dma_wait3A_87] : memref<250x80xi32, #tpu.memory_space<vmem>> -> memref<1x80xi32, #tpu.memory_space<vmem>>
        %dma_wait3A_89 = tpu.memref_squeeze %dma_wait3A_88 : memref<1x80xi32, #tpu.memory_space<vmem>> -> memref<80xi32, #tpu.memory_space<vmem>>
        %dma_wait3A_90 = arith.constant 0 : i32
        %dma_wait3A_91 = arith.constant 0 : i32
        %dma_wait3A_92 = tpu.memref_slice %arg12[%dma_wait3A_90, %dma_wait3A_91] : memref<2688x128xf32, #tpu.memory_space<vmem_shared>> -> memref<2688x128xf32, #tpu.memory_space<vmem_shared>>
        tpu.wait_indirect_dma semaphore(%run_scoped3A : memref<!tpu.dma_semaphore, #tpu.memory_space<semaphore_mem>>) src(%arg10 : memref<80x128xf32, #tpu.memory_space<vmem>>) dst(%dma_wait3A_92 : memref<2688x128xf32, #tpu.memory_space<vmem_shared>>)
        tpu.yield
      }) : () -> ()
      %scan3A_80 = arith.constant 0 : i32
      scf.yield %scan3A_80 : i32
    }
    %scan3A_22 = arith.constant 250 : i32
    %barrier3A_23 = arith.constant 0 : index
    tpu.barrier barrier_id(%barrier3A_23)
    "tpu.region"() ({
      %run_scoped3A = tpu.sem_alloc : memref<!tpu.dma_semaphore, #tpu.memory_space<semaphore_mem>>
      %dma_start3A = arith.constant 0 : i32
      %dma_start3A_43 = tpu.memref_slice %arg6[%add3A_11, %mul3A_8, %dma_start3A] : memref<4x2560x128xf32, #tpu.memory_space<hbm>> -> memref<1x160x128xf32, #tpu.memory_space<hbm>>
      %dma_start3A_44 = tpu.memref_squeeze %dma_start3A_43 : memref<1x160x128xf32, #tpu.memory_space<hbm>> -> memref<160x128xf32, #tpu.memory_space<hbm>>
      %dma_start3A_45 = arith.constant 0 : i32
      %dma_start3A_46 = tpu.memref_slice %arg12[%mul3A_8, %dma_start3A_45] : memref<2688x128xf32, #tpu.memory_space<vmem_shared>> -> memref<160x128xf32, #tpu.memory_space<vmem_shared>>
      tpu.enqueue_dma source(%dma_start3A_46 : memref<160x128xf32, #tpu.memory_space<vmem_shared>>) target(%dma_start3A_44 : memref<160x128xf32, #tpu.memory_space<hbm>>) target_semaphore(%run_scoped3A : memref<!tpu.dma_semaphore, #tpu.memory_space<semaphore_mem>>)
      %dma_wait3A = arith.constant 0 : i32
      %dma_wait3A_47 = tpu.memref_slice %arg6[%add3A_11, %mul3A_8, %dma_wait3A] : memref<4x2560x128xf32, #tpu.memory_space<hbm>> -> memref<1x160x128xf32, #tpu.memory_space<hbm>>
      %dma_wait3A_48 = tpu.memref_squeeze %dma_wait3A_47 : memref<1x160x128xf32, #tpu.memory_space<hbm>> -> memref<160x128xf32, #tpu.memory_space<hbm>>
      %dma_wait3A_49 = arith.constant 0 : i32
      %dma_wait3A_50 = tpu.memref_slice %arg12[%mul3A_8, %dma_wait3A_49] : memref<2688x128xf32, #tpu.memory_space<vmem_shared>> -> memref<160x128xf32, #tpu.memory_space<vmem_shared>>
      tpu.wait_dma2 semaphore(%run_scoped3A : memref<!tpu.dma_semaphore, #tpu.memory_space<semaphore_mem>>) src(%dma_wait3A_50 : memref<160x128xf32, #tpu.memory_space<vmem_shared>>) dst(%dma_wait3A_48 : memref<160x128xf32, #tpu.memory_space<hbm>>)
      tpu.yield
    }) : () -> ()
    %barrier3A_24 = arith.constant 0 : index
    tpu.barrier barrier_id(%barrier3A_24)
    %mul3A_25 = arith.constant 2 : i32
    %mul3A_26 = arith.muli %mul3A_25, %arg0 : i32
    %add3A_27 = arith.constant 1 : i32
    %add3A_28 = arith.addi %mul3A_26, %add3A_27 : i32
    "tpu.region"() ({
      %run_scoped3A = tpu.sem_alloc : memref<!tpu.dma_semaphore, #tpu.memory_space<semaphore_mem>>
      %dma_start3A = arith.constant 0 : i32
      %dma_start3A_43 = arith.constant 0 : i32
      %dma_start3A_44 = tpu.memref_slice %arg5[%add3A_28, %arg1, %dma_start3A, %dma_start3A_43] : memref<4x16x250x80xi32, #tpu.memory_space<hbm>> -> memref<1x1x250x80xi32, #tpu.memory_space<hbm>>
      %dma_start3A_45 = tpu.memref_squeeze %dma_start3A_44 : memref<1x1x250x80xi32, #tpu.memory_space<hbm>> -> memref<250x80xi32, #tpu.memory_space<hbm>>
      %dma_start3A_46 = arith.constant 0 : i32
      %dma_start3A_47 = arith.constant 0 : i32
      %dma_start3A_48 = tpu.memref_slice %arg5[%add3A_28, %arg1, %dma_start3A_46, %dma_start3A_47] : memref<4x16x250x80xi32, #tpu.memory_space<hbm>> -> memref<1x1x250x80xi32, #tpu.memory_space<hbm>>
      %dma_start3A_49 = tpu.memref_squeeze %dma_start3A_48 : memref<1x1x250x80xi32, #tpu.memory_space<hbm>> -> memref<250x80xi32, #tpu.memory_space<hbm>>
      tpu.enqueue_dma source(%dma_start3A_49 : memref<250x80xi32, #tpu.memory_space<hbm>>) target(%arg8 : memref<250x80xi32, #tpu.memory_space<vmem>>) target_semaphore(%run_scoped3A : memref<!tpu.dma_semaphore, #tpu.memory_space<semaphore_mem>>)
      %dma_wait3A = arith.constant 0 : i32
      %dma_wait3A_50 = arith.constant 0 : i32
      %dma_wait3A_51 = tpu.memref_slice %arg5[%add3A_28, %arg1, %dma_wait3A, %dma_wait3A_50] : memref<4x16x250x80xi32, #tpu.memory_space<hbm>> -> memref<1x1x250x80xi32, #tpu.memory_space<hbm>>
      %dma_wait3A_52 = tpu.memref_squeeze %dma_wait3A_51 : memref<1x1x250x80xi32, #tpu.memory_space<hbm>> -> memref<250x80xi32, #tpu.memory_space<hbm>>
      %dma_wait3A_53 = arith.constant 0 : i32
      %dma_wait3A_54 = arith.constant 0 : i32
      %dma_wait3A_55 = tpu.memref_slice %arg5[%add3A_28, %arg1, %dma_wait3A_53, %dma_wait3A_54] : memref<4x16x250x80xi32, #tpu.memory_space<hbm>> -> memref<1x1x250x80xi32, #tpu.memory_space<hbm>>
      %dma_wait3A_56 = tpu.memref_squeeze %dma_wait3A_55 : memref<1x1x250x80xi32, #tpu.memory_space<hbm>> -> memref<250x80xi32, #tpu.memory_space<hbm>>
      tpu.wait_dma2 semaphore(%run_scoped3A : memref<!tpu.dma_semaphore, #tpu.memory_space<semaphore_mem>>) src(%dma_wait3A_56 : memref<250x80xi32, #tpu.memory_space<hbm>>) dst(%arg8 : memref<250x80xi32, #tpu.memory_space<vmem>>)
      tpu.yield
    }) : () -> ()
    %add3A_29 = arith.constant 0 : i32
    %add3A_30 = arith.addi %mul3A_6, %add3A_29 : i32
    "tpu.region"() ({
      %run_scoped3A = tpu.sem_alloc : memref<!tpu.dma_semaphore, #tpu.memory_space<semaphore_mem>>
      %dma_start3A = arith.constant 0 : i32
      %dma_start3A_43 = arith.constant 0 : i32
      %dma_start3A_44 = tpu.memref_slice %arg11[%dma_start3A, %dma_start3A_43] : memref<128x128xf32, #tpu.memory_space<vmem>> -> memref<128x128xf32, #tpu.memory_space<vmem>>
      %dma_start3A_45 = arith.constant 0 : i32
      %dma_start3A_46 = tpu.memref_slice %arg12[%add3A_30, %dma_start3A_45] : memref<2688x128xf32, #tpu.memory_space<vmem_shared>> -> memref<128x128xf32, #tpu.memory_space<vmem_shared>>
      %dma_start3A_47 = arith.constant 0 : i32
      %dma_start3A_48 = tpu.memref_slice %arg12[%add3A_30, %dma_start3A_47] : memref<2688x128xf32, #tpu.memory_space<vmem_shared>> -> memref<128x128xf32, #tpu.memory_space<vmem_shared>>
      %dma_start3A_49 = arith.constant 0 : i32
      %dma_start3A_50 = arith.constant 0 : i32
      %dma_start3A_51 = tpu.memref_slice %arg11[%dma_start3A_49, %dma_start3A_50] : memref<128x128xf32, #tpu.memory_space<vmem>> -> memref<128x128xf32, #tpu.memory_space<vmem>>
      tpu.enqueue_dma source(%dma_start3A_51 : memref<128x128xf32, #tpu.memory_space<vmem>>) target(%dma_start3A_48 : memref<128x128xf32, #tpu.memory_space<vmem_shared>>) target_semaphore(%run_scoped3A : memref<!tpu.dma_semaphore, #tpu.memory_space<semaphore_mem>>)
      %dma_wait3A = arith.constant 0 : i32
      %dma_wait3A_52 = arith.constant 0 : i32
      %dma_wait3A_53 = tpu.memref_slice %arg11[%dma_wait3A, %dma_wait3A_52] : memref<128x128xf32, #tpu.memory_space<vmem>> -> memref<128x128xf32, #tpu.memory_space<vmem>>
      %dma_wait3A_54 = arith.constant 0 : i32
      %dma_wait3A_55 = tpu.memref_slice %arg12[%add3A_30, %dma_wait3A_54] : memref<2688x128xf32, #tpu.memory_space<vmem_shared>> -> memref<128x128xf32, #tpu.memory_space<vmem_shared>>
      %dma_wait3A_56 = arith.constant 0 : i32
      %dma_wait3A_57 = tpu.memref_slice %arg12[%add3A_30, %dma_wait3A_56] : memref<2688x128xf32, #tpu.memory_space<vmem_shared>> -> memref<128x128xf32, #tpu.memory_space<vmem_shared>>
      %dma_wait3A_58 = arith.constant 0 : i32
      %dma_wait3A_59 = arith.constant 0 : i32
      %dma_wait3A_60 = tpu.memref_slice %arg11[%dma_wait3A_58, %dma_wait3A_59] : memref<128x128xf32, #tpu.memory_space<vmem>> -> memref<128x128xf32, #tpu.memory_space<vmem>>
      tpu.wait_dma2 semaphore(%run_scoped3A : memref<!tpu.dma_semaphore, #tpu.memory_space<semaphore_mem>>) src(%dma_wait3A_60 : memref<128x128xf32, #tpu.memory_space<vmem>>) dst(%dma_wait3A_57 : memref<128x128xf32, #tpu.memory_space<vmem_shared>>)
      tpu.yield
    }) : () -> ()
    %add3A_31 = arith.constant 128 : i32
    %add3A_32 = arith.addi %mul3A_6, %add3A_31 : i32
    "tpu.region"() ({
      %run_scoped3A = tpu.sem_alloc : memref<!tpu.dma_semaphore, #tpu.memory_space<semaphore_mem>>
      %dma_start3A = arith.constant 0 : i32
      %dma_start3A_43 = arith.constant 0 : i32
      %dma_start3A_44 = tpu.memref_slice %arg11[%dma_start3A, %dma_start3A_43] : memref<128x128xf32, #tpu.memory_space<vmem>> -> memref<40x128xf32, #tpu.memory_space<vmem>>
      %dma_start3A_45 = arith.constant 0 : i32
      %dma_start3A_46 = tpu.memref_slice %arg12[%add3A_32, %dma_start3A_45] : memref<2688x128xf32, #tpu.memory_space<vmem_shared>> -> memref<40x128xf32, #tpu.memory_space<vmem_shared>>
      %dma_start3A_47 = arith.constant 0 : i32
      %dma_start3A_48 = tpu.memref_slice %arg12[%add3A_32, %dma_start3A_47] : memref<2688x128xf32, #tpu.memory_space<vmem_shared>> -> memref<40x128xf32, #tpu.memory_space<vmem_shared>>
      %dma_start3A_49 = arith.constant 0 : i32
      %dma_start3A_50 = arith.constant 0 : i32
      %dma_start3A_51 = tpu.memref_slice %arg11[%dma_start3A_49, %dma_start3A_50] : memref<128x128xf32, #tpu.memory_space<vmem>> -> memref<40x128xf32, #tpu.memory_space<vmem>>
      tpu.enqueue_dma source(%dma_start3A_51 : memref<40x128xf32, #tpu.memory_space<vmem>>) target(%dma_start3A_48 : memref<40x128xf32, #tpu.memory_space<vmem_shared>>) target_semaphore(%run_scoped3A : memref<!tpu.dma_semaphore, #tpu.memory_space<semaphore_mem>>)
      %dma_wait3A = arith.constant 0 : i32
      %dma_wait3A_52 = arith.constant 0 : i32
      %dma_wait3A_53 = tpu.memref_slice %arg11[%dma_wait3A, %dma_wait3A_52] : memref<128x128xf32, #tpu.memory_space<vmem>> -> memref<40x128xf32, #tpu.memory_space<vmem>>
      %dma_wait3A_54 = arith.constant 0 : i32
      %dma_wait3A_55 = tpu.memref_slice %arg12[%add3A_32, %dma_wait3A_54] : memref<2688x128xf32, #tpu.memory_space<vmem_shared>> -> memref<40x128xf32, #tpu.memory_space<vmem_shared>>
      %dma_wait3A_56 = arith.constant 0 : i32
      %dma_wait3A_57 = tpu.memref_slice %arg12[%add3A_32, %dma_wait3A_56] : memref<2688x128xf32, #tpu.memory_space<vmem_shared>> -> memref<40x128xf32, #tpu.memory_space<vmem_shared>>
      %dma_wait3A_58 = arith.constant 0 : i32
      %dma_wait3A_59 = arith.constant 0 : i32
      %dma_wait3A_60 = tpu.memref_slice %arg11[%dma_wait3A_58, %dma_wait3A_59] : memref<128x128xf32, #tpu.memory_space<vmem>> -> memref<40x128xf32, #tpu.memory_space<vmem>>
      tpu.wait_dma2 semaphore(%run_scoped3A : memref<!tpu.dma_semaphore, #tpu.memory_space<semaphore_mem>>) src(%dma_wait3A_60 : memref<40x128xf32, #tpu.memory_space<vmem>>) dst(%dma_wait3A_57 : memref<40x128xf32, #tpu.memory_space<vmem_shared>>)
      tpu.yield
    }) : () -> ()
    %barrier3A_33 = arith.constant 0 : index
    tpu.barrier barrier_id(%barrier3A_33)
    %scan3A_34 = arith.constant 0 : i32
    %scan3A_35 = arith.constant 0 : i32
    %scan3A_36 = arith.constant 250 : i32
    %scan3A_37 = arith.addi %scan3A_35, %scan3A_36 : i32
    %scan3A_38 = arith.constant 1 : i32
    %scan3A_39 = scf.for %scan3A_43 = %scan3A_35 to %scan3A_37 step %scan3A_38 iter_args(%scan3A_44 = %scan3A_34) -> (i32)  : i32 {
      %dma_start3A = arith.constant 0 : i32
      %dma_start3A_45 = tpu.memref_slice %arg7[%scan3A_43, %dma_start3A] : memref<250x80xi32, #tpu.memory_space<vmem>> -> memref<1x80xi32, #tpu.memory_space<vmem>>
      %dma_start3A_46 = tpu.memref_squeeze %dma_start3A_45 : memref<1x80xi32, #tpu.memory_space<vmem>> -> memref<80xi32, #tpu.memory_space<vmem>>
      %dma_start3A_47 = arith.constant 0 : i32
      %dma_start3A_48 = arith.constant 0 : i32
      %dma_start3A_49 = tpu.memref_slice %arg2[%dma_start3A_47, %dma_start3A_48] : memref<10000x128xf32, #tpu.memory_space<hbm>> -> memref<10000x128xf32, #tpu.memory_space<hbm>>
      tpu.enqueue_indirect_dma source(%dma_start3A_49 : memref<10000x128xf32, #tpu.memory_space<hbm>>) target(%arg9 : memref<80x128xf32, #tpu.memory_space<vmem>>) offsets(%dma_start3A_46 : memref<80xi32, #tpu.memory_space<vmem>>) semaphore(%arg13 : memref<!tpu.dma_semaphore, #tpu.memory_space<semaphore_mem>>)
      %mul3A_50 = arith.constant 20000 : i32
      %mul3A_51 = arith.muli %arg1, %mul3A_50 : i32
      %mul3A_52 = arith.constant 80 : i32
      %mul3A_53 = arith.muli %scan3A_43, %mul3A_52 : i32
      %add3A_54 = arith.addi %mul3A_51, %mul3A_53 : i32
      %dma_start3A_55 = arith.constant 0 : i32
      %dma_start3A_56 = tpu.memref_slice %arg3[%add3A_54, %dma_start3A_55] : memref<320000x128xf32, #tpu.memory_space<hbm>> -> memref<80x128xf32, #tpu.memory_space<hbm>>
      %dma_start3A_57 = arith.constant 0 : i32
      %dma_start3A_58 = tpu.memref_slice %arg3[%add3A_54, %dma_start3A_57] : memref<320000x128xf32, #tpu.memory_space<hbm>> -> memref<80x128xf32, #tpu.memory_space<hbm>>
      tpu.enqueue_dma source(%dma_start3A_58 : memref<80x128xf32, #tpu.memory_space<hbm>>) target(%arg10 : memref<80x128xf32, #tpu.memory_space<vmem>>) target_semaphore(%arg14 : memref<!tpu.dma_semaphore, #tpu.memory_space<semaphore_mem>>)
      %dma_wait3A = arith.constant 0 : i32
      %dma_wait3A_59 = tpu.memref_slice %arg7[%scan3A_43, %dma_wait3A] : memref<250x80xi32, #tpu.memory_space<vmem>> -> memref<1x80xi32, #tpu.memory_space<vmem>>
      %dma_wait3A_60 = tpu.memref_squeeze %dma_wait3A_59 : memref<1x80xi32, #tpu.memory_space<vmem>> -> memref<80xi32, #tpu.memory_space<vmem>>
      %dma_wait3A_61 = arith.constant 0 : i32
      %dma_wait3A_62 = arith.constant 0 : i32
      %dma_wait3A_63 = tpu.memref_slice %arg2[%dma_wait3A_61, %dma_wait3A_62] : memref<10000x128xf32, #tpu.memory_space<hbm>> -> memref<10000x128xf32, #tpu.memory_space<hbm>>
      tpu.wait_indirect_dma semaphore(%arg13 : memref<!tpu.dma_semaphore, #tpu.memory_space<semaphore_mem>>) src(%dma_wait3A_63 : memref<10000x128xf32, #tpu.memory_space<hbm>>) dst(%arg9 : memref<80x128xf32, #tpu.memory_space<vmem>>)
      %mul3A_64 = arith.constant 20000 : i32
      %mul3A_65 = arith.muli %arg1, %mul3A_64 : i32
      %mul3A_66 = arith.constant 80 : i32
      %mul3A_67 = arith.muli %scan3A_43, %mul3A_66 : i32
      %add3A_68 = arith.addi %mul3A_65, %mul3A_67 : i32
      %dma_wait3A_69 = arith.constant 0 : i32
      %dma_wait3A_70 = tpu.memref_slice %arg3[%add3A_68, %dma_wait3A_69] : memref<320000x128xf32, #tpu.memory_space<hbm>> -> memref<80x128xf32, #tpu.memory_space<hbm>>
      %dma_wait3A_71 = arith.constant 0 : i32
      %dma_wait3A_72 = tpu.memref_slice %arg3[%add3A_68, %dma_wait3A_71] : memref<320000x128xf32, #tpu.memory_space<hbm>> -> memref<80x128xf32, #tpu.memory_space<hbm>>
      tpu.wait_dma2 semaphore(%arg14 : memref<!tpu.dma_semaphore, #tpu.memory_space<semaphore_mem>>) src(%dma_wait3A_72 : memref<80x128xf32, #tpu.memory_space<hbm>>) dst(%arg10 : memref<80x128xf32, #tpu.memory_space<vmem>>)
      %scan3A_73 = arith.constant 0 : i32
      %scan3A_74 = arith.constant 0 : i32
      %scan3A_75 = arith.constant 80 : i32
      %scan3A_76 = arith.addi %scan3A_74, %scan3A_75 : i32
      %scan3A_77 = arith.constant 1 : i32
      %scan3A_78 = scf.for %scan3A_81 = %scan3A_74 to %scan3A_76 step %scan3A_77 iter_args(%scan3A_82 = %scan3A_73) -> (i32)  : i32 {
        %get3A = arith.index_cast %scan3A_81 : i32 to index
        %get3A_83 = arith.constant 0 : index
        %get3A_84 = tpu.vector_load %arg10[%get3A, %get3A_83] {strides = array<i32>} : memref<80x128xf32, #tpu.memory_space<vmem>>, vector<1x16xf32>,
        %get3A_85 = vector.shape_cast %get3A_84 : vector<1x16xf32> to vector<16xf32>
        %get3A_86 = arith.index_cast %scan3A_81 : i32 to index
        %get3A_87 = arith.constant 0 : index
        %get3A_88 = tpu.vector_load %arg9[%get3A_86, %get3A_87] {strides = array<i32>} : memref<80x128xf32, #tpu.memory_space<vmem>>, vector<1x16xf32>,
        %get3A_89 = vector.shape_cast %get3A_88 : vector<1x16xf32> to vector<16xf32>
        %mul3A_90 = arith.mulf %get3A_85, %get3A_89 : vector<16xf32>
        %swap3A = arith.index_cast %scan3A_81 : i32 to index
        %swap3A_91 = arith.constant 0 : index
        %swap3A_92 = tpu.vector_load %arg10[%swap3A, %swap3A_91] {strides = array<i32>} : memref<80x128xf32, #tpu.memory_space<vmem>>, vector<1x16xf32>,
        %swap3A_93 = vector.shape_cast %swap3A_92 : vector<1x16xf32> to vector<16xf32>
        %swap3A_94 = vector.shape_cast %mul3A_90 : vector<16xf32> to vector<1x16xf32>
        tpu.vector_store %arg10[%swap3A, %swap3A_91], %swap3A_94 {strides = array<i32>} : memref<80x128xf32, #tpu.memory_space<vmem>>, vector<1x16xf32>,
        %get3A_95 = arith.index_cast %scan3A_81 : i32 to index
        %get3A_96 = arith.constant 16 : index
        %get3A_97 = tpu.vector_load %arg10[%get3A_95, %get3A_96] {strides = array<i32>} : memref<80x128xf32, #tpu.memory_space<vmem>>, vector<1x16xf32>,
        %get3A_98 = vector.shape_cast %get3A_97 : vector<1x16xf32> to vector<16xf32>
        %get3A_99 = arith.index_cast %scan3A_81 : i32 to index
        %get3A_100 = arith.constant 16 : index
        %get3A_101 = tpu.vector_load %arg9[%get3A_99, %get3A_100] {strides = array<i32>} : memref<80x128xf32, #tpu.memory_space<vmem>>, vector<1x16xf32>,
        %get3A_102 = vector.shape_cast %get3A_101 : vector<1x16xf32> to vector<16xf32>
        %mul3A_103 = arith.mulf %get3A_98, %get3A_102 : vector<16xf32>
        %swap3A_104 = arith.index_cast %scan3A_81 : i32 to index
        %swap3A_105 = arith.constant 16 : index
        %swap3A_106 = tpu.vector_load %arg10[%swap3A_104, %swap3A_105] {strides = array<i32>} : memref<80x128xf32, #tpu.memory_space<vmem>>, vector<1x16xf32>,
        %swap3A_107 = vector.shape_cast %swap3A_106 : vector<1x16xf32> to vector<16xf32>
        %swap3A_108 = vector.shape_cast %mul3A_103 : vector<16xf32> to vector<1x16xf32>
        tpu.vector_store %arg10[%swap3A_104, %swap3A_105], %swap3A_108 {strides = array<i32>} : memref<80x128xf32, #tpu.memory_space<vmem>>, vector<1x16xf32>,
        %get3A_109 = arith.index_cast %scan3A_81 : i32 to index
        %get3A_110 = arith.constant 32 : index
        %get3A_111 = tpu.vector_load %arg10[%get3A_109, %get3A_110] {strides = array<i32>} : memref<80x128xf32, #tpu.memory_space<vmem>>, vector<1x16xf32>,
        %get3A_112 = vector.shape_cast %get3A_111 : vector<1x16xf32> to vector<16xf32>
        %get3A_113 = arith.index_cast %scan3A_81 : i32 to index
        %get3A_114 = arith.constant 32 : index
        %get3A_115 = tpu.vector_load %arg9[%get3A_113, %get3A_114] {strides = array<i32>} : memref<80x128xf32, #tpu.memory_space<vmem>>, vector<1x16xf32>,
        %get3A_116 = vector.shape_cast %get3A_115 : vector<1x16xf32> to vector<16xf32>
        %mul3A_117 = arith.mulf %get3A_112, %get3A_116 : vector<16xf32>
        %swap3A_118 = arith.index_cast %scan3A_81 : i32 to index
        %swap3A_119 = arith.constant 32 : index
        %swap3A_120 = tpu.vector_load %arg10[%swap3A_118, %swap3A_119] {strides = array<i32>} : memref<80x128xf32, #tpu.memory_space<vmem>>, vector<1x16xf32>,
        %swap3A_121 = vector.shape_cast %swap3A_120 : vector<1x16xf32> to vector<16xf32>
        %swap3A_122 = vector.shape_cast %mul3A_117 : vector<16xf32> to vector<1x16xf32>
        tpu.vector_store %arg10[%swap3A_118, %swap3A_119], %swap3A_122 {strides = array<i32>} : memref<80x128xf32, #tpu.memory_space<vmem>>, vector<1x16xf32>,
        %get3A_123 = arith.index_cast %scan3A_81 : i32 to index
        %get3A_124 = arith.constant 48 : index
        %get3A_125 = tpu.vector_load %arg10[%get3A_123, %get3A_124] {strides = array<i32>} : memref<80x128xf32, #tpu.memory_space<vmem>>, vector<1x16xf32>,
        %get3A_126 = vector.shape_cast %get3A_125 : vector<1x16xf32> to vector<16xf32>
        %get3A_127 = arith.index_cast %scan3A_81 : i32 to index
        %get3A_128 = arith.constant 48 : index
        %get3A_129 = tpu.vector_load %arg9[%get3A_127, %get3A_128] {strides = array<i32>} : memref<80x128xf32, #tpu.memory_space<vmem>>, vector<1x16xf32>,
        %get3A_130 = vector.shape_cast %get3A_129 : vector<1x16xf32> to vector<16xf32>
        %mul3A_131 = arith.mulf %get3A_126, %get3A_130 : vector<16xf32>
        %swap3A_132 = arith.index_cast %scan3A_81 : i32 to index
        %swap3A_133 = arith.constant 48 : index
        %swap3A_134 = tpu.vector_load %arg10[%swap3A_132, %swap3A_133] {strides = array<i32>} : memref<80x128xf32, #tpu.memory_space<vmem>>, vector<1x16xf32>,
        %swap3A_135 = vector.shape_cast %swap3A_134 : vector<1x16xf32> to vector<16xf32>
        %swap3A_136 = vector.shape_cast %mul3A_131 : vector<16xf32> to vector<1x16xf32>
        tpu.vector_store %arg10[%swap3A_132, %swap3A_133], %swap3A_136 {strides = array<i32>} : memref<80x128xf32, #tpu.memory_space<vmem>>, vector<1x16xf32>,
        %get3A_137 = arith.index_cast %scan3A_81 : i32 to index
        %get3A_138 = arith.constant 64 : index
        %get3A_139 = tpu.vector_load %arg10[%get3A_137, %get3A_138] {strides = array<i32>} : memref<80x128xf32, #tpu.memory_space<vmem>>, vector<1x16xf32>,
        %get3A_140 = vector.shape_cast %get3A_139 : vector<1x16xf32> to vector<16xf32>
        %get3A_141 = arith.index_cast %scan3A_81 : i32 to index
        %get3A_142 = arith.constant 64 : index
        %get3A_143 = tpu.vector_load %arg9[%get3A_141, %get3A_142] {strides = array<i32>} : memref<80x128xf32, #tpu.memory_space<vmem>>, vector<1x16xf32>,
        %get3A_144 = vector.shape_cast %get3A_143 : vector<1x16xf32> to vector<16xf32>
        %mul3A_145 = arith.mulf %get3A_140, %get3A_144 : vector<16xf32>
        %swap3A_146 = arith.index_cast %scan3A_81 : i32 to index
        %swap3A_147 = arith.constant 64 : index
        %swap3A_148 = tpu.vector_load %arg10[%swap3A_146, %swap3A_147] {strides = array<i32>} : memref<80x128xf32, #tpu.memory_space<vmem>>, vector<1x16xf32>,
        %swap3A_149 = vector.shape_cast %swap3A_148 : vector<1x16xf32> to vector<16xf32>
        %swap3A_150 = vector.shape_cast %mul3A_145 : vector<16xf32> to vector<1x16xf32>
        tpu.vector_store %arg10[%swap3A_146, %swap3A_147], %swap3A_150 {strides = array<i32>} : memref<80x128xf32, #tpu.memory_space<vmem>>, vector<1x16xf32>,
        %get3A_151 = arith.index_cast %scan3A_81 : i32 to index
        %get3A_152 = arith.constant 80 : index
        %get3A_153 = tpu.vector_load %arg10[%get3A_151, %get3A_152] {strides = array<i32>} : memref<80x128xf32, #tpu.memory_space<vmem>>, vector<1x16xf32>,
        %get3A_154 = vector.shape_cast %get3A_153 : vector<1x16xf32> to vector<16xf32>
        %get3A_155 = arith.index_cast %scan3A_81 : i32 to index
        %get3A_156 = arith.constant 80 : index
        %get3A_157 = tpu.vector_load %arg9[%get3A_155, %get3A_156] {strides = array<i32>} : memref<80x128xf32, #tpu.memory_space<vmem>>, vector<1x16xf32>,
        %get3A_158 = vector.shape_cast %get3A_157 : vector<1x16xf32> to vector<16xf32>
        %mul3A_159 = arith.mulf %get3A_154, %get3A_158 : vector<16xf32>
        %swap3A_160 = arith.index_cast %scan3A_81 : i32 to index
        %swap3A_161 = arith.constant 80 : index
        %swap3A_162 = tpu.vector_load %arg10[%swap3A_160, %swap3A_161] {strides = array<i32>} : memref<80x128xf32, #tpu.memory_space<vmem>>, vector<1x16xf32>,
        %swap3A_163 = vector.shape_cast %swap3A_162 : vector<1x16xf32> to vector<16xf32>
        %swap3A_164 = vector.shape_cast %mul3A_159 : vector<16xf32> to vector<1x16xf32>
        tpu.vector_store %arg10[%swap3A_160, %swap3A_161], %swap3A_164 {strides = array<i32>} : memref<80x128xf32, #tpu.memory_space<vmem>>, vector<1x16xf32>,
        %get3A_165 = arith.index_cast %scan3A_81 : i32 to index
        %get3A_166 = arith.constant 96 : index
        %get3A_167 = tpu.vector_load %arg10[%get3A_165, %get3A_166] {strides = array<i32>} : memref<80x128xf32, #tpu.memory_space<vmem>>, vector<1x16xf32>,
        %get3A_168 = vector.shape_cast %get3A_167 : vector<1x16xf32> to vector<16xf32>
        %get3A_169 = arith.index_cast %scan3A_81 : i32 to index
        %get3A_170 = arith.constant 96 : index
        %get3A_171 = tpu.vector_load %arg9[%get3A_169, %get3A_170] {strides = array<i32>} : memref<80x128xf32, #tpu.memory_space<vmem>>, vector<1x16xf32>,
        %get3A_172 = vector.shape_cast %get3A_171 : vector<1x16xf32> to vector<16xf32>
        %mul3A_173 = arith.mulf %get3A_168, %get3A_172 : vector<16xf32>
        %swap3A_174 = arith.index_cast %scan3A_81 : i32 to index
        %swap3A_175 = arith.constant 96 : index
        %swap3A_176 = tpu.vector_load %arg10[%swap3A_174, %swap3A_175] {strides = array<i32>} : memref<80x128xf32, #tpu.memory_space<vmem>>, vector<1x16xf32>,
        %swap3A_177 = vector.shape_cast %swap3A_176 : vector<1x16xf32> to vector<16xf32>
        %swap3A_178 = vector.shape_cast %mul3A_173 : vector<16xf32> to vector<1x16xf32>
        tpu.vector_store %arg10[%swap3A_174, %swap3A_175], %swap3A_178 {strides = array<i32>} : memref<80x128xf32, #tpu.memory_space<vmem>>, vector<1x16xf32>,
        %get3A_179 = arith.index_cast %scan3A_81 : i32 to index
        %get3A_180 = arith.constant 112 : index
        %get3A_181 = tpu.vector_load %arg10[%get3A_179, %get3A_180] {strides = array<i32>} : memref<80x128xf32, #tpu.memory_space<vmem>>, vector<1x16xf32>,
        %get3A_182 = vector.shape_cast %get3A_181 : vector<1x16xf32> to vector<16xf32>
        %get3A_183 = arith.index_cast %scan3A_81 : i32 to index
        %get3A_184 = arith.constant 112 : index
        %get3A_185 = tpu.vector_load %arg9[%get3A_183, %get3A_184] {strides = array<i32>} : memref<80x128xf32, #tpu.memory_space<vmem>>, vector<1x16xf32>,
        %get3A_186 = vector.shape_cast %get3A_185 : vector<1x16xf32> to vector<16xf32>
        %mul3A_187 = arith.mulf %get3A_182, %get3A_186 : vector<16xf32>
        %swap3A_188 = arith.index_cast %scan3A_81 : i32 to index
        %swap3A_189 = arith.constant 112 : index
        %swap3A_190 = tpu.vector_load %arg10[%swap3A_188, %swap3A_189] {strides = array<i32>} : memref<80x128xf32, #tpu.memory_space<vmem>>, vector<1x16xf32>,
        %swap3A_191 = vector.shape_cast %swap3A_190 : vector<1x16xf32> to vector<16xf32>
        %swap3A_192 = vector.shape_cast %mul3A_187 : vector<16xf32> to vector<1x16xf32>
        tpu.vector_store %arg10[%swap3A_188, %swap3A_189], %swap3A_192 {strides = array<i32>} : memref<80x128xf32, #tpu.memory_space<vmem>>, vector<1x16xf32>,
        %scan3A_193 = arith.constant 0 : i32
        scf.yield %scan3A_193 : i32
      }
      %scan3A_79 = arith.constant 80 : i32
      "tpu.region"() ({
        %run_scoped3A = tpu.sem_alloc : memref<!tpu.dma_semaphore, #tpu.memory_space<semaphore_mem>>
        %dma_start3A_81 = arith.constant 0 : i32
        %dma_start3A_82 = tpu.memref_slice %arg8[%scan3A_43, %dma_start3A_81] : memref<250x80xi32, #tpu.memory_space<vmem>> -> memref<1x80xi32, #tpu.memory_space<vmem>>
        %dma_start3A_83 = tpu.memref_squeeze %dma_start3A_82 : memref<1x80xi32, #tpu.memory_space<vmem>> -> memref<80xi32, #tpu.memory_space<vmem>>
        %dma_start3A_84 = arith.constant 0 : i32
        %dma_start3A_85 = arith.constant 0 : i32
        %dma_start3A_86 = tpu.memref_slice %arg12[%dma_start3A_84, %dma_start3A_85] : memref<2688x128xf32, #tpu.memory_space<vmem_shared>> -> memref<2688x128xf32, #tpu.memory_space<vmem_shared>>
        tpu.enqueue_indirect_dma source(%arg10 : memref<80x128xf32, #tpu.memory_space<vmem>>) target(%dma_start3A_86 : memref<2688x128xf32, #tpu.memory_space<vmem_shared>>) offsets(%dma_start3A_83 : memref<80xi32, #tpu.memory_space<vmem>>) semaphore(%run_scoped3A : memref<!tpu.dma_semaphore, #tpu.memory_space<semaphore_mem>>) {add = true}
        %dma_wait3A_87 = arith.constant 0 : i32
        %dma_wait3A_88 = tpu.memref_slice %arg8[%scan3A_43, %dma_wait3A_87] : memref<250x80xi32, #tpu.memory_space<vmem>> -> memref<1x80xi32, #tpu.memory_space<vmem>>
        %dma_wait3A_89 = tpu.memref_squeeze %dma_wait3A_88 : memref<1x80xi32, #tpu.memory_space<vmem>> -> memref<80xi32, #tpu.memory_space<vmem>>
        %dma_wait3A_90 = arith.constant 0 : i32
        %dma_wait3A_91 = arith.constant 0 : i32
        %dma_wait3A_92 = tpu.memref_slice %arg12[%dma_wait3A_90, %dma_wait3A_91] : memref<2688x128xf32, #tpu.memory_space<vmem_shared>> -> memref<2688x128xf32, #tpu.memory_space<vmem_shared>>
        tpu.wait_indirect_dma semaphore(%run_scoped3A : memref<!tpu.dma_semaphore, #tpu.memory_space<semaphore_mem>>) src(%arg10 : memref<80x128xf32, #tpu.memory_space<vmem>>) dst(%dma_wait3A_92 : memref<2688x128xf32, #tpu.memory_space<vmem_shared>>)
        tpu.yield
      }) : () -> ()
      %scan3A_80 = arith.constant 0 : i32
      scf.yield %scan3A_80 : i32
    }
    %scan3A_40 = arith.constant 250 : i32
    %barrier3A_41 = arith.constant 0 : index
    tpu.barrier barrier_id(%barrier3A_41)
    "tpu.region"() ({
      %run_scoped3A = tpu.sem_alloc : memref<!tpu.dma_semaphore, #tpu.memory_space<semaphore_mem>>
      %dma_start3A = arith.constant 0 : i32
      %dma_start3A_43 = tpu.memref_slice %arg6[%add3A_28, %mul3A_8, %dma_start3A] : memref<4x2560x128xf32, #tpu.memory_space<hbm>> -> memref<1x160x128xf32, #tpu.memory_space<hbm>>
      %dma_start3A_44 = tpu.memref_squeeze %dma_start3A_43 : memref<1x160x128xf32, #tpu.memory_space<hbm>> -> memref<160x128xf32, #tpu.memory_space<hbm>>
      %dma_start3A_45 = arith.constant 0 : i32
      %dma_start3A_46 = tpu.memref_slice %arg12[%mul3A_8, %dma_start3A_45] : memref<2688x128xf32, #tpu.memory_space<vmem_shared>> -> memref<160x128xf32, #tpu.memory_space<vmem_shared>>
      tpu.enqueue_dma source(%dma_start3A_46 : memref<160x128xf32, #tpu.memory_space<vmem_shared>>) target(%dma_start3A_44 : memref<160x128xf32, #tpu.memory_space<hbm>>) target_semaphore(%run_scoped3A : memref<!tpu.dma_semaphore, #tpu.memory_space<semaphore_mem>>)
      %dma_wait3A = arith.constant 0 : i32
      %dma_wait3A_47 = tpu.memref_slice %arg6[%add3A_28, %mul3A_8, %dma_wait3A] : memref<4x2560x128xf32, #tpu.memory_space<hbm>> -> memref<1x160x128xf32, #tpu.memory_space<hbm>>
      %dma_wait3A_48 = tpu.memref_squeeze %dma_wait3A_47 : memref<1x160x128xf32, #tpu.memory_space<hbm>> -> memref<160x128xf32, #tpu.memory_space<hbm>>
      %dma_wait3A_49 = arith.constant 0 : i32
      %dma_wait3A_50 = tpu.memref_slice %arg12[%mul3A_8, %dma_wait3A_49] : memref<2688x128xf32, #tpu.memory_space<vmem_shared>> -> memref<160x128xf32, #tpu.memory_space<vmem_shared>>
      tpu.wait_dma2 semaphore(%run_scoped3A : memref<!tpu.dma_semaphore, #tpu.memory_space<semaphore_mem>>) src(%dma_wait3A_50 : memref<160x128xf32, #tpu.memory_space<vmem_shared>>) dst(%dma_wait3A_48 : memref<160x128xf32, #tpu.memory_space<hbm>>)
      tpu.yield
    }) : () -> ()
    %barrier3A_42 = arith.constant 0 : index
    tpu.barrier barrier_id(%barrier3A_42)
    return
  }
}

module attributes {stable_mosaic.version = 14 : i64} {
  func.func @_prep_idx_body(%arg0: i32, %arg1: memref<2500x128xi32, #tpu.memory_space<vmem>>, %arg2: memref<2500x128xi32, #tpu.memory_space<vmem>>, %arg3: memref<2500x128xi32, #tpu.memory_space<vmem>>, %arg4: memref<2500x128xi32, #tpu.memory_space<vmem>>, %arg5: memref<2500x128xi32, #tpu.memory_space<vmem>>) attributes {dimension_semantics = [#tpu.dimension_semantics<arbitrary>], iteration_bounds = array<i64: 1>, scalar_prefetch = 0 : i64, scratch_operands = 0 : i64, tpu.core_type = #tpu.core_type<tc>, window_params = [{pipeline_mode = #tpu.pipeline_mode<synchronous>, transform_indices = @transform_0, window_bounds = array<i64: 2500, 128>}, {pipeline_mode = #tpu.pipeline_mode<synchronous>, transform_indices = @transform_1, window_bounds = array<i64: 2500, 128>}, {pipeline_mode = #tpu.pipeline_mode<synchronous>, transform_indices = @transform_2, window_bounds = array<i64: 2500, 128>}, {pipeline_mode = #tpu.pipeline_mode<synchronous>, transform_indices = @transform_3, window_bounds = array<i64: 2500, 128>}, {pipeline_mode = #tpu.pipeline_mode<synchronous>, transform_indices = @transform_4, window_bounds = array<i64: 2500, 128>}]} {
    %get3A = arith.constant 0 : index
    %get3A_0 = arith.constant 0 : index
    %get3A_1 = vector.load %arg1[%get3A, %get3A_0] : memref<2500x128xi32, #tpu.memory_space<vmem>>, vector<2500x128xi32>
    %iota3A = tpu.iota {dimensions = array<i32: 0>} : vector<2500x128xi32>
    %iota3A_2 = tpu.iota {dimensions = array<i32: 1>} : vector<2500x128xi32>
    %mul3A = arith.constant 128 : i32
    %mul3A_3 = vector.broadcast %mul3A : i32 to vector<2500x128xi32>
    %mul3A_4 = arith.muli %iota3A, %mul3A_3 : vector<2500x128xi32>
    %add3A = arith.addi %mul3A_4, %iota3A_2 : vector<2500x128xi32>
    %jit3A = arith.constant 20000 : i32
    %div3A = vector.broadcast %jit3A : i32 to vector<2500x128xi32>
    %div3A_5 = arith.divsi %add3A, %div3A : vector<2500x128xi32>
    %sign3A = arith.constant 0 : i32
    %sign3A_6 = vector.broadcast %sign3A : i32 to vector<2500x128xi32>
    %sign3A_7 = arith.cmpi sgt, %add3A, %sign3A_6 : vector<2500x128xi32>
    %sign3A_8 = arith.extui %sign3A_7 : vector<2500x128xi1> to vector<2500x128xi32>
    %sign3A_9 = arith.constant 0 : i32
    %sign3A_10 = vector.broadcast %sign3A_9 : i32 to vector<2500x128xi32>
    %sign3A_11 = arith.cmpi slt, %add3A, %sign3A_10 : vector<2500x128xi32>
    %sign3A_12 = arith.extui %sign3A_11 : vector<2500x128xi1> to vector<2500x128xi32>
    %sign3A_13 = arith.subi %sign3A_8, %sign3A_12 : vector<2500x128xi32>
    %sign3A_14 = arith.constant 0 : i32
    %sign3A_15 = arith.cmpi sgt, %jit3A, %sign3A_14 : i32
    %sign3A_16 = arith.extui %sign3A_15 : i1 to i32
    %sign3A_17 = arith.constant 0 : i32
    %sign3A_18 = arith.cmpi slt, %jit3A, %sign3A_17 : i32
    %sign3A_19 = arith.extui %sign3A_18 : i1 to i32
    %sign3A_20 = arith.subi %sign3A_16, %sign3A_19 : i32
    %ne3A = vector.broadcast %sign3A_20 : i32 to vector<2500x128xi32>
    %ne3A_21 = arith.cmpi ne, %sign3A_13, %ne3A : vector<2500x128xi32>
    %rem3A = vector.broadcast %jit3A : i32 to vector<2500x128xi32>
    %rem3A_22 = arith.remsi %add3A, %rem3A : vector<2500x128xi32>
    %ne3A_23 = arith.constant 0 : i32
    %ne3A_24 = vector.broadcast %ne3A_23 : i32 to vector<2500x128xi32>
    %ne3A_25 = arith.cmpi ne, %rem3A_22, %ne3A_24 : vector<2500x128xi32>
    %and3A = arith.andi %ne3A_21, %ne3A_25 : vector<2500x128xi1>
    %sub3A = arith.constant 1 : i32
    %sub3A_26 = vector.broadcast %sub3A : i32 to vector<2500x128xi32>
    %sub3A_27 = arith.subi %div3A_5, %sub3A_26 : vector<2500x128xi32>
    %select_n3A = arith.select %and3A, %sub3A_27, %div3A_5 : vector<2500x128xi1>, vector<2500x128xi32>
    %add3A_28 = arith.constant 2560 : i32
    %add3A_29 = vector.broadcast %add3A_28 : i32 to vector<2500x128xi32>
    %add3A_30 = arith.addi %add3A_29, %select_n3A : vector<2500x128xi32>
    %ge3A = arith.constant 0 : i32
    %ge3A_31 = vector.broadcast %ge3A : i32 to vector<2500x128xi32>
    %ge3A_32 = arith.cmpi sge, %get3A_1, %ge3A_31 : vector<2500x128xi32>
    %lt3A = arith.constant 2560 : i32
    %lt3A_33 = vector.broadcast %lt3A : i32 to vector<2500x128xi32>
    %lt3A_34 = arith.cmpi slt, %get3A_1, %lt3A_33 : vector<2500x128xi32>
    %and3A_35 = arith.andi %ge3A_32, %lt3A_34 : vector<2500x128xi1>
    %sub3A_36 = arith.constant 0 : i32
    %sub3A_37 = vector.broadcast %sub3A_36 : i32 to vector<2500x128xi32>
    %sub3A_38 = arith.subi %get3A_1, %sub3A_37 : vector<2500x128xi32>
    %select_n3A_39 = arith.select %and3A_35, %sub3A_38, %add3A_30 : vector<2500x128xi1>, vector<2500x128xi32>
    %swap3A = arith.constant 0 : index
    %swap3A_40 = arith.constant 0 : index
    %swap3A_41 = vector.load %arg2[%swap3A, %swap3A_40] : memref<2500x128xi32, #tpu.memory_space<vmem>>, vector<2500x128xi32>
    tpu.vector_store %arg2[%swap3A, %swap3A_40], %select_n3A_39 {strides = array<i32>} : memref<2500x128xi32, #tpu.memory_space<vmem>>, vector<2500x128xi32>,
    %ge3A_42 = arith.constant 2560 : i32
    %ge3A_43 = vector.broadcast %ge3A_42 : i32 to vector<2500x128xi32>
    %ge3A_44 = arith.cmpi sge, %get3A_1, %ge3A_43 : vector<2500x128xi32>
    %lt3A_45 = arith.constant 5120 : i32
    %lt3A_46 = vector.broadcast %lt3A_45 : i32 to vector<2500x128xi32>
    %lt3A_47 = arith.cmpi slt, %get3A_1, %lt3A_46 : vector<2500x128xi32>
    %and3A_48 = arith.andi %ge3A_44, %lt3A_47 : vector<2500x128xi1>
    %sub3A_49 = arith.constant 2560 : i32
    %sub3A_50 = vector.broadcast %sub3A_49 : i32 to vector<2500x128xi32>
    %sub3A_51 = arith.subi %get3A_1, %sub3A_50 : vector<2500x128xi32>
    %select_n3A_52 = arith.select %and3A_48, %sub3A_51, %add3A_30 : vector<2500x128xi1>, vector<2500x128xi32>
    %swap3A_53 = arith.constant 0 : index
    %swap3A_54 = arith.constant 0 : index
    %swap3A_55 = vector.load %arg3[%swap3A_53, %swap3A_54] : memref<2500x128xi32, #tpu.memory_space<vmem>>, vector<2500x128xi32>
    tpu.vector_store %arg3[%swap3A_53, %swap3A_54], %select_n3A_52 {strides = array<i32>} : memref<2500x128xi32, #tpu.memory_space<vmem>>, vector<2500x128xi32>,
    %ge3A_56 = arith.constant 5120 : i32
    %ge3A_57 = vector.broadcast %ge3A_56 : i32 to vector<2500x128xi32>
    %ge3A_58 = arith.cmpi sge, %get3A_1, %ge3A_57 : vector<2500x128xi32>
    %lt3A_59 = arith.constant 7680 : i32
    %lt3A_60 = vector.broadcast %lt3A_59 : i32 to vector<2500x128xi32>
    %lt3A_61 = arith.cmpi slt, %get3A_1, %lt3A_60 : vector<2500x128xi32>
    %and3A_62 = arith.andi %ge3A_58, %lt3A_61 : vector<2500x128xi1>
    %sub3A_63 = arith.constant 5120 : i32
    %sub3A_64 = vector.broadcast %sub3A_63 : i32 to vector<2500x128xi32>
    %sub3A_65 = arith.subi %get3A_1, %sub3A_64 : vector<2500x128xi32>
    %select_n3A_66 = arith.select %and3A_62, %sub3A_65, %add3A_30 : vector<2500x128xi1>, vector<2500x128xi32>
    %swap3A_67 = arith.constant 0 : index
    %swap3A_68 = arith.constant 0 : index
    %swap3A_69 = vector.load %arg4[%swap3A_67, %swap3A_68] : memref<2500x128xi32, #tpu.memory_space<vmem>>, vector<2500x128xi32>
    tpu.vector_store %arg4[%swap3A_67, %swap3A_68], %select_n3A_66 {strides = array<i32>} : memref<2500x128xi32, #tpu.memory_space<vmem>>, vector<2500x128xi32>,
    %ge3A_70 = arith.constant 7680 : i32
    %ge3A_71 = vector.broadcast %ge3A_70 : i32 to vector<2500x128xi32>
    %ge3A_72 = arith.cmpi sge, %get3A_1, %ge3A_71 : vector<2500x128xi32>
    %lt3A_73 = arith.constant 10240 : i32
    %lt3A_74 = vector.broadcast %lt3A_73 : i32 to vector<2500x128xi32>
    %lt3A_75 = arith.cmpi slt, %get3A_1, %lt3A_74 : vector<2500x128xi32>
    %and3A_76 = arith.andi %ge3A_72, %lt3A_75 : vector<2500x128xi1>
    %sub3A_77 = arith.constant 7680 : i32
    %sub3A_78 = vector.broadcast %sub3A_77 : i32 to vector<2500x128xi32>
    %sub3A_79 = arith.subi %get3A_1, %sub3A_78 : vector<2500x128xi32>
    %select_n3A_80 = arith.select %and3A_76, %sub3A_79, %add3A_30 : vector<2500x128xi1>, vector<2500x128xi32>
    %swap3A_81 = arith.constant 0 : index
    %swap3A_82 = arith.constant 0 : index
    %swap3A_83 = vector.load %arg5[%swap3A_81, %swap3A_82] : memref<2500x128xi32, #tpu.memory_space<vmem>>, vector<2500x128xi32>
    tpu.vector_store %arg5[%swap3A_81, %swap3A_82], %select_n3A_80 {strides = array<i32>} : memref<2500x128xi32, #tpu.memory_space<vmem>>, vector<2500x128xi32>,
    return
  }
  func.func @transform_0(%arg0: i32) -> (i32, i32) {
    %c0_i32 = arith.constant 0 : i32
    %c0_i32_0 = arith.constant 0 : i32
    %c0_i32_1 = arith.constant 0 : i32
    return %c0_i32, %c0_i32_0 : i32, i32
  }
  func.func @transform_1(%arg0: i32) -> (i32, i32) {
    %c0_i32 = arith.constant 0 : i32
    %c0_i32_0 = arith.constant 0 : i32
    %c0_i32_1 = arith.constant 0 : i32
    return %c0_i32, %c0_i32_0 : i32, i32
  }
  func.func @transform_2(%arg0: i32) -> (i32, i32) {
    %c0_i32 = arith.constant 0 : i32
    %c0_i32_0 = arith.constant 0 : i32
    %c0_i32_1 = arith.constant 0 : i32
    return %c0_i32, %c0_i32_0 : i32, i32
  }
  func.func @transform_3(%arg0: i32) -> (i32, i32) {
    %c0_i32 = arith.constant 0 : i32
    %c0_i32_0 = arith.constant 0 : i32
    %c0_i32_1 = arith.constant 0 : i32
    return %c0_i32, %c0_i32_0 : i32, i32
  }
  func.func @transform_4(%arg0: i32) -> (i32, i32) {
    %c0_i32 = arith.constant 0 : i32
    %c0_i32_0 = arith.constant 0 : i32
    %c0_i32_1 = arith.constant 0 : i32
    return %c0_i32, %c0_i32_0 : i32, i32
  }
}

module attributes {stable_mosaic.version = 14 : i64} {
  func.func @_embed_body(%arg0: i32, %arg1: memref<1000x1xi32, #tpu.memory_space<vmem>>, %arg2: memref<100x128xf32, #tpu.memory_space<vmem>>, %arg3: memref<128x128xf32, #tpu.memory_space<vmem>>, %arg4: memref<1000x128xf32, #tpu.memory_space<vmem>>, %arg5: memref<1000x128xf32, #tpu.memory_space<vmem>>) attributes {dimension_semantics = [#tpu.dimension_semantics<arbitrary>], iteration_bounds = array<i64: 10>, scalar_prefetch = 0 : i64, scratch_operands = 0 : i64, tpu.core_type = #tpu.core_type<tc>, window_params = [{transform_indices = @transform_0, window_bounds = array<i64: 1000, 1>}, {pipeline_mode = #tpu.pipeline_mode<synchronous>, transform_indices = @transform_1, window_bounds = array<i64: 100, 128>}, {pipeline_mode = #tpu.pipeline_mode<synchronous>, transform_indices = @transform_2, window_bounds = array<i64: 128, 128>}, {transform_indices = @transform_3, window_bounds = array<i64: 1000, 128>}, {transform_indices = @transform_4, window_bounds = array<i64: 1000, 128>}]} {
    %get3A = arith.constant 0 : index
    %get3A_0 = arith.constant 0 : index
    %get3A_1 = vector.load %arg1[%get3A, %get3A_0] : memref<1000x1xi32, #tpu.memory_space<vmem>>, vector<1000x1xi32>
    %iota3A = tpu.iota {dimensions = array<i32: 1>} : vector<1000x100xi32>
    %eq3A = vector.broadcast %get3A_1 : vector<1000x1xi32> to vector<1000x100xi32>
    %eq3A_2 = arith.cmpi eq, %eq3A, %iota3A : vector<1000x100xi32>
    %convert_element_type3A = arith.extui %eq3A_2 : vector<1000x100xi1> to vector<1000x100xi32>
    %convert_element_type3A_3 = arith.sitofp %convert_element_type3A : vector<1000x100xi32> to vector<1000x100xf32>
    %get3A_4 = arith.constant 0 : index
    %get3A_5 = arith.constant 0 : index
    %get3A_6 = vector.load %arg2[%get3A_4, %get3A_5] : memref<100x128xf32, #tpu.memory_space<vmem>>, vector<100x128xf32>
    %dot_general3A = arith.constant dense<0.000000e+00> : vector<1000x128xf32>
    %dot_general3A_7 = tpu.matmul %convert_element_type3A_3, %get3A_6, %dot_general3A {dimension_numbers = #tpu.dot_dimension_numbers<[1], [0], [0], [1], [0, 0, 1, 1], [], []>, transpose_lhs_hint = false} : vector<1000x100xf32>, vector<100x128xf32>, vector<1000x128xf32> -> vector<1000x128xf32>
    %swap3A = arith.constant 0 : index
    %swap3A_8 = arith.constant 0 : index
    %swap3A_9 = vector.load %arg4[%swap3A, %swap3A_8] : memref<1000x128xf32, #tpu.memory_space<vmem>>, vector<1000x128xf32>
    tpu.vector_store %arg4[%swap3A, %swap3A_8], %dot_general3A_7 {strides = array<i32>} : memref<1000x128xf32, #tpu.memory_space<vmem>>, vector<1000x128xf32>,
    %get3A_10 = arith.constant 0 : index
    %get3A_11 = arith.constant 0 : index
    %get3A_12 = vector.load %arg3[%get3A_10, %get3A_11] : memref<128x128xf32, #tpu.memory_space<vmem>>, vector<128x128xf32>
    %dot_general3A_13 = arith.constant dense<0.000000e+00> : vector<1000x128xf32>
    %dot_general3A_14 = tpu.matmul %dot_general3A_7, %get3A_12, %dot_general3A_13 {dimension_numbers = #tpu.dot_dimension_numbers<[1], [0], [0], [1], [0, 0, 1, 1], [], []>, transpose_lhs_hint = false} : vector<1000x128xf32>, vector<128x128xf32>, vector<1000x128xf32> -> vector<1000x128xf32>
    %swap3A_15 = arith.constant 0 : index
    %swap3A_16 = arith.constant 0 : index
    %swap3A_17 = vector.load %arg5[%swap3A_15, %swap3A_16] : memref<1000x128xf32, #tpu.memory_space<vmem>>, vector<1000x128xf32>
    tpu.vector_store %arg5[%swap3A_15, %swap3A_16], %dot_general3A_14 {strides = array<i32>} : memref<1000x128xf32, #tpu.memory_space<vmem>>, vector<1000x128xf32>,
    return
  }
  func.func @transform_0(%arg0: i32) -> (i32, i32) {
    %c0_i32 = arith.constant 0 : i32
    %c0_i32_0 = arith.constant 0 : i32
    return %arg0, %c0_i32 : i32, i32
  }
  func.func @transform_1(%arg0: i32) -> (i32, i32) {
    %c0_i32 = arith.constant 0 : i32
    %c0_i32_0 = arith.constant 0 : i32
    %c0_i32_1 = arith.constant 0 : i32
    return %c0_i32, %c0_i32_0 : i32, i32
  }
  func.func @transform_2(%arg0: i32) -> (i32, i32) {
    %c0_i32 = arith.constant 0 : i32
    %c0_i32_0 = arith.constant 0 : i32
    %c0_i32_1 = arith.constant 0 : i32
    return %c0_i32, %c0_i32_0 : i32, i32
  }
  func.func @transform_3(%arg0: i32) -> (i32, i32) {
    %c0_i32 = arith.constant 0 : i32
    %c0_i32_0 = arith.constant 0 : i32
    return %arg0, %c0_i32 : i32, i32
  }
  func.func @transform_4(%arg0: i32) -> (i32, i32) {
    %c0_i32 = arith.constant 0 : i32
    %c0_i32_0 = arith.constant 0 : i32
    return %arg0, %c0_i32 : i32, i32
  }
}

module attributes {stable_mosaic.version = 14 : i64} {
  func.func @_edge_filter_body(%arg0: i32, %arg1: memref<1600x3xf32, #tpu.memory_space<vmem>>, %arg2: memref<20x128xf32, #tpu.memory_space<vmem>>, %arg3: memref<1x128xf32, #tpu.memory_space<vmem>>, %arg4: memref<128x128xf32, #tpu.memory_space<vmem>>, %arg5: memref<1x128xf32, #tpu.memory_space<vmem>>, %arg6: memref<1600x128xf32, #tpu.memory_space<vmem>>) attributes {dimension_semantics = [#tpu.dimension_semantics<arbitrary>], iteration_bounds = array<i64: 200>, scalar_prefetch = 0 : i64, scratch_operands = 0 : i64, tpu.core_type = #tpu.core_type<tc>, window_params = [{transform_indices = @transform_0, window_bounds = array<i64: 1600, 3>}, {pipeline_mode = #tpu.pipeline_mode<synchronous>, transform_indices = @transform_1, window_bounds = array<i64: 20, 128>}, {pipeline_mode = #tpu.pipeline_mode<synchronous>, transform_indices = @transform_2, window_bounds = array<i64: 1, 128>}, {pipeline_mode = #tpu.pipeline_mode<synchronous>, transform_indices = @transform_3, window_bounds = array<i64: 128, 128>}, {pipeline_mode = #tpu.pipeline_mode<synchronous>, transform_indices = @transform_4, window_bounds = array<i64: 1, 128>}, {transform_indices = @transform_5, window_bounds = array<i64: 1600, 128>}]} {
    %get3A = arith.constant 0 : index
    %get3A_0 = arith.constant 0 : index
    %get3A_1 = vector.load %arg1[%get3A, %get3A_0] : memref<1600x3xf32, #tpu.memory_space<vmem>>, vector<1600x3xf32>
    %mul3A = arith.mulf %get3A_1, %get3A_1 : vector<1600x3xf32>
    %reduce_sum3A = arith.constant dense<0.000000e+00> : vector<1600xf32>
    %reduce_sum3A_2 = vector.multi_reduction <add>, %mul3A, %reduce_sum3A [1] : vector<1600x3xf32> to vector<1600xf32>
    %broadcast_in_dim3A = vector.shape_cast %reduce_sum3A_2 : vector<1600xf32> to vector<1600x1xf32>
    %sqrt3A = math.sqrt %broadcast_in_dim3A : vector<1600x1xf32>
    %iota3A = tpu.iota {dimensions = array<i32: 1>} : vector<1x20xi32>
    %convert_element_type3A = arith.sitofp %iota3A : vector<1x20xi32> to vector<1x20xf32>
    %mul3A_3 = arith.constant 0.263157904 : f32
    %mul3A_4 = vector.broadcast %mul3A_3 : f32 to vector<1x20xf32>
    %mul3A_5 = arith.mulf %convert_element_type3A, %mul3A_4 : vector<1x20xf32>
    %sub3A = vector.broadcast %sqrt3A : vector<1600x1xf32> to vector<1600x20xf32>
    %sub3A_6 = vector.broadcast %mul3A_5 : vector<1x20xf32> to vector<1600x20xf32>
    %sub3A_7 = arith.subf %sub3A, %sub3A_6 : vector<1600x20xf32>
    %integer_pow3A = arith.mulf %sub3A_7, %sub3A_7 : vector<1600x20xf32>
    %mul3A_8 = arith.constant -7.220000e+00 : f32
    %mul3A_9 = vector.broadcast %mul3A_8 : f32 to vector<1600x20xf32>
    %mul3A_10 = arith.mulf %mul3A_9, %integer_pow3A : vector<1600x20xf32>
    %exp3A = math.exp %mul3A_10 : vector<1600x20xf32>
    %mul3A_11 = arith.constant 0.628318548 : f32
    %mul3A_12 = vector.broadcast %mul3A_11 : f32 to vector<1600x1xf32>
    %mul3A_13 = arith.mulf %sqrt3A, %mul3A_12 : vector<1600x1xf32>
    %cos3A = math.cos %mul3A_13 : vector<1600x1xf32>
    %add3A = arith.constant 1.000000e+00 : f32
    %add3A_14 = vector.broadcast %add3A : f32 to vector<1600x1xf32>
    %add3A_15 = arith.addf %cos3A, %add3A_14 : vector<1600x1xf32>
    %mul3A_16 = arith.constant 5.000000e-01 : f32
    %mul3A_17 = vector.broadcast %mul3A_16 : f32 to vector<1600x1xf32>
    %mul3A_18 = arith.mulf %mul3A_17, %add3A_15 : vector<1600x1xf32>
    %lt3A = arith.constant 5.000000e+00 : f32
    %lt3A_19 = vector.broadcast %lt3A : f32 to vector<1600x1xf32>
    %lt3A_20 = arith.cmpf olt, %sqrt3A, %lt3A_19 : vector<1600x1xf32>
    %convert_element_type3A_21 = arith.extui %lt3A_20 : vector<1600x1xi1> to vector<1600x1xi32>
    %convert_element_type3A_22 = arith.sitofp %convert_element_type3A_21 : vector<1600x1xi32> to vector<1600x1xf32>
    %mul3A_23 = arith.mulf %mul3A_18, %convert_element_type3A_22 : vector<1600x1xf32>
    %get3A_24 = arith.constant 0 : index
    %get3A_25 = arith.constant 0 : index
    %get3A_26 = vector.load %arg2[%get3A_24, %get3A_25] : memref<20x128xf32, #tpu.memory_space<vmem>>, vector<20x128xf32>
    %dot_general3A = arith.constant dense<0.000000e+00> : vector<1600x128xf32>
    %dot_general3A_27 = tpu.matmul %exp3A, %get3A_26, %dot_general3A {dimension_numbers = #tpu.dot_dimension_numbers<[1], [0], [0], [1], [0, 0, 1, 1], [], []>, transpose_lhs_hint = false} : vector<1600x20xf32>, vector<20x128xf32>, vector<1600x128xf32> -> vector<1600x128xf32>
    %get3A_28 = arith.constant 0 : index
    %get3A_29 = arith.constant 0 : index
    %get3A_30 = vector.load %arg3[%get3A_28, %get3A_29] : memref<1x128xf32, #tpu.memory_space<vmem>>, vector<1x128xf32>
    %add3A_31 = vector.broadcast %get3A_30 : vector<1x128xf32> to vector<1600x128xf32>
    %add3A_32 = arith.addf %dot_general3A_27, %add3A_31 : vector<1600x128xf32>
    %custom_jvp_call3A = arith.constant 0.000000e+00 : f32
    %max3A = vector.broadcast %custom_jvp_call3A : f32 to vector<1600x128xf32>
    %max3A_33 = arith.maximumf %add3A_32, %max3A : vector<1600x128xf32>
    %sub3A_34 = vector.broadcast %custom_jvp_call3A : f32 to vector<1600x128xf32>
    %sub3A_35 = arith.subf %add3A_32, %sub3A_34 : vector<1600x128xf32>
    %ne3A = arith.cmpf one, %sub3A_35, %sub3A_35 : vector<1600x128xf32>
    %add3A_36 = vector.broadcast %custom_jvp_call3A : f32 to vector<1600x128xf32>
    %add3A_37 = arith.addf %add3A_32, %add3A_36 : vector<1600x128xf32>
    %abs3A = math.absf %sub3A_35 : vector<1600x128xf32>
    %neg3A = arith.constant 0.000000e+00 : f32
    %neg3A_38 = vector.broadcast %neg3A : f32 to vector<1600x128xf32>
    %neg3A_39 = arith.subf %neg3A_38, %abs3A : vector<1600x128xf32>
    %exp3A_40 = math.exp %neg3A_39 : vector<1600x128xf32>
    %log1p3A = math.log1p %exp3A_40 : vector<1600x128xf32>
    %add3A_41 = arith.addf %max3A_33, %log1p3A : vector<1600x128xf32>
    %select_n3A = arith.select %ne3A, %add3A_37, %add3A_41 : vector<1600x128xi1>, vector<1600x128xf32>
    %log3A = arith.constant 2.000000e+00 : f32
    %log3A_42 = math.log %log3A : f32
    %sub3A_43 = vector.broadcast %log3A_42 : f32 to vector<1600x128xf32>
    %sub3A_44 = arith.subf %select_n3A, %sub3A_43 : vector<1600x128xf32>
    %get3A_45 = arith.constant 0 : index
    %get3A_46 = arith.constant 0 : index
    %get3A_47 = vector.load %arg4[%get3A_45, %get3A_46] : memref<128x128xf32, #tpu.memory_space<vmem>>, vector<128x128xf32>
    %dot_general3A_48 = arith.constant dense<0.000000e+00> : vector<1600x128xf32>
    %dot_general3A_49 = tpu.matmul %sub3A_44, %get3A_47, %dot_general3A_48 {dimension_numbers = #tpu.dot_dimension_numbers<[1], [0], [0], [1], [0, 0, 1, 1], [], []>, transpose_lhs_hint = false} : vector<1600x128xf32>, vector<128x128xf32>, vector<1600x128xf32> -> vector<1600x128xf32>
    %get3A_50 = arith.constant 0 : index
    %get3A_51 = arith.constant 0 : index
    %get3A_52 = vector.load %arg5[%get3A_50, %get3A_51] : memref<1x128xf32, #tpu.memory_space<vmem>>, vector<1x128xf32>
    %add3A_53 = vector.broadcast %get3A_52 : vector<1x128xf32> to vector<1600x128xf32>
    %add3A_54 = arith.addf %dot_general3A_49, %add3A_53 : vector<1600x128xf32>
    %mul3A_55 = vector.broadcast %mul3A_23 : vector<1600x1xf32> to vector<1600x128xf32>
    %mul3A_56 = arith.mulf %add3A_54, %mul3A_55 : vector<1600x128xf32>
    %swap3A = arith.constant 0 : index
    %swap3A_57 = arith.constant 0 : index
    %swap3A_58 = vector.load %arg6[%swap3A, %swap3A_57] : memref<1600x128xf32, #tpu.memory_space<vmem>>, vector<1600x128xf32>
    tpu.vector_store %arg6[%swap3A, %swap3A_57], %mul3A_56 {strides = array<i32>} : memref<1600x128xf32, #tpu.memory_space<vmem>>, vector<1600x128xf32>,
    return
  }
  func.func @transform_0(%arg0: i32) -> (i32, i32) {
    %c0_i32 = arith.constant 0 : i32
    %c0_i32_0 = arith.constant 0 : i32
    return %arg0, %c0_i32 : i32, i32
  }
  func.func @transform_1(%arg0: i32) -> (i32, i32) {
    %c0_i32 = arith.constant 0 : i32
    %c0_i32_0 = arith.constant 0 : i32
    %c0_i32_1 = arith.constant 0 : i32
    return %c0_i32, %c0_i32_0 : i32, i32
  }
  func.func @transform_2(%arg0: i32) -> (i32, i32) {
    %c0_i32 = arith.constant 0 : i32
    %c0_i32_0 = arith.constant 0 : i32
    %c0_i32_1 = arith.constant 0 : i32
    return %c0_i32, %c0_i32_0 : i32, i32
  }
  func.func @transform_3(%arg0: i32) -> (i32, i32) {
    %c0_i32 = arith.constant 0 : i32
    %c0_i32_0 = arith.constant 0 : i32
    %c0_i32_1 = arith.constant 0 : i32
    return %c0_i32, %c0_i32_0 : i32, i32
  }
  func.func @transform_4(%arg0: i32) -> (i32, i32) {
    %c0_i32 = arith.constant 0 : i32
    %c0_i32_0 = arith.constant 0 : i32
    %c0_i32_1 = arith.constant 0 : i32
    return %c0_i32, %c0_i32_0 : i32, i32
  }
  func.func @transform_5(%arg0: i32) -> (i32, i32) {
    %c0_i32 = arith.constant 0 : i32
    %c0_i32_0 = arith.constant 0 : i32
    return %arg0, %c0_i32 : i32, i32
  }
}

module attributes {stable_mosaic.version = 14 : i64} {
  func.func @_node_body(%arg0: i32, %arg1: memref<1000x128xf32, #tpu.memory_space<vmem>>, %arg2: memref<1000x128xf32, #tpu.memory_space<vmem>>, %arg3: memref<128x128xf32, #tpu.memory_space<vmem>>, %arg4: memref<1x128xf32, #tpu.memory_space<vmem>>, %arg5: memref<128x128xf32, #tpu.memory_space<vmem>>, %arg6: memref<1x128xf32, #tpu.memory_space<vmem>>, %arg7: memref<128x128xf32, #tpu.memory_space<vmem>>, %arg8: memref<1000x128xf32, #tpu.memory_space<vmem>>, %arg9: memref<1000x128xf32, #tpu.memory_space<vmem>>) attributes {dimension_semantics = [#tpu.dimension_semantics<arbitrary>], iteration_bounds = array<i64: 10>, scalar_prefetch = 0 : i64, scratch_operands = 0 : i64, tpu.core_type = #tpu.core_type<tc>, window_params = [{transform_indices = @transform_0, window_bounds = array<i64: 1000, 128>}, {transform_indices = @transform_1, window_bounds = array<i64: 1000, 128>}, {pipeline_mode = #tpu.pipeline_mode<synchronous>, transform_indices = @transform_2, window_bounds = array<i64: 128, 128>}, {pipeline_mode = #tpu.pipeline_mode<synchronous>, transform_indices = @transform_3, window_bounds = array<i64: 1, 128>}, {pipeline_mode = #tpu.pipeline_mode<synchronous>, transform_indices = @transform_4, window_bounds = array<i64: 128, 128>}, {pipeline_mode = #tpu.pipeline_mode<synchronous>, transform_indices = @transform_5, window_bounds = array<i64: 1, 128>}, {pipeline_mode = #tpu.pipeline_mode<synchronous>, transform_indices = @transform_6, window_bounds = array<i64: 128, 128>}, {transform_indices = @transform_7, window_bounds = array<i64: 1000, 128>}, {transform_indices = @transform_8, window_bounds = array<i64: 1000, 128>}]} {
    %get3A = arith.constant 0 : index
    %get3A_0 = arith.constant 0 : index
    %get3A_1 = vector.load %arg1[%get3A, %get3A_0] : memref<1000x128xf32, #tpu.memory_space<vmem>>, vector<1000x128xf32>
    %get3A_2 = arith.constant 0 : index
    %get3A_3 = arith.constant 0 : index
    %get3A_4 = vector.load %arg3[%get3A_2, %get3A_3] : memref<128x128xf32, #tpu.memory_space<vmem>>, vector<128x128xf32>
    %dot_general3A = arith.constant dense<0.000000e+00> : vector<1000x128xf32>
    %dot_general3A_5 = tpu.matmul %get3A_1, %get3A_4, %dot_general3A {dimension_numbers = #tpu.dot_dimension_numbers<[1], [0], [0], [1], [0, 0, 1, 1], [], []>, transpose_lhs_hint = false} : vector<1000x128xf32>, vector<128x128xf32>, vector<1000x128xf32> -> vector<1000x128xf32>
    %get3A_6 = arith.constant 0 : index
    %get3A_7 = arith.constant 0 : index
    %get3A_8 = vector.load %arg4[%get3A_6, %get3A_7] : memref<1x128xf32, #tpu.memory_space<vmem>>, vector<1x128xf32>
    %add3A = vector.broadcast %get3A_8 : vector<1x128xf32> to vector<1000x128xf32>
    %add3A_9 = arith.addf %dot_general3A_5, %add3A : vector<1000x128xf32>
    %custom_jvp_call3A = arith.constant 0.000000e+00 : f32
    %max3A = vector.broadcast %custom_jvp_call3A : f32 to vector<1000x128xf32>
    %max3A_10 = arith.maximumf %add3A_9, %max3A : vector<1000x128xf32>
    %sub3A = vector.broadcast %custom_jvp_call3A : f32 to vector<1000x128xf32>
    %sub3A_11 = arith.subf %add3A_9, %sub3A : vector<1000x128xf32>
    %ne3A = arith.cmpf one, %sub3A_11, %sub3A_11 : vector<1000x128xf32>
    %add3A_12 = vector.broadcast %custom_jvp_call3A : f32 to vector<1000x128xf32>
    %add3A_13 = arith.addf %add3A_9, %add3A_12 : vector<1000x128xf32>
    %abs3A = math.absf %sub3A_11 : vector<1000x128xf32>
    %neg3A = arith.constant 0.000000e+00 : f32
    %neg3A_14 = vector.broadcast %neg3A : f32 to vector<1000x128xf32>
    %neg3A_15 = arith.subf %neg3A_14, %abs3A : vector<1000x128xf32>
    %exp3A = math.exp %neg3A_15 : vector<1000x128xf32>
    %log1p3A = math.log1p %exp3A : vector<1000x128xf32>
    %add3A_16 = arith.addf %max3A_10, %log1p3A : vector<1000x128xf32>
    %select_n3A = arith.select %ne3A, %add3A_13, %add3A_16 : vector<1000x128xi1>, vector<1000x128xf32>
    %log3A = arith.constant 2.000000e+00 : f32
    %log3A_17 = math.log %log3A : f32
    %sub3A_18 = vector.broadcast %log3A_17 : f32 to vector<1000x128xf32>
    %sub3A_19 = arith.subf %select_n3A, %sub3A_18 : vector<1000x128xf32>
    %get3A_20 = arith.constant 0 : index
    %get3A_21 = arith.constant 0 : index
    %get3A_22 = vector.load %arg5[%get3A_20, %get3A_21] : memref<128x128xf32, #tpu.memory_space<vmem>>, vector<128x128xf32>
    %dot_general3A_23 = arith.constant dense<0.000000e+00> : vector<1000x128xf32>
    %dot_general3A_24 = tpu.matmul %sub3A_19, %get3A_22, %dot_general3A_23 {dimension_numbers = #tpu.dot_dimension_numbers<[1], [0], [0], [1], [0, 0, 1, 1], [], []>, transpose_lhs_hint = false} : vector<1000x128xf32>, vector<128x128xf32>, vector<1000x128xf32> -> vector<1000x128xf32>
    %get3A_25 = arith.constant 0 : index
    %get3A_26 = arith.constant 0 : index
    %get3A_27 = vector.load %arg6[%get3A_25, %get3A_26] : memref<1x128xf32, #tpu.memory_space<vmem>>, vector<1x128xf32>
    %add3A_28 = vector.broadcast %get3A_27 : vector<1x128xf32> to vector<1000x128xf32>
    %add3A_29 = arith.addf %dot_general3A_24, %add3A_28 : vector<1000x128xf32>
    %get3A_30 = arith.constant 0 : index
    %get3A_31 = arith.constant 0 : index
    %get3A_32 = vector.load %arg2[%get3A_30, %get3A_31] : memref<1000x128xf32, #tpu.memory_space<vmem>>, vector<1000x128xf32>
    %add3A_33 = arith.addf %get3A_32, %add3A_29 : vector<1000x128xf32>
    %swap3A = arith.constant 0 : index
    %swap3A_34 = arith.constant 0 : index
    %swap3A_35 = vector.load %arg8[%swap3A, %swap3A_34] : memref<1000x128xf32, #tpu.memory_space<vmem>>, vector<1000x128xf32>
    tpu.vector_store %arg8[%swap3A, %swap3A_34], %add3A_33 {strides = array<i32>} : memref<1000x128xf32, #tpu.memory_space<vmem>>, vector<1000x128xf32>,
    %get3A_36 = arith.constant 0 : index
    %get3A_37 = arith.constant 0 : index
    %get3A_38 = vector.load %arg7[%get3A_36, %get3A_37] : memref<128x128xf32, #tpu.memory_space<vmem>>, vector<128x128xf32>
    %dot_general3A_39 = arith.constant dense<0.000000e+00> : vector<1000x128xf32>
    %dot_general3A_40 = tpu.matmul %add3A_33, %get3A_38, %dot_general3A_39 {dimension_numbers = #tpu.dot_dimension_numbers<[1], [0], [0], [1], [0, 0, 1, 1], [], []>, transpose_lhs_hint = false} : vector<1000x128xf32>, vector<128x128xf32>, vector<1000x128xf32> -> vector<1000x128xf32>
    %swap3A_41 = arith.constant 0 : index
    %swap3A_42 = arith.constant 0 : index
    %swap3A_43 = vector.load %arg9[%swap3A_41, %swap3A_42] : memref<1000x128xf32, #tpu.memory_space<vmem>>, vector<1000x128xf32>
    tpu.vector_store %arg9[%swap3A_41, %swap3A_42], %dot_general3A_40 {strides = array<i32>} : memref<1000x128xf32, #tpu.memory_space<vmem>>, vector<1000x128xf32>,
    return
  }
  func.func @transform_0(%arg0: i32) -> (i32, i32) {
    %c0_i32 = arith.constant 0 : i32
    %c0_i32_0 = arith.constant 0 : i32
    return %arg0, %c0_i32 : i32, i32
  }
  func.func @transform_1(%arg0: i32) -> (i32, i32) {
    %c0_i32 = arith.constant 0 : i32
    %c0_i32_0 = arith.constant 0 : i32
    return %arg0, %c0_i32 : i32, i32
  }
  func.func @transform_2(%arg0: i32) -> (i32, i32) {
    %c0_i32 = arith.constant 0 : i32
    %c0_i32_0 = arith.constant 0 : i32
    %c0_i32_1 = arith.constant 0 : i32
    return %c0_i32, %c0_i32_0 : i32, i32
  }
  func.func @transform_3(%arg0: i32) -> (i32, i32) {
    %c0_i32 = arith.constant 0 : i32
    %c0_i32_0 = arith.constant 0 : i32
    %c0_i32_1 = arith.constant 0 : i32
    return %c0_i32, %c0_i32_0 : i32, i32
  }
  func.func @transform_4(%arg0: i32) -> (i32, i32) {
    %c0_i32 = arith.constant 0 : i32
    %c0_i32_0 = arith.constant 0 : i32
    %c0_i32_1 = arith.constant 0 : i32
    return %c0_i32, %c0_i32_0 : i32, i32
  }
  func.func @transform_5(%arg0: i32) -> (i32, i32) {
    %c0_i32 = arith.constant 0 : i32
    %c0_i32_0 = arith.constant 0 : i32
    %c0_i32_1 = arith.constant 0 : i32
    return %c0_i32, %c0_i32_0 : i32, i32
  }
  func.func @transform_6(%arg0: i32) -> (i32, i32) {
    %c0_i32 = arith.constant 0 : i32
    %c0_i32_0 = arith.constant 0 : i32
    %c0_i32_1 = arith.constant 0 : i32
    return %c0_i32, %c0_i32_0 : i32, i32
  }
  func.func @transform_7(%arg0: i32) -> (i32, i32) {
    %c0_i32 = arith.constant 0 : i32
    %c0_i32_0 = arith.constant 0 : i32
    return %arg0, %c0_i32 : i32, i32
  }
  func.func @transform_8(%arg0: i32) -> (i32, i32) {
    %c0_i32 = arith.constant 0 : i32
    %c0_i32_0 = arith.constant 0 : i32
    return %arg0, %c0_i32 : i32, i32
  }
}

module attributes {stable_mosaic.version = 14 : i64} {
  func.func @_node_body(%arg0: i32, %arg1: memref<1000x128xf32, #tpu.memory_space<vmem>>, %arg2: memref<1000x128xf32, #tpu.memory_space<vmem>>, %arg3: memref<128x128xf32, #tpu.memory_space<vmem>>, %arg4: memref<1x128xf32, #tpu.memory_space<vmem>>, %arg5: memref<128x128xf32, #tpu.memory_space<vmem>>, %arg6: memref<1x128xf32, #tpu.memory_space<vmem>>, %arg7: memref<128x128xf32, #tpu.memory_space<vmem>>, %arg8: memref<1000x128xf32, #tpu.memory_space<vmem>>, %arg9: memref<1000x128xf32, #tpu.memory_space<vmem>>) attributes {dimension_semantics = [#tpu.dimension_semantics<arbitrary>], iteration_bounds = array<i64: 10>, scalar_prefetch = 0 : i64, scratch_operands = 0 : i64, tpu.core_type = #tpu.core_type<tc>, window_params = [{transform_indices = @transform_0, window_bounds = array<i64: 1000, 128>}, {transform_indices = @transform_1, window_bounds = array<i64: 1000, 128>}, {pipeline_mode = #tpu.pipeline_mode<synchronous>, transform_indices = @transform_2, window_bounds = array<i64: 128, 128>}, {pipeline_mode = #tpu.pipeline_mode<synchronous>, transform_indices = @transform_3, window_bounds = array<i64: 1, 128>}, {pipeline_mode = #tpu.pipeline_mode<synchronous>, transform_indices = @transform_4, window_bounds = array<i64: 128, 128>}, {pipeline_mode = #tpu.pipeline_mode<synchronous>, transform_indices = @transform_5, window_bounds = array<i64: 1, 128>}, {pipeline_mode = #tpu.pipeline_mode<synchronous>, transform_indices = @transform_6, window_bounds = array<i64: 128, 128>}, {transform_indices = @transform_7, window_bounds = array<i64: 1000, 128>}, {transform_indices = @transform_8, window_bounds = array<i64: 1000, 128>}]} {
    %get3A = arith.constant 0 : index
    %get3A_0 = arith.constant 0 : index
    %get3A_1 = vector.load %arg1[%get3A, %get3A_0] : memref<1000x128xf32, #tpu.memory_space<vmem>>, vector<1000x128xf32>
    %get3A_2 = arith.constant 0 : index
    %get3A_3 = arith.constant 0 : index
    %get3A_4 = vector.load %arg3[%get3A_2, %get3A_3] : memref<128x128xf32, #tpu.memory_space<vmem>>, vector<128x128xf32>
    %dot_general3A = arith.constant dense<0.000000e+00> : vector<1000x128xf32>
    %dot_general3A_5 = tpu.matmul %get3A_1, %get3A_4, %dot_general3A {dimension_numbers = #tpu.dot_dimension_numbers<[1], [0], [0], [1], [0, 0, 1, 1], [], []>, transpose_lhs_hint = false} : vector<1000x128xf32>, vector<128x128xf32>, vector<1000x128xf32> -> vector<1000x128xf32>
    %get3A_6 = arith.constant 0 : index
    %get3A_7 = arith.constant 0 : index
    %get3A_8 = vector.load %arg4[%get3A_6, %get3A_7] : memref<1x128xf32, #tpu.memory_space<vmem>>, vector<1x128xf32>
    %add3A = vector.broadcast %get3A_8 : vector<1x128xf32> to vector<1000x128xf32>
    %add3A_9 = arith.addf %dot_general3A_5, %add3A : vector<1000x128xf32>
    %custom_jvp_call3A = arith.constant 0.000000e+00 : f32
    %max3A = vector.broadcast %custom_jvp_call3A : f32 to vector<1000x128xf32>
    %max3A_10 = arith.maximumf %add3A_9, %max3A : vector<1000x128xf32>
    %sub3A = vector.broadcast %custom_jvp_call3A : f32 to vector<1000x128xf32>
    %sub3A_11 = arith.subf %add3A_9, %sub3A : vector<1000x128xf32>
    %ne3A = arith.cmpf one, %sub3A_11, %sub3A_11 : vector<1000x128xf32>
    %add3A_12 = vector.broadcast %custom_jvp_call3A : f32 to vector<1000x128xf32>
    %add3A_13 = arith.addf %add3A_9, %add3A_12 : vector<1000x128xf32>
    %abs3A = math.absf %sub3A_11 : vector<1000x128xf32>
    %neg3A = arith.constant 0.000000e+00 : f32
    %neg3A_14 = vector.broadcast %neg3A : f32 to vector<1000x128xf32>
    %neg3A_15 = arith.subf %neg3A_14, %abs3A : vector<1000x128xf32>
    %exp3A = math.exp %neg3A_15 : vector<1000x128xf32>
    %log1p3A = math.log1p %exp3A : vector<1000x128xf32>
    %add3A_16 = arith.addf %max3A_10, %log1p3A : vector<1000x128xf32>
    %select_n3A = arith.select %ne3A, %add3A_13, %add3A_16 : vector<1000x128xi1>, vector<1000x128xf32>
    %log3A = arith.constant 2.000000e+00 : f32
    %log3A_17 = math.log %log3A : f32
    %sub3A_18 = vector.broadcast %log3A_17 : f32 to vector<1000x128xf32>
    %sub3A_19 = arith.subf %select_n3A, %sub3A_18 : vector<1000x128xf32>
    %get3A_20 = arith.constant 0 : index
    %get3A_21 = arith.constant 0 : index
    %get3A_22 = vector.load %arg5[%get3A_20, %get3A_21] : memref<128x128xf32, #tpu.memory_space<vmem>>, vector<128x128xf32>
    %dot_general3A_23 = arith.constant dense<0.000000e+00> : vector<1000x128xf32>
    %dot_general3A_24 = tpu.matmul %sub3A_19, %get3A_22, %dot_general3A_23 {dimension_numbers = #tpu.dot_dimension_numbers<[1], [0], [0], [1], [0, 0, 1, 1], [], []>, transpose_lhs_hint = false} : vector<1000x128xf32>, vector<128x128xf32>, vector<1000x128xf32> -> vector<1000x128xf32>
    %get3A_25 = arith.constant 0 : index
    %get3A_26 = arith.constant 0 : index
    %get3A_27 = vector.load %arg6[%get3A_25, %get3A_26] : memref<1x128xf32, #tpu.memory_space<vmem>>, vector<1x128xf32>
    %add3A_28 = vector.broadcast %get3A_27 : vector<1x128xf32> to vector<1000x128xf32>
    %add3A_29 = arith.addf %dot_general3A_24, %add3A_28 : vector<1000x128xf32>
    %get3A_30 = arith.constant 0 : index
    %get3A_31 = arith.constant 0 : index
    %get3A_32 = vector.load %arg2[%get3A_30, %get3A_31] : memref<1000x128xf32, #tpu.memory_space<vmem>>, vector<1000x128xf32>
    %add3A_33 = arith.addf %get3A_32, %add3A_29 : vector<1000x128xf32>
    %swap3A = arith.constant 0 : index
    %swap3A_34 = arith.constant 0 : index
    %swap3A_35 = vector.load %arg8[%swap3A, %swap3A_34] : memref<1000x128xf32, #tpu.memory_space<vmem>>, vector<1000x128xf32>
    tpu.vector_store %arg8[%swap3A, %swap3A_34], %add3A_33 {strides = array<i32>} : memref<1000x128xf32, #tpu.memory_space<vmem>>, vector<1000x128xf32>,
    %get3A_36 = arith.constant 0 : index
    %get3A_37 = arith.constant 0 : index
    %get3A_38 = vector.load %arg7[%get3A_36, %get3A_37] : memref<128x128xf32, #tpu.memory_space<vmem>>, vector<128x128xf32>
    %dot_general3A_39 = arith.constant dense<0.000000e+00> : vector<1000x128xf32>
    %dot_general3A_40 = tpu.matmul %add3A_33, %get3A_38, %dot_general3A_39 {dimension_numbers = #tpu.dot_dimension_numbers<[1], [0], [0], [1], [0, 0, 1, 1], [], []>, transpose_lhs_hint = false} : vector<1000x128xf32>, vector<128x128xf32>, vector<1000x128xf32> -> vector<1000x128xf32>
    %swap3A_41 = arith.constant 0 : index
    %swap3A_42 = arith.constant 0 : index
    %swap3A_43 = vector.load %arg9[%swap3A_41, %swap3A_42] : memref<1000x128xf32, #tpu.memory_space<vmem>>, vector<1000x128xf32>
    tpu.vector_store %arg9[%swap3A_41, %swap3A_42], %dot_general3A_40 {strides = array<i32>} : memref<1000x128xf32, #tpu.memory_space<vmem>>, vector<1000x128xf32>,
    return
  }
  func.func @transform_0(%arg0: i32) -> (i32, i32) {
    %c0_i32 = arith.constant 0 : i32
    %c0_i32_0 = arith.constant 0 : i32
    return %arg0, %c0_i32 : i32, i32
  }
  func.func @transform_1(%arg0: i32) -> (i32, i32) {
    %c0_i32 = arith.constant 0 : i32
    %c0_i32_0 = arith.constant 0 : i32
    return %arg0, %c0_i32 : i32, i32
  }
  func.func @transform_2(%arg0: i32) -> (i32, i32) {
    %c0_i32 = arith.constant 0 : i32
    %c0_i32_0 = arith.constant 0 : i32
    %c0_i32_1 = arith.constant 0 : i32
    return %c0_i32, %c0_i32_0 : i32, i32
  }
  func.func @transform_3(%arg0: i32) -> (i32, i32) {
    %c0_i32 = arith.constant 0 : i32
    %c0_i32_0 = arith.constant 0 : i32
    %c0_i32_1 = arith.constant 0 : i32
    return %c0_i32, %c0_i32_0 : i32, i32
  }
  func.func @transform_4(%arg0: i32) -> (i32, i32) {
    %c0_i32 = arith.constant 0 : i32
    %c0_i32_0 = arith.constant 0 : i32
    %c0_i32_1 = arith.constant 0 : i32
    return %c0_i32, %c0_i32_0 : i32, i32
  }
  func.func @transform_5(%arg0: i32) -> (i32, i32) {
    %c0_i32 = arith.constant 0 : i32
    %c0_i32_0 = arith.constant 0 : i32
    %c0_i32_1 = arith.constant 0 : i32
    return %c0_i32, %c0_i32_0 : i32, i32
  }
  func.func @transform_6(%arg0: i32) -> (i32, i32) {
    %c0_i32 = arith.constant 0 : i32
    %c0_i32_0 = arith.constant 0 : i32
    %c0_i32_1 = arith.constant 0 : i32
    return %c0_i32, %c0_i32_0 : i32, i32
  }
  func.func @transform_7(%arg0: i32) -> (i32, i32) {
    %c0_i32 = arith.constant 0 : i32
    %c0_i32_0 = arith.constant 0 : i32
    return %arg0, %c0_i32 : i32, i32
  }
  func.func @transform_8(%arg0: i32) -> (i32, i32) {
    %c0_i32 = arith.constant 0 : i32
    %c0_i32_0 = arith.constant 0 : i32
    return %arg0, %c0_i32 : i32, i32
  }
}

</mosaic_0001>

<sc_bundles>
// kernel: kernel.13.cloned.1.call-start
scs
__scs_entry_jumppad:
0x0: {  	(pc) =	sbr.rel $0x88, $3  }
0x1: {  	(tag) =	ssettag $0x0;
	lr =	simm.s32 $0x1  }
0x2: {  	[smem:$0x3F93] =	sst lr;
	_ =	strace $0xD0000000  }
0x3: {  	_ = 	snop  }
0x4: {  	_ = 	snop  }
0x5: {  	_ = 	snop  }
0x6: {  	_ = 	snop  }
0x7: {  	_ = 	snop  }
__scs_overlays_trampoline_lowered:
0x8: {  	[smem:$0x3FA2] =	sst s0  }
0x9: {  	[smem:$0x3FA3] =	sst s1  }
0xa: {  	[smem:$0x3FA4] =	sst s2  }
0xb: {  	[smem:$0x3FA5] =	sst s3  }
0xc: {  	[smem:$0x3FA6] =	sst s4  }
0xd: {  	[smem:$0x3FA7] =	sst s5  }
0xe: {  	[smem:$0x3FA8] =	sst s6  }
0xf: {  	[smem:$0x3FA9] =	sst s7  }
0x10: {  	[smem:$0x3FAA] =	sst s8  }
0x11: {  	[smem:$0x3FAB] =	sst s9;
	s0 =	simm.s32 @!p0 $0x0  }
0x12: {  	s1 =	sld [smem:$0x3F91];
	s0 =	simm.s32 @p0 $0x1  }
0x13: {  	[smem:$0x3FAC] =	sst s0;
	s0 =	simm.s32 @!p1 $0x0  }
0x14: {  	s2 =	sld [smem:$0x3F90];
	s0 =	simm.s32 @p1 $0x1  }
0x15: {  	[smem:$0x3FAD] =	sst s0;
	s0 =	simm.s32 @!p2 $0x0  }
0x16: {  	s3 =	sld [smem:$0x3FDB];
	s0 =	simm.s32 @p2 $0x1  }
0x17: {  	s4 =	simm.s32 $0x1BF5;
	[smem:$0x3FAF] =	sst s0  }
0x18: {  	s0 =	sld [smem:$0x3F92];
	_ =	swait.ge [sflag:s4], $0x0  }
0x19: {  	s7 =	sld [smem:$0x3F93]  }
0x1a: {  	s8 =	sadd.s32 $0xFFFFE003, lr  }
0x1b: {  	s9 =	sadd.s32 $0xFFFFFEF7, lr;
	s5 =	simm.s32 $0xFFFFFFFF;
	p2 =	slt.u32 s8, $0xFFFFF086  }
0x1c: {  	p1 =	slt.u32 s9, $0xF7A;
	s5 =	simm.s32 @!p2 $0x0  }
0x1d: {  	s5 =	simm.s32 @p1 $0x1;
	p0 =	seq.s32 s7, s2  }
0x1e: {  	s7 =	smul.u32 @!p0 $0xF7A, s2;
	p2 =	seq.s32 @!p0 s5, $0x0  }
0x1f: {  	s9 =	smul.u32 $0xF7A, s1;
	s8 =	simm.s32 @!p0 $0x1BF5;
	p2 =	por !p2, p0  }
0x20: {  	[sflag:s8] =	ssyncset.s32 @!p0 $0xFFFFF086;
	s6 =	sadd.s32 @!p0 s3, s7;
	s7 =	simm.s32 @!p0 $0x108  }
0x21: {  	s3 =	sadd.s32 s3, s9;
	s6 =	sadd.s32 @!p0 $0x88, s6;
	s7 =	simm.s32 @p2 $0x1082  }
0x22: {  	[simem:s7], [sflag:s8] =	dma.local @!p0 [hbm:s6], $0xF7A  }
0x23: {  	s9 =	sor.u32 $0xD0000000, s2;
	s6 =	simm.s32 $0x108;
	_ =	swait.ge @!p0 [sflag:s8], $0x0  }
0x24: {  	s3 =	sadd.s32 $0x88, s3;
	s6 =	simm.s32 @!p1 $0x1082;
	[sflag:s4] =	ssyncset.s32 $0xFFFFF086  }
0x25: {  	[simem:s6], [sflag:s4] =	dma.local [hbm:s3], $0xF7A  }
0x26: {  	[smem:$0x3F93] =	sst s1;
	(tag) =	ssettag s2;
	_ =	strace s9  }
0x27: {  	s1 =	sld [smem:$0x3FA3]  }
0x28: {  	s2 =	sld [smem:$0x3FA4]  }
0x29: {  	s4 =	sld [smem:$0x3FA6]  }
0x2a: {  	p0 =	seq.s32 s5, $0x0;
	s5 =	sld [smem:$0x3FA7]  }
0x2b: {  	s6 =	sld [smem:$0x3FA8]  }
0x2c: {  	s7 =	sld [smem:$0x3FA9]  }
0x2d: {  	s3 =	simm.s32 $0x108;
	s8 =	sld [smem:$0x3FAA]  }
0x2e: {  	s3 =	simm.s32 @!p0 $0x1082;
	s9 =	sld [smem:$0x3FAB]  }
0x2f: {  	lr =	sadd.s32 s0, s3;
	s0 =	sld [smem:$0x3FA2]  }
0x30: {  	s3 =	sld [smem:$0x3FA5]  }
0x31: {  	[smem:$0x3FAE] =	sst s10  }
0x32: {  	s10 =	sld [smem:$0x3FAC];
	_ =	sdelay $0x3  }
0x33: {  	p0 =	seq.s32 s10, $0x1;
	s10 =	sld [smem:$0x3FAE];
	_ =	sdelay $0x3  }
0x34: {  	[smem:$0x3FAE] =	sst s10  }
0x35: {  	s10 =	sld [smem:$0x3FAD];
	_ =	sdelay $0x3  }
0x36: {  	p1 =	seq.s32 s10, $0x1;
	s10 =	sld [smem:$0x3FAE];
	_ =	sdelay $0x3  }
0x37: {  	[smem:$0x3FAE] =	sst s10  }
0x38: {  	s10 =	sld [smem:$0x3FAF]  }
0x39: {  	_ = 	snop;
	(pc) =	sbr.ind lr, $3  }
0x3a: {  	_ = 	snop  }
0x3b: {  	_ = 	snop  }
0x3c: {  	p2 =	seq.s32 s10, $0x1;
	s10 =	sld [smem:$0x3FAE]  }
0x3d: {  	_ =	shalt  }
0x3e: {  	_ =	shalt  }
0x3f: {  	_ =	shalt  }
0x40: {  	_ =	shalt  }
0x41: {  	_ =	shalt  }
0x42: {  	_ =	shalt  }
0x43: {  	_ =	shalt  }
0x44: {  	_ =	shalt  }
0x45: {  	_ =	shalt  }
0x46: {  	_ =	shalt  }
0x47: {  	_ =	shalt  }
0x48: {  	_ =	shalt  }
0x49: {  	_ =	shalt  }
0x4a: {  	_ =	shalt  }
0x4b: {  	_ =	shalt  }
0x4c: {  	_ =	shalt  }
0x4d: {  	_ =	shalt  }
0x4e: {  	_ =	shalt  }
0x4f: {  	_ =	shalt  }
0x50: {  	_ =	shalt  }
0x51: {  	_ =	shalt  }
0x52: {  	_ =	shalt  }
0x53: {  	_ =	shalt  }
0x54: {  	_ =	shalt  }
0x55: {  	_ =	shalt  }
0x56: {  	_ =	shalt  }
0x57: {  	_ =	shalt  }
0x58: {  	_ =	shalt  }
0x59: {  	_ =	shalt  }
0x5a: {  	_ =	shalt  }
0x5b: {  	_ =	shalt  }
0x5c: {  	_ =	shalt  }
0x5d: {  	_ =	shalt  }
0x5e: {  	_ =	shalt  }
0x5f: {  	_ =	shalt  }
0x60: {  	_ =	shalt  }
0x61: {  	_ =	shalt  }
0x62: {  	_ =	shalt  }
0x63: {  	_ =	shalt  }
0x64: {  	_ =	shalt  }
0x65: {  	_ =	shalt  }
0x66: {  	_ =	shalt  }
0x67: {  	_ =	shalt  }
0x68: {  	_ =	shalt  }
0x69: {  	_ =	shalt  }
0x6a: {  	_ =	shalt  }
0x6b: {  	_ =	shalt  }
0x6c: {  	_ =	shalt  }
0x6d: {  	_ =	shalt  }
0x6e: {  	_ =	shalt  }
0x6f: {  	_ =	shalt  }
0x70: {  	_ =	shalt  }
0x71: {  	_ =	shalt  }
0x72: {  	_ =	shalt  }
0x73: {  	_ =	shalt  }
0x74: {  	_ =	shalt  }
0x75: {  	_ =	shalt  }
0x76: {  	_ =	shalt  }
0x77: {  	_ =	shalt  }
0x78: {  	_ =	shalt  }
0x79: {  	_ =	shalt  }
0x7a: {  	_ =	shalt  }
0x7b: {  	_ =	shalt  }
0x7c: {  	_ =	shalt  }
0x7d: {  	_ =	shalt  }
0x7e: {  	_ =	shalt  }
0x7f: {  	_ =	shalt  }
0x80: {  	_ =	shalt  }
0x81: {  	_ =	shalt  }
0x82: {  	_ =	shalt  }
0x83: {  	_ =	shalt  }
0x84: {  	_ =	shalt  }
0x85: {  	_ =	shalt  }
0x86: {  	_ =	shalt  }
0x87: {  	_ =	shalt  }
.Lfunc_end0:
.L_simem_size_0:
called_computation_lowered:
.L_overlay_start_0:
0x88: {  	s2 =	sld [smem:$0x3FD9]  }
0x89: {  	s3 =	sld [smem:$0x3FFE];
	_ =	sdelay $0x1  }
0x8a: {  	s1 =	srdreg.scid  }
0x8b: {  	s0 =	sand.u32 $0x1, s1  }
0x8c: {  	s17 =	sshll.u32 s0, $0xA;
	s2 =	sadd.s32 s3, s2  }
0x8d: {  	s2 =	sadd.s32 s2, s17  }
0x8e: {  	[smem:$0x3FBA] =	sst s2  }
0x8f: {  	_ = 	snop  }
0x90: {  	s2 =	sld [smem:$0x3FD0];
	(tm) =	ssettm $0x1  }
0x91: {  	s18 =	sld [smem:$0x3FFB];
	_ =	sdelay $0x3  }
0x92: {  	_ =	strace s18  }
0x93: {  	s3 =	sld [smem:$0x3FFC];
	_ =	sdelay $0x3  }
0x94: {  	_ =	strace s3  }
0x95: {  	s3 =	sld [smem:$0x3FFD];
	_ =	sdelay $0x3  }
0x96: {  	_ =	strace s3  }
0x97: {  	_ =	strace $0x8FFFFFFF  }
0x98: {  	s19 =	sld [smem:$0x3FDB];
	_ =	sdelay $0x1  }
0x99: {  	s4 =	simm.s32 $_scs_section_size  }
0x9a: {  	s5 =	simm.s32 $_size__tile_overlayer_lowered;
	s6 =	simm.s32 $_tile_overlayer_lowered  }
0x9b: {  	s22 =	simm.s32 $0x1BFF;
	s21 =	sshll.u32 s6, $0x1;
	s3 =	sadd.s32 s4, s19  }
0x9c: {  	s7 =	simm.s32 $0x0;
	s20 =	sshll.u32 s5, $0x1;
	s5 =	sadd.s32 s21, s3  }
0x9d: {  	[timem:s7], [sflag:s22] =	dma.local [hbm:s5], s20  }
0x9e: {  	_ =	swait.ge [sflag:s22], s20  }
0x9f: {  	s4 =	ssub.s32 $0x0, s20;
	[sflag:s22] =	ssyncset.done $0x0  }
0xa0: {  	[sflag:s22] =	ssyncadd.s32 s4;
	_ =	sdelay $0x1  }
0xa1: {  	s23 =	simm.s32 $0x1B8B  }
0xa2: {  	_ =	swait.ge [sflag:s23], $0x1  }
0xa3: {  	[sflag:s23] =	ssyncset.done $0x0  }
0xa4: {  	s25 =	simm.s32 $0x1B8E;
	s24 =	sld [smem:$0x3FFE];
	[sflag:s23] =	ssyncadd.s32 $0xFFFFFFFF  }
0xa5: {  	s26 =	simm.s32 $execute0_lowered;
	[smem:$0x3FD2] =	sst s25  }
0xa6: {  	s5 =	sshll.u32 s26, $0x1;
	_ =	strace $0x80000046;
	[dreg:$0x1] =	wrdreg $0xFFFFFFFF  }
0xa7: {  	s28 =	simm.s32 $_size_execute0_lowered;
	s3 =	sadd.s32 s3, s5;
	[dreg:$0x0] =	wrdreg $0x0  }
0xa8: {  	s5 =	sshll.u32 s28, $0x1;
	[dreg:$0x2] =	wrdreg s3  }
0xa9: {  	[dreg:$0x3] =	wrdreg s5  }
0xaa: {  	[dreg:$0x4] =	wrdreg $0xC0  }
0xab: {  	_ =	task [dreg:s7], $0x5FFFF  }
0xac: {  	[dreg:$0x1] =	wrdreg $0xFFFFFFFF  }
0xad: {  	[dreg:$0x0] =	wrdreg $0x60  }
0xae: {  	[dreg:$0x2] =	wrdreg s2  }
0xaf: {  	[dreg:$0x3] =	wrdreg s24  }
0xb0: {  	[dreg:$0x4] =	wrdreg $0x190000  }
0xb1: {  	[dreg:$0x5] =	wrdreg $0x9  }
0xb2: {  	_ =	task.clear_ibuf [dreg:s7], $0x6FFFF;
	_ =	strace $0x90000046  }
0xb3: {  	s29 =	simm.s32 $0x9;
	_ =	strace $0x80000048  }
0xb4: {  	_ =	swait.ge [sflag:s29], $0x1  }
0xb5: {  	[sflag:s29] =	ssyncadd.s32 $0xFFFFFFFF  }
0xb6: {  	_ =	strace $0x90000048  }
0xb7: {  	_ =	sfence  }
0xb8: {  	s30 =	sld [smem:$0x0];
	_ =	sdelay $0x2  }
0xb9: {  	s31 =	sshll.u32 s1, $0xD;
	s1 =	sshrl.u32 s1, $0x2  }
0xba: {  	s3 =	sand.u32 $0x4000, s31;
	s1 =	sadd.s32 s1, s30  }
0xbb: {  	s0 =	sor.u32 s3, s0;
	s1 =	sshll.u32 s1, $0x11  }
0xbc: {  	s0 =	sor.u32 s1, s0  }
0xbd: {  	s0 =	sadd.s32 $0x8F2B, s0  }
0xbe: {  	[sflag:s0] =	ssyncadd.remote.s32 $0x1  }
0xbf: {  	_ =	sfence.sel $0xFFFF  }
0xc0: {  	[dreg:$0x0] =	wrdreg $0xFFFFFFFF;
	(pc) =	sbr.abs _section_cstart, $3  }
0xc1: {  	[dreg:$0x1] =	wrdreg $0xFFFFFFFF  }
0xc2: {  	_ =	task.clear_ibuf [dreg:s7], $0x2FFFF;
	_ =	strace $0x9FFFFFFF  }
0xc3: {  	(tm) =	ssettm $0x7FFFFFFF  }
tec
execute0_lowered:
.L_overlay_start_1:
0x0: {  	(tag) =	ssettag $0x1  }
0x1: {  	s1 =	rddreg [dreg:$0x0]  }
0x2: {  	s6 =	rddreg [dreg:$0x1]  }
0x3: {  	s3 =	rddreg [dreg:$0x2]  }
0x4: {  	s4 =	simm.s32 $0x0;
	s2 =	stileid.u32;
	s8 =	srdreg.scid  }
0x5: {  	s20 =	simm.s32 $0x10000;
	s21 =	simm.s32 $0x12800;
	s22 =	simm.s32 $0x1  }
0x6: {  	[smem:$0x7FF] =	sst s4;
	s7 =	sshll.u32 s2, $0xC;
	s5 =	sadd.s32 $0x563E00, s6  }
0x7: {  	s10 =	sand.u32 $0x1, s8;
	s13 =	sadd.s32 $0x4FCC00, s6;
	s26 =	smul.u32 $0x15000, s2  }
0x8: {  	s14 =	sadd.s32 $0xA45E00, s6;
	s12 =	sshll.u32 s2, $0xF;
	s16 =	smul.u32 $0x5000, s2  }
0x9: {  	s19 =	smul.u32 $0x14000, s2;
	_ =	strace $0x80000047;
	s7 =	sadd.s32 s7, s6  }
0xa: {  	s23 =	ssub.s32 $0x2, s10;
	s9 =	sshll.u32 s10, $0x14;
	s11 =	smul.u32 $0xA0000, s10  }
0xb: {  	s17 =	sshllo.u32 s10, $0x1;
	s24 =	sshrl.u32 s23, $0x1;
	s25 =	sor.u32 s12, s9  }
0xc: {  	s6 =	sadd.s32 $0x4EC400, s7;
	s29 =	sshrl.u32 s26, $0x2;
	s9 =	smul.u32 $0x4E20, s2  }
0xd: {  	s18 =	smul.u32 $0x50000, s17;
	s17 =	sshll.u32 s17, $0x13;
	s30 =	sshrl.u32 s19, $0x2  }
0xe: {  	s19 =	simm.s32 $0x50;
	s15 =	ssub.s32 s23, s24;
	s28 =	sshrl.u32 s25, $0x3  }
0xf: {  	s8 =	sadd.s32 s29, s3;
	s11 =	sadd.s32 s16, s11;
	s12 =	sor.u32 s12, s17  }
0x10: {  	s17 =	simm.s32 $0x8000;
	s23 =	simm.s32 $0x2;
	s7 =	sadd.s32 s13, s28  }
0x11: {  	s10 =	sadd.s32 $0x4000, s8;
	s11 =	sshrl.u32 s11, $0x3;
	s16 =	sadd.s32 s16, s18  }
0x12: {  	s31 =	sshrl.u32 s12, $0x3;
	s12 =	sadd.s32 s30, s3;
	s15 =	smax.u32 s15, $0x1  }
0x13: {  	s18 =	simm.s32 $0x15000;
	s11 =	sadd.s32 s14, s11;
	s16 =	sshrl.u32 s16, $0x3  }
0x14: {  	v0 =	vimm.f32 $0.0e+00;
	s13 =	sadd.s32 s13, s31;
	s14 =	sadd.s32 s14, s16;
	s16 =	simm.s32 $0x3  }
.LBB2_1:
0x15: {  	s24 =	simm.s32 $0x0;
	s25 =	simm.s32 $0x200  }
.LBB2_2:
0x16: {  	p0 =	sne.s32 s25, $0xFE00;
	[tilespmem:s24+$0x15070] =	vst v0  }
0x17: {  	[tilespmem:s24+$0x15000] =	vst v0  }
0x18: {  	[tilespmem:s24+$0x15010] =	vst v0  }
.Ltmp0:
0x19: {  	[tilespmem:s24+$0x15020] =	vst v0;
	(pc) =	sbr.rel @p0 .LBB2_2-.Ltmp0, $4  }
0x1a: {  	[tilespmem:s24+$0x15030] =	vst v0  }
0x1b: {  	[tilespmem:s24+$0x15040] =	vst v0  }
0x1c: {  	[tilespmem:s24+$0x15050] =	vst v0  }
0x1d: {  	[tilespmem:s24+$0x15060] =	vst v0;
	s24 =	sshra.s32 s25, $0x2;
	s25 =	sadd.s32 $0x200, s25  }
0x1e: {  	[tilespmem:s24+$0x15070] =	vst v0  }
0x1f: {  	[tilespmem:s24+$0x15000] =	vst v0  }
0x20: {  	[tilespmem:s24+$0x15010] =	vst v0  }
0x21: {  	[tilespmem:s24+$0x15020] =	vst v0  }
0x22: {  	[tilespmem:s24+$0x15030] =	vst v0  }
0x23: {  	[tilespmem:s24+$0x15040] =	vst v0  }
0x24: {  	[tilespmem:s24+$0x15050] =	vst v0  }
0x25: {  	[tilespmem:s24+$0x15060] =	vst v0;
	s24 =	simm.s32 $0x0  }
0x26: {  	[tilespmem:s24], [sflag:$0x3] =	stream.linear.gather [hbm4b:s6+s24], $0x7D00, $0x38;
	[tilespmem:$0x1E400] =	vst v63  }
0x27: {  	_ =	swait.ge [sflag:s16], $0x7D00  }
0x28: {  	[sflag:s16] =	ssyncset.done $0x0  }
0x29: {  	[sflag:s16] =	ssyncadd.s32 $0xFFFF8300  }
0x2a: {  	[tilespmem:s17], [sflag:$0x3] =	stream.linear.gather [hbm4b:s7+s24], $0x7D00, $0x38;
	[tilespmem:$0x1E400] =	vst v63  }
0x2b: {  	_ =	swait.ge [sflag:s16], $0x7D00  }
0x2c: {  	[sflag:s16] =	ssyncset.done $0x0  }
0x2d: {  	[sflag:s16] =	ssyncadd.s32 $0xFFFF8300  }
0x2e: {  	[spmem:s8] =	stream.linear.scatter [tilespmem:s18], [sflag:$0x3], $0x4000, $0x38;
	[tilespmem:$0x1E400] =	vst v63  }
0x2f: {  	_ =	swait.ge [sflag:s16], $0x4000  }
0x30: {  	[sflag:s16] =	ssyncset.done $0x0  }
0x31: {  	[sflag:s16] =	ssyncadd.s32 $0xFFFFC000  }
0x32: {  	[spmem:s10] =	stream.linear.scatter [tilespmem:s18], [sflag:$0x3], $0x1400, $0x38;
	[tilespmem:$0x1E400] =	vst v63  }
0x33: {  	_ =	swait.ge [sflag:s16], $0x1400  }
0x34: {  	[sflag:s16] =	ssyncset.done $0x0  }
0x35: {  	[sflag:s16] =	ssyncadd.s32 $0xFFFFEC00  }
0x36: {  	s25 =	simm.s32 $0x0;
	[bflag:$0x0] =	sbarrier.arrive $0xFFFF  }
.LBB2_4:
0x37: {  	s26 =	sshll.u32 s25, $0x7;
	s28 =	smul.u32 $0x50, s25  }
0x38: {  	[tilespmem:s20], [sflag:$0x1] =	stream.indirect.gather [hbm4b:s1+s19], $0x80, s26, s19, $0xb8;
	[tilespmem:$0x1E400] =	vst v63  }
0x39: {  	s28 =	sadd.s32 s9, s28  }
0x3a: {  	s28 =	sshll.u32 s28, $0x4  }
0x3b: {  	s28 =	sadd.s32 s5, s28  }
0x3c: {  	[tilespmem:s21], [sflag:$0x2] =	stream.linear.gather [hbm4b:s28+s24], $0x2800, $0x38;
	[tilespmem:$0x1E400] =	vst v63  }
0x3d: {  	_ =	swait.ge [sflag:s22], $0x2800  }
0x3e: {  	[sflag:s22] =	ssyncset.done $0x0  }
0x3f: {  	[sflag:s22] =	ssyncadd.s32 $0xFFFFD800  }
0x40: {  	_ =	swait.ge [sflag:s23], $0x2800  }
0x41: {  	[sflag:s23] =	ssyncset.done $0x0  }
0x42: {  	s28 =	simm.s32 $0x0;
	[sflag:s23] =	ssyncadd.s32 $0xFFFFD800  }
0x43: {  	v8 =	vld [tilespmem:s28+$0x10000]  }
0x44: {  	v12 =	vld [tilespmem:s28+$0x10010]  }
0x45: {  	v6 =	vld [tilespmem:s28+$0x10020]  }
0x46: {  	v5 =	vld [tilespmem:s28+$0x10030]  }
0x47: {  	v4 =	vld [tilespmem:s28+$0x10040]  }
0x48: {  	v3 =	vld [tilespmem:s28+$0x10050]  }
0x49: {  	v2 =	vld [tilespmem:s28+$0x10060]  }
0x4a: {  	v1 =	vld [tilespmem:s28+$0x10070]  }
0x4b: {  	v13 =	vld [tilespmem:s28+$0x12800]  }
0x4c: {  	v14 =	vld [tilespmem:s28+$0x12810]  }
0x4d: {  	v11 =	vld [tilespmem:s28+$0x12820]  }
0x4e: {  	v10 =	vld [tilespmem:s28+$0x12830]  }
0x4f: {  	v9 =	vld [tilespmem:s28+$0x12840]  }
0x50: {  	v7 =	vld [tilespmem:s28+$0x12850];
	v13 =	vmul.f32 v8, v13  }
0x51: {  	s29 =	simm.s32 $0x200;
	v12 =	vmul.f32 v12, v14;
	v8 =	vld [tilespmem:s28+$0x12860]  }
.LBB2_5:
0x52: {  	s30 =	sshra.s32 s29, $0x2;
	p0 =	sne.s32 s29, $0x9E00;
	[tilespmem:s28+$0x12800] =	vst v13;
	v6 =	vmul.f32 v6, v11;
	v11 =	vld [tilespmem:s28+$0x12870]  }
0x53: {  	v13 =	vld [tilespmem:s30+$0x10000];
	[tilespmem:s28+$0x12810] =	vst v12;
	v5 =	vmul.f32 v5, v10  }
0x54: {  	v12 =	vld [tilespmem:s30+$0x10010];
	[tilespmem:s28+$0x12820] =	vst v6;
	v4 =	vmul.f32 v4, v9  }
0x55: {  	v6 =	vld [tilespmem:s30+$0x10020];
	[tilespmem:s28+$0x12830] =	vst v5;
	v3 =	vmul.f32 v3, v7  }
0x56: {  	v5 =	vld [tilespmem:s30+$0x10030];
	[tilespmem:s28+$0x12840] =	vst v4;
	v2 =	vmul.f32 v2, v8  }
0x57: {  	v4 =	vld [tilespmem:s30+$0x10040];
	[tilespmem:s28+$0x12850] =	vst v3;
	v1 =	vmul.f32 v1, v11  }
0x58: {  	v3 =	vld [tilespmem:s30+$0x10050];
	[tilespmem:s28+$0x12860] =	vst v2  }
0x59: {  	v2 =	vld [tilespmem:s30+$0x10060];
	[tilespmem:s28+$0x12870] =	vst v1;
	s28 =	smov.u32 s30  }
0x5a: {  	v1 =	vld [tilespmem:s28+$0x10070]  }
0x5b: {  	v7 =	vld [tilespmem:s28+$0x12800]  }
0x5c: {  	v8 =	vld [tilespmem:s28+$0x12810]  }
.Ltmp1:
0x5d: {  	v11 =	vld [tilespmem:s28+$0x12820];
	(pc) =	sbr.rel @p0 .LBB2_5-.Ltmp1, $4  }
0x5e: {  	v10 =	vld [tilespmem:s28+$0x12830]  }
0x5f: {  	v9 =	vld [tilespmem:s28+$0x12840]  }
0x60: {  	v13 =	vmul.f32 v13, v7;
	v7 =	vld [tilespmem:s28+$0x12850]  }
0x61: {  	s29 =	sadd.s32 $0x200, s29;
	v12 =	vmul.f32 v12, v8;
	v8 =	vld [tilespmem:s28+$0x12860]  }
0x62: {  	[tilespmem:s28+$0x12800] =	vst v13;
	v6 =	vmul.f32 v6, v11;
	v63 =	vld [tilespmem:s28+$0x12870]  }
0x63: {  	[tilespmem:s28+$0x12810] =	vst v12;
	v5 =	vmul.f32 v5, v10  }
0x64: {  	[tilespmem:s28+$0x12820] =	vst v6;
	v4 =	vmul.f32 v4, v9  }
0x65: {  	[tilespmem:s28+$0x12830] =	vst v5;
	v3 =	vmul.f32 v3, v7  }
0x66: {  	[tilespmem:s28+$0x12840] =	vst v4;
	v2 =	vmul.f32 v2, v8  }
0x67: {  	s25 =	sadd.s32 $0x1, s25;
	[tilespmem:s28+$0x12850] =	vst v3;
	v1 =	vmul.f32 v1, v63  }
0x68: {  	p0 =	sne.s32 s25, $0xFA;
	[tilespmem:s28+$0x12860] =	vst v2  }
.Ltmp2:
0x69: {  	s26 =	sadd.s32 $0x8000, s26;
	[tilespmem:s28+$0x12870] =	vst v1;
	(pc) =	sbr.rel @p0 .LBB2_4-.Ltmp2, $4  }
0x6a: {  	[spmem:s3] =	stream.indirect.scatter.add.f32 [tilespmem:s21], [sflag:$0x3], $0x80, s26, s19, $0xb8;
	[tilespmem:$0x1E400] =	vst v63  }
0x6b: {  	_ =	swait.ge [sflag:s16], $0x2800  }
0x6c: {  	[sflag:s16] =	ssyncset.done $0x0  }
0x6d: {  	[sflag:s16] =	ssyncadd.s32 $0xFFFFD800  }
0x6e: {  	s24 =	sshll.u32 s2, $0x6  }
0x6f: {  	[bflag:$0x0] =	sbarrier.arrive $0xFFFF;
	s25 =	sshrl.u32 s12, $0x3;
	s24 =	sor.u32 $0x1C03, s24  }
0x70: {  	[hbm:s11], [sflag:s24] =	dma.local [spmem:s25], $0xA00  }
0x71: {  	_ =	swait.ge [sflag:s16], $0xA00  }
0x72: {  	[sflag:s16] =	ssyncset.done $0x0  }
0x73: {  	[sflag:s16] =	ssyncadd.s32 $0xFFFFF600  }
0x74: {  	s26 =	simm.s32 $0x0;
	[bflag:$0x0] =	sbarrier.arrive $0xFFFF  }
0x75: {  	[tilespmem:s17], [sflag:$0x3] =	stream.linear.gather [hbm4b:s13+s26], $0x7D00, $0x38;
	[tilespmem:$0x1E400] =	vst v63  }
0x76: {  	_ =	swait.ge [sflag:s16], $0x7D00  }
0x77: {  	[sflag:s16] =	ssyncset.done $0x0  }
0x78: {  	[sflag:s16] =	ssyncadd.s32 $0xFFFF8300  }
0x79: {  	[spmem:s8] =	stream.linear.scatter [tilespmem:s18], [sflag:$0x3], $0x4000, $0x38;
	[tilespmem:$0x1E400] =	vst v63  }
0x7a: {  	_ =	swait.ge [sflag:s16], $0x4000  }
0x7b: {  	[sflag:s16] =	ssyncset.done $0x0  }
0x7c: {  	[sflag:s16] =	ssyncadd.s32 $0xFFFFC000  }
0x7d: {  	[spmem:s10] =	stream.linear.scatter [tilespmem:s18], [sflag:$0x3], $0x1400, $0x38;
	[tilespmem:$0x1E400] =	vst v63  }
0x7e: {  	_ =	swait.ge [sflag:s16], $0x1400  }
0x7f: {  	[sflag:s16] =	ssyncset.done $0x0  }
0x80: {  	[sflag:s16] =	ssyncadd.s32 $0xFFFFEC00  }
0x81: {  	s28 =	simm.s32 $0x0;
	[bflag:$0x0] =	sbarrier.arrive $0xFFFF  }
.LBB2_8:
0x82: {  	s29 =	sshll.u32 s28, $0x7;
	s30 =	smul.u32 $0x50, s28  }
0x83: {  	[tilespmem:s20], [sflag:$0x1] =	stream.indirect.gather [hbm4b:s1+s19], $0x80, s29, s19, $0xb8;
	[tilespmem:$0x1E400] =	vst v63  }
0x84: {  	s30 =	sadd.s32 s9, s30  }
0x85: {  	s30 =	sshll.u32 s30, $0x4  }
0x86: {  	s30 =	sadd.s32 s5, s30  }
0x87: {  	[tilespmem:s21], [sflag:$0x2] =	stream.linear.gather [hbm4b:s30+s26], $0x2800, $0x38;
	[tilespmem:$0x1E400] =	vst v63  }
0x88: {  	_ =	swait.ge [sflag:s22], $0x2800  }
0x89: {  	[sflag:s22] =	ssyncset.done $0x0  }
0x8a: {  	[sflag:s22] =	ssyncadd.s32 $0xFFFFD800  }
0x8b: {  	_ =	swait.ge [sflag:s23], $0x2800  }
0x8c: {  	[sflag:s23] =	ssyncset.done $0x0  }
0x8d: {  	s30 =	simm.s32 $0x0;
	[sflag:s23] =	ssyncadd.s32 $0xFFFFD800  }
0x8e: {  	v8 =	vld [tilespmem:s30+$0x10000]  }
0x8f: {  	v12 =	vld [tilespmem:s30+$0x10010]  }
0x90: {  	v6 =	vld [tilespmem:s30+$0x10020]  }
0x91: {  	v5 =	vld [tilespmem:s30+$0x10030]  }
0x92: {  	v4 =	vld [tilespmem:s30+$0x10040]  }
0x93: {  	v3 =	vld [tilespmem:s30+$0x10050]  }
0x94: {  	v2 =	vld [tilespmem:s30+$0x10060]  }
0x95: {  	v1 =	vld [tilespmem:s30+$0x10070]  }
0x96: {  	v13 =	vld [tilespmem:s30+$0x12800]  }
0x97: {  	v14 =	vld [tilespmem:s30+$0x12810]  }
0x98: {  	v11 =	vld [tilespmem:s30+$0x12820]  }
0x99: {  	v10 =	vld [tilespmem:s30+$0x12830]  }
0x9a: {  	v9 =	vld [tilespmem:s30+$0x12840]  }
0x9b: {  	v7 =	vld [tilespmem:s30+$0x12850];
	v13 =	vmul.f32 v8, v13  }
0x9c: {  	s31 =	simm.s32 $0x200;
	v12 =	vmul.f32 v12, v14;
	v8 =	vld [tilespmem:s30+$0x12860]  }
.LBB2_9:
0x9d: {  	s0 =	sshra.s32 s31, $0x2;
	p0 =	sne.s32 s31, $0x9E00;
	[tilespmem:s30+$0x12800] =	vst v13;
	v6 =	vmul.f32 v6, v11;
	v11 =	vld [tilespmem:s30+$0x12870]  }
0x9e: {  	v13 =	vld [tilespmem:s0+$0x10000];
	[tilespmem:s30+$0x12810] =	vst v12;
	v5 =	vmul.f32 v5, v10  }
0x9f: {  	v12 =	vld [tilespmem:s0+$0x10010];
	[tilespmem:s30+$0x12820] =	vst v6;
	v4 =	vmul.f32 v4, v9  }
0xa0: {  	v6 =	vld [tilespmem:s0+$0x10020];
	[tilespmem:s30+$0x12830] =	vst v5;
	v3 =	vmul.f32 v3, v7  }
0xa1: {  	v5 =	vld [tilespmem:s0+$0x10030];
	[tilespmem:s30+$0x12840] =	vst v4;
	v2 =	vmul.f32 v2, v8  }
0xa2: {  	v4 =	vld [tilespmem:s0+$0x10040];
	[tilespmem:s30+$0x12850] =	vst v3;
	v1 =	vmul.f32 v1, v11  }
0xa3: {  	v3 =	vld [tilespmem:s0+$0x10050];
	[tilespmem:s30+$0x12860] =	vst v2  }
0xa4: {  	v2 =	vld [tilespmem:s0+$0x10060];
	[tilespmem:s30+$0x12870] =	vst v1;
	s30 =	smov.u32 s0  }
0xa5: {  	v1 =	vld [tilespmem:s30+$0x10070]  }
0xa6: {  	v7 =	vld [tilespmem:s30+$0x12800]  }
0xa7: {  	v8 =	vld [tilespmem:s30+$0x12810]  }
.Ltmp3:
0xa8: {  	v11 =	vld [tilespmem:s30+$0x12820];
	(pc) =	sbr.rel @p0 .LBB2_9-.Ltmp3, $4  }
0xa9: {  	v10 =	vld [tilespmem:s30+$0x12830]  }
0xaa: {  	v9 =	vld [tilespmem:s30+$0x12840]  }
0xab: {  	v13 =	vmul.f32 v13, v7;
	v7 =	vld [tilespmem:s30+$0x12850]  }
0xac: {  	s31 =	sadd.s32 $0x200, s31;
	v12 =	vmul.f32 v12, v8;
	v8 =	vld [tilespmem:s30+$0x12860]  }
0xad: {  	[tilespmem:s30+$0x12800] =	vst v13;
	v6 =	vmul.f32 v6, v11;
	v63 =	vld [tilespmem:s30+$0x12870]  }
0xae: {  	[tilespmem:s30+$0x12810] =	vst v12;
	v5 =	vmul.f32 v5, v10  }
0xaf: {  	[tilespmem:s30+$0x12820] =	vst v6;
	v4 =	vmul.f32 v4, v9  }
0xb0: {  	[tilespmem:s30+$0x12830] =	vst v5;
	v3 =	vmul.f32 v3, v7  }
0xb1: {  	[tilespmem:s30+$0x12840] =	vst v4;
	v2 =	vmul.f32 v2, v8  }
0xb2: {  	s28 =	sadd.s32 $0x1, s28;
	[tilespmem:s30+$0x12850] =	vst v3;
	v1 =	vmul.f32 v1, v63  }
0xb3: {  	p0 =	sne.s32 s28, $0xFA;
	[tilespmem:s30+$0x12860] =	vst v2  }
.Ltmp4:
0xb4: {  	s0 =	sadd.s32 $0x8000, s29;
	[tilespmem:s30+$0x12870] =	vst v1;
	(pc) =	sbr.rel @p0 .LBB2_8-.Ltmp4, $4  }
0xb5: {  	[spmem:s3] =	stream.indirect.scatter.add.f32 [tilespmem:s21], [sflag:$0x3], $0x80, s0, s19, $0xb8;
	[tilespmem:$0x1E400] =	vst v63  }
0xb6: {  	_ =	swait.ge [sflag:s16], $0x2800  }
0xb7: {  	[sflag:s16] =	ssyncset.done $0x0  }
0xb8: {  	[sflag:s16] =	ssyncadd.s32 $0xFFFFD800  }
0xb9: {  	[bflag:$0x0] =	sbarrier.arrive $0xFFFF;
	s4 =	sadd.s32 $0x1, s4  }
0xba: {  	[hbm:s14], [sflag:s24] =	dma.local [spmem:s25], $0xA00  }
0xbb: {  	p0 =	sne.s32 s4, s15  }
.Ltmp5:
0xbc: {  	_ =	swait.ge [sflag:s16], $0xA00;
	(pc) =	sbr.rel @p0 .LBB2_1-.Ltmp5, $3  }
0xbd: {  	[sflag:s16] =	ssyncset.done $0x0  }
0xbe: {  	[sflag:s16] =	ssyncadd.s32 $0xFFFFF600  }
0xbf: {  	[bflag:$0x0] =	sbarrier.arrive $0xFFFF;
	_ =	sdelay $0x1  }
0xc0: {  	_ =	sfence.sel $0x180000  }
0xc1: {  	[bflag:$0x0] =	sbarrier.arrive $0xFFFF  }
0xc2: {  	_ =	strace $0x90000047  }
0xc3: {  	[bflag:$0x2] =	sbarrier.arrive $0xFFFF  }
0xc4: {  	p0 =	sne.s32 s2, $0x0;
	s0 =	rddreg [dreg:$0x3]  }
0xc5: {  	s0 =	sadd.s32 @!p0 $0x100000, s0  }
0xc6: {  	[sflag:s0] =	ssyncadd.tile.s32 @!p0 $0x1;
	_ =	shalt  }
.Lfunc_end2:
_tile_overlayer_lowered:
.L_overlay_start_2:
0xc7: {  	(tag) =	ssettag $0x2  }
0xc8: {  	s0 =	rddreg [dreg:$0x0];
	s2 =	stileid.u32  }
0xc9: {  	s1 =	rddreg [dreg:$0x1];
	p0 =	sne.s32 s2, $0x0  }
0xca: {  	s3 =	rddreg [dreg:$0x2];
	[bflag:$0x3] =	sbarrier.arrive $0xFFFF;
	s2 =	simm.s32 @!p0 $0x1C03  }
0xcb: {  	[timem:s3], [sflag:s2] =	dma.local @!p0 [hbm:s0], s1  }
0xcc: {  	s0 =	simm.s32 @!p0 $0x3  }
0xcd: {  	_ =	swait.ge @!p0 [sflag:s0], s1  }
0xce: {  	s1 =	ssub.s32 @!p0 $0x0, s1;
	[sflag:s0] =	ssyncset.done @!p0 $0x0  }
0xcf: {  	[sflag:s0] =	ssyncadd.s32 @!p0 s1  }
0xd0: {  	[bflag:$0x3] =	sbarrier.arrive $0xFFFF  }
0xd1: {  	_ =	shalt  }

// kernel: kernel.16.cloned.1.call-start
scs
__scs_entry_jumppad:
0x0: {  	(pc) =	sbr.rel $0x88, $3  }
0x1: {  	(tag) =	ssettag $0x0;
	lr =	simm.s32 $0x1  }
0x2: {  	[smem:$0x3F93] =	sst lr;
	_ =	strace $0xD0000000  }
0x3: {  	_ = 	snop  }
0x4: {  	_ = 	snop  }
0x5: {  	_ = 	snop  }
0x6: {  	_ = 	snop  }
0x7: {  	_ = 	snop  }
__scs_overlays_trampoline_lowered:
0x8: {  	[smem:$0x3FA2] =	sst s0  }
0x9: {  	[smem:$0x3FA3] =	sst s1  }
0xa: {  	[smem:$0x3FA4] =	sst s2  }
0xb: {  	[smem:$0x3FA5] =	sst s3  }
0xc: {  	[smem:$0x3FA6] =	sst s4  }
0xd: {  	[smem:$0x3FA7] =	sst s5  }
0xe: {  	[smem:$0x3FA8] =	sst s6  }
0xf: {  	[smem:$0x3FA9] =	sst s7  }
0x10: {  	[smem:$0x3FAA] =	sst s8  }
0x11: {  	[smem:$0x3FAB] =	sst s9;
	s0 =	simm.s32 @!p0 $0x0  }
0x12: {  	s1 =	sld [smem:$0x3F91];
	s0 =	simm.s32 @p0 $0x1  }
0x13: {  	[smem:$0x3FAC] =	sst s0;
	s0 =	simm.s32 @!p1 $0x0  }
0x14: {  	s2 =	sld [smem:$0x3F90];
	s0 =	simm.s32 @p1 $0x1  }
0x15: {  	[smem:$0x3FAD] =	sst s0;
	s0 =	simm.s32 @!p2 $0x0  }
0x16: {  	s3 =	sld [smem:$0x3FDB];
	s0 =	simm.s32 @p2 $0x1  }
0x17: {  	s4 =	simm.s32 $0x1BF5;
	[smem:$0x3FAF] =	sst s0  }
0x18: {  	s0 =	sld [smem:$0x3F92];
	_ =	swait.ge [sflag:s4], $0x0  }
0x19: {  	s7 =	sld [smem:$0x3F93]  }
0x1a: {  	s8 =	sadd.s32 $0xFFFFE003, lr  }
0x1b: {  	s9 =	sadd.s32 $0xFFFFFEF7, lr;
	s5 =	simm.s32 $0xFFFFFFFF;
	p2 =	slt.u32 s8, $0xFFFFF086  }
0x1c: {  	p1 =	slt.u32 s9, $0xF7A;
	s5 =	simm.s32 @!p2 $0x0  }
0x1d: {  	s5 =	simm.s32 @p1 $0x1;
	p0 =	seq.s32 s7, s2  }
0x1e: {  	s7 =	smul.u32 @!p0 $0xF7A, s2;
	p2 =	seq.s32 @!p0 s5, $0x0  }
0x1f: {  	s9 =	smul.u32 $0xF7A, s1;
	s8 =	simm.s32 @!p0 $0x1BF5;
	p2 =	por !p2, p0  }
0x20: {  	[sflag:s8] =	ssyncset.s32 @!p0 $0xFFFFF086;
	s6 =	sadd.s32 @!p0 s3, s7;
	s7 =	simm.s32 @!p0 $0x108  }
0x21: {  	s3 =	sadd.s32 s3, s9;
	s6 =	sadd.s32 @!p0 $0x88, s6;
	s7 =	simm.s32 @p2 $0x1082  }
0x22: {  	[simem:s7], [sflag:s8] =	dma.local @!p0 [hbm:s6], $0xF7A  }
0x23: {  	s9 =	sor.u32 $0xD0000000, s2;
	s6 =	simm.s32 $0x108;
	_ =	swait.ge @!p0 [sflag:s8], $0x0  }
0x24: {  	s3 =	sadd.s32 $0x88, s3;
	s6 =	simm.s32 @!p1 $0x1082;
	[sflag:s4] =	ssyncset.s32 $0xFFFFF086  }
0x25: {  	[simem:s6], [sflag:s4] =	dma.local [hbm:s3], $0xF7A  }
0x26: {  	[smem:$0x3F93] =	sst s1;
	(tag) =	ssettag s2;
	_ =	strace s9  }
0x27: {  	s1 =	sld [smem:$0x3FA3]  }
0x28: {  	s2 =	sld [smem:$0x3FA4]  }
0x29: {  	s4 =	sld [smem:$0x3FA6]  }
0x2a: {  	p0 =	seq.s32 s5, $0x0;
	s5 =	sld [smem:$0x3FA7]  }
0x2b: {  	s6 =	sld [smem:$0x3FA8]  }
0x2c: {  	s7 =	sld [smem:$0x3FA9]  }
0x2d: {  	s3 =	simm.s32 $0x108;
	s8 =	sld [smem:$0x3FAA]  }
0x2e: {  	s3 =	simm.s32 @!p0 $0x1082;
	s9 =	sld [smem:$0x3FAB]  }
0x2f: {  	lr =	sadd.s32 s0, s3;
	s0 =	sld [smem:$0x3FA2]  }
0x30: {  	s3 =	sld [smem:$0x3FA5]  }
0x31: {  	[smem:$0x3FAE] =	sst s10  }
0x32: {  	s10 =	sld [smem:$0x3FAC];
	_ =	sdelay $0x3  }
0x33: {  	p0 =	seq.s32 s10, $0x1;
	s10 =	sld [smem:$0x3FAE];
	_ =	sdelay $0x3  }
0x34: {  	[smem:$0x3FAE] =	sst s10  }
0x35: {  	s10 =	sld [smem:$0x3FAD];
	_ =	sdelay $0x3  }
0x36: {  	p1 =	seq.s32 s10, $0x1;
	s10 =	sld [smem:$0x3FAE];
	_ =	sdelay $0x3  }
0x37: {  	[smem:$0x3FAE] =	sst s10  }
0x38: {  	s10 =	sld [smem:$0x3FAF]  }
0x39: {  	_ = 	snop;
	(pc) =	sbr.ind lr, $3  }
0x3a: {  	_ = 	snop  }
0x3b: {  	_ = 	snop  }
0x3c: {  	p2 =	seq.s32 s10, $0x1;
	s10 =	sld [smem:$0x3FAE]  }
0x3d: {  	_ =	shalt  }
0x3e: {  	_ =	shalt  }
0x3f: {  	_ =	shalt  }
0x40: {  	_ =	shalt  }
0x41: {  	_ =	shalt  }
0x42: {  	_ =	shalt  }
0x43: {  	_ =	shalt  }
0x44: {  	_ =	shalt  }
0x45: {  	_ =	shalt  }
0x46: {  	_ =	shalt  }
0x47: {  	_ =	shalt  }
0x48: {  	_ =	shalt  }
0x49: {  	_ =	shalt  }
0x4a: {  	_ =	shalt  }
0x4b: {  	_ =	shalt  }
0x4c: {  	_ =	shalt  }
0x4d: {  	_ =	shalt  }
0x4e: {  	_ =	shalt  }
0x4f: {  	_ =	shalt  }
0x50: {  	_ =	shalt  }
0x51: {  	_ =	shalt  }
0x52: {  	_ =	shalt  }
0x53: {  	_ =	shalt  }
0x54: {  	_ =	shalt  }
0x55: {  	_ =	shalt  }
0x56: {  	_ =	shalt  }
0x57: {  	_ =	shalt  }
0x58: {  	_ =	shalt  }
0x59: {  	_ =	shalt  }
0x5a: {  	_ =	shalt  }
0x5b: {  	_ =	shalt  }
0x5c: {  	_ =	shalt  }
0x5d: {  	_ =	shalt  }
0x5e: {  	_ =	shalt  }
0x5f: {  	_ =	shalt  }
0x60: {  	_ =	shalt  }
0x61: {  	_ =	shalt  }
0x62: {  	_ =	shalt  }
0x63: {  	_ =	shalt  }
0x64: {  	_ =	shalt  }
0x65: {  	_ =	shalt  }
0x66: {  	_ =	shalt  }
0x67: {  	_ =	shalt  }
0x68: {  	_ =	shalt  }
0x69: {  	_ =	shalt  }
0x6a: {  	_ =	shalt  }
0x6b: {  	_ =	shalt  }
0x6c: {  	_ =	shalt  }
0x6d: {  	_ =	shalt  }
0x6e: {  	_ =	shalt  }
0x6f: {  	_ =	shalt  }
0x70: {  	_ =	shalt  }
0x71: {  	_ =	shalt  }
0x72: {  	_ =	shalt  }
0x73: {  	_ =	shalt  }
0x74: {  	_ =	shalt  }
0x75: {  	_ =	shalt  }
0x76: {  	_ =	shalt  }
0x77: {  	_ =	shalt  }
0x78: {  	_ =	shalt  }
0x79: {  	_ =	shalt  }
0x7a: {  	_ =	shalt  }
0x7b: {  	_ =	shalt  }
0x7c: {  	_ =	shalt  }
0x7d: {  	_ =	shalt  }
0x7e: {  	_ =	shalt  }
0x7f: {  	_ =	shalt  }
0x80: {  	_ =	shalt  }
0x81: {  	_ =	shalt  }
0x82: {  	_ =	shalt  }
0x83: {  	_ =	shalt  }
0x84: {  	_ =	shalt  }
0x85: {  	_ =	shalt  }
0x86: {  	_ =	shalt  }
0x87: {  	_ =	shalt  }
.Lfunc_end0:
.L_simem_size_0:
called_computation.1_lowered:
.L_overlay_start_0:
0x88: {  	s2 =	sld [smem:$0x3FD9]  }
0x89: {  	s3 =	sld [smem:$0x3FFE];
	_ =	sdelay $0x1  }
0x8a: {  	s1 =	srdreg.scid  }
0x8b: {  	s0 =	sand.u32 $0x1, s1  }
0x8c: {  	s17 =	sshll.u32 s0, $0xA;
	s2 =	sadd.s32 s3, s2  }
0x8d: {  	s2 =	sadd.s32 s2, s17  }
0x8e: {  	[smem:$0x3FBA] =	sst s2  }
0x8f: {  	_ = 	snop  }
0x90: {  	s2 =	sld [smem:$0x3FD0];
	(tm) =	ssettm $0x1  }
0x91: {  	s18 =	sld [smem:$0x3FFB];
	_ =	sdelay $0x3  }
0x92: {  	_ =	strace s18  }
0x93: {  	s3 =	sld [smem:$0x3FFC];
	_ =	sdelay $0x3  }
0x94: {  	_ =	strace s3  }
0x95: {  	s3 =	sld [smem:$0x3FFD];
	_ =	sdelay $0x3  }
0x96: {  	_ =	strace s3  }
0x97: {  	_ =	strace $0x8FFFFFFF  }
0x98: {  	s19 =	sld [smem:$0x3FDB];
	_ =	sdelay $0x1  }
0x99: {  	s4 =	simm.s32 $_scs_section_size  }
0x9a: {  	s5 =	simm.s32 $_size__tile_overlayer_lowered;
	s6 =	simm.s32 $_tile_overlayer_lowered  }
0x9b: {  	s22 =	simm.s32 $0x1BFF;
	s21 =	sshll.u32 s6, $0x1;
	s3 =	sadd.s32 s4, s19  }
0x9c: {  	s7 =	simm.s32 $0x0;
	s20 =	sshll.u32 s5, $0x1;
	s5 =	sadd.s32 s21, s3  }
0x9d: {  	[timem:s7], [sflag:s22] =	dma.local [hbm:s5], s20  }
0x9e: {  	_ =	swait.ge [sflag:s22], s20  }
0x9f: {  	s4 =	ssub.s32 $0x0, s20;
	[sflag:s22] =	ssyncset.done $0x0  }
0xa0: {  	[sflag:s22] =	ssyncadd.s32 s4;
	_ =	sdelay $0x1  }
0xa1: {  	s23 =	simm.s32 $0x1B8B  }
0xa2: {  	_ =	swait.ge [sflag:s23], $0x1  }
0xa3: {  	[sflag:s23] =	ssyncset.done $0x0  }
0xa4: {  	s25 =	simm.s32 $0x1B8E;
	s24 =	sld [smem:$0x3FFE];
	[sflag:s23] =	ssyncadd.s32 $0xFFFFFFFF  }
0xa5: {  	s26 =	simm.s32 $execute0_lowered;
	[smem:$0x3FD2] =	sst s25  }
0xa6: {  	s5 =	sshll.u32 s26, $0x1;
	_ =	strace $0x80000049;
	[dreg:$0x1] =	wrdreg $0xFFFFFFFF  }
0xa7: {  	s28 =	simm.s32 $_size_execute0_lowered;
	s3 =	sadd.s32 s3, s5;
	[dreg:$0x0] =	wrdreg $0x0  }
0xa8: {  	s5 =	sshll.u32 s28, $0x1;
	[dreg:$0x2] =	wrdreg s3  }
0xa9: {  	[dreg:$0x3] =	wrdreg s5  }
0xaa: {  	[dreg:$0x4] =	wrdreg $0xC0  }
0xab: {  	_ =	task [dreg:s7], $0x5FFFF  }
0xac: {  	[dreg:$0x1] =	wrdreg $0xFFFFFFFF  }
0xad: {  	[dreg:$0x0] =	wrdreg $0x60  }
0xae: {  	[dreg:$0x2] =	wrdreg s2  }
0xaf: {  	[dreg:$0x3] =	wrdreg s24  }
0xb0: {  	[dreg:$0x4] =	wrdreg $0x190000  }
0xb1: {  	[dreg:$0x5] =	wrdreg $0x9  }
0xb2: {  	_ =	task.clear_ibuf [dreg:s7], $0x6FFFF;
	_ =	strace $0x90000049  }
0xb3: {  	s29 =	simm.s32 $0x9;
	_ =	strace $0x8000004B  }
0xb4: {  	_ =	swait.ge [sflag:s29], $0x1  }
0xb5: {  	[sflag:s29] =	ssyncadd.s32 $0xFFFFFFFF  }
0xb6: {  	_ =	strace $0x9000004B  }
0xb7: {  	_ =	sfence  }
0xb8: {  	s30 =	sld [smem:$0x0];
	_ =	sdelay $0x2  }
0xb9: {  	s31 =	sshll.u32 s1, $0xD;
	s1 =	sshrl.u32 s1, $0x2  }
0xba: {  	s3 =	sand.u32 $0x4000, s31;
	s1 =	sadd.s32 s1, s30  }
0xbb: {  	s0 =	sor.u32 s3, s0;
	s1 =	sshll.u32 s1, $0x11  }
0xbc: {  	s0 =	sor.u32 s1, s0  }
0xbd: {  	s0 =	sadd.s32 $0x8F2B, s0  }
0xbe: {  	[sflag:s0] =	ssyncadd.remote.s32 $0x1  }
0xbf: {  	_ =	sfence.sel $0xFFFF  }
0xc0: {  	[dreg:$0x0] =	wrdreg $0xFFFFFFFF;
	(pc) =	sbr.abs _section_cstart, $3  }
0xc1: {  	[dreg:$0x1] =	wrdreg $0xFFFFFFFF  }
0xc2: {  	_ =	task.clear_ibuf [dreg:s7], $0x2FFFF;
	_ =	strace $0x9FFFFFFF  }
0xc3: {  	(tm) =	ssettm $0x7FFFFFFF  }
tec
execute0_lowered:
.L_overlay_start_1:
0x0: {  	(tag) =	ssettag $0x1  }
0x1: {  	s1 =	rddreg [dreg:$0x0]  }
0x2: {  	s6 =	rddreg [dreg:$0x1]  }
0x3: {  	s3 =	rddreg [dreg:$0x2]  }
0x4: {  	s4 =	simm.s32 $0x0;
	s2 =	stileid.u32;
	s8 =	srdreg.scid  }
0x5: {  	s20 =	simm.s32 $0x10000;
	s21 =	simm.s32 $0x12800;
	s22 =	simm.s32 $0x1  }
0x6: {  	[smem:$0x7FF] =	sst s4;
	s7 =	sshll.u32 s2, $0xC;
	s5 =	sadd.s32 $0xA6DE00, s6  }
0x7: {  	s10 =	sand.u32 $0x1, s8;
	s13 =	sadd.s32 $0x4FCC00, s6;
	s26 =	smul.u32 $0x15000, s2  }
0x8: {  	s14 =	sadd.s32 $0x563E00, s6;
	s12 =	sshll.u32 s2, $0xF;
	s16 =	smul.u32 $0x5000, s2  }
0x9: {  	s19 =	smul.u32 $0x14000, s2;
	_ =	strace $0x8000004A;
	s7 =	sadd.s32 s7, s6  }
0xa: {  	s23 =	ssub.s32 $0x2, s10;
	s9 =	sshll.u32 s10, $0x14;
	s11 =	smul.u32 $0xA0000, s10  }
0xb: {  	s17 =	sshllo.u32 s10, $0x1;
	s24 =	sshrl.u32 s23, $0x1;
	s25 =	sor.u32 s12, s9  }
0xc: {  	s6 =	sadd.s32 $0x4EC400, s7;
	s29 =	sshrl.u32 s26, $0x2;
	s9 =	smul.u32 $0x4E20, s2  }
0xd: {  	s18 =	smul.u32 $0x50000, s17;
	s17 =	sshll.u32 s17, $0x13;
	s30 =	sshrl.u32 s19, $0x2  }
0xe: {  	s19 =	simm.s32 $0x50;
	s15 =	ssub.s32 s23, s24;
	s28 =	sshrl.u32 s25, $0x3  }
0xf: {  	s8 =	sadd.s32 s29, s3;
	s11 =	sadd.s32 s16, s11;
	s12 =	sor.u32 s12, s17  }
0x10: {  	s17 =	simm.s32 $0x8000;
	s23 =	simm.s32 $0x2;
	s7 =	sadd.s32 s13, s28  }
0x11: {  	s10 =	sadd.s32 $0x4000, s8;
	s11 =	sshrl.u32 s11, $0x3;
	s16 =	sadd.s32 s16, s18  }
0x12: {  	s31 =	sshrl.u32 s12, $0x3;
	s12 =	sadd.s32 s30, s3;
	s15 =	smax.u32 s15, $0x1  }
0x13: {  	s18 =	simm.s32 $0x15000;
	s11 =	sadd.s32 s14, s11;
	s16 =	sshrl.u32 s16, $0x3  }
0x14: {  	v0 =	vimm.f32 $0.0e+00;
	s13 =	sadd.s32 s13, s31;
	s14 =	sadd.s32 s14, s16;
	s16 =	simm.s32 $0x3  }
.LBB2_1:
0x15: {  	s24 =	simm.s32 $0x0;
	s25 =	simm.s32 $0x200  }
.LBB2_2:
0x16: {  	p0 =	sne.s32 s25, $0xFE00;
	[tilespmem:s24+$0x15070] =	vst v0  }
0x17: {  	[tilespmem:s24+$0x15000] =	vst v0  }
0x18: {  	[tilespmem:s24+$0x15010] =	vst v0  }
.Ltmp0:
0x19: {  	[tilespmem:s24+$0x15020] =	vst v0;
	(pc) =	sbr.rel @p0 .LBB2_2-.Ltmp0, $4  }
0x1a: {  	[tilespmem:s24+$0x15030] =	vst v0  }
0x1b: {  	[tilespmem:s24+$0x15040] =	vst v0  }
0x1c: {  	[tilespmem:s24+$0x15050] =	vst v0  }
0x1d: {  	[tilespmem:s24+$0x15060] =	vst v0;
	s24 =	sshra.s32 s25, $0x2;
	s25 =	sadd.s32 $0x200, s25  }
0x1e: {  	[tilespmem:s24+$0x15070] =	vst v0  }
0x1f: {  	[tilespmem:s24+$0x15000] =	vst v0  }
0x20: {  	[tilespmem:s24+$0x15010] =	vst v0  }
0x21: {  	[tilespmem:s24+$0x15020] =	vst v0  }
0x22: {  	[tilespmem:s24+$0x15030] =	vst v0  }
0x23: {  	[tilespmem:s24+$0x15040] =	vst v0  }
0x24: {  	[tilespmem:s24+$0x15050] =	vst v0  }
0x25: {  	[tilespmem:s24+$0x15060] =	vst v0;
	s24 =	simm.s32 $0x0  }
0x26: {  	[tilespmem:s24], [sflag:$0x3] =	stream.linear.gather [hbm4b:s6+s24], $0x7D00, $0x38;
	[tilespmem:$0x1E400] =	vst v63  }
0x27: {  	_ =	swait.ge [sflag:s16], $0x7D00  }
0x28: {  	[sflag:s16] =	ssyncset.done $0x0  }
0x29: {  	[sflag:s16] =	ssyncadd.s32 $0xFFFF8300  }
0x2a: {  	[tilespmem:s17], [sflag:$0x3] =	stream.linear.gather [hbm4b:s7+s24], $0x7D00, $0x38;
	[tilespmem:$0x1E400] =	vst v63  }
0x2b: {  	_ =	swait.ge [sflag:s16], $0x7D00  }
0x2c: {  	[sflag:s16] =	ssyncset.done $0x0  }
0x2d: {  	[sflag:s16] =	ssyncadd.s32 $0xFFFF8300  }
0x2e: {  	[spmem:s8] =	stream.linear.scatter [tilespmem:s18], [sflag:$0x3], $0x4000, $0x38;
	[tilespmem:$0x1E400] =	vst v63  }
0x2f: {  	_ =	swait.ge [sflag:s16], $0x4000  }
0x30: {  	[sflag:s16] =	ssyncset.done $0x0  }
0x31: {  	[sflag:s16] =	ssyncadd.s32 $0xFFFFC000  }
0x32: {  	[spmem:s10] =	stream.linear.scatter [tilespmem:s18], [sflag:$0x3], $0x1400, $0x38;
	[tilespmem:$0x1E400] =	vst v63  }
0x33: {  	_ =	swait.ge [sflag:s16], $0x1400  }
0x34: {  	[sflag:s16] =	ssyncset.done $0x0  }
0x35: {  	[sflag:s16] =	ssyncadd.s32 $0xFFFFEC00  }
0x36: {  	s25 =	simm.s32 $0x0;
	[bflag:$0x0] =	sbarrier.arrive $0xFFFF  }
.LBB2_4:
0x37: {  	s26 =	sshll.u32 s25, $0x7;
	s28 =	smul.u32 $0x50, s25  }
0x38: {  	[tilespmem:s20], [sflag:$0x1] =	stream.indirect.gather [hbm4b:s1+s19], $0x80, s26, s19, $0xb8;
	[tilespmem:$0x1E400] =	vst v63  }
0x39: {  	s28 =	sadd.s32 s9, s28  }
0x3a: {  	s28 =	sshll.u32 s28, $0x4  }
0x3b: {  	s28 =	sadd.s32 s5, s28  }
0x3c: {  	[tilespmem:s21], [sflag:$0x2] =	stream.linear.gather [hbm4b:s28+s24], $0x2800, $0x38;
	[tilespmem:$0x1E400] =	vst v63  }
0x3d: {  	_ =	swait.ge [sflag:s22], $0x2800  }
0x3e: {  	[sflag:s22] =	ssyncset.done $0x0  }
0x3f: {  	[sflag:s22] =	ssyncadd.s32 $0xFFFFD800  }
0x40: {  	_ =	swait.ge [sflag:s23], $0x2800  }
0x41: {  	[sflag:s23] =	ssyncset.done $0x0  }
0x42: {  	s28 =	simm.s32 $0x0;
	[sflag:s23] =	ssyncadd.s32 $0xFFFFD800  }
0x43: {  	v8 =	vld [tilespmem:s28+$0x10000]  }
0x44: {  	v12 =	vld [tilespmem:s28+$0x10010]  }
0x45: {  	v6 =	vld [tilespmem:s28+$0x10020]  }
0x46: {  	v5 =	vld [tilespmem:s28+$0x10030]  }
0x47: {  	v4 =	vld [tilespmem:s28+$0x10040]  }
0x48: {  	v3 =	vld [tilespmem:s28+$0x10050]  }
0x49: {  	v2 =	vld [tilespmem:s28+$0x10060]  }
0x4a: {  	v1 =	vld [tilespmem:s28+$0x10070]  }
0x4b: {  	v13 =	vld [tilespmem:s28+$0x12800]  }
0x4c: {  	v14 =	vld [tilespmem:s28+$0x12810]  }
0x4d: {  	v11 =	vld [tilespmem:s28+$0x12820]  }
0x4e: {  	v10 =	vld [tilespmem:s28+$0x12830]  }
0x4f: {  	v9 =	vld [tilespmem:s28+$0x12840]  }
0x50: {  	v7 =	vld [tilespmem:s28+$0x12850];
	v13 =	vmul.f32 v8, v13  }
0x51: {  	s29 =	simm.s32 $0x200;
	v12 =	vmul.f32 v12, v14;
	v8 =	vld [tilespmem:s28+$0x12860]  }
.LBB2_5:
0x52: {  	s30 =	sshra.s32 s29, $0x2;
	p0 =	sne.s32 s29, $0x9E00;
	[tilespmem:s28+$0x12800] =	vst v13;
	v6 =	vmul.f32 v6, v11;
	v11 =	vld [tilespmem:s28+$0x12870]  }
0x53: {  	v13 =	vld [tilespmem:s30+$0x10000];
	[tilespmem:s28+$0x12810] =	vst v12;
	v5 =	vmul.f32 v5, v10  }
0x54: {  	v12 =	vld [tilespmem:s30+$0x10010];
	[tilespmem:s28+$0x12820] =	vst v6;
	v4 =	vmul.f32 v4, v9  }
0x55: {  	v6 =	vld [tilespmem:s30+$0x10020];
	[tilespmem:s28+$0x12830] =	vst v5;
	v3 =	vmul.f32 v3, v7  }
0x56: {  	v5 =	vld [tilespmem:s30+$0x10030];
	[tilespmem:s28+$0x12840] =	vst v4;
	v2 =	vmul.f32 v2, v8  }
0x57: {  	v4 =	vld [tilespmem:s30+$0x10040];
	[tilespmem:s28+$0x12850] =	vst v3;
	v1 =	vmul.f32 v1, v11  }
0x58: {  	v3 =	vld [tilespmem:s30+$0x10050];
	[tilespmem:s28+$0x12860] =	vst v2  }
0x59: {  	v2 =	vld [tilespmem:s30+$0x10060];
	[tilespmem:s28+$0x12870] =	vst v1;
	s28 =	smov.u32 s30  }
0x5a: {  	v1 =	vld [tilespmem:s28+$0x10070]  }
0x5b: {  	v7 =	vld [tilespmem:s28+$0x12800]  }
0x5c: {  	v8 =	vld [tilespmem:s28+$0x12810]  }
.Ltmp1:
0x5d: {  	v11 =	vld [tilespmem:s28+$0x12820];
	(pc) =	sbr.rel @p0 .LBB2_5-.Ltmp1, $4  }
0x5e: {  	v10 =	vld [tilespmem:s28+$0x12830]  }
0x5f: {  	v9 =	vld [tilespmem:s28+$0x12840]  }
0x60: {  	v13 =	vmul.f32 v13, v7;
	v7 =	vld [tilespmem:s28+$0x12850]  }
0x61: {  	s29 =	sadd.s32 $0x200, s29;
	v12 =	vmul.f32 v12, v8;
	v8 =	vld [tilespmem:s28+$0x12860]  }
0x62: {  	[tilespmem:s28+$0x12800] =	vst v13;
	v6 =	vmul.f32 v6, v11;
	v63 =	vld [tilespmem:s28+$0x12870]  }
0x63: {  	[tilespmem:s28+$0x12810] =	vst v12;
	v5 =	vmul.f32 v5, v10  }
0x64: {  	[tilespmem:s28+$0x12820] =	vst v6;
	v4 =	vmul.f32 v4, v9  }
0x65: {  	[tilespmem:s28+$0x12830] =	vst v5;
	v3 =	vmul.f32 v3, v7  }
0x66: {  	[tilespmem:s28+$0x12840] =	vst v4;
	v2 =	vmul.f32 v2, v8  }
0x67: {  	s25 =	sadd.s32 $0x1, s25;
	[tilespmem:s28+$0x12850] =	vst v3;
	v1 =	vmul.f32 v1, v63  }
0x68: {  	p0 =	sne.s32 s25, $0xFA;
	[tilespmem:s28+$0x12860] =	vst v2  }
.Ltmp2:
0x69: {  	s26 =	sadd.s32 $0x8000, s26;
	[tilespmem:s28+$0x12870] =	vst v1;
	(pc) =	sbr.rel @p0 .LBB2_4-.Ltmp2, $4  }
0x6a: {  	[spmem:s3] =	stream.indirect.scatter.add.f32 [tilespmem:s21], [sflag:$0x3], $0x80, s26, s19, $0xb8;
	[tilespmem:$0x1E400] =	vst v63  }
0x6b: {  	_ =	swait.ge [sflag:s16], $0x2800  }
0x6c: {  	[sflag:s16] =	ssyncset.done $0x0  }
0x6d: {  	[sflag:s16] =	ssyncadd.s32 $0xFFFFD800  }
0x6e: {  	s24 =	sshll.u32 s2, $0x6  }
0x6f: {  	[bflag:$0x0] =	sbarrier.arrive $0xFFFF;
	s25 =	sshrl.u32 s12, $0x3;
	s24 =	sor.u32 $0x1C03, s24  }
0x70: {  	[hbm:s11], [sflag:s24] =	dma.local [spmem:s25], $0xA00  }
0x71: {  	_ =	swait.ge [sflag:s16], $0xA00  }
0x72: {  	[sflag:s16] =	ssyncset.done $0x0  }
0x73: {  	[sflag:s16] =	ssyncadd.s32 $0xFFFFF600  }
0x74: {  	s26 =	simm.s32 $0x0;
	[bflag:$0x0] =	sbarrier.arrive $0xFFFF  }
0x75: {  	[tilespmem:s17], [sflag:$0x3] =	stream.linear.gather [hbm4b:s13+s26], $0x7D00, $0x38;
	[tilespmem:$0x1E400] =	vst v63  }
0x76: {  	_ =	swait.ge [sflag:s16], $0x7D00  }
0x77: {  	[sflag:s16] =	ssyncset.done $0x0  }
0x78: {  	[sflag:s16] =	ssyncadd.s32 $0xFFFF8300  }
0x79: {  	[spmem:s8] =	stream.linear.scatter [tilespmem:s18], [sflag:$0x3], $0x4000, $0x38;
	[tilespmem:$0x1E400] =	vst v63  }
0x7a: {  	_ =	swait.ge [sflag:s16], $0x4000  }
0x7b: {  	[sflag:s16] =	ssyncset.done $0x0  }
0x7c: {  	[sflag:s16] =	ssyncadd.s32 $0xFFFFC000  }
0x7d: {  	[spmem:s10] =	stream.linear.scatter [tilespmem:s18], [sflag:$0x3], $0x1400, $0x38;
	[tilespmem:$0x1E400] =	vst v63  }
0x7e: {  	_ =	swait.ge [sflag:s16], $0x1400  }
0x7f: {  	[sflag:s16] =	ssyncset.done $0x0  }
0x80: {  	[sflag:s16] =	ssyncadd.s32 $0xFFFFEC00  }
0x81: {  	s28 =	simm.s32 $0x0;
	[bflag:$0x0] =	sbarrier.arrive $0xFFFF  }
.LBB2_8:
0x82: {  	s29 =	sshll.u32 s28, $0x7;
	s30 =	smul.u32 $0x50, s28  }
0x83: {  	[tilespmem:s20], [sflag:$0x1] =	stream.indirect.gather [hbm4b:s1+s19], $0x80, s29, s19, $0xb8;
	[tilespmem:$0x1E400] =	vst v63  }
0x84: {  	s30 =	sadd.s32 s9, s30  }
0x85: {  	s30 =	sshll.u32 s30, $0x4  }
0x86: {  	s30 =	sadd.s32 s5, s30  }
0x87: {  	[tilespmem:s21], [sflag:$0x2] =	stream.linear.gather [hbm4b:s30+s26], $0x2800, $0x38;
	[tilespmem:$0x1E400] =	vst v63  }
0x88: {  	_ =	swait.ge [sflag:s22], $0x2800  }
0x89: {  	[sflag:s22] =	ssyncset.done $0x0  }
0x8a: {  	[sflag:s22] =	ssyncadd.s32 $0xFFFFD800  }
0x8b: {  	_ =	swait.ge [sflag:s23], $0x2800  }
0x8c: {  	[sflag:s23] =	ssyncset.done $0x0  }
0x8d: {  	s30 =	simm.s32 $0x0;
	[sflag:s23] =	ssyncadd.s32 $0xFFFFD800  }
0x8e: {  	v8 =	vld [tilespmem:s30+$0x10000]  }
0x8f: {  	v12 =	vld [tilespmem:s30+$0x10010]  }
0x90: {  	v6 =	vld [tilespmem:s30+$0x10020]  }
0x91: {  	v5 =	vld [tilespmem:s30+$0x10030]  }
0x92: {  	v4 =	vld [tilespmem:s30+$0x10040]  }
0x93: {  	v3 =	vld [tilespmem:s30+$0x10050]  }
0x94: {  	v2 =	vld [tilespmem:s30+$0x10060]  }
0x95: {  	v1 =	vld [tilespmem:s30+$0x10070]  }
0x96: {  	v13 =	vld [tilespmem:s30+$0x12800]  }
0x97: {  	v14 =	vld [tilespmem:s30+$0x12810]  }
0x98: {  	v11 =	vld [tilespmem:s30+$0x12820]  }
0x99: {  	v10 =	vld [tilespmem:s30+$0x12830]  }
0x9a: {  	v9 =	vld [tilespmem:s30+$0x12840]  }
0x9b: {  	v7 =	vld [tilespmem:s30+$0x12850];
	v13 =	vmul.f32 v8, v13  }
0x9c: {  	s31 =	simm.s32 $0x200;
	v12 =	vmul.f32 v12, v14;
	v8 =	vld [tilespmem:s30+$0x12860]  }
.LBB2_9:
0x9d: {  	s0 =	sshra.s32 s31, $0x2;
	p0 =	sne.s32 s31, $0x9E00;
	[tilespmem:s30+$0x12800] =	vst v13;
	v6 =	vmul.f32 v6, v11;
	v11 =	vld [tilespmem:s30+$0x12870]  }
0x9e: {  	v13 =	vld [tilespmem:s0+$0x10000];
	[tilespmem:s30+$0x12810] =	vst v12;
	v5 =	vmul.f32 v5, v10  }
0x9f: {  	v12 =	vld [tilespmem:s0+$0x10010];
	[tilespmem:s30+$0x12820] =	vst v6;
	v4 =	vmul.f32 v4, v9  }
0xa0: {  	v6 =	vld [tilespmem:s0+$0x10020];
	[tilespmem:s30+$0x12830] =	vst v5;
	v3 =	vmul.f32 v3, v7  }
0xa1: {  	v5 =	vld [tilespmem:s0+$0x10030];
	[tilespmem:s30+$0x12840] =	vst v4;
	v2 =	vmul.f32 v2, v8  }
0xa2: {  	v4 =	vld [tilespmem:s0+$0x10040];
	[tilespmem:s30+$0x12850] =	vst v3;
	v1 =	vmul.f32 v1, v11  }
0xa3: {  	v3 =	vld [tilespmem:s0+$0x10050];
	[tilespmem:s30+$0x12860] =	vst v2  }
0xa4: {  	v2 =	vld [tilespmem:s0+$0x10060];
	[tilespmem:s30+$0x12870] =	vst v1;
	s30 =	smov.u32 s0  }
0xa5: {  	v1 =	vld [tilespmem:s30+$0x10070]  }
0xa6: {  	v7 =	vld [tilespmem:s30+$0x12800]  }
0xa7: {  	v8 =	vld [tilespmem:s30+$0x12810]  }
.Ltmp3:
0xa8: {  	v11 =	vld [tilespmem:s30+$0x12820];
	(pc) =	sbr.rel @p0 .LBB2_9-.Ltmp3, $4  }
0xa9: {  	v10 =	vld [tilespmem:s30+$0x12830]  }
0xaa: {  	v9 =	vld [tilespmem:s30+$0x12840]  }
0xab: {  	v13 =	vmul.f32 v13, v7;
	v7 =	vld [tilespmem:s30+$0x12850]  }
0xac: {  	s31 =	sadd.s32 $0x200, s31;
	v12 =	vmul.f32 v12, v8;
	v8 =	vld [tilespmem:s30+$0x12860]  }
0xad: {  	[tilespmem:s30+$0x12800] =	vst v13;
	v6 =	vmul.f32 v6, v11;
	v63 =	vld [tilespmem:s30+$0x12870]  }
0xae: {  	[tilespmem:s30+$0x12810] =	vst v12;
	v5 =	vmul.f32 v5, v10  }
0xaf: {  	[tilespmem:s30+$0x12820] =	vst v6;
	v4 =	vmul.f32 v4, v9  }
0xb0: {  	[tilespmem:s30+$0x12830] =	vst v5;
	v3 =	vmul.f32 v3, v7  }
0xb1: {  	[tilespmem:s30+$0x12840] =	vst v4;
	v2 =	vmul.f32 v2, v8  }
0xb2: {  	s28 =	sadd.s32 $0x1, s28;
	[tilespmem:s30+$0x12850] =	vst v3;
	v1 =	vmul.f32 v1, v63  }
0xb3: {  	p0 =	sne.s32 s28, $0xFA;
	[tilespmem:s30+$0x12860] =	vst v2  }
.Ltmp4:
0xb4: {  	s0 =	sadd.s32 $0x8000, s29;
	[tilespmem:s30+$0x12870] =	vst v1;
	(pc) =	sbr.rel @p0 .LBB2_8-.Ltmp4, $4  }
0xb5: {  	[spmem:s3] =	stream.indirect.scatter.add.f32 [tilespmem:s21], [sflag:$0x3], $0x80, s0, s19, $0xb8;
	[tilespmem:$0x1E400] =	vst v63  }
0xb6: {  	_ =	swait.ge [sflag:s16], $0x2800  }
0xb7: {  	[sflag:s16] =	ssyncset.done $0x0  }
0xb8: {  	[sflag:s16] =	ssyncadd.s32 $0xFFFFD800  }
0xb9: {  	[bflag:$0x0] =	sbarrier.arrive $0xFFFF;
	s4 =	sadd.s32 $0x1, s4  }
0xba: {  	[hbm:s14], [sflag:s24] =	dma.local [spmem:s25], $0xA00  }
0xbb: {  	p0 =	sne.s32 s4, s15  }
.Ltmp5:
0xbc: {  	_ =	swait.ge [sflag:s16], $0xA00;
	(pc) =	sbr.rel @p0 .LBB2_1-.Ltmp5, $3  }
0xbd: {  	[sflag:s16] =	ssyncset.done $0x0  }
0xbe: {  	[sflag:s16] =	ssyncadd.s32 $0xFFFFF600  }
0xbf: {  	[bflag:$0x0] =	sbarrier.arrive $0xFFFF;
	_ =	sdelay $0x1  }
0xc0: {  	_ =	sfence.sel $0x180000  }
0xc1: {  	[bflag:$0x0] =	sbarrier.arrive $0xFFFF  }
0xc2: {  	_ =	strace $0x9000004A  }
0xc3: {  	[bflag:$0x2] =	sbarrier.arrive $0xFFFF  }
0xc4: {  	p0 =	sne.s32 s2, $0x0;
	s0 =	rddreg [dreg:$0x3]  }
0xc5: {  	s0 =	sadd.s32 @!p0 $0x100000, s0  }
0xc6: {  	[sflag:s0] =	ssyncadd.tile.s32 @!p0 $0x1;
	_ =	shalt  }
.Lfunc_end2:
_tile_overlayer_lowered:
.L_overlay_start_2:
0xc7: {  	(tag) =	ssettag $0x2  }
0xc8: {  	s0 =	rddreg [dreg:$0x0];
	s2 =	stileid.u32  }
0xc9: {  	s1 =	rddreg [dreg:$0x1];
	p0 =	sne.s32 s2, $0x0  }
0xca: {  	s3 =	rddreg [dreg:$0x2];
	[bflag:$0x3] =	sbarrier.arrive $0xFFFF;
	s2 =	simm.s32 @!p0 $0x1C03  }
0xcb: {  	[timem:s3], [sflag:s2] =	dma.local @!p0 [hbm:s0], s1  }
0xcc: {  	s0 =	simm.s32 @!p0 $0x3  }
0xcd: {  	_ =	swait.ge @!p0 [sflag:s0], s1  }
0xce: {  	s1 =	ssub.s32 @!p0 $0x0, s1;
	[sflag:s0] =	ssyncset.done @!p0 $0x0  }
0xcf: {  	[sflag:s0] =	ssyncadd.s32 @!p0 s1  }
0xd0: {  	[bflag:$0x3] =	sbarrier.arrive $0xFFFF  }
0xd1: {  	_ =	shalt  }

// kernel: kernel.19.cloned.1.call-start
scs
__scs_entry_jumppad:
0x0: {  	(pc) =	sbr.rel $0x88, $3  }
0x1: {  	(tag) =	ssettag $0x0;
	lr =	simm.s32 $0x1  }
0x2: {  	[smem:$0x3F93] =	sst lr;
	_ =	strace $0xD0000000  }
0x3: {  	_ = 	snop  }
0x4: {  	_ = 	snop  }
0x5: {  	_ = 	snop  }
0x6: {  	_ = 	snop  }
0x7: {  	_ = 	snop  }
__scs_overlays_trampoline_lowered:
0x8: {  	[smem:$0x3FA2] =	sst s0  }
0x9: {  	[smem:$0x3FA3] =	sst s1  }
0xa: {  	[smem:$0x3FA4] =	sst s2  }
0xb: {  	[smem:$0x3FA5] =	sst s3  }
0xc: {  	[smem:$0x3FA6] =	sst s4  }
0xd: {  	[smem:$0x3FA7] =	sst s5  }
0xe: {  	[smem:$0x3FA8] =	sst s6  }
0xf: {  	[smem:$0x3FA9] =	sst s7  }
0x10: {  	[smem:$0x3FAA] =	sst s8  }
0x11: {  	[smem:$0x3FAB] =	sst s9;
	s0 =	simm.s32 @!p0 $0x0  }
0x12: {  	s1 =	sld [smem:$0x3F91];
	s0 =	simm.s32 @p0 $0x1  }
0x13: {  	[smem:$0x3FAC] =	sst s0;
	s0 =	simm.s32 @!p1 $0x0  }
0x14: {  	s2 =	sld [smem:$0x3F90];
	s0 =	simm.s32 @p1 $0x1  }
0x15: {  	[smem:$0x3FAD] =	sst s0;
	s0 =	simm.s32 @!p2 $0x0  }
0x16: {  	s3 =	sld [smem:$0x3FDB];
	s0 =	simm.s32 @p2 $0x1  }
0x17: {  	s4 =	simm.s32 $0x1BF5;
	[smem:$0x3FAF] =	sst s0  }
0x18: {  	s0 =	sld [smem:$0x3F92];
	_ =	swait.ge [sflag:s4], $0x0  }
0x19: {  	s7 =	sld [smem:$0x3F93]  }
0x1a: {  	s8 =	sadd.s32 $0xFFFFE003, lr  }
0x1b: {  	s9 =	sadd.s32 $0xFFFFFEF7, lr;
	s5 =	simm.s32 $0xFFFFFFFF;
	p2 =	slt.u32 s8, $0xFFFFF086  }
0x1c: {  	p1 =	slt.u32 s9, $0xF7A;
	s5 =	simm.s32 @!p2 $0x0  }
0x1d: {  	s5 =	simm.s32 @p1 $0x1;
	p0 =	seq.s32 s7, s2  }
0x1e: {  	s7 =	smul.u32 @!p0 $0xF7A, s2;
	p2 =	seq.s32 @!p0 s5, $0x0  }
0x1f: {  	s9 =	smul.u32 $0xF7A, s1;
	s8 =	simm.s32 @!p0 $0x1BF5;
	p2 =	por !p2, p0  }
0x20: {  	[sflag:s8] =	ssyncset.s32 @!p0 $0xFFFFF086;
	s6 =	sadd.s32 @!p0 s3, s7;
	s7 =	simm.s32 @!p0 $0x108  }
0x21: {  	s3 =	sadd.s32 s3, s9;
	s6 =	sadd.s32 @!p0 $0x88, s6;
	s7 =	simm.s32 @p2 $0x1082  }
0x22: {  	[simem:s7], [sflag:s8] =	dma.local @!p0 [hbm:s6], $0xF7A  }
0x23: {  	s9 =	sor.u32 $0xD0000000, s2;
	s6 =	simm.s32 $0x108;
	_ =	swait.ge @!p0 [sflag:s8], $0x0  }
0x24: {  	s3 =	sadd.s32 $0x88, s3;
	s6 =	simm.s32 @!p1 $0x1082;
	[sflag:s4] =	ssyncset.s32 $0xFFFFF086  }
0x25: {  	[simem:s6], [sflag:s4] =	dma.local [hbm:s3], $0xF7A  }
0x26: {  	[smem:$0x3F93] =	sst s1;
	(tag) =	ssettag s2;
	_ =	strace s9  }
0x27: {  	s1 =	sld [smem:$0x3FA3]  }
0x28: {  	s2 =	sld [smem:$0x3FA4]  }
0x29: {  	s4 =	sld [smem:$0x3FA6]  }
0x2a: {  	p0 =	seq.s32 s5, $0x0;
	s5 =	sld [smem:$0x3FA7]  }
0x2b: {  	s6 =	sld [smem:$0x3FA8]  }
0x2c: {  	s7 =	sld [smem:$0x3FA9]  }
0x2d: {  	s3 =	simm.s32 $0x108;
	s8 =	sld [smem:$0x3FAA]  }
0x2e: {  	s3 =	simm.s32 @!p0 $0x1082;
	s9 =	sld [smem:$0x3FAB]  }
0x2f: {  	lr =	sadd.s32 s0, s3;
	s0 =	sld [smem:$0x3FA2]  }
0x30: {  	s3 =	sld [smem:$0x3FA5]  }
0x31: {  	[smem:$0x3FAE] =	sst s10  }
0x32: {  	s10 =	sld [smem:$0x3FAC];
	_ =	sdelay $0x3  }
0x33: {  	p0 =	seq.s32 s10, $0x1;
	s10 =	sld [smem:$0x3FAE];
	_ =	sdelay $0x3  }
0x34: {  	[smem:$0x3FAE] =	sst s10  }
0x35: {  	s10 =	sld [smem:$0x3FAD];
	_ =	sdelay $0x3  }
0x36: {  	p1 =	seq.s32 s10, $0x1;
	s10 =	sld [smem:$0x3FAE];
	_ =	sdelay $0x3  }
0x37: {  	[smem:$0x3FAE] =	sst s10  }
0x38: {  	s10 =	sld [smem:$0x3FAF]  }
0x39: {  	_ = 	snop;
	(pc) =	sbr.ind lr, $3  }
0x3a: {  	_ = 	snop  }
0x3b: {  	_ = 	snop  }
0x3c: {  	p2 =	seq.s32 s10, $0x1;
	s10 =	sld [smem:$0x3FAE]  }
0x3d: {  	_ =	shalt  }
0x3e: {  	_ =	shalt  }
0x3f: {  	_ =	shalt  }
0x40: {  	_ =	shalt  }
0x41: {  	_ =	shalt  }
0x42: {  	_ =	shalt  }
0x43: {  	_ =	shalt  }
0x44: {  	_ =	shalt  }
0x45: {  	_ =	shalt  }
0x46: {  	_ =	shalt  }
0x47: {  	_ =	shalt  }
0x48: {  	_ =	shalt  }
0x49: {  	_ =	shalt  }
0x4a: {  	_ =	shalt  }
0x4b: {  	_ =	shalt  }
0x4c: {  	_ =	shalt  }
0x4d: {  	_ =	shalt  }
0x4e: {  	_ =	shalt  }
0x4f: {  	_ =	shalt  }
0x50: {  	_ =	shalt  }
0x51: {  	_ =	shalt  }
0x52: {  	_ =	shalt  }
0x53: {  	_ =	shalt  }
0x54: {  	_ =	shalt  }
0x55: {  	_ =	shalt  }
0x56: {  	_ =	shalt  }
0x57: {  	_ =	shalt  }
0x58: {  	_ =	shalt  }
0x59: {  	_ =	shalt  }
0x5a: {  	_ =	shalt  }
0x5b: {  	_ =	shalt  }
0x5c: {  	_ =	shalt  }
0x5d: {  	_ =	shalt  }
0x5e: {  	_ =	shalt  }
0x5f: {  	_ =	shalt  }
0x60: {  	_ =	shalt  }
0x61: {  	_ =	shalt  }
0x62: {  	_ =	shalt  }
0x63: {  	_ =	shalt  }
0x64: {  	_ =	shalt  }
0x65: {  	_ =	shalt  }
0x66: {  	_ =	shalt  }
0x67: {  	_ =	shalt  }
0x68: {  	_ =	shalt  }
0x69: {  	_ =	shalt  }
0x6a: {  	_ =	shalt  }
0x6b: {  	_ =	shalt  }
0x6c: {  	_ =	shalt  }
0x6d: {  	_ =	shalt  }
0x6e: {  	_ =	shalt  }
0x6f: {  	_ =	shalt  }
0x70: {  	_ =	shalt  }
0x71: {  	_ =	shalt  }
0x72: {  	_ =	shalt  }
0x73: {  	_ =	shalt  }
0x74: {  	_ =	shalt  }
0x75: {  	_ =	shalt  }
0x76: {  	_ =	shalt  }
0x77: {  	_ =	shalt  }
0x78: {  	_ =	shalt  }
0x79: {  	_ =	shalt  }
0x7a: {  	_ =	shalt  }
0x7b: {  	_ =	shalt  }
0x7c: {  	_ =	shalt  }
0x7d: {  	_ =	shalt  }
0x7e: {  	_ =	shalt  }
0x7f: {  	_ =	shalt  }
0x80: {  	_ =	shalt  }
0x81: {  	_ =	shalt  }
0x82: {  	_ =	shalt  }
0x83: {  	_ =	shalt  }
0x84: {  	_ =	shalt  }
0x85: {  	_ =	shalt  }
0x86: {  	_ =	shalt  }
0x87: {  	_ =	shalt  }
.Lfunc_end0:
.L_simem_size_0:
called_computation.2_lowered:
.L_overlay_start_0:
0x88: {  	s2 =	sld [smem:$0x3FD9]  }
0x89: {  	s3 =	sld [smem:$0x3FFE];
	_ =	sdelay $0x1  }
0x8a: {  	s1 =	srdreg.scid  }
0x8b: {  	s0 =	sand.u32 $0x1, s1  }
0x8c: {  	s17 =	sshll.u32 s0, $0xA;
	s2 =	sadd.s32 s3, s2  }
0x8d: {  	s2 =	sadd.s32 s2, s17  }
0x8e: {  	[smem:$0x3FBA] =	sst s2  }
0x8f: {  	_ = 	snop  }
0x90: {  	s2 =	sld [smem:$0x3FD0];
	(tm) =	ssettm $0x1  }
0x91: {  	s18 =	sld [smem:$0x3FFB];
	_ =	sdelay $0x3  }
0x92: {  	_ =	strace s18  }
0x93: {  	s3 =	sld [smem:$0x3FFC];
	_ =	sdelay $0x3  }
0x94: {  	_ =	strace s3  }
0x95: {  	s3 =	sld [smem:$0x3FFD];
	_ =	sdelay $0x3  }
0x96: {  	_ =	strace s3  }
0x97: {  	_ =	strace $0x8FFFFFFF  }
0x98: {  	s19 =	sld [smem:$0x3FDB];
	_ =	sdelay $0x1  }
0x99: {  	s4 =	simm.s32 $_scs_section_size  }
0x9a: {  	s5 =	simm.s32 $_size__tile_overlayer_lowered;
	s6 =	simm.s32 $_tile_overlayer_lowered  }
0x9b: {  	s22 =	simm.s32 $0x1BFF;
	s21 =	sshll.u32 s6, $0x1;
	s3 =	sadd.s32 s4, s19  }
0x9c: {  	s7 =	simm.s32 $0x0;
	s20 =	sshll.u32 s5, $0x1;
	s5 =	sadd.s32 s21, s3  }
0x9d: {  	[timem:s7], [sflag:s22] =	dma.local [hbm:s5], s20  }
0x9e: {  	_ =	swait.ge [sflag:s22], s20  }
0x9f: {  	s4 =	ssub.s32 $0x0, s20;
	[sflag:s22] =	ssyncset.done $0x0  }
0xa0: {  	[sflag:s22] =	ssyncadd.s32 s4;
	_ =	sdelay $0x1  }
0xa1: {  	s23 =	simm.s32 $0x1B8B  }
0xa2: {  	_ =	swait.ge [sflag:s23], $0x1  }
0xa3: {  	[sflag:s23] =	ssyncset.done $0x0  }
0xa4: {  	s25 =	simm.s32 $0x1B8E;
	s24 =	sld [smem:$0x3FFE];
	[sflag:s23] =	ssyncadd.s32 $0xFFFFFFFF  }
0xa5: {  	s26 =	simm.s32 $execute0_lowered;
	[smem:$0x3FD2] =	sst s25  }
0xa6: {  	s5 =	sshll.u32 s26, $0x1;
	_ =	strace $0x8000004C;
	[dreg:$0x1] =	wrdreg $0xFFFFFFFF  }
0xa7: {  	s28 =	simm.s32 $_size_execute0_lowered;
	s3 =	sadd.s32 s3, s5;
	[dreg:$0x0] =	wrdreg $0x0  }
0xa8: {  	s5 =	sshll.u32 s28, $0x1;
	[dreg:$0x2] =	wrdreg s3  }
0xa9: {  	[dreg:$0x3] =	wrdreg s5  }
0xaa: {  	[dreg:$0x4] =	wrdreg $0xC0  }
0xab: {  	_ =	task [dreg:s7], $0x5FFFF  }
0xac: {  	[dreg:$0x1] =	wrdreg $0xFFFFFFFF  }
0xad: {  	[dreg:$0x0] =	wrdreg $0x60  }
0xae: {  	[dreg:$0x2] =	wrdreg s2  }
0xaf: {  	[dreg:$0x3] =	wrdreg s24  }
0xb0: {  	[dreg:$0x4] =	wrdreg $0x190000  }
0xb1: {  	[dreg:$0x5] =	wrdreg $0x9  }
0xb2: {  	_ =	task.clear_ibuf [dreg:s7], $0x6FFFF;
	_ =	strace $0x9000004C  }
0xb3: {  	s29 =	simm.s32 $0x9;
	_ =	strace $0x8000004E  }
0xb4: {  	_ =	swait.ge [sflag:s29], $0x1  }
0xb5: {  	[sflag:s29] =	ssyncadd.s32 $0xFFFFFFFF  }
0xb6: {  	_ =	strace $0x9000004E  }
0xb7: {  	_ =	sfence  }
0xb8: {  	s30 =	sld [smem:$0x0];
	_ =	sdelay $0x2  }
0xb9: {  	s31 =	sshll.u32 s1, $0xD;
	s1 =	sshrl.u32 s1, $0x2  }
0xba: {  	s3 =	sand.u32 $0x4000, s31;
	s1 =	sadd.s32 s1, s30  }
0xbb: {  	s0 =	sor.u32 s3, s0;
	s1 =	sshll.u32 s1, $0x11  }
0xbc: {  	s0 =	sor.u32 s1, s0  }
0xbd: {  	s0 =	sadd.s32 $0x8F2B, s0  }
0xbe: {  	[sflag:s0] =	ssyncadd.remote.s32 $0x1  }
0xbf: {  	_ =	sfence.sel $0xFFFF  }
0xc0: {  	[dreg:$0x0] =	wrdreg $0xFFFFFFFF;
	(pc) =	sbr.abs _section_cstart, $3  }
0xc1: {  	[dreg:$0x1] =	wrdreg $0xFFFFFFFF  }
0xc2: {  	_ =	task.clear_ibuf [dreg:s7], $0x2FFFF;
	_ =	strace $0x9FFFFFFF  }
0xc3: {  	(tm) =	ssettm $0x7FFFFFFF  }
tec
execute0_lowered:
.L_overlay_start_1:
0x0: {  	(tag) =	ssettag $0x1  }
0x1: {  	s1 =	rddreg [dreg:$0x0]  }
0x2: {  	s6 =	rddreg [dreg:$0x1]  }
0x3: {  	s3 =	rddreg [dreg:$0x2]  }
0x4: {  	s4 =	simm.s32 $0x0;
	s2 =	stileid.u32;
	s8 =	srdreg.scid  }
0x5: {  	s20 =	simm.s32 $0x10000;
	s21 =	simm.s32 $0x12800;
	s22 =	simm.s32 $0x1  }
0x6: {  	[smem:$0x7FF] =	sst s4;
	s7 =	sshll.u32 s2, $0xC;
	s5 =	sadd.s32 $0x58BE00, s6  }
0x7: {  	s10 =	sand.u32 $0x1, s8;
	s13 =	sadd.s32 $0x4FCC00, s6;
	s26 =	smul.u32 $0x15000, s2  }
0x8: {  	s14 =	sadd.s32 $0x563E00, s6;
	s12 =	sshll.u32 s2, $0xF;
	s16 =	smul.u32 $0x5000, s2  }
0x9: {  	s19 =	smul.u32 $0x14000, s2;
	_ =	strace $0x8000004D;
	s7 =	sadd.s32 s7, s6  }
0xa: {  	s23 =	ssub.s32 $0x2, s10;
	s9 =	sshll.u32 s10, $0x14;
	s11 =	smul.u32 $0xA0000, s10  }
0xb: {  	s17 =	sshllo.u32 s10, $0x1;
	s24 =	sshrl.u32 s23, $0x1;
	s25 =	sor.u32 s12, s9  }
0xc: {  	s6 =	sadd.s32 $0x4EC400, s7;
	s29 =	sshrl.u32 s26, $0x2;
	s9 =	smul.u32 $0x4E20, s2  }
0xd: {  	s18 =	smul.u32 $0x50000, s17;
	s17 =	sshll.u32 s17, $0x13;
	s30 =	sshrl.u32 s19, $0x2  }
0xe: {  	s19 =	simm.s32 $0x50;
	s15 =	ssub.s32 s23, s24;
	s28 =	sshrl.u32 s25, $0x3  }
0xf: {  	s8 =	sadd.s32 s29, s3;
	s11 =	sadd.s32 s16, s11;
	s12 =	sor.u32 s12, s17  }
0x10: {  	s17 =	simm.s32 $0x8000;
	s23 =	simm.s32 $0x2;
	s7 =	sadd.s32 s13, s28  }
0x11: {  	s10 =	sadd.s32 $0x4000, s8;
	s11 =	sshrl.u32 s11, $0x3;
	s16 =	sadd.s32 s16, s18  }
0x12: {  	s31 =	sshrl.u32 s12, $0x3;
	s12 =	sadd.s32 s30, s3;
	s15 =	smax.u32 s15, $0x1  }
0x13: {  	s18 =	simm.s32 $0x15000;
	s11 =	sadd.s32 s14, s11;
	s16 =	sshrl.u32 s16, $0x3  }
0x14: {  	v0 =	vimm.f32 $0.0e+00;
	s13 =	sadd.s32 s13, s31;
	s14 =	sadd.s32 s14, s16;
	s16 =	simm.s32 $0x3  }
.LBB2_1:
0x15: {  	s24 =	simm.s32 $0x0;
	s25 =	simm.s32 $0x200  }
.LBB2_2:
0x16: {  	p0 =	sne.s32 s25, $0xFE00;
	[tilespmem:s24+$0x15070] =	vst v0  }
0x17: {  	[tilespmem:s24+$0x15000] =	vst v0  }
0x18: {  	[tilespmem:s24+$0x15010] =	vst v0  }
.Ltmp0:
0x19: {  	[tilespmem:s24+$0x15020] =	vst v0;
	(pc) =	sbr.rel @p0 .LBB2_2-.Ltmp0, $4  }
0x1a: {  	[tilespmem:s24+$0x15030] =	vst v0  }
0x1b: {  	[tilespmem:s24+$0x15040] =	vst v0  }
0x1c: {  	[tilespmem:s24+$0x15050] =	vst v0  }
0x1d: {  	[tilespmem:s24+$0x15060] =	vst v0;
	s24 =	sshra.s32 s25, $0x2;
	s25 =	sadd.s32 $0x200, s25  }
0x1e: {  	[tilespmem:s24+$0x15070] =	vst v0  }
0x1f: {  	[tilespmem:s24+$0x15000] =	vst v0  }
0x20: {  	[tilespmem:s24+$0x15010] =	vst v0  }
0x21: {  	[tilespmem:s24+$0x15020] =	vst v0  }
0x22: {  	[tilespmem:s24+$0x15030] =	vst v0  }
0x23: {  	[tilespmem:s24+$0x15040] =	vst v0  }
0x24: {  	[tilespmem:s24+$0x15050] =	vst v0  }
0x25: {  	[tilespmem:s24+$0x15060] =	vst v0;
	s24 =	simm.s32 $0x0  }
0x26: {  	[tilespmem:s24], [sflag:$0x3] =	stream.linear.gather [hbm4b:s6+s24], $0x7D00, $0x38;
	[tilespmem:$0x1E400] =	vst v63  }
0x27: {  	_ =	swait.ge [sflag:s16], $0x7D00  }
0x28: {  	[sflag:s16] =	ssyncset.done $0x0  }
0x29: {  	[sflag:s16] =	ssyncadd.s32 $0xFFFF8300  }
0x2a: {  	[tilespmem:s17], [sflag:$0x3] =	stream.linear.gather [hbm4b:s7+s24], $0x7D00, $0x38;
	[tilespmem:$0x1E400] =	vst v63  }
0x2b: {  	_ =	swait.ge [sflag:s16], $0x7D00  }
0x2c: {  	[sflag:s16] =	ssyncset.done $0x0  }
0x2d: {  	[sflag:s16] =	ssyncadd.s32 $0xFFFF8300  }
0x2e: {  	[spmem:s8] =	stream.linear.scatter [tilespmem:s18], [sflag:$0x3], $0x4000, $0x38;
	[tilespmem:$0x1E400] =	vst v63  }
0x2f: {  	_ =	swait.ge [sflag:s16], $0x4000  }
0x30: {  	[sflag:s16] =	ssyncset.done $0x0  }
0x31: {  	[sflag:s16] =	ssyncadd.s32 $0xFFFFC000  }
0x32: {  	[spmem:s10] =	stream.linear.scatter [tilespmem:s18], [sflag:$0x3], $0x1400, $0x38;
	[tilespmem:$0x1E400] =	vst v63  }
0x33: {  	_ =	swait.ge [sflag:s16], $0x1400  }
0x34: {  	[sflag:s16] =	ssyncset.done $0x0  }
0x35: {  	[sflag:s16] =	ssyncadd.s32 $0xFFFFEC00  }
0x36: {  	s25 =	simm.s32 $0x0;
	[bflag:$0x0] =	sbarrier.arrive $0xFFFF  }
.LBB2_4:
0x37: {  	s26 =	sshll.u32 s25, $0x7;
	s28 =	smul.u32 $0x50, s25  }
0x38: {  	[tilespmem:s20], [sflag:$0x1] =	stream.indirect.gather [hbm4b:s1+s19], $0x80, s26, s19, $0xb8;
	[tilespmem:$0x1E400] =	vst v63  }
0x39: {  	s28 =	sadd.s32 s9, s28  }
0x3a: {  	s28 =	sshll.u32 s28, $0x4  }
0x3b: {  	s28 =	sadd.s32 s5, s28  }
0x3c: {  	[tilespmem:s21], [sflag:$0x2] =	stream.linear.gather [hbm4b:s28+s24], $0x2800, $0x38;
	[tilespmem:$0x1E400] =	vst v63  }
0x3d: {  	_ =	swait.ge [sflag:s22], $0x2800  }
0x3e: {  	[sflag:s22] =	ssyncset.done $0x0  }
0x3f: {  	[sflag:s22] =	ssyncadd.s32 $0xFFFFD800  }
0x40: {  	_ =	swait.ge [sflag:s23], $0x2800  }
0x41: {  	[sflag:s23] =	ssyncset.done $0x0  }
0x42: {  	s28 =	simm.s32 $0x0;
	[sflag:s23] =	ssyncadd.s32 $0xFFFFD800  }
0x43: {  	v8 =	vld [tilespmem:s28+$0x10000]  }
0x44: {  	v12 =	vld [tilespmem:s28+$0x10010]  }
0x45: {  	v6 =	vld [tilespmem:s28+$0x10020]  }
0x46: {  	v5 =	vld [tilespmem:s28+$0x10030]  }
0x47: {  	v4 =	vld [tilespmem:s28+$0x10040]  }
0x48: {  	v3 =	vld [tilespmem:s28+$0x10050]  }
0x49: {  	v2 =	vld [tilespmem:s28+$0x10060]  }
0x4a: {  	v1 =	vld [tilespmem:s28+$0x10070]  }
0x4b: {  	v13 =	vld [tilespmem:s28+$0x12800]  }
0x4c: {  	v14 =	vld [tilespmem:s28+$0x12810]  }
0x4d: {  	v11 =	vld [tilespmem:s28+$0x12820]  }
0x4e: {  	v10 =	vld [tilespmem:s28+$0x12830]  }
0x4f: {  	v9 =	vld [tilespmem:s28+$0x12840]  }
0x50: {  	v7 =	vld [tilespmem:s28+$0x12850];
	v13 =	vmul.f32 v8, v13  }
0x51: {  	s29 =	simm.s32 $0x200;
	v12 =	vmul.f32 v12, v14;
	v8 =	vld [tilespmem:s28+$0x12860]  }
.LBB2_5:
0x52: {  	s30 =	sshra.s32 s29, $0x2;
	p0 =	sne.s32 s29, $0x9E00;
	[tilespmem:s28+$0x12800] =	vst v13;
	v6 =	vmul.f32 v6, v11;
	v11 =	vld [tilespmem:s28+$0x12870]  }
0x53: {  	v13 =	vld [tilespmem:s30+$0x10000];
	[tilespmem:s28+$0x12810] =	vst v12;
	v5 =	vmul.f32 v5, v10  }
0x54: {  	v12 =	vld [tilespmem:s30+$0x10010];
	[tilespmem:s28+$0x12820] =	vst v6;
	v4 =	vmul.f32 v4, v9  }
0x55: {  	v6 =	vld [tilespmem:s30+$0x10020];
	[tilespmem:s28+$0x12830] =	vst v5;
	v3 =	vmul.f32 v3, v7  }
0x56: {  	v5 =	vld [tilespmem:s30+$0x10030];
	[tilespmem:s28+$0x12840] =	vst v4;
	v2 =	vmul.f32 v2, v8  }
0x57: {  	v4 =	vld [tilespmem:s30+$0x10040];
	[tilespmem:s28+$0x12850] =	vst v3;
	v1 =	vmul.f32 v1, v11  }
0x58: {  	v3 =	vld [tilespmem:s30+$0x10050];
	[tilespmem:s28+$0x12860] =	vst v2  }
0x59: {  	v2 =	vld [tilespmem:s30+$0x10060];
	[tilespmem:s28+$0x12870] =	vst v1;
	s28 =	smov.u32 s30  }
0x5a: {  	v1 =	vld [tilespmem:s28+$0x10070]  }
0x5b: {  	v7 =	vld [tilespmem:s28+$0x12800]  }
0x5c: {  	v8 =	vld [tilespmem:s28+$0x12810]  }
.Ltmp1:
0x5d: {  	v11 =	vld [tilespmem:s28+$0x12820];
	(pc) =	sbr.rel @p0 .LBB2_5-.Ltmp1, $4  }
0x5e: {  	v10 =	vld [tilespmem:s28+$0x12830]  }
0x5f: {  	v9 =	vld [tilespmem:s28+$0x12840]  }
0x60: {  	v13 =	vmul.f32 v13, v7;
	v7 =	vld [tilespmem:s28+$0x12850]  }
0x61: {  	s29 =	sadd.s32 $0x200, s29;
	v12 =	vmul.f32 v12, v8;
	v8 =	vld [tilespmem:s28+$0x12860]  }
0x62: {  	[tilespmem:s28+$0x12800] =	vst v13;
	v6 =	vmul.f32 v6, v11;
	v63 =	vld [tilespmem:s28+$0x12870]  }
0x63: {  	[tilespmem:s28+$0x12810] =	vst v12;
	v5 =	vmul.f32 v5, v10  }
0x64: {  	[tilespmem:s28+$0x12820] =	vst v6;
	v4 =	vmul.f32 v4, v9  }
0x65: {  	[tilespmem:s28+$0x12830] =	vst v5;
	v3 =	vmul.f32 v3, v7  }
0x66: {  	[tilespmem:s28+$0x12840] =	vst v4;
	v2 =	vmul.f32 v2, v8  }
0x67: {  	s25 =	sadd.s32 $0x1, s25;
	[tilespmem:s28+$0x12850] =	vst v3;
	v1 =	vmul.f32 v1, v63  }
0x68: {  	p0 =	sne.s32 s25, $0xFA;
	[tilespmem:s28+$0x12860] =	vst v2  }
.Ltmp2:
0x69: {  	s26 =	sadd.s32 $0x8000, s26;
	[tilespmem:s28+$0x12870] =	vst v1;
	(pc) =	sbr.rel @p0 .LBB2_4-.Ltmp2, $4  }
0x6a: {  	[spmem:s3] =	stream.indirect.scatter.add.f32 [tilespmem:s21], [sflag:$0x3], $0x80, s26, s19, $0xb8;
	[tilespmem:$0x1E400] =	vst v63  }
0x6b: {  	_ =	swait.ge [sflag:s16], $0x2800  }
0x6c: {  	[sflag:s16] =	ssyncset.done $0x0  }
0x6d: {  	[sflag:s16] =	ssyncadd.s32 $0xFFFFD800  }
0x6e: {  	s24 =	sshll.u32 s2, $0x6  }
0x6f: {  	[bflag:$0x0] =	sbarrier.arrive $0xFFFF;
	s25 =	sshrl.u32 s12, $0x3;
	s24 =	sor.u32 $0x1C03, s24  }
0x70: {  	[hbm:s11], [sflag:s24] =	dma.local [spmem:s25], $0xA00  }
0x71: {  	_ =	swait.ge [sflag:s16], $0xA00  }
0x72: {  	[sflag:s16] =	ssyncset.done $0x0  }
0x73: {  	[sflag:s16] =	ssyncadd.s32 $0xFFFFF600  }
0x74: {  	s26 =	simm.s32 $0x0;
	[bflag:$0x0] =	sbarrier.arrive $0xFFFF  }
0x75: {  	[tilespmem:s17], [sflag:$0x3] =	stream.linear.gather [hbm4b:s13+s26], $0x7D00, $0x38;
	[tilespmem:$0x1E400] =	vst v63  }
0x76: {  	_ =	swait.ge [sflag:s16], $0x7D00  }
0x77: {  	[sflag:s16] =	ssyncset.done $0x0  }
0x78: {  	[sflag:s16] =	ssyncadd.s32 $0xFFFF8300  }
0x79: {  	[spmem:s8] =	stream.linear.scatter [tilespmem:s18], [sflag:$0x3], $0x4000, $0x38;
	[tilespmem:$0x1E400] =	vst v63  }
0x7a: {  	_ =	swait.ge [sflag:s16], $0x4000  }
0x7b: {  	[sflag:s16] =	ssyncset.done $0x0  }
0x7c: {  	[sflag:s16] =	ssyncadd.s32 $0xFFFFC000  }
0x7d: {  	[spmem:s10] =	stream.linear.scatter [tilespmem:s18], [sflag:$0x3], $0x1400, $0x38;
	[tilespmem:$0x1E400] =	vst v63  }
0x7e: {  	_ =	swait.ge [sflag:s16], $0x1400  }
0x7f: {  	[sflag:s16] =	ssyncset.done $0x0  }
0x80: {  	[sflag:s16] =	ssyncadd.s32 $0xFFFFEC00  }
0x81: {  	s28 =	simm.s32 $0x0;
	[bflag:$0x0] =	sbarrier.arrive $0xFFFF  }
.LBB2_8:
0x82: {  	s29 =	sshll.u32 s28, $0x7;
	s30 =	smul.u32 $0x50, s28  }
0x83: {  	[tilespmem:s20], [sflag:$0x1] =	stream.indirect.gather [hbm4b:s1+s19], $0x80, s29, s19, $0xb8;
	[tilespmem:$0x1E400] =	vst v63  }
0x84: {  	s30 =	sadd.s32 s9, s30  }
0x85: {  	s30 =	sshll.u32 s30, $0x4  }
0x86: {  	s30 =	sadd.s32 s5, s30  }
0x87: {  	[tilespmem:s21], [sflag:$0x2] =	stream.linear.gather [hbm4b:s30+s26], $0x2800, $0x38;
	[tilespmem:$0x1E400] =	vst v63  }
0x88: {  	_ =	swait.ge [sflag:s22], $0x2800  }
0x89: {  	[sflag:s22] =	ssyncset.done $0x0  }
0x8a: {  	[sflag:s22] =	ssyncadd.s32 $0xFFFFD800  }
0x8b: {  	_ =	swait.ge [sflag:s23], $0x2800  }
0x8c: {  	[sflag:s23] =	ssyncset.done $0x0  }
0x8d: {  	s30 =	simm.s32 $0x0;
	[sflag:s23] =	ssyncadd.s32 $0xFFFFD800  }
0x8e: {  	v8 =	vld [tilespmem:s30+$0x10000]  }
0x8f: {  	v12 =	vld [tilespmem:s30+$0x10010]  }
0x90: {  	v6 =	vld [tilespmem:s30+$0x10020]  }
0x91: {  	v5 =	vld [tilespmem:s30+$0x10030]  }
0x92: {  	v4 =	vld [tilespmem:s30+$0x10040]  }
0x93: {  	v3 =	vld [tilespmem:s30+$0x10050]  }
0x94: {  	v2 =	vld [tilespmem:s30+$0x10060]  }
0x95: {  	v1 =	vld [tilespmem:s30+$0x10070]  }
0x96: {  	v13 =	vld [tilespmem:s30+$0x12800]  }
0x97: {  	v14 =	vld [tilespmem:s30+$0x12810]  }
0x98: {  	v11 =	vld [tilespmem:s30+$0x12820]  }
0x99: {  	v10 =	vld [tilespmem:s30+$0x12830]  }
0x9a: {  	v9 =	vld [tilespmem:s30+$0x12840]  }
0x9b: {  	v7 =	vld [tilespmem:s30+$0x12850];
	v13 =	vmul.f32 v8, v13  }
0x9c: {  	s31 =	simm.s32 $0x200;
	v12 =	vmul.f32 v12, v14;
	v8 =	vld [tilespmem:s30+$0x12860]  }
.LBB2_9:
0x9d: {  	s0 =	sshra.s32 s31, $0x2;
	p0 =	sne.s32 s31, $0x9E00;
	[tilespmem:s30+$0x12800] =	vst v13;
	v6 =	vmul.f32 v6, v11;
	v11 =	vld [tilespmem:s30+$0x12870]  }
0x9e: {  	v13 =	vld [tilespmem:s0+$0x10000];
	[tilespmem:s30+$0x12810] =	vst v12;
	v5 =	vmul.f32 v5, v10  }
0x9f: {  	v12 =	vld [tilespmem:s0+$0x10010];
	[tilespmem:s30+$0x12820] =	vst v6;
	v4 =	vmul.f32 v4, v9  }
0xa0: {  	v6 =	vld [tilespmem:s0+$0x10020];
	[tilespmem:s30+$0x12830] =	vst v5;
	v3 =	vmul.f32 v3, v7  }
0xa1: {  	v5 =	vld [tilespmem:s0+$0x10030];
	[tilespmem:s30+$0x12840] =	vst v4;
	v2 =	vmul.f32 v2, v8  }
0xa2: {  	v4 =	vld [tilespmem:s0+$0x10040];
	[tilespmem:s30+$0x12850] =	vst v3;
	v1 =	vmul.f32 v1, v11  }
0xa3: {  	v3 =	vld [tilespmem:s0+$0x10050];
	[tilespmem:s30+$0x12860] =	vst v2  }
0xa4: {  	v2 =	vld [tilespmem:s0+$0x10060];
	[tilespmem:s30+$0x12870] =	vst v1;
	s30 =	smov.u32 s0  }
0xa5: {  	v1 =	vld [tilespmem:s30+$0x10070]  }
0xa6: {  	v7 =	vld [tilespmem:s30+$0x12800]  }
0xa7: {  	v8 =	vld [tilespmem:s30+$0x12810]  }
.Ltmp3:
0xa8: {  	v11 =	vld [tilespmem:s30+$0x12820];
	(pc) =	sbr.rel @p0 .LBB2_9-.Ltmp3, $4  }
0xa9: {  	v10 =	vld [tilespmem:s30+$0x12830]  }
0xaa: {  	v9 =	vld [tilespmem:s30+$0x12840]  }
0xab: {  	v13 =	vmul.f32 v13, v7;
	v7 =	vld [tilespmem:s30+$0x12850]  }
0xac: {  	s31 =	sadd.s32 $0x200, s31;
	v12 =	vmul.f32 v12, v8;
	v8 =	vld [tilespmem:s30+$0x12860]  }
0xad: {  	[tilespmem:s30+$0x12800] =	vst v13;
	v6 =	vmul.f32 v6, v11;
	v63 =	vld [tilespmem:s30+$0x12870]  }
0xae: {  	[tilespmem:s30+$0x12810] =	vst v12;
	v5 =	vmul.f32 v5, v10  }
0xaf: {  	[tilespmem:s30+$0x12820] =	vst v6;
	v4 =	vmul.f32 v4, v9  }
0xb0: {  	[tilespmem:s30+$0x12830] =	vst v5;
	v3 =	vmul.f32 v3, v7  }
0xb1: {  	[tilespmem:s30+$0x12840] =	vst v4;
	v2 =	vmul.f32 v2, v8  }
0xb2: {  	s28 =	sadd.s32 $0x1, s28;
	[tilespmem:s30+$0x12850] =	vst v3;
	v1 =	vmul.f32 v1, v63  }
0xb3: {  	p0 =	sne.s32 s28, $0xFA;
	[tilespmem:s30+$0x12860] =	vst v2  }
.Ltmp4:
0xb4: {  	s0 =	sadd.s32 $0x8000, s29;
	[tilespmem:s30+$0x12870] =	vst v1;
	(pc) =	sbr.rel @p0 .LBB2_8-.Ltmp4, $4  }
0xb5: {  	[spmem:s3] =	stream.indirect.scatter.add.f32 [tilespmem:s21], [sflag:$0x3], $0x80, s0, s19, $0xb8;
	[tilespmem:$0x1E400] =	vst v63  }
0xb6: {  	_ =	swait.ge [sflag:s16], $0x2800  }
0xb7: {  	[sflag:s16] =	ssyncset.done $0x0  }
0xb8: {  	[sflag:s16] =	ssyncadd.s32 $0xFFFFD800  }
0xb9: {  	[bflag:$0x0] =	sbarrier.arrive $0xFFFF;
	s4 =	sadd.s32 $0x1, s4  }
0xba: {  	[hbm:s14], [sflag:s24] =	dma.local [spmem:s25], $0xA00  }
0xbb: {  	p0 =	sne.s32 s4, s15  }
.Ltmp5:
0xbc: {  	_ =	swait.ge [sflag:s16], $0xA00;
	(pc) =	sbr.rel @p0 .LBB2_1-.Ltmp5, $3  }
0xbd: {  	[sflag:s16] =	ssyncset.done $0x0  }
0xbe: {  	[sflag:s16] =	ssyncadd.s32 $0xFFFFF600  }
0xbf: {  	[bflag:$0x0] =	sbarrier.arrive $0xFFFF;
	_ =	sdelay $0x1  }
0xc0: {  	_ =	sfence.sel $0x180000  }
0xc1: {  	[bflag:$0x0] =	sbarrier.arrive $0xFFFF  }
0xc2: {  	_ =	strace $0x9000004D  }
0xc3: {  	[bflag:$0x2] =	sbarrier.arrive $0xFFFF  }
0xc4: {  	p0 =	sne.s32 s2, $0x0;
	s0 =	rddreg [dreg:$0x3]  }
0xc5: {  	s0 =	sadd.s32 @!p0 $0x100000, s0  }
0xc6: {  	[sflag:s0] =	ssyncadd.tile.s32 @!p0 $0x1;
	_ =	shalt  }
.Lfunc_end2:
_tile_overlayer_lowered:
.L_overlay_start_2:
0xc7: {  	(tag) =	ssettag $0x2  }
0xc8: {  	s0 =	rddreg [dreg:$0x0];
	s2 =	stileid.u32  }
0xc9: {  	s1 =	rddreg [dreg:$0x1];
	p0 =	sne.s32 s2, $0x0  }
0xca: {  	s3 =	rddreg [dreg:$0x2];
	[bflag:$0x3] =	sbarrier.arrive $0xFFFF;
	s2 =	simm.s32 @!p0 $0x1C03  }
0xcb: {  	[timem:s3], [sflag:s2] =	dma.local @!p0 [hbm:s0], s1  }
0xcc: {  	s0 =	simm.s32 @!p0 $0x3  }
0xcd: {  	_ =	swait.ge @!p0 [sflag:s0], s1  }
0xce: {  	s1 =	ssub.s32 @!p0 $0x0, s1;
	[sflag:s0] =	ssyncset.done @!p0 $0x0  }
0xcf: {  	[sflag:s0] =	ssyncadd.s32 @!p0 s1  }
0xd0: {  	[bflag:$0x3] =	sbarrier.arrive $0xFFFF  }
0xd1: {  	_ =	shalt  }

</sc_bundles>
